<compile_context>
chip_gen: v7x
topology: tpu7x:2x2x1
jax: 0.10.2.dev20260603
libtpu: 0.0.44.dev20260713+nightly
codegen_flags: <defaults>
</compile_context>

<pallas_src>
import functools

import jax
import jax.numpy as jnp
from jax import lax
from jax.experimental import pallas as pl
from jax.experimental.pallas import tpu as pltpu
from jax.experimental.pallas import tpu_sc as plsc

N = 10000
E = 320000
NC = 2
NS = 16
NW = NC * NS
CHUNK = 128
EC = 81
KB = 3
E_PAD = NW * EC * CHUNK
N_PAD = 10240
RPT = N_PAD // NS
DEG_W = 8

_mesh = plsc.VectorSubcoreMesh(
    core_axis_name="c", subcore_axis_name="s", num_cores=NC, num_subcores=NS
)
_sc_params = pltpu.CompilerParams(use_tc_tiling_on_sc=False)


def _make_agg(D):
  R = EC // KB

  @functools.partial(
      pl.kernel,
      out_type=jax.ShapeDtypeStruct((NC, N_PAD, D), jnp.float32),
      mesh=_mesh,
      scratch_types=[
          pltpu.VMEM((EC, CHUNK), jnp.int32),
          pltpu.VMEM((EC, CHUNK), jnp.int32),
          pltpu.VMEM((KB * CHUNK, D), jnp.float32),
          pltpu.VMEM_SHARED((N_PAD, D), jnp.float32),
          pltpu.VMEM_SHARED((N_PAD, D), jnp.float32),
          pltpu.SemaphoreType.DMA((KB,)),
          pltpu.SemaphoreType.DMA((KB,)),
      ],
      compiler_params=_sc_params,
  )
  def agg(xs_hbm, src_hbm, dst_hbm, out_hbm,
          src_v, dst_v, rows_v, acc_sh, table_sh, gsem, ssem):
    cid = lax.axis_index("c")
    sid = lax.axis_index("s")
    wid = sid * NC + cid

    def rbuf(b):
      return rows_v.at[pl.ds(b * CHUNK, CHUNK)]

    def g_start(j, b):
      pltpu.async_copy(table_sh.at[src_v.at[j]], rbuf(b), gsem.at[b])

    def g_wait(j, b):
      pltpu.make_async_copy(table_sh.at[src_v.at[j]], rbuf(b),
                            gsem.at[b]).wait()

    def s_start(j, b):
      pltpu.async_copy(rbuf(b), acc_sh.at[dst_v.at[j]], ssem.at[b], add=True)

    def s_wait(j, b):
      pltpu.make_async_copy(rbuf(b), acc_sh.at[dst_v.at[j]],
                            ssem.at[b]).wait()

    stage = [
        pltpu.async_copy(src_hbm.at[wid], src_v, gsem.at[0]),
        pltpu.async_copy(dst_hbm.at[wid], dst_v, gsem.at[1]),
        pltpu.async_copy(xs_hbm.at[pl.ds(sid * RPT, RPT)],
                         table_sh.at[pl.ds(sid * RPT, RPT)], gsem.at[2]),
    ]
    zv = jnp.zeros((16,), jnp.float32)

    def zrow(i, carry):
      for k in range(D // 16):
        rows_v[i, pl.ds(k * 16, 16)] = zv
      return carry

    lax.fori_loop(0, KB * CHUNK, zrow, 0)
    off = 0
    zi = 0
    while off < RPT:
      n = min(KB * CHUNK, RPT - off)
      stage.append(
          pltpu.async_copy(rows_v.at[pl.ds(0, n)],
                           acc_sh.at[pl.ds(sid * RPT + off, n)], ssem.at[zi]))
      zi += 1
      off += n
    for d in stage:
      d.wait()
    plsc.subcore_barrier()

    g_start(0, 0)

    def round_body(r, carry):
      for b in range(KB):
        j = r * KB + b
        bn = (b + 1) % KB
        if b == KB - 1:
          @pl.when(r < R - 1)
          def _():
            s_wait(j + 1 - KB, bn)
            g_start(j + 1, bn)
        else:
          @pl.when(r > 0)
          def _():
            s_wait(j + 1 - KB, bn)
          g_start(j + 1, bn)
        g_wait(j, b)
        s_start(j, b)
      return carry

    lax.fori_loop(0, R, round_body, 0)
    for b in range(KB):
      s_wait(EC - KB + b, b)
    plsc.subcore_barrier()
    pltpu.sync_copy(acc_sh.at[pl.ds(sid * RPT, RPT)],
                    out_hbm.at[cid, pl.ds(sid * RPT, RPT)])

  return agg


@functools.partial(
    pl.kernel,
    out_type=jax.ShapeDtypeStruct((NC, N_PAD, DEG_W), jnp.float32),
    mesh=_mesh,
    scratch_types=[
        pltpu.VMEM((EC, CHUNK), jnp.int32),
        pltpu.VMEM((CHUNK, DEG_W), jnp.float32),
        pltpu.VMEM_SHARED((N_PAD, DEG_W), jnp.float32),
    ],
    compiler_params=_sc_params,
)
def _deg_kernel(dst_hbm, ones_hbm, zeros_hbm, out_hbm,
                dst_v, ones_v, acc_sh):
  cid = lax.axis_index("c")
  sid = lax.axis_index("s")
  wid = sid * NC + cid
  pltpu.sync_copy(dst_hbm.at[wid], dst_v)
  pltpu.sync_copy(ones_hbm, ones_v)
  pltpu.sync_copy(zeros_hbm, acc_sh.at[pl.ds(sid * RPT, RPT)])
  plsc.subcore_barrier()

  def body(j, carry):
    pltpu.sync_copy(ones_v, acc_sh.at[dst_v.at[j]], add=True)
    return carry

  lax.fori_loop(0, EC, body, 0)
  plsc.subcore_barrier()
  pltpu.sync_copy(acc_sh.at[pl.ds(sid * RPT, RPT)],
                  out_hbm.at[cid, pl.ds(sid * RPT, RPT)])



BM = N_PAD
G = 1


def _tc_first(deg2, x, W):
  K = x.shape[1]
  D = W.shape[1]
  def body(d2, x_ref, w_ref, xs_out, isd_out):
    deg = jnp.maximum(d2[0, :, 0:1] + d2[1, :, 0:1], 1.0)
    isd = lax.rsqrt(deg)
    t = jnp.dot(x_ref[...], w_ref[...], preferred_element_type=jnp.float32)
    xs_out[...] = t * isd
    isd_out[...] = jnp.broadcast_to(isd, (BM, DEG_W))
  return pl.pallas_call(
      body,
      grid=(G,),
      in_specs=[pl.BlockSpec((NC, BM, DEG_W), lambda i: (0, i, 0)),
                pl.BlockSpec((BM, K), lambda i: (i, 0)),
                pl.BlockSpec((K, D), lambda i: (0, 0))],
      out_specs=[pl.BlockSpec((BM, D), lambda i: (i, 0)),
                 pl.BlockSpec((BM, DEG_W), lambda i: (i, 0))],
      out_shape=[jax.ShapeDtypeStruct((N_PAD, D), jnp.float32),
                 jax.ShapeDtypeStruct((N_PAD, DEG_W), jnp.float32)],
  )(deg2, x, W)


def _agg_specs(K):
  return [pl.BlockSpec((NC, BM, K), lambda i: (0, i, 0)),
          pl.BlockSpec((BM, DEG_W), lambda i: (i, 0)),
          pl.BlockSpec((1, K), lambda i: (0, 0))]


def _tc_mid(agg2, isd, b, W, want_h):
  K = agg2.shape[2]
  D = W.shape[1]
  def body(a2, isd_ref, b_ref, w_ref, *outs):
    isd = isd_ref[:, 0:1]
    h = jnp.maximum(isd * (a2[0] + a2[1]) + b_ref[...], 0.0)
    t = jnp.dot(h, w_ref[...], preferred_element_type=jnp.float32)
    outs[0][...] = t * isd
    if want_h:
      outs[1][...] = h
  out_shape = [jax.ShapeDtypeStruct((N_PAD, D), jnp.float32)]
  out_specs = [pl.BlockSpec((BM, D), lambda i: (i, 0))]
  if want_h:
    out_shape.append(jax.ShapeDtypeStruct((N, K), jnp.float32))
    out_specs.append(pl.BlockSpec((BM, K), lambda i: (i, 0)))
  return pl.pallas_call(
      body,
      grid=(G,),
      in_specs=_agg_specs(K) + [pl.BlockSpec((K, D), lambda i: (0, 0))],
      out_specs=out_specs,
      out_shape=out_shape,
  )(agg2, isd, b.reshape(1, -1), W)


def _tc_scale(agg2, isd, b):
  K = agg2.shape[2]
  def body(a2, isd_ref, b_ref, out):
    isd = isd_ref[:, 0:1]
    out[...] = jnp.maximum(isd * (a2[0] + a2[1]) + b_ref[...], 0.0) * isd
  return pl.pallas_call(
      body,
      grid=(G,),
      in_specs=_agg_specs(K),
      out_specs=pl.BlockSpec((BM, K), lambda i: (i, 0)),
      out_shape=jax.ShapeDtypeStruct((N_PAD, K), jnp.float32),
  )(agg2, isd, b.reshape(1, -1))


def _tc_last(agg2, isd, W, b):
  K = agg2.shape[2]
  D = W.shape[1]
  def body(a2, isd_ref, b_ref, w_ref, out):
    isd = isd_ref[:, 0:1]
    t = jnp.dot(isd * (a2[0] + a2[1]), w_ref[...],
                preferred_element_type=jnp.float32)
    out[...] = t + b_ref[...]
  return pl.pallas_call(
      body,
      grid=(G,),
      in_specs=_agg_specs(K)[:2] + [pl.BlockSpec((1, D), lambda i: (0, 0)),
                                    pl.BlockSpec((K, D), lambda i: (0, 0))],
      out_specs=pl.BlockSpec((BM, D), lambda i: (i, 0)),
      out_shape=jax.ShapeDtypeStruct((N, D), jnp.float32),
  )(agg2, isd, b.reshape(1, -1), W)



_agg64 = _make_agg(64)
_agg32 = _make_agg(32)


def kernel(edge_index, edge_weight, We1, be1, We2, be2, Wd1, bd1, Wd2, bd2):
  src = edge_index[0].astype(jnp.int32)
  dst = edge_index[1].astype(jnp.int32)
  fill = jnp.full((E_PAD - E,), N, jnp.int32)
  src_p = jnp.concatenate([src, fill]).reshape(NW, EC, CHUNK)
  dst_p = jnp.concatenate([dst, fill]).reshape(NW, EC, CHUNK)
  ones_rows = jnp.ones((CHUNK, DEG_W), jnp.float32)
  zeros8 = jnp.zeros((RPT, DEG_W), jnp.float32)

  deg2 = _deg_kernel(dst_p, ones_rows, zeros8)
  xs1, isd = _tc_first(deg2, edge_weight, We1)

  agg1 = _agg64(xs1, src_p, dst_p)
  xs2 = _tc_mid(agg1, isd, be1, We2, want_h=False)[0]

  agg2 = _agg32(xs2, src_p, dst_p)
  xs3, z = _tc_mid(agg2, isd, be2, Wd1, want_h=True)

  agg3 = _agg64(xs3, src_p, dst_p)
  xs4 = _tc_scale(agg3, isd, bd1)

  agg4 = _agg64(xs4, src_p, dst_p)
  recon = _tc_last(agg4, isd, Wd2, bd2)

  return (recon, z)

# --- scband reference (transcript-rebuilt; emitter-appended) ---
"""Pipeline reference for scband-graph-auto-encoder-55379308314958 (READ-ONLY COPY).

The authoritative reference and input builder live on the scoring server;
editing this copy changes nothing except your own understanding.
"""

import jax, jax.numpy as jnp
import numpy as np

N_NODES = 10000


def gcn_conv(x, edge_index, W, b):
    src = edge_index[0]
    dst = edge_index[1]
    deg = jnp.zeros((N_NODES,), dtype=x.dtype).at[dst].add(1.0)
    deg = jnp.clip(deg, 1.0, None)
    norm = jax.lax.rsqrt(deg[src]) * jax.lax.rsqrt(deg[dst])
    msg = x[src] * norm[:, None]
    agg = jnp.zeros((N_NODES, x.shape[1]), dtype=x.dtype).at[dst].add(msg)
    return agg @ W + b


def setup_inputs(seed: int = 0) -> dict:
    key = jax.random.key(seed)
    ks = jax.random.split(key, 10)
    input_dim, hidden_dim, embedding_dim = 128, 64, 32
    edge_index = jax.random.randint(ks[0], (2, 320000), 0, N_NODES, dtype=jnp.int64)
    edge_weight = jax.random.normal(ks[1], (N_NODES, input_dim), dtype=jnp.float32)
    def lin(k, fan_in, fan_out):
        bound = 1.0 / np.sqrt(fan_in)
        kw, kb = jax.random.split(k)
        W = jax.random.uniform(kw, (fan_in, fan_out), minval=-bound, maxval=bound, dtype=jnp.float32)
        b = jax.random.uniform(kb, (fan_out,), minval=-bound, maxval=bound, dtype=jnp.float32)
        return W, b
    We1, be1 = lin(ks[2], input_dim, hidden_dim)
    We2, be2 = lin(ks[3], hidden_dim, embedding_dim)
    Wd1, bd1 = lin(ks[4], embedding_dim, hidden_dim)
    Wd2, bd2 = lin(ks[5], hidden_dim, input_dim)
    return {"edge_index": edge_index, "edge_weight": edge_weight,
            "We1": We1, "be1": be1, "We2": We2, "be2": be2,
            "Wd1": Wd1, "bd1": bd1, "Wd2": Wd2, "bd2": bd2}


def reference(edge_index, edge_weight, We1, be1, We2, be2, Wd1, bd1, Wd2, bd2):
    # Encoder
    h = jax.nn.relu(gcn_conv(edge_weight, edge_index, We1, be1))
    z = jax.nn.relu(gcn_conv(h, edge_index, We2, be2))
    # Decoder
    h2 = jax.nn.relu(gcn_conv(z, edge_index, Wd1, bd1))
    recon_x = gcn_conv(h2, edge_index, Wd2, bd2)
    return (recon_x, z)

if __name__ == "__main__":
    import jax
    _d = setup_inputs()
    print(jax.jit(kernel)(*tuple(_d.values())))

</pallas_src>

<mosaic_0001>
#map = affine_map<(d0, d1) -> (0, 0)>
#map1 = affine_map<(d0, d1) -> (0, 0, 0)>
module attributes {stable_mosaic.version = 14 : i64} {
  func.func @agg(%arg0: i32, %arg1: i32, %arg2: memref<10240x64xf32, #tpu.memory_space<hbm>>, %arg3: memref<32x81x128xi32, #tpu.memory_space<hbm>>, %arg4: memref<32x81x128xi32, #tpu.memory_space<hbm>>, %arg5: memref<2x10240x64xf32, #tpu.memory_space<hbm>>, %arg6: memref<81x128xi32, #tpu.memory_space<vmem>>, %arg7: memref<81x128xi32, #tpu.memory_space<vmem>>, %arg8: memref<384x64xf32, #tpu.memory_space<vmem>>, %arg9: memref<10240x64xf32, #tpu.memory_space<vmem_shared>>, %arg10: memref<10240x64xf32, #tpu.memory_space<vmem_shared>>, %arg11: memref<3x!tpu.dma_semaphore, #tpu.memory_space<semaphore_mem>>, %arg12: memref<3x!tpu.dma_semaphore, #tpu.memory_space<semaphore_mem>>) attributes {dimension_semantics = [#tpu.dimension_semantics<core_parallel>, #tpu.dimension_semantics<subcore_parallel>], iteration_bounds = array<i64: 2, 16>, scalar_prefetch = 0 : i64, scratch_operands = 7 : i64, tpu.core_type = #tpu.core_type<sc_vector_subcore>, window_params = [{transform_indices = #map}, {transform_indices = #map1}, {transform_indices = #map1}, {transform_indices = #map1}]} {
    %mul3A = arith.constant 2 : i32
    %mul3A_0 = arith.muli %arg1, %mul3A : i32
    %add3A = arith.addi %mul3A_0, %arg0 : i32
    %dma_start3A = arith.constant 0 : i32
    %dma_start3A_1 = arith.constant 0 : i32
    %dma_start3A_2 = arith.constant 0 : i32
    %dma_start3A_3 = tpu.memref_slice %arg3[%add3A, %dma_start3A_1, %dma_start3A_2] : memref<32x81x128xi32, #tpu.memory_space<hbm>> -> memref<1x81x128xi32, #tpu.memory_space<hbm>>
    %dma_start3A_4 = tpu.memref_squeeze %dma_start3A_3 : memref<1x81x128xi32, #tpu.memory_space<hbm>> -> memref<81x128xi32, #tpu.memory_space<hbm>>
    %dma_start3A_5 = tpu.memref_slice %arg11[%dma_start3A] : memref<3x!tpu.dma_semaphore, #tpu.memory_space<semaphore_mem>> -> memref<1x!tpu.dma_semaphore, #tpu.memory_space<semaphore_mem>>
    %dma_start3A_6 = tpu.memref_squeeze %dma_start3A_5 : memref<1x!tpu.dma_semaphore, #tpu.memory_space<semaphore_mem>> -> memref<!tpu.dma_semaphore, #tpu.memory_space<semaphore_mem>>
    %dma_start3A_7 = arith.constant 0 : i32
    %dma_start3A_8 = arith.constant 0 : i32
    %dma_start3A_9 = tpu.memref_slice %arg3[%add3A, %dma_start3A_7, %dma_start3A_8] : memref<32x81x128xi32, #tpu.memory_space<hbm>> -> memref<1x81x128xi32, #tpu.memory_space<hbm>>
    %dma_start3A_10 = tpu.memref_squeeze %dma_start3A_9 : memref<1x81x128xi32, #tpu.memory_space<hbm>> -> memref<81x128xi32, #tpu.memory_space<hbm>>
    tpu.enqueue_dma source(%dma_start3A_10 : memref<81x128xi32, #tpu.memory_space<hbm>>) target(%arg6 : memref<81x128xi32, #tpu.memory_space<vmem>>) target_semaphore(%dma_start3A_6 : memref<!tpu.dma_semaphore, #tpu.memory_space<semaphore_mem>>)
    %dma_start3A_11 = arith.constant 1 : i32
    %dma_start3A_12 = arith.constant 0 : i32
    %dma_start3A_13 = arith.constant 0 : i32
    %dma_start3A_14 = tpu.memref_slice %arg4[%add3A, %dma_start3A_12, %dma_start3A_13] : memref<32x81x128xi32, #tpu.memory_space<hbm>> -> memref<1x81x128xi32, #tpu.memory_space<hbm>>
    %dma_start3A_15 = tpu.memref_squeeze %dma_start3A_14 : memref<1x81x128xi32, #tpu.memory_space<hbm>> -> memref<81x128xi32, #tpu.memory_space<hbm>>
    %dma_start3A_16 = tpu.memref_slice %arg11[%dma_start3A_11] : memref<3x!tpu.dma_semaphore, #tpu.memory_space<semaphore_mem>> -> memref<1x!tpu.dma_semaphore, #tpu.memory_space<semaphore_mem>>
    %dma_start3A_17 = tpu.memref_squeeze %dma_start3A_16 : memref<1x!tpu.dma_semaphore, #tpu.memory_space<semaphore_mem>> -> memref<!tpu.dma_semaphore, #tpu.memory_space<semaphore_mem>>
    %dma_start3A_18 = arith.constant 0 : i32
    %dma_start3A_19 = arith.constant 0 : i32
    %dma_start3A_20 = tpu.memref_slice %arg4[%add3A, %dma_start3A_18, %dma_start3A_19] : memref<32x81x128xi32, #tpu.memory_space<hbm>> -> memref<1x81x128xi32, #tpu.memory_space<hbm>>
    %dma_start3A_21 = tpu.memref_squeeze %dma_start3A_20 : memref<1x81x128xi32, #tpu.memory_space<hbm>> -> memref<81x128xi32, #tpu.memory_space<hbm>>
    tpu.enqueue_dma source(%dma_start3A_21 : memref<81x128xi32, #tpu.memory_space<hbm>>) target(%arg7 : memref<81x128xi32, #tpu.memory_space<vmem>>) target_semaphore(%dma_start3A_17 : memref<!tpu.dma_semaphore, #tpu.memory_space<semaphore_mem>>)
    %mul3A_22 = arith.constant 640 : i32
    %mul3A_23 = arith.muli %arg1, %mul3A_22 : i32
    %mul3A_24 = arith.constant 640 : i32
    %mul3A_25 = arith.muli %arg1, %mul3A_24 : i32
    %dma_start3A_26 = arith.constant 2 : i32
    %dma_start3A_27 = tpu.memref_slice %arg11[%dma_start3A_26] : memref<3x!tpu.dma_semaphore, #tpu.memory_space<semaphore_mem>> -> memref<1x!tpu.dma_semaphore, #tpu.memory_space<semaphore_mem>>
    %dma_start3A_28 = tpu.memref_squeeze %dma_start3A_27 : memref<1x!tpu.dma_semaphore, #tpu.memory_space<semaphore_mem>> -> memref<!tpu.dma_semaphore, #tpu.memory_space<semaphore_mem>>
    %dma_start3A_29 = arith.constant 0 : i32
    %dma_start3A_30 = tpu.memref_slice %arg10[%mul3A_25, %dma_start3A_29] : memref<10240x64xf32, #tpu.memory_space<vmem_shared>> -> memref<640x64xf32, #tpu.memory_space<vmem_shared>>
    %dma_start3A_31 = arith.constant 0 : i32
    %dma_start3A_32 = tpu.memref_slice %arg2[%mul3A_23, %dma_start3A_31] : memref<10240x64xf32, #tpu.memory_space<hbm>> -> memref<640x64xf32, #tpu.memory_space<hbm>>
    tpu.enqueue_dma source(%dma_start3A_32 : memref<640x64xf32, #tpu.memory_space<hbm>>) target(%dma_start3A_30 : memref<640x64xf32, #tpu.memory_space<vmem_shared>>) target_semaphore(%dma_start3A_28 : memref<!tpu.dma_semaphore, #tpu.memory_space<semaphore_mem>>)
    %broadcast_in_dim3A = arith.constant 0.000000e+00 : f32
    %broadcast_in_dim3A_33 = vector.broadcast %broadcast_in_dim3A : f32 to vector<16xf32>
    %scan3A = arith.constant 0 : i32
    %scan3A_34 = arith.constant 0 : i32
    %scan3A_35 = arith.constant 384 : i32
    %scan3A_36 = arith.addi %scan3A_34, %scan3A_35 : i32
    %scan3A_37 = arith.constant 1 : i32
    scf.for %scan3A_190 = %scan3A_34 to %scan3A_36 step %scan3A_37  : i32 {
      %swap3A = arith.index_cast %scan3A_190 : i32 to index
      %swap3A_191 = arith.constant 0 : index
      %swap3A_192 = tpu.vector_load %arg8[%swap3A, %swap3A_191] {strides = array<i32>} : memref<384x64xf32, #tpu.memory_space<vmem>>, vector<1x16xf32>,
      %swap3A_193 = vector.shape_cast %swap3A_192 : vector<1x16xf32> to vector<16xf32>
      %swap3A_194 = vector.shape_cast %broadcast_in_dim3A_33 : vector<16xf32> to vector<1x16xf32>
      tpu.vector_store %arg8[%swap3A, %swap3A_191], %swap3A_194 {strides = array<i32>} : memref<384x64xf32, #tpu.memory_space<vmem>>, vector<1x16xf32>,
      %swap3A_195 = arith.index_cast %scan3A_190 : i32 to index
      %swap3A_196 = arith.constant 16 : index
      %swap3A_197 = tpu.vector_load %arg8[%swap3A_195, %swap3A_196] {strides = array<i32>} : memref<384x64xf32, #tpu.memory_space<vmem>>, vector<1x16xf32>,
      %swap3A_198 = vector.shape_cast %swap3A_197 : vector<1x16xf32> to vector<16xf32>
      %swap3A_199 = vector.shape_cast %broadcast_in_dim3A_33 : vector<16xf32> to vector<1x16xf32>
      tpu.vector_store %arg8[%swap3A_195, %swap3A_196], %swap3A_199 {strides = array<i32>} : memref<384x64xf32, #tpu.memory_space<vmem>>, vector<1x16xf32>,
      %swap3A_200 = arith.index_cast %scan3A_190 : i32 to index
      %swap3A_201 = arith.constant 32 : index
      %swap3A_202 = tpu.vector_load %arg8[%swap3A_200, %swap3A_201] {strides = array<i32>} : memref<384x64xf32, #tpu.memory_space<vmem>>, vector<1x16xf32>,
      %swap3A_203 = vector.shape_cast %swap3A_202 : vector<1x16xf32> to vector<16xf32>
      %swap3A_204 = vector.shape_cast %broadcast_in_dim3A_33 : vector<16xf32> to vector<1x16xf32>
      tpu.vector_store %arg8[%swap3A_200, %swap3A_201], %swap3A_204 {strides = array<i32>} : memref<384x64xf32, #tpu.memory_space<vmem>>, vector<1x16xf32>,
      %swap3A_205 = arith.index_cast %scan3A_190 : i32 to index
      %swap3A_206 = arith.constant 48 : index
      %swap3A_207 = tpu.vector_load %arg8[%swap3A_205, %swap3A_206] {strides = array<i32>} : memref<384x64xf32, #tpu.memory_space<vmem>>, vector<1x16xf32>,
      %swap3A_208 = vector.shape_cast %swap3A_207 : vector<1x16xf32> to vector<16xf32>
      %swap3A_209 = vector.shape_cast %broadcast_in_dim3A_33 : vector<16xf32> to vector<1x16xf32>
      tpu.vector_store %arg8[%swap3A_205, %swap3A_206], %swap3A_209 {strides = array<i32>} : memref<384x64xf32, #tpu.memory_space<vmem>>, vector<1x16xf32>,
    }
    %scan3A_38 = arith.constant 384 : i32
    %mul3A_39 = arith.constant 640 : i32
    %mul3A_40 = arith.muli %arg1, %mul3A_39 : i32
    %add3A_41 = arith.constant 0 : i32
    %add3A_42 = arith.addi %mul3A_40, %add3A_41 : i32
    %dma_start3A_43 = arith.constant 0 : i32
    %dma_start3A_44 = arith.constant 0 : i32
    %dma_start3A_45 = arith.constant 0 : i32
    %dma_start3A_46 = tpu.memref_slice %arg8[%dma_start3A_44, %dma_start3A_45] : memref<384x64xf32, #tpu.memory_space<vmem>> -> memref<384x64xf32, #tpu.memory_space<vmem>>
    %dma_start3A_47 = arith.constant 0 : i32
    %dma_start3A_48 = tpu.memref_slice %arg9[%add3A_42, %dma_start3A_47] : memref<10240x64xf32, #tpu.memory_space<vmem_shared>> -> memref<384x64xf32, #tpu.memory_space<vmem_shared>>
    %dma_start3A_49 = tpu.memref_slice %arg12[%dma_start3A_43] : memref<3x!tpu.dma_semaphore, #tpu.memory_space<semaphore_mem>> -> memref<1x!tpu.dma_semaphore, #tpu.memory_space<semaphore_mem>>
    %dma_start3A_50 = tpu.memref_squeeze %dma_start3A_49 : memref<1x!tpu.dma_semaphore, #tpu.memory_space<semaphore_mem>> -> memref<!tpu.dma_semaphore, #tpu.memory_space<semaphore_mem>>
    %dma_start3A_51 = arith.constant 0 : i32
    %dma_start3A_52 = tpu.memref_slice %arg9[%add3A_42, %dma_start3A_51] : memref<10240x64xf32, #tpu.memory_space<vmem_shared>> -> memref<384x64xf32, #tpu.memory_space<vmem_shared>>
    %dma_start3A_53 = arith.constant 0 : i32
    %dma_start3A_54 = arith.constant 0 : i32
    %dma_start3A_55 = tpu.memref_slice %arg8[%dma_start3A_53, %dma_start3A_54] : memref<384x64xf32, #tpu.memory_space<vmem>> -> memref<384x64xf32, #tpu.memory_space<vmem>>
    tpu.enqueue_dma source(%dma_start3A_55 : memref<384x64xf32, #tpu.memory_space<vmem>>) target(%dma_start3A_52 : memref<384x64xf32, #tpu.memory_space<vmem_shared>>) target_semaphore(%dma_start3A_50 : memref<!tpu.dma_semaphore, #tpu.memory_space<semaphore_mem>>)
    %mul3A_56 = arith.constant 640 : i32
    %mul3A_57 = arith.muli %arg1, %mul3A_56 : i32
    %add3A_58 = arith.constant 384 : i32
    %add3A_59 = arith.addi %mul3A_57, %add3A_58 : i32
    %dma_start3A_60 = arith.constant 1 : i32
    %dma_start3A_61 = arith.constant 0 : i32
    %dma_start3A_62 = arith.constant 0 : i32
    %dma_start3A_63 = tpu.memref_slice %arg8[%dma_start3A_61, %dma_start3A_62] : memref<384x64xf32, #tpu.memory_space<vmem>> -> memref<256x64xf32, #tpu.memory_space<vmem>>
    %dma_start3A_64 = arith.constant 0 : i32
    %dma_start3A_65 = tpu.memref_slice %arg9[%add3A_59, %dma_start3A_64] : memref<10240x64xf32, #tpu.memory_space<vmem_shared>> -> memref<256x64xf32, #tpu.memory_space<vmem_shared>>
    %dma_start3A_66 = tpu.memref_slice %arg12[%dma_start3A_60] : memref<3x!tpu.dma_semaphore, #tpu.memory_space<semaphore_mem>> -> memref<1x!tpu.dma_semaphore, #tpu.memory_space<semaphore_mem>>
    %dma_start3A_67 = tpu.memref_squeeze %dma_start3A_66 : memref<1x!tpu.dma_semaphore, #tpu.memory_space<semaphore_mem>> -> memref<!tpu.dma_semaphore, #tpu.memory_space<semaphore_mem>>
    %dma_start3A_68 = arith.constant 0 : i32
    %dma_start3A_69 = tpu.memref_slice %arg9[%add3A_59, %dma_start3A_68] : memref<10240x64xf32, #tpu.memory_space<vmem_shared>> -> memref<256x64xf32, #tpu.memory_space<vmem_shared>>
    %dma_start3A_70 = arith.constant 0 : i32
    %dma_start3A_71 = arith.constant 0 : i32
    %dma_start3A_72 = tpu.memref_slice %arg8[%dma_start3A_70, %dma_start3A_71] : memref<384x64xf32, #tpu.memory_space<vmem>> -> memref<256x64xf32, #tpu.memory_space<vmem>>
    tpu.enqueue_dma source(%dma_start3A_72 : memref<256x64xf32, #tpu.memory_space<vmem>>) target(%dma_start3A_69 : memref<256x64xf32, #tpu.memory_space<vmem_shared>>) target_semaphore(%dma_start3A_67 : memref<!tpu.dma_semaphore, #tpu.memory_space<semaphore_mem>>)
    %dma_wait3A = arith.constant 0 : i32
    %dma_wait3A_73 = arith.constant 0 : i32
    %dma_wait3A_74 = arith.constant 0 : i32
    %dma_wait3A_75 = tpu.memref_slice %arg3[%add3A, %dma_wait3A_73, %dma_wait3A_74] : memref<32x81x128xi32, #tpu.memory_space<hbm>> -> memref<1x81x128xi32, #tpu.memory_space<hbm>>
    %dma_wait3A_76 = tpu.memref_squeeze %dma_wait3A_75 : memref<1x81x128xi32, #tpu.memory_space<hbm>> -> memref<81x128xi32, #tpu.memory_space<hbm>>
    %dma_wait3A_77 = tpu.memref_slice %arg11[%dma_wait3A] : memref<3x!tpu.dma_semaphore, #tpu.memory_space<semaphore_mem>> -> memref<1x!tpu.dma_semaphore, #tpu.memory_space<semaphore_mem>>
    %dma_wait3A_78 = tpu.memref_squeeze %dma_wait3A_77 : memref<1x!tpu.dma_semaphore, #tpu.memory_space<semaphore_mem>> -> memref<!tpu.dma_semaphore, #tpu.memory_space<semaphore_mem>>
    %dma_wait3A_79 = arith.constant 0 : i32
    %dma_wait3A_80 = arith.constant 0 : i32
    %dma_wait3A_81 = tpu.memref_slice %arg3[%add3A, %dma_wait3A_79, %dma_wait3A_80] : memref<32x81x128xi32, #tpu.memory_space<hbm>> -> memref<1x81x128xi32, #tpu.memory_space<hbm>>
    %dma_wait3A_82 = tpu.memref_squeeze %dma_wait3A_81 : memref<1x81x128xi32, #tpu.memory_space<hbm>> -> memref<81x128xi32, #tpu.memory_space<hbm>>
    tpu.wait_dma2 semaphore(%dma_wait3A_78 : memref<!tpu.dma_semaphore, #tpu.memory_space<semaphore_mem>>) src(%dma_wait3A_82 : memref<81x128xi32, #tpu.memory_space<hbm>>) dst(%arg6 : memref<81x128xi32, #tpu.memory_space<vmem>>)
    %dma_wait3A_83 = arith.constant 1 : i32
    %dma_wait3A_84 = arith.constant 0 : i32
    %dma_wait3A_85 = arith.constant 0 : i32
    %dma_wait3A_86 = tpu.memref_slice %arg4[%add3A, %dma_wait3A_84, %dma_wait3A_85] : memref<32x81x128xi32, #tpu.memory_space<hbm>> -> memref<1x81x128xi32, #tpu.memory_space<hbm>>
    %dma_wait3A_87 = tpu.memref_squeeze %dma_wait3A_86 : memref<1x81x128xi32, #tpu.memory_space<hbm>> -> memref<81x128xi32, #tpu.memory_space<hbm>>
    %dma_wait3A_88 = tpu.memref_slice %arg11[%dma_wait3A_83] : memref<3x!tpu.dma_semaphore, #tpu.memory_space<semaphore_mem>> -> memref<1x!tpu.dma_semaphore, #tpu.memory_space<semaphore_mem>>
    %dma_wait3A_89 = tpu.memref_squeeze %dma_wait3A_88 : memref<1x!tpu.dma_semaphore, #tpu.memory_space<semaphore_mem>> -> memref<!tpu.dma_semaphore, #tpu.memory_space<semaphore_mem>>
    %dma_wait3A_90 = arith.constant 0 : i32
    %dma_wait3A_91 = arith.constant 0 : i32
    %dma_wait3A_92 = tpu.memref_slice %arg4[%add3A, %dma_wait3A_90, %dma_wait3A_91] : memref<32x81x128xi32, #tpu.memory_space<hbm>> -> memref<1x81x128xi32, #tpu.memory_space<hbm>>
    %dma_wait3A_93 = tpu.memref_squeeze %dma_wait3A_92 : memref<1x81x128xi32, #tpu.memory_space<hbm>> -> memref<81x128xi32, #tpu.memory_space<hbm>>
    tpu.wait_dma2 semaphore(%dma_wait3A_89 : memref<!tpu.dma_semaphore, #tpu.memory_space<semaphore_mem>>) src(%dma_wait3A_93 : memref<81x128xi32, #tpu.memory_space<hbm>>) dst(%arg7 : memref<81x128xi32, #tpu.memory_space<vmem>>)
    %dma_wait3A_94 = arith.constant 2 : i32
    %dma_wait3A_95 = tpu.memref_slice %arg11[%dma_wait3A_94] : memref<3x!tpu.dma_semaphore, #tpu.memory_space<semaphore_mem>> -> memref<1x!tpu.dma_semaphore, #tpu.memory_space<semaphore_mem>>
    %dma_wait3A_96 = tpu.memref_squeeze %dma_wait3A_95 : memref<1x!tpu.dma_semaphore, #tpu.memory_space<semaphore_mem>> -> memref<!tpu.dma_semaphore, #tpu.memory_space<semaphore_mem>>
    %dma_wait3A_97 = arith.constant 0 : i32
    %dma_wait3A_98 = tpu.memref_slice %arg10[%mul3A_25, %dma_wait3A_97] : memref<10240x64xf32, #tpu.memory_space<vmem_shared>> -> memref<640x64xf32, #tpu.memory_space<vmem_shared>>
    %dma_wait3A_99 = arith.constant 0 : i32
    %dma_wait3A_100 = tpu.memref_slice %arg2[%mul3A_23, %dma_wait3A_99] : memref<10240x64xf32, #tpu.memory_space<hbm>> -> memref<640x64xf32, #tpu.memory_space<hbm>>
    tpu.wait_dma2 semaphore(%dma_wait3A_96 : memref<!tpu.dma_semaphore, #tpu.memory_space<semaphore_mem>>) src(%dma_wait3A_100 : memref<640x64xf32, #tpu.memory_space<hbm>>) dst(%dma_wait3A_98 : memref<640x64xf32, #tpu.memory_space<vmem_shared>>)
    %dma_wait3A_101 = arith.constant 0 : i32
    %dma_wait3A_102 = arith.constant 0 : i32
    %dma_wait3A_103 = arith.constant 0 : i32
    %dma_wait3A_104 = tpu.memref_slice %arg8[%dma_wait3A_102, %dma_wait3A_103] : memref<384x64xf32, #tpu.memory_space<vmem>> -> memref<384x64xf32, #tpu.memory_space<vmem>>
    %dma_wait3A_105 = arith.constant 0 : i32
    %dma_wait3A_106 = tpu.memref_slice %arg9[%add3A_42, %dma_wait3A_105] : memref<10240x64xf32, #tpu.memory_space<vmem_shared>> -> memref<384x64xf32, #tpu.memory_space<vmem_shared>>
    %dma_wait3A_107 = tpu.memref_slice %arg12[%dma_wait3A_101] : memref<3x!tpu.dma_semaphore, #tpu.memory_space<semaphore_mem>> -> memref<1x!tpu.dma_semaphore, #tpu.memory_space<semaphore_mem>>
    %dma_wait3A_108 = tpu.memref_squeeze %dma_wait3A_107 : memref<1x!tpu.dma_semaphore, #tpu.memory_space<semaphore_mem>> -> memref<!tpu.dma_semaphore, #tpu.memory_space<semaphore_mem>>
    %dma_wait3A_109 = arith.constant 0 : i32
    %dma_wait3A_110 = tpu.memref_slice %arg9[%add3A_42, %dma_wait3A_109] : memref<10240x64xf32, #tpu.memory_space<vmem_shared>> -> memref<384x64xf32, #tpu.memory_space<vmem_shared>>
    %dma_wait3A_111 = arith.constant 0 : i32
    %dma_wait3A_112 = arith.constant 0 : i32
    %dma_wait3A_113 = tpu.memref_slice %arg8[%dma_wait3A_111, %dma_wait3A_112] : memref<384x64xf32, #tpu.memory_space<vmem>> -> memref<384x64xf32, #tpu.memory_space<vmem>>
    tpu.wait_dma2 semaphore(%dma_wait3A_108 : memref<!tpu.dma_semaphore, #tpu.memory_space<semaphore_mem>>) src(%dma_wait3A_113 : memref<384x64xf32, #tpu.memory_space<vmem>>) dst(%dma_wait3A_110 : memref<384x64xf32, #tpu.memory_space<vmem_shared>>)
    %dma_wait3A_114 = arith.constant 1 : i32
    %dma_wait3A_115 = arith.constant 0 : i32
    %dma_wait3A_116 = arith.constant 0 : i32
    %dma_wait3A_117 = tpu.memref_slice %arg8[%dma_wait3A_115, %dma_wait3A_116] : memref<384x64xf32, #tpu.memory_space<vmem>> -> memref<256x64xf32, #tpu.memory_space<vmem>>
    %dma_wait3A_118 = arith.constant 0 : i32
    %dma_wait3A_119 = tpu.memref_slice %arg9[%add3A_59, %dma_wait3A_118] : memref<10240x64xf32, #tpu.memory_space<vmem_shared>> -> memref<256x64xf32, #tpu.memory_space<vmem_shared>>
    %dma_wait3A_120 = tpu.memref_slice %arg12[%dma_wait3A_114] : memref<3x!tpu.dma_semaphore, #tpu.memory_space<semaphore_mem>> -> memref<1x!tpu.dma_semaphore, #tpu.memory_space<semaphore_mem>>
    %dma_wait3A_121 = tpu.memref_squeeze %dma_wait3A_120 : memref<1x!tpu.dma_semaphore, #tpu.memory_space<semaphore_mem>> -> memref<!tpu.dma_semaphore, #tpu.memory_space<semaphore_mem>>
    %dma_wait3A_122 = arith.constant 0 : i32
    %dma_wait3A_123 = tpu.memref_slice %arg9[%add3A_59, %dma_wait3A_122] : memref<10240x64xf32, #tpu.memory_space<vmem_shared>> -> memref<256x64xf32, #tpu.memory_space<vmem_shared>>
    %dma_wait3A_124 = arith.constant 0 : i32
    %dma_wait3A_125 = arith.constant 0 : i32
    %dma_wait3A_126 = tpu.memref_slice %arg8[%dma_wait3A_124, %dma_wait3A_125] : memref<384x64xf32, #tpu.memory_space<vmem>> -> memref<256x64xf32, #tpu.memory_space<vmem>>
    tpu.wait_dma2 semaphore(%dma_wait3A_121 : memref<!tpu.dma_semaphore, #tpu.memory_space<semaphore_mem>>) src(%dma_wait3A_126 : memref<256x64xf32, #tpu.memory_space<vmem>>) dst(%dma_wait3A_123 : memref<256x64xf32, #tpu.memory_space<vmem_shared>>)
    %barrier3A = arith.constant 0 : index
    tpu.barrier barrier_id(%barrier3A)
    %dma_start3A_127 = arith.constant 0 : i32
    %dma_start3A_128 = arith.constant 0 : i32
    %dma_start3A_129 = arith.constant 0 : i32
    %dma_start3A_130 = arith.constant 0 : i32
    %dma_start3A_131 = tpu.memref_slice %arg8[%dma_start3A_129, %dma_start3A_130] : memref<384x64xf32, #tpu.memory_space<vmem>> -> memref<128x64xf32, #tpu.memory_space<vmem>>
    %dma_start3A_132 = arith.constant 0 : i32
    %dma_start3A_133 = tpu.memref_slice %arg6[%dma_start3A_127, %dma_start3A_132] : memref<81x128xi32, #tpu.memory_space<vmem>> -> memref<1x128xi32, #tpu.memory_space<vmem>>
    %dma_start3A_134 = tpu.memref_squeeze %dma_start3A_133 : memref<1x128xi32, #tpu.memory_space<vmem>> -> memref<128xi32, #tpu.memory_space<vmem>>
    %dma_start3A_135 = arith.constant 0 : i32
    %dma_start3A_136 = arith.constant 0 : i32
    %dma_start3A_137 = tpu.memref_slice %arg10[%dma_start3A_135, %dma_start3A_136] : memref<10240x64xf32, #tpu.memory_space<vmem_shared>> -> memref<10240x64xf32, #tpu.memory_space<vmem_shared>>
    %dma_start3A_138 = tpu.memref_slice %arg11[%dma_start3A_128] : memref<3x!tpu.dma_semaphore, #tpu.memory_space<semaphore_mem>> -> memref<1x!tpu.dma_semaphore, #tpu.memory_space<semaphore_mem>>
    %dma_start3A_139 = tpu.memref_squeeze %dma_start3A_138 : memref<1x!tpu.dma_semaphore, #tpu.memory_space<semaphore_mem>> -> memref<!tpu.dma_semaphore, #tpu.memory_space<semaphore_mem>>
    tpu.enqueue_indirect_dma source(%dma_start3A_137 : memref<10240x64xf32, #tpu.memory_space<vmem_shared>>) target(%dma_start3A_131 : memref<128x64xf32, #tpu.memory_space<vmem>>) offsets(%dma_start3A_134 : memref<128xi32, #tpu.memory_space<vmem>>) semaphore(%dma_start3A_139 : memref<!tpu.dma_semaphore, #tpu.memory_space<semaphore_mem>>)
    %scan3A_140 = arith.constant 0 : i32
    %scan3A_141 = arith.constant 0 : i32
    %scan3A_142 = arith.constant 27 : i32
    %scan3A_143 = arith.addi %scan3A_141, %scan3A_142 : i32
    %scan3A_144 = arith.constant 1 : i32
    scf.for %scan3A_190 = %scan3A_141 to %scan3A_143 step %scan3A_144  : i32 {
      %mul3A_191 = arith.constant 3 : i32
      %mul3A_192 = arith.muli %scan3A_190, %mul3A_191 : i32
      %add3A_193 = arith.constant 0 : i32
      %add3A_194 = arith.addi %mul3A_192, %add3A_193 : i32
      %gt3A = arith.constant 0 : i32
      %gt3A_195 = arith.cmpi sgt, %scan3A_190, %gt3A : i32
      %convert_element_type3A = arith.extui %gt3A_195 : i1 to i32
      %cond3A = arith.constant 0 : i32
      %cond3A_196 = arith.cmpi ne, %convert_element_type3A, %cond3A : i32
      scf.if %cond3A_196 {
        %add3A_314 = arith.constant 1 : i32
        %add3A_315 = arith.addi %add3A_194, %add3A_314 : i32
        %sub3A = arith.constant 3 : i32
        %sub3A_316 = arith.subi %add3A_315, %sub3A : i32
        %dma_wait3A_317 = arith.constant 1 : i32
        %dma_wait3A_318 = arith.constant 128 : i32
        %dma_wait3A_319 = arith.constant 0 : i32
        %dma_wait3A_320 = tpu.memref_slice %arg8[%dma_wait3A_318, %dma_wait3A_319] : memref<384x64xf32, #tpu.memory_space<vmem>> -> memref<128x64xf32, #tpu.memory_space<vmem>>
        %dma_wait3A_321 = arith.constant 0 : i32
        %dma_wait3A_322 = tpu.memref_slice %arg7[%sub3A_316, %dma_wait3A_321] : memref<81x128xi32, #tpu.memory_space<vmem>> -> memref<1x128xi32, #tpu.memory_space<vmem>>
        %dma_wait3A_323 = tpu.memref_squeeze %dma_wait3A_322 : memref<1x128xi32, #tpu.memory_space<vmem>> -> memref<128xi32, #tpu.memory_space<vmem>>
        %dma_wait3A_324 = arith.constant 0 : i32
        %dma_wait3A_325 = arith.constant 0 : i32
        %dma_wait3A_326 = tpu.memref_slice %arg9[%dma_wait3A_324, %dma_wait3A_325] : memref<10240x64xf32, #tpu.memory_space<vmem_shared>> -> memref<10240x64xf32, #tpu.memory_space<vmem_shared>>
        %dma_wait3A_327 = tpu.memref_slice %arg12[%dma_wait3A_317] : memref<3x!tpu.dma_semaphore, #tpu.memory_space<semaphore_mem>> -> memref<1x!tpu.dma_semaphore, #tpu.memory_space<semaphore_mem>>
        %dma_wait3A_328 = tpu.memref_squeeze %dma_wait3A_327 : memref<1x!tpu.dma_semaphore, #tpu.memory_space<semaphore_mem>> -> memref<!tpu.dma_semaphore, #tpu.memory_space<semaphore_mem>>
        tpu.wait_indirect_dma semaphore(%dma_wait3A_328 : memref<!tpu.dma_semaphore, #tpu.memory_space<semaphore_mem>>) src(%dma_wait3A_320 : memref<128x64xf32, #tpu.memory_space<vmem>>) dst(%dma_wait3A_326 : memref<10240x64xf32, #tpu.memory_space<vmem_shared>>)
      } else {
      }
      %add3A_197 = arith.constant 1 : i32
      %add3A_198 = arith.addi %add3A_194, %add3A_197 : i32
      %dma_start3A_199 = arith.constant 1 : i32
      %dma_start3A_200 = arith.constant 128 : i32
      %dma_start3A_201 = arith.constant 0 : i32
      %dma_start3A_202 = tpu.memref_slice %arg8[%dma_start3A_200, %dma_start3A_201] : memref<384x64xf32, #tpu.memory_space<vmem>> -> memref<128x64xf32, #tpu.memory_space<vmem>>
      %dma_start3A_203 = arith.constant 0 : i32
      %dma_start3A_204 = tpu.memref_slice %arg6[%add3A_198, %dma_start3A_203] : memref<81x128xi32, #tpu.memory_space<vmem>> -> memref<1x128xi32, #tpu.memory_space<vmem>>
      %dma_start3A_205 = tpu.memref_squeeze %dma_start3A_204 : memref<1x128xi32, #tpu.memory_space<vmem>> -> memref<128xi32, #tpu.memory_space<vmem>>
      %dma_start3A_206 = arith.constant 0 : i32
      %dma_start3A_207 = arith.constant 0 : i32
      %dma_start3A_208 = tpu.memref_slice %arg10[%dma_start3A_206, %dma_start3A_207] : memref<10240x64xf32, #tpu.memory_space<vmem_shared>> -> memref<10240x64xf32, #tpu.memory_space<vmem_shared>>
      %dma_start3A_209 = tpu.memref_slice %arg11[%dma_start3A_199] : memref<3x!tpu.dma_semaphore, #tpu.memory_space<semaphore_mem>> -> memref<1x!tpu.dma_semaphore, #tpu.memory_space<semaphore_mem>>
      %dma_start3A_210 = tpu.memref_squeeze %dma_start3A_209 : memref<1x!tpu.dma_semaphore, #tpu.memory_space<semaphore_mem>> -> memref<!tpu.dma_semaphore, #tpu.memory_space<semaphore_mem>>
      tpu.enqueue_indirect_dma source(%dma_start3A_208 : memref<10240x64xf32, #tpu.memory_space<vmem_shared>>) target(%dma_start3A_202 : memref<128x64xf32, #tpu.memory_space<vmem>>) offsets(%dma_start3A_205 : memref<128xi32, #tpu.memory_space<vmem>>) semaphore(%dma_start3A_210 : memref<!tpu.dma_semaphore, #tpu.memory_space<semaphore_mem>>)
      %dma_wait3A_211 = arith.constant 0 : i32
      %dma_wait3A_212 = arith.constant 0 : i32
      %dma_wait3A_213 = arith.constant 0 : i32
      %dma_wait3A_214 = tpu.memref_slice %arg8[%dma_wait3A_212, %dma_wait3A_213] : memref<384x64xf32, #tpu.memory_space<vmem>> -> memref<128x64xf32, #tpu.memory_space<vmem>>
      %dma_wait3A_215 = arith.constant 0 : i32
      %dma_wait3A_216 = tpu.memref_slice %arg6[%add3A_194, %dma_wait3A_215] : memref<81x128xi32, #tpu.memory_space<vmem>> -> memref<1x128xi32, #tpu.memory_space<vmem>>
      %dma_wait3A_217 = tpu.memref_squeeze %dma_wait3A_216 : memref<1x128xi32, #tpu.memory_space<vmem>> -> memref<128xi32, #tpu.memory_space<vmem>>
      %dma_wait3A_218 = arith.constant 0 : i32
      %dma_wait3A_219 = arith.constant 0 : i32
      %dma_wait3A_220 = tpu.memref_slice %arg10[%dma_wait3A_218, %dma_wait3A_219] : memref<10240x64xf32, #tpu.memory_space<vmem_shared>> -> memref<10240x64xf32, #tpu.memory_space<vmem_shared>>
      %dma_wait3A_221 = tpu.memref_slice %arg11[%dma_wait3A_211] : memref<3x!tpu.dma_semaphore, #tpu.memory_space<semaphore_mem>> -> memref<1x!tpu.dma_semaphore, #tpu.memory_space<semaphore_mem>>
      %dma_wait3A_222 = tpu.memref_squeeze %dma_wait3A_221 : memref<1x!tpu.dma_semaphore, #tpu.memory_space<semaphore_mem>> -> memref<!tpu.dma_semaphore, #tpu.memory_space<semaphore_mem>>
      tpu.wait_indirect_dma semaphore(%dma_wait3A_222 : memref<!tpu.dma_semaphore, #tpu.memory_space<semaphore_mem>>) src(%dma_wait3A_220 : memref<10240x64xf32, #tpu.memory_space<vmem_shared>>) dst(%dma_wait3A_214 : memref<128x64xf32, #tpu.memory_space<vmem>>)
      %dma_start3A_223 = arith.constant 0 : i32
      %dma_start3A_224 = arith.constant 0 : i32
      %dma_start3A_225 = arith.constant 0 : i32
      %dma_start3A_226 = tpu.memref_slice %arg8[%dma_start3A_224, %dma_start3A_225] : memref<384x64xf32, #tpu.memory_space<vmem>> -> memref<128x64xf32, #tpu.memory_space<vmem>>
      %dma_start3A_227 = arith.constant 0 : i32
      %dma_start3A_228 = tpu.memref_slice %arg7[%add3A_194, %dma_start3A_227] : memref<81x128xi32, #tpu.memory_space<vmem>> -> memref<1x128xi32, #tpu.memory_space<vmem>>
      %dma_start3A_229 = tpu.memref_squeeze %dma_start3A_228 : memref<1x128xi32, #tpu.memory_space<vmem>> -> memref<128xi32, #tpu.memory_space<vmem>>
      %dma_start3A_230 = arith.constant 0 : i32
      %dma_start3A_231 = arith.constant 0 : i32
      %dma_start3A_232 = tpu.memref_slice %arg9[%dma_start3A_230, %dma_start3A_231] : memref<10240x64xf32, #tpu.memory_space<vmem_shared>> -> memref<10240x64xf32, #tpu.memory_space<vmem_shared>>
      %dma_start3A_233 = tpu.memref_slice %arg12[%dma_start3A_223] : memref<3x!tpu.dma_semaphore, #tpu.memory_space<semaphore_mem>> -> memref<1x!tpu.dma_semaphore, #tpu.memory_space<semaphore_mem>>
      %dma_start3A_234 = tpu.memref_squeeze %dma_start3A_233 : memref<1x!tpu.dma_semaphore, #tpu.memory_space<semaphore_mem>> -> memref<!tpu.dma_semaphore, #tpu.memory_space<semaphore_mem>>
      tpu.enqueue_indirect_dma source(%dma_start3A_226 : memref<128x64xf32, #tpu.memory_space<vmem>>) target(%dma_start3A_232 : memref<10240x64xf32, #tpu.memory_space<vmem_shared>>) offsets(%dma_start3A_229 : memref<128xi32, #tpu.memory_space<vmem>>) semaphore(%dma_start3A_234 : memref<!tpu.dma_semaphore, #tpu.memory_space<semaphore_mem>>) {add = true}
      %mul3A_235 = arith.constant 3 : i32
      %mul3A_236 = arith.muli %scan3A_190, %mul3A_235 : i32
      %add3A_237 = arith.constant 1 : i32
      %add3A_238 = arith.addi %mul3A_236, %add3A_237 : i32
      %gt3A_239 = arith.constant 0 : i32
      %gt3A_240 = arith.cmpi sgt, %scan3A_190, %gt3A_239 : i32
      %convert_element_type3A_241 = arith.extui %gt3A_240 : i1 to i32
      %cond3A_242 = arith.constant 0 : i32
      %cond3A_243 = arith.cmpi ne, %convert_element_type3A_241, %cond3A_242 : i32
      scf.if %cond3A_243 {
        %add3A_314 = arith.constant 1 : i32
        %add3A_315 = arith.addi %add3A_238, %add3A_314 : i32
        %sub3A = arith.constant 3 : i32
        %sub3A_316 = arith.subi %add3A_315, %sub3A : i32
        %dma_wait3A_317 = arith.constant 2 : i32
        %dma_wait3A_318 = arith.constant 256 : i32
        %dma_wait3A_319 = arith.constant 0 : i32
        %dma_wait3A_320 = tpu.memref_slice %arg8[%dma_wait3A_318, %dma_wait3A_319] : memref<384x64xf32, #tpu.memory_space<vmem>> -> memref<128x64xf32, #tpu.memory_space<vmem>>
        %dma_wait3A_321 = arith.constant 0 : i32
        %dma_wait3A_322 = tpu.memref_slice %arg7[%sub3A_316, %dma_wait3A_321] : memref<81x128xi32, #tpu.memory_space<vmem>> -> memref<1x128xi32, #tpu.memory_space<vmem>>
        %dma_wait3A_323 = tpu.memref_squeeze %dma_wait3A_322 : memref<1x128xi32, #tpu.memory_space<vmem>> -> memref<128xi32, #tpu.memory_space<vmem>>
        %dma_wait3A_324 = arith.constant 0 : i32
        %dma_wait3A_325 = arith.constant 0 : i32
        %dma_wait3A_326 = tpu.memref_slice %arg9[%dma_wait3A_324, %dma_wait3A_325] : memref<10240x64xf32, #tpu.memory_space<vmem_shared>> -> memref<10240x64xf32, #tpu.memory_space<vmem_shared>>
        %dma_wait3A_327 = tpu.memref_slice %arg12[%dma_wait3A_317] : memref<3x!tpu.dma_semaphore, #tpu.memory_space<semaphore_mem>> -> memref<1x!tpu.dma_semaphore, #tpu.memory_space<semaphore_mem>>
        %dma_wait3A_328 = tpu.memref_squeeze %dma_wait3A_327 : memref<1x!tpu.dma_semaphore, #tpu.memory_space<semaphore_mem>> -> memref<!tpu.dma_semaphore, #tpu.memory_space<semaphore_mem>>
        tpu.wait_indirect_dma semaphore(%dma_wait3A_328 : memref<!tpu.dma_semaphore, #tpu.memory_space<semaphore_mem>>) src(%dma_wait3A_320 : memref<128x64xf32, #tpu.memory_space<vmem>>) dst(%dma_wait3A_326 : memref<10240x64xf32, #tpu.memory_space<vmem_shared>>)
      } else {
      }
      %add3A_244 = arith.constant 1 : i32
      %add3A_245 = arith.addi %add3A_238, %add3A_244 : i32
      %dma_start3A_246 = arith.constant 2 : i32
      %dma_start3A_247 = arith.constant 256 : i32
      %dma_start3A_248 = arith.constant 0 : i32
      %dma_start3A_249 = tpu.memref_slice %arg8[%dma_start3A_247, %dma_start3A_248] : memref<384x64xf32, #tpu.memory_space<vmem>> -> memref<128x64xf32, #tpu.memory_space<vmem>>
      %dma_start3A_250 = arith.constant 0 : i32
      %dma_start3A_251 = tpu.memref_slice %arg6[%add3A_245, %dma_start3A_250] : memref<81x128xi32, #tpu.memory_space<vmem>> -> memref<1x128xi32, #tpu.memory_space<vmem>>
      %dma_start3A_252 = tpu.memref_squeeze %dma_start3A_251 : memref<1x128xi32, #tpu.memory_space<vmem>> -> memref<128xi32, #tpu.memory_space<vmem>>
      %dma_start3A_253 = arith.constant 0 : i32
      %dma_start3A_254 = arith.constant 0 : i32
      %dma_start3A_255 = tpu.memref_slice %arg10[%dma_start3A_253, %dma_start3A_254] : memref<10240x64xf32, #tpu.memory_space<vmem_shared>> -> memref<10240x64xf32, #tpu.memory_space<vmem_shared>>
      %dma_start3A_256 = tpu.memref_slice %arg11[%dma_start3A_246] : memref<3x!tpu.dma_semaphore, #tpu.memory_space<semaphore_mem>> -> memref<1x!tpu.dma_semaphore, #tpu.memory_space<semaphore_mem>>
      %dma_start3A_257 = tpu.memref_squeeze %dma_start3A_256 : memref<1x!tpu.dma_semaphore, #tpu.memory_space<semaphore_mem>> -> memref<!tpu.dma_semaphore, #tpu.memory_space<semaphore_mem>>
      tpu.enqueue_indirect_dma source(%dma_start3A_255 : memref<10240x64xf32, #tpu.memory_space<vmem_shared>>) target(%dma_start3A_249 : memref<128x64xf32, #tpu.memory_space<vmem>>) offsets(%dma_start3A_252 : memref<128xi32, #tpu.memory_space<vmem>>) semaphore(%dma_start3A_257 : memref<!tpu.dma_semaphore, #tpu.memory_space<semaphore_mem>>)
      %dma_wait3A_258 = arith.constant 1 : i32
      %dma_wait3A_259 = arith.constant 128 : i32
      %dma_wait3A_260 = arith.constant 0 : i32
      %dma_wait3A_261 = tpu.memref_slice %arg8[%dma_wait3A_259, %dma_wait3A_260] : memref<384x64xf32, #tpu.memory_space<vmem>> -> memref<128x64xf32, #tpu.memory_space<vmem>>
      %dma_wait3A_262 = arith.constant 0 : i32
      %dma_wait3A_263 = tpu.memref_slice %arg6[%add3A_238, %dma_wait3A_262] : memref<81x128xi32, #tpu.memory_space<vmem>> -> memref<1x128xi32, #tpu.memory_space<vmem>>
      %dma_wait3A_264 = tpu.memref_squeeze %dma_wait3A_263 : memref<1x128xi32, #tpu.memory_space<vmem>> -> memref<128xi32, #tpu.memory_space<vmem>>
      %dma_wait3A_265 = arith.constant 0 : i32
      %dma_wait3A_266 = arith.constant 0 : i32
      %dma_wait3A_267 = tpu.memref_slice %arg10[%dma_wait3A_265, %dma_wait3A_266] : memref<10240x64xf32, #tpu.memory_space<vmem_shared>> -> memref<10240x64xf32, #tpu.memory_space<vmem_shared>>
      %dma_wait3A_268 = tpu.memref_slice %arg11[%dma_wait3A_258] : memref<3x!tpu.dma_semaphore, #tpu.memory_space<semaphore_mem>> -> memref<1x!tpu.dma_semaphore, #tpu.memory_space<semaphore_mem>>
      %dma_wait3A_269 = tpu.memref_squeeze %dma_wait3A_268 : memref<1x!tpu.dma_semaphore, #tpu.memory_space<semaphore_mem>> -> memref<!tpu.dma_semaphore, #tpu.memory_space<semaphore_mem>>
      tpu.wait_indirect_dma semaphore(%dma_wait3A_269 : memref<!tpu.dma_semaphore, #tpu.memory_space<semaphore_mem>>) src(%dma_wait3A_267 : memref<10240x64xf32, #tpu.memory_space<vmem_shared>>) dst(%dma_wait3A_261 : memref<128x64xf32, #tpu.memory_space<vmem>>)
      %dma_start3A_270 = arith.constant 1 : i32
      %dma_start3A_271 = arith.constant 128 : i32
      %dma_start3A_272 = arith.constant 0 : i32
      %dma_start3A_273 = tpu.memref_slice %arg8[%dma_start3A_271, %dma_start3A_272] : memref<384x64xf32, #tpu.memory_space<vmem>> -> memref<128x64xf32, #tpu.memory_space<vmem>>
      %dma_start3A_274 = arith.constant 0 : i32
      %dma_start3A_275 = tpu.memref_slice %arg7[%add3A_238, %dma_start3A_274] : memref<81x128xi32, #tpu.memory_space<vmem>> -> memref<1x128xi32, #tpu.memory_space<vmem>>
      %dma_start3A_276 = tpu.memref_squeeze %dma_start3A_275 : memref<1x128xi32, #tpu.memory_space<vmem>> -> memref<128xi32, #tpu.memory_space<vmem>>
      %dma_start3A_277 = arith.constant 0 : i32
      %dma_start3A_278 = arith.constant 0 : i32
      %dma_start3A_279 = tpu.memref_slice %arg9[%dma_start3A_277, %dma_start3A_278] : memref<10240x64xf32, #tpu.memory_space<vmem_shared>> -> memref<10240x64xf32, #tpu.memory_space<vmem_shared>>
      %dma_start3A_280 = tpu.memref_slice %arg12[%dma_start3A_270] : memref<3x!tpu.dma_semaphore, #tpu.memory_space<semaphore_mem>> -> memref<1x!tpu.dma_semaphore, #tpu.memory_space<semaphore_mem>>
      %dma_start3A_281 = tpu.memref_squeeze %dma_start3A_280 : memref<1x!tpu.dma_semaphore, #tpu.memory_space<semaphore_mem>> -> memref<!tpu.dma_semaphore, #tpu.memory_space<semaphore_mem>>
      tpu.enqueue_indirect_dma source(%dma_start3A_273 : memref<128x64xf32, #tpu.memory_space<vmem>>) target(%dma_start3A_279 : memref<10240x64xf32, #tpu.memory_space<vmem_shared>>) offsets(%dma_start3A_276 : memref<128xi32, #tpu.memory_space<vmem>>) semaphore(%dma_start3A_281 : memref<!tpu.dma_semaphore, #tpu.memory_space<semaphore_mem>>) {add = true}
      %mul3A_282 = arith.constant 3 : i32
      %mul3A_283 = arith.muli %scan3A_190, %mul3A_282 : i32
      %add3A_284 = arith.constant 2 : i32
      %add3A_285 = arith.addi %mul3A_283, %add3A_284 : i32
      %lt3A = arith.constant 26 : i32
      %lt3A_286 = arith.cmpi slt, %scan3A_190, %lt3A : i32
      %convert_element_type3A_287 = arith.extui %lt3A_286 : i1 to i32
      %cond3A_288 = arith.constant 0 : i32
      %cond3A_289 = arith.cmpi ne, %convert_element_type3A_287, %cond3A_288 : i32
      scf.if %cond3A_289 {
        %add3A_314 = arith.constant 1 : i32
        %add3A_315 = arith.addi %add3A_285, %add3A_314 : i32
        %sub3A = arith.constant 3 : i32
        %sub3A_316 = arith.subi %add3A_315, %sub3A : i32
        %dma_wait3A_317 = arith.constant 0 : i32
        %dma_wait3A_318 = arith.constant 0 : i32
        %dma_wait3A_319 = arith.constant 0 : i32
        %dma_wait3A_320 = tpu.memref_slice %arg8[%dma_wait3A_318, %dma_wait3A_319] : memref<384x64xf32, #tpu.memory_space<vmem>> -> memref<128x64xf32, #tpu.memory_space<vmem>>
        %dma_wait3A_321 = arith.constant 0 : i32
        %dma_wait3A_322 = tpu.memref_slice %arg7[%sub3A_316, %dma_wait3A_321] : memref<81x128xi32, #tpu.memory_space<vmem>> -> memref<1x128xi32, #tpu.memory_space<vmem>>
        %dma_wait3A_323 = tpu.memref_squeeze %dma_wait3A_322 : memref<1x128xi32, #tpu.memory_space<vmem>> -> memref<128xi32, #tpu.memory_space<vmem>>
        %dma_wait3A_324 = arith.constant 0 : i32
        %dma_wait3A_325 = arith.constant 0 : i32
        %dma_wait3A_326 = tpu.memref_slice %arg9[%dma_wait3A_324, %dma_wait3A_325] : memref<10240x64xf32, #tpu.memory_space<vmem_shared>> -> memref<10240x64xf32, #tpu.memory_space<vmem_shared>>
        %dma_wait3A_327 = tpu.memref_slice %arg12[%dma_wait3A_317] : memref<3x!tpu.dma_semaphore, #tpu.memory_space<semaphore_mem>> -> memref<1x!tpu.dma_semaphore, #tpu.memory_space<semaphore_mem>>
        %dma_wait3A_328 = tpu.memref_squeeze %dma_wait3A_327 : memref<1x!tpu.dma_semaphore, #tpu.memory_space<semaphore_mem>> -> memref<!tpu.dma_semaphore, #tpu.memory_space<semaphore_mem>>
        tpu.wait_indirect_dma semaphore(%dma_wait3A_328 : memref<!tpu.dma_semaphore, #tpu.memory_space<semaphore_mem>>) src(%dma_wait3A_320 : memref<128x64xf32, #tpu.memory_space<vmem>>) dst(%dma_wait3A_326 : memref<10240x64xf32, #tpu.memory_space<vmem_shared>>)
        %add3A_329 = arith.constant 1 : i32
        %add3A_330 = arith.addi %add3A_285, %add3A_329 : i32
        %dma_start3A_331 = arith.constant 0 : i32
        %dma_start3A_332 = arith.constant 0 : i32
        %dma_start3A_333 = arith.constant 0 : i32
        %dma_start3A_334 = tpu.memref_slice %arg8[%dma_start3A_332, %dma_start3A_333] : memref<384x64xf32, #tpu.memory_space<vmem>> -> memref<128x64xf32, #tpu.memory_space<vmem>>
        %dma_start3A_335 = arith.constant 0 : i32
        %dma_start3A_336 = tpu.memref_slice %arg6[%add3A_330, %dma_start3A_335] : memref<81x128xi32, #tpu.memory_space<vmem>> -> memref<1x128xi32, #tpu.memory_space<vmem>>
        %dma_start3A_337 = tpu.memref_squeeze %dma_start3A_336 : memref<1x128xi32, #tpu.memory_space<vmem>> -> memref<128xi32, #tpu.memory_space<vmem>>
        %dma_start3A_338 = arith.constant 0 : i32
        %dma_start3A_339 = arith.constant 0 : i32
        %dma_start3A_340 = tpu.memref_slice %arg10[%dma_start3A_338, %dma_start3A_339] : memref<10240x64xf32, #tpu.memory_space<vmem_shared>> -> memref<10240x64xf32, #tpu.memory_space<vmem_shared>>
        %dma_start3A_341 = tpu.memref_slice %arg11[%dma_start3A_331] : memref<3x!tpu.dma_semaphore, #tpu.memory_space<semaphore_mem>> -> memref<1x!tpu.dma_semaphore, #tpu.memory_space<semaphore_mem>>
        %dma_start3A_342 = tpu.memref_squeeze %dma_start3A_341 : memref<1x!tpu.dma_semaphore, #tpu.memory_space<semaphore_mem>> -> memref<!tpu.dma_semaphore, #tpu.memory_space<semaphore_mem>>
        tpu.enqueue_indirect_dma source(%dma_start3A_340 : memref<10240x64xf32, #tpu.memory_space<vmem_shared>>) target(%dma_start3A_334 : memref<128x64xf32, #tpu.memory_space<vmem>>) offsets(%dma_start3A_337 : memref<128xi32, #tpu.memory_space<vmem>>) semaphore(%dma_start3A_342 : memref<!tpu.dma_semaphore, #tpu.memory_space<semaphore_mem>>)
      } else {
      }
      %dma_wait3A_290 = arith.constant 2 : i32
      %dma_wait3A_291 = arith.constant 256 : i32
      %dma_wait3A_292 = arith.constant 0 : i32
      %dma_wait3A_293 = tpu.memref_slice %arg8[%dma_wait3A_291, %dma_wait3A_292] : memref<384x64xf32, #tpu.memory_space<vmem>> -> memref<128x64xf32, #tpu.memory_space<vmem>>
      %dma_wait3A_294 = arith.constant 0 : i32
      %dma_wait3A_295 = tpu.memref_slice %arg6[%add3A_285, %dma_wait3A_294] : memref<81x128xi32, #tpu.memory_space<vmem>> -> memref<1x128xi32, #tpu.memory_space<vmem>>
      %dma_wait3A_296 = tpu.memref_squeeze %dma_wait3A_295 : memref<1x128xi32, #tpu.memory_space<vmem>> -> memref<128xi32, #tpu.memory_space<vmem>>
      %dma_wait3A_297 = arith.constant 0 : i32
      %dma_wait3A_298 = arith.constant 0 : i32
      %dma_wait3A_299 = tpu.memref_slice %arg10[%dma_wait3A_297, %dma_wait3A_298] : memref<10240x64xf32, #tpu.memory_space<vmem_shared>> -> memref<10240x64xf32, #tpu.memory_space<vmem_shared>>
      %dma_wait3A_300 = tpu.memref_slice %arg11[%dma_wait3A_290] : memref<3x!tpu.dma_semaphore, #tpu.memory_space<semaphore_mem>> -> memref<1x!tpu.dma_semaphore, #tpu.memory_space<semaphore_mem>>
      %dma_wait3A_301 = tpu.memref_squeeze %dma_wait3A_300 : memref<1x!tpu.dma_semaphore, #tpu.memory_space<semaphore_mem>> -> memref<!tpu.dma_semaphore, #tpu.memory_space<semaphore_mem>>
      tpu.wait_indirect_dma semaphore(%dma_wait3A_301 : memref<!tpu.dma_semaphore, #tpu.memory_space<semaphore_mem>>) src(%dma_wait3A_299 : memref<10240x64xf32, #tpu.memory_space<vmem_shared>>) dst(%dma_wait3A_293 : memref<128x64xf32, #tpu.memory_space<vmem>>)
      %dma_start3A_302 = arith.constant 2 : i32
      %dma_start3A_303 = arith.constant 256 : i32
      %dma_start3A_304 = arith.constant 0 : i32
      %dma_start3A_305 = tpu.memref_slice %arg8[%dma_start3A_303, %dma_start3A_304] : memref<384x64xf32, #tpu.memory_space<vmem>> -> memref<128x64xf32, #tpu.memory_space<vmem>>
      %dma_start3A_306 = arith.constant 0 : i32
      %dma_start3A_307 = tpu.memref_slice %arg7[%add3A_285, %dma_start3A_306] : memref<81x128xi32, #tpu.memory_space<vmem>> -> memref<1x128xi32, #tpu.memory_space<vmem>>
      %dma_start3A_308 = tpu.memref_squeeze %dma_start3A_307 : memref<1x128xi32, #tpu.memory_space<vmem>> -> memref<128xi32, #tpu.memory_space<vmem>>
      %dma_start3A_309 = arith.constant 0 : i32
      %dma_start3A_310 = arith.constant 0 : i32
      %dma_start3A_311 = tpu.memref_slice %arg9[%dma_start3A_309, %dma_start3A_310] : memref<10240x64xf32, #tpu.memory_space<vmem_shared>> -> memref<10240x64xf32, #tpu.memory_space<vmem_shared>>
      %dma_start3A_312 = tpu.memref_slice %arg12[%dma_start3A_302] : memref<3x!tpu.dma_semaphore, #tpu.memory_space<semaphore_mem>> -> memref<1x!tpu.dma_semaphore, #tpu.memory_space<semaphore_mem>>
      %dma_start3A_313 = tpu.memref_squeeze %dma_start3A_312 : memref<1x!tpu.dma_semaphore, #tpu.memory_space<semaphore_mem>> -> memref<!tpu.dma_semaphore, #tpu.memory_space<semaphore_mem>>
      tpu.enqueue_indirect_dma source(%dma_start3A_305 : memref<128x64xf32, #tpu.memory_space<vmem>>) target(%dma_start3A_311 : memref<10240x64xf32, #tpu.memory_space<vmem_shared>>) offsets(%dma_start3A_308 : memref<128xi32, #tpu.memory_space<vmem>>) semaphore(%dma_start3A_313 : memref<!tpu.dma_semaphore, #tpu.memory_space<semaphore_mem>>) {add = true}
    }
    %scan3A_145 = arith.constant 27 : i32
    %dma_wait3A_146 = arith.constant 78 : i32
    %dma_wait3A_147 = arith.constant 0 : i32
    %dma_wait3A_148 = arith.constant 0 : i32
    %dma_wait3A_149 = arith.constant 0 : i32
    %dma_wait3A_150 = tpu.memref_slice %arg8[%dma_wait3A_148, %dma_wait3A_149] : memref<384x64xf32, #tpu.memory_space<vmem>> -> memref<128x64xf32, #tpu.memory_space<vmem>>
    %dma_wait3A_151 = arith.constant 0 : i32
    %dma_wait3A_152 = tpu.memref_slice %arg7[%dma_wait3A_146, %dma_wait3A_151] : memref<81x128xi32, #tpu.memory_space<vmem>> -> memref<1x128xi32, #tpu.memory_space<vmem>>
    %dma_wait3A_153 = tpu.memref_squeeze %dma_wait3A_152 : memref<1x128xi32, #tpu.memory_space<vmem>> -> memref<128xi32, #tpu.memory_space<vmem>>
    %dma_wait3A_154 = arith.constant 0 : i32
    %dma_wait3A_155 = arith.constant 0 : i32
    %dma_wait3A_156 = tpu.memref_slice %arg9[%dma_wait3A_154, %dma_wait3A_155] : memref<10240x64xf32, #tpu.memory_space<vmem_shared>> -> memref<10240x64xf32, #tpu.memory_space<vmem_shared>>
    %dma_wait3A_157 = tpu.memref_slice %arg12[%dma_wait3A_147] : memref<3x!tpu.dma_semaphore, #tpu.memory_space<semaphore_mem>> -> memref<1x!tpu.dma_semaphore, #tpu.memory_space<semaphore_mem>>
    %dma_wait3A_158 = tpu.memref_squeeze %dma_wait3A_157 : memref<1x!tpu.dma_semaphore, #tpu.memory_space<semaphore_mem>> -> memref<!tpu.dma_semaphore, #tpu.memory_space<semaphore_mem>>
    tpu.wait_indirect_dma semaphore(%dma_wait3A_158 : memref<!tpu.dma_semaphore, #tpu.memory_space<semaphore_mem>>) src(%dma_wait3A_150 : memref<128x64xf32, #tpu.memory_space<vmem>>) dst(%dma_wait3A_156 : memref<10240x64xf32, #tpu.memory_space<vmem_shared>>)
    %dma_wait3A_159 = arith.constant 79 : i32
    %dma_wait3A_160 = arith.constant 1 : i32
    %dma_wait3A_161 = arith.constant 128 : i32
    %dma_wait3A_162 = arith.constant 0 : i32
    %dma_wait3A_163 = tpu.memref_slice %arg8[%dma_wait3A_161, %dma_wait3A_162] : memref<384x64xf32, #tpu.memory_space<vmem>> -> memref<128x64xf32, #tpu.memory_space<vmem>>
    %dma_wait3A_164 = arith.constant 0 : i32
    %dma_wait3A_165 = tpu.memref_slice %arg7[%dma_wait3A_159, %dma_wait3A_164] : memref<81x128xi32, #tpu.memory_space<vmem>> -> memref<1x128xi32, #tpu.memory_space<vmem>>
    %dma_wait3A_166 = tpu.memref_squeeze %dma_wait3A_165 : memref<1x128xi32, #tpu.memory_space<vmem>> -> memref<128xi32, #tpu.memory_space<vmem>>
    %dma_wait3A_167 = arith.constant 0 : i32
    %dma_wait3A_168 = arith.constant 0 : i32
    %dma_wait3A_169 = tpu.memref_slice %arg9[%dma_wait3A_167, %dma_wait3A_168] : memref<10240x64xf32, #tpu.memory_space<vmem_shared>> -> memref<10240x64xf32, #tpu.memory_space<vmem_shared>>
    %dma_wait3A_170 = tpu.memref_slice %arg12[%dma_wait3A_160] : memref<3x!tpu.dma_semaphore, #tpu.memory_space<semaphore_mem>> -> memref<1x!tpu.dma_semaphore, #tpu.memory_space<semaphore_mem>>
    %dma_wait3A_171 = tpu.memref_squeeze %dma_wait3A_170 : memref<1x!tpu.dma_semaphore, #tpu.memory_space<semaphore_mem>> -> memref<!tpu.dma_semaphore, #tpu.memory_space<semaphore_mem>>
    tpu.wait_indirect_dma semaphore(%dma_wait3A_171 : memref<!tpu.dma_semaphore, #tpu.memory_space<semaphore_mem>>) src(%dma_wait3A_163 : memref<128x64xf32, #tpu.memory_space<vmem>>) dst(%dma_wait3A_169 : memref<10240x64xf32, #tpu.memory_space<vmem_shared>>)
    %dma_wait3A_172 = arith.constant 80 : i32
    %dma_wait3A_173 = arith.constant 2 : i32
    %dma_wait3A_174 = arith.constant 256 : i32
    %dma_wait3A_175 = arith.constant 0 : i32
    %dma_wait3A_176 = tpu.memref_slice %arg8[%dma_wait3A_174, %dma_wait3A_175] : memref<384x64xf32, #tpu.memory_space<vmem>> -> memref<128x64xf32, #tpu.memory_space<vmem>>
    %dma_wait3A_177 = arith.constant 0 : i32
    %dma_wait3A_178 = tpu.memref_slice %arg7[%dma_wait3A_172, %dma_wait3A_177] : memref<81x128xi32, #tpu.memory_space<vmem>> -> memref<1x128xi32, #tpu.memory_space<vmem>>
    %dma_wait3A_179 = tpu.memref_squeeze %dma_wait3A_178 : memref<1x128xi32, #tpu.memory_space<vmem>> -> memref<128xi32, #tpu.memory_space<vmem>>
    %dma_wait3A_180 = arith.constant 0 : i32
    %dma_wait3A_181 = arith.constant 0 : i32
    %dma_wait3A_182 = tpu.memref_slice %arg9[%dma_wait3A_180, %dma_wait3A_181] : memref<10240x64xf32, #tpu.memory_space<vmem_shared>> -> memref<10240x64xf32, #tpu.memory_space<vmem_shared>>
    %dma_wait3A_183 = tpu.memref_slice %arg12[%dma_wait3A_173] : memref<3x!tpu.dma_semaphore, #tpu.memory_space<semaphore_mem>> -> memref<1x!tpu.dma_semaphore, #tpu.memory_space<semaphore_mem>>
    %dma_wait3A_184 = tpu.memref_squeeze %dma_wait3A_183 : memref<1x!tpu.dma_semaphore, #tpu.memory_space<semaphore_mem>> -> memref<!tpu.dma_semaphore, #tpu.memory_space<semaphore_mem>>
    tpu.wait_indirect_dma semaphore(%dma_wait3A_184 : memref<!tpu.dma_semaphore, #tpu.memory_space<semaphore_mem>>) src(%dma_wait3A_176 : memref<128x64xf32, #tpu.memory_space<vmem>>) dst(%dma_wait3A_182 : memref<10240x64xf32, #tpu.memory_space<vmem_shared>>)
    %barrier3A_185 = arith.constant 0 : index
    tpu.barrier barrier_id(%barrier3A_185)
    %mul3A_186 = arith.constant 640 : i32
    %mul3A_187 = arith.muli %arg1, %mul3A_186 : i32
    %mul3A_188 = arith.constant 640 : i32
    %mul3A_189 = arith.muli %arg1, %mul3A_188 : i32
    "tpu.region"() ({
      %run_scoped3A = tpu.sem_alloc : memref<!tpu.dma_semaphore, #tpu.memory_space<semaphore_mem>>
      %dma_start3A_190 = arith.constant 0 : i32
      %dma_start3A_191 = tpu.memref_slice %arg5[%arg0, %mul3A_189, %dma_start3A_190] : memref<2x10240x64xf32, #tpu.memory_space<hbm>> -> memref<1x640x64xf32, #tpu.memory_space<hbm>>
      %dma_start3A_192 = tpu.memref_squeeze %dma_start3A_191 : memref<1x640x64xf32, #tpu.memory_space<hbm>> -> memref<640x64xf32, #tpu.memory_space<hbm>>
      %dma_start3A_193 = arith.constant 0 : i32
      %dma_start3A_194 = tpu.memref_slice %arg9[%mul3A_187, %dma_start3A_193] : memref<10240x64xf32, #tpu.memory_space<vmem_shared>> -> memref<640x64xf32, #tpu.memory_space<vmem_shared>>
      tpu.enqueue_dma source(%dma_start3A_194 : memref<640x64xf32, #tpu.memory_space<vmem_shared>>) target(%dma_start3A_192 : memref<640x64xf32, #tpu.memory_space<hbm>>) target_semaphore(%run_scoped3A : memref<!tpu.dma_semaphore, #tpu.memory_space<semaphore_mem>>)
      %dma_wait3A_195 = arith.constant 0 : i32
      %dma_wait3A_196 = tpu.memref_slice %arg5[%arg0, %mul3A_189, %dma_wait3A_195] : memref<2x10240x64xf32, #tpu.memory_space<hbm>> -> memref<1x640x64xf32, #tpu.memory_space<hbm>>
      %dma_wait3A_197 = tpu.memref_squeeze %dma_wait3A_196 : memref<1x640x64xf32, #tpu.memory_space<hbm>> -> memref<640x64xf32, #tpu.memory_space<hbm>>
      %dma_wait3A_198 = arith.constant 0 : i32
      %dma_wait3A_199 = tpu.memref_slice %arg9[%mul3A_187, %dma_wait3A_198] : memref<10240x64xf32, #tpu.memory_space<vmem_shared>> -> memref<640x64xf32, #tpu.memory_space<vmem_shared>>
      tpu.wait_dma2 semaphore(%run_scoped3A : memref<!tpu.dma_semaphore, #tpu.memory_space<semaphore_mem>>) src(%dma_wait3A_199 : memref<640x64xf32, #tpu.memory_space<vmem_shared>>) dst(%dma_wait3A_197 : memref<640x64xf32, #tpu.memory_space<hbm>>)
      tpu.yield
    }) : () -> ()
    return
  }
}

#map = affine_map<(d0, d1) -> (0, 0)>
#map1 = affine_map<(d0, d1) -> (0, 0, 0)>
module attributes {stable_mosaic.version = 14 : i64} {
  func.func @agg(%arg0: i32, %arg1: i32, %arg2: memref<10240x32xf32, #tpu.memory_space<hbm>>, %arg3: memref<32x81x128xi32, #tpu.memory_space<hbm>>, %arg4: memref<32x81x128xi32, #tpu.memory_space<hbm>>, %arg5: memref<2x10240x32xf32, #tpu.memory_space<hbm>>, %arg6: memref<81x128xi32, #tpu.memory_space<vmem>>, %arg7: memref<81x128xi32, #tpu.memory_space<vmem>>, %arg8: memref<384x32xf32, #tpu.memory_space<vmem>>, %arg9: memref<10240x32xf32, #tpu.memory_space<vmem_shared>>, %arg10: memref<10240x32xf32, #tpu.memory_space<vmem_shared>>, %arg11: memref<3x!tpu.dma_semaphore, #tpu.memory_space<semaphore_mem>>, %arg12: memref<3x!tpu.dma_semaphore, #tpu.memory_space<semaphore_mem>>) attributes {dimension_semantics = [#tpu.dimension_semantics<core_parallel>, #tpu.dimension_semantics<subcore_parallel>], iteration_bounds = array<i64: 2, 16>, scalar_prefetch = 0 : i64, scratch_operands = 7 : i64, tpu.core_type = #tpu.core_type<sc_vector_subcore>, window_params = [{transform_indices = #map}, {transform_indices = #map1}, {transform_indices = #map1}, {transform_indices = #map1}]} {
    %mul3A = arith.constant 2 : i32
    %mul3A_0 = arith.muli %arg1, %mul3A : i32
    %add3A = arith.addi %mul3A_0, %arg0 : i32
    %dma_start3A = arith.constant 0 : i32
    %dma_start3A_1 = arith.constant 0 : i32
    %dma_start3A_2 = arith.constant 0 : i32
    %dma_start3A_3 = tpu.memref_slice %arg3[%add3A, %dma_start3A_1, %dma_start3A_2] : memref<32x81x128xi32, #tpu.memory_space<hbm>> -> memref<1x81x128xi32, #tpu.memory_space<hbm>>
    %dma_start3A_4 = tpu.memref_squeeze %dma_start3A_3 : memref<1x81x128xi32, #tpu.memory_space<hbm>> -> memref<81x128xi32, #tpu.memory_space<hbm>>
    %dma_start3A_5 = tpu.memref_slice %arg11[%dma_start3A] : memref<3x!tpu.dma_semaphore, #tpu.memory_space<semaphore_mem>> -> memref<1x!tpu.dma_semaphore, #tpu.memory_space<semaphore_mem>>
    %dma_start3A_6 = tpu.memref_squeeze %dma_start3A_5 : memref<1x!tpu.dma_semaphore, #tpu.memory_space<semaphore_mem>> -> memref<!tpu.dma_semaphore, #tpu.memory_space<semaphore_mem>>
    %dma_start3A_7 = arith.constant 0 : i32
    %dma_start3A_8 = arith.constant 0 : i32
    %dma_start3A_9 = tpu.memref_slice %arg3[%add3A, %dma_start3A_7, %dma_start3A_8] : memref<32x81x128xi32, #tpu.memory_space<hbm>> -> memref<1x81x128xi32, #tpu.memory_space<hbm>>
    %dma_start3A_10 = tpu.memref_squeeze %dma_start3A_9 : memref<1x81x128xi32, #tpu.memory_space<hbm>> -> memref<81x128xi32, #tpu.memory_space<hbm>>
    tpu.enqueue_dma source(%dma_start3A_10 : memref<81x128xi32, #tpu.memory_space<hbm>>) target(%arg6 : memref<81x128xi32, #tpu.memory_space<vmem>>) target_semaphore(%dma_start3A_6 : memref<!tpu.dma_semaphore, #tpu.memory_space<semaphore_mem>>)
    %dma_start3A_11 = arith.constant 1 : i32
    %dma_start3A_12 = arith.constant 0 : i32
    %dma_start3A_13 = arith.constant 0 : i32
    %dma_start3A_14 = tpu.memref_slice %arg4[%add3A, %dma_start3A_12, %dma_start3A_13] : memref<32x81x128xi32, #tpu.memory_space<hbm>> -> memref<1x81x128xi32, #tpu.memory_space<hbm>>
    %dma_start3A_15 = tpu.memref_squeeze %dma_start3A_14 : memref<1x81x128xi32, #tpu.memory_space<hbm>> -> memref<81x128xi32, #tpu.memory_space<hbm>>
    %dma_start3A_16 = tpu.memref_slice %arg11[%dma_start3A_11] : memref<3x!tpu.dma_semaphore, #tpu.memory_space<semaphore_mem>> -> memref<1x!tpu.dma_semaphore, #tpu.memory_space<semaphore_mem>>
    %dma_start3A_17 = tpu.memref_squeeze %dma_start3A_16 : memref<1x!tpu.dma_semaphore, #tpu.memory_space<semaphore_mem>> -> memref<!tpu.dma_semaphore, #tpu.memory_space<semaphore_mem>>
    %dma_start3A_18 = arith.constant 0 : i32
    %dma_start3A_19 = arith.constant 0 : i32
    %dma_start3A_20 = tpu.memref_slice %arg4[%add3A, %dma_start3A_18, %dma_start3A_19] : memref<32x81x128xi32, #tpu.memory_space<hbm>> -> memref<1x81x128xi32, #tpu.memory_space<hbm>>
    %dma_start3A_21 = tpu.memref_squeeze %dma_start3A_20 : memref<1x81x128xi32, #tpu.memory_space<hbm>> -> memref<81x128xi32, #tpu.memory_space<hbm>>
    tpu.enqueue_dma source(%dma_start3A_21 : memref<81x128xi32, #tpu.memory_space<hbm>>) target(%arg7 : memref<81x128xi32, #tpu.memory_space<vmem>>) target_semaphore(%dma_start3A_17 : memref<!tpu.dma_semaphore, #tpu.memory_space<semaphore_mem>>)
    %mul3A_22 = arith.constant 640 : i32
    %mul3A_23 = arith.muli %arg1, %mul3A_22 : i32
    %mul3A_24 = arith.constant 640 : i32
    %mul3A_25 = arith.muli %arg1, %mul3A_24 : i32
    %dma_start3A_26 = arith.constant 2 : i32
    %dma_start3A_27 = tpu.memref_slice %arg11[%dma_start3A_26] : memref<3x!tpu.dma_semaphore, #tpu.memory_space<semaphore_mem>> -> memref<1x!tpu.dma_semaphore, #tpu.memory_space<semaphore_mem>>
    %dma_start3A_28 = tpu.memref_squeeze %dma_start3A_27 : memref<1x!tpu.dma_semaphore, #tpu.memory_space<semaphore_mem>> -> memref<!tpu.dma_semaphore, #tpu.memory_space<semaphore_mem>>
    %dma_start3A_29 = arith.constant 0 : i32
    %dma_start3A_30 = tpu.memref_slice %arg10[%mul3A_25, %dma_start3A_29] : memref<10240x32xf32, #tpu.memory_space<vmem_shared>> -> memref<640x32xf32, #tpu.memory_space<vmem_shared>>
    %dma_start3A_31 = arith.constant 0 : i32
    %dma_start3A_32 = tpu.memref_slice %arg2[%mul3A_23, %dma_start3A_31] : memref<10240x32xf32, #tpu.memory_space<hbm>> -> memref<640x32xf32, #tpu.memory_space<hbm>>
    tpu.enqueue_dma source(%dma_start3A_32 : memref<640x32xf32, #tpu.memory_space<hbm>>) target(%dma_start3A_30 : memref<640x32xf32, #tpu.memory_space<vmem_shared>>) target_semaphore(%dma_start3A_28 : memref<!tpu.dma_semaphore, #tpu.memory_space<semaphore_mem>>)
    %broadcast_in_dim3A = arith.constant 0.000000e+00 : f32
    %broadcast_in_dim3A_33 = vector.broadcast %broadcast_in_dim3A : f32 to vector<16xf32>
    %scan3A = arith.constant 0 : i32
    %scan3A_34 = arith.constant 0 : i32
    %scan3A_35 = arith.constant 384 : i32
    %scan3A_36 = arith.addi %scan3A_34, %scan3A_35 : i32
    %scan3A_37 = arith.constant 1 : i32
    scf.for %scan3A_190 = %scan3A_34 to %scan3A_36 step %scan3A_37  : i32 {
      %swap3A = arith.index_cast %scan3A_190 : i32 to index
      %swap3A_191 = arith.constant 0 : index
      %swap3A_192 = tpu.vector_load %arg8[%swap3A, %swap3A_191] {strides = array<i32>} : memref<384x32xf32, #tpu.memory_space<vmem>>, vector<1x16xf32>,
      %swap3A_193 = vector.shape_cast %swap3A_192 : vector<1x16xf32> to vector<16xf32>
      %swap3A_194 = vector.shape_cast %broadcast_in_dim3A_33 : vector<16xf32> to vector<1x16xf32>
      tpu.vector_store %arg8[%swap3A, %swap3A_191], %swap3A_194 {strides = array<i32>} : memref<384x32xf32, #tpu.memory_space<vmem>>, vector<1x16xf32>,
      %swap3A_195 = arith.index_cast %scan3A_190 : i32 to index
      %swap3A_196 = arith.constant 16 : index
      %swap3A_197 = tpu.vector_load %arg8[%swap3A_195, %swap3A_196] {strides = array<i32>} : memref<384x32xf32, #tpu.memory_space<vmem>>, vector<1x16xf32>,
      %swap3A_198 = vector.shape_cast %swap3A_197 : vector<1x16xf32> to vector<16xf32>
      %swap3A_199 = vector.shape_cast %broadcast_in_dim3A_33 : vector<16xf32> to vector<1x16xf32>
      tpu.vector_store %arg8[%swap3A_195, %swap3A_196], %swap3A_199 {strides = array<i32>} : memref<384x32xf32, #tpu.memory_space<vmem>>, vector<1x16xf32>,
    }
    %scan3A_38 = arith.constant 384 : i32
    %mul3A_39 = arith.constant 640 : i32
    %mul3A_40 = arith.muli %arg1, %mul3A_39 : i32
    %add3A_41 = arith.constant 0 : i32
    %add3A_42 = arith.addi %mul3A_40, %add3A_41 : i32
    %dma_start3A_43 = arith.constant 0 : i32
    %dma_start3A_44 = arith.constant 0 : i32
    %dma_start3A_45 = arith.constant 0 : i32
    %dma_start3A_46 = tpu.memref_slice %arg8[%dma_start3A_44, %dma_start3A_45] : memref<384x32xf32, #tpu.memory_space<vmem>> -> memref<384x32xf32, #tpu.memory_space<vmem>>
    %dma_start3A_47 = arith.constant 0 : i32
    %dma_start3A_48 = tpu.memref_slice %arg9[%add3A_42, %dma_start3A_47] : memref<10240x32xf32, #tpu.memory_space<vmem_shared>> -> memref<384x32xf32, #tpu.memory_space<vmem_shared>>
    %dma_start3A_49 = tpu.memref_slice %arg12[%dma_start3A_43] : memref<3x!tpu.dma_semaphore, #tpu.memory_space<semaphore_mem>> -> memref<1x!tpu.dma_semaphore, #tpu.memory_space<semaphore_mem>>
    %dma_start3A_50 = tpu.memref_squeeze %dma_start3A_49 : memref<1x!tpu.dma_semaphore, #tpu.memory_space<semaphore_mem>> -> memref<!tpu.dma_semaphore, #tpu.memory_space<semaphore_mem>>
    %dma_start3A_51 = arith.constant 0 : i32
    %dma_start3A_52 = tpu.memref_slice %arg9[%add3A_42, %dma_start3A_51] : memref<10240x32xf32, #tpu.memory_space<vmem_shared>> -> memref<384x32xf32, #tpu.memory_space<vmem_shared>>
    %dma_start3A_53 = arith.constant 0 : i32
    %dma_start3A_54 = arith.constant 0 : i32
    %dma_start3A_55 = tpu.memref_slice %arg8[%dma_start3A_53, %dma_start3A_54] : memref<384x32xf32, #tpu.memory_space<vmem>> -> memref<384x32xf32, #tpu.memory_space<vmem>>
    tpu.enqueue_dma source(%dma_start3A_55 : memref<384x32xf32, #tpu.memory_space<vmem>>) target(%dma_start3A_52 : memref<384x32xf32, #tpu.memory_space<vmem_shared>>) target_semaphore(%dma_start3A_50 : memref<!tpu.dma_semaphore, #tpu.memory_space<semaphore_mem>>)
    %mul3A_56 = arith.constant 640 : i32
    %mul3A_57 = arith.muli %arg1, %mul3A_56 : i32
    %add3A_58 = arith.constant 384 : i32
    %add3A_59 = arith.addi %mul3A_57, %add3A_58 : i32
    %dma_start3A_60 = arith.constant 1 : i32
    %dma_start3A_61 = arith.constant 0 : i32
    %dma_start3A_62 = arith.constant 0 : i32
    %dma_start3A_63 = tpu.memref_slice %arg8[%dma_start3A_61, %dma_start3A_62] : memref<384x32xf32, #tpu.memory_space<vmem>> -> memref<256x32xf32, #tpu.memory_space<vmem>>
    %dma_start3A_64 = arith.constant 0 : i32
    %dma_start3A_65 = tpu.memref_slice %arg9[%add3A_59, %dma_start3A_64] : memref<10240x32xf32, #tpu.memory_space<vmem_shared>> -> memref<256x32xf32, #tpu.memory_space<vmem_shared>>
    %dma_start3A_66 = tpu.memref_slice %arg12[%dma_start3A_60] : memref<3x!tpu.dma_semaphore, #tpu.memory_space<semaphore_mem>> -> memref<1x!tpu.dma_semaphore, #tpu.memory_space<semaphore_mem>>
    %dma_start3A_67 = tpu.memref_squeeze %dma_start3A_66 : memref<1x!tpu.dma_semaphore, #tpu.memory_space<semaphore_mem>> -> memref<!tpu.dma_semaphore, #tpu.memory_space<semaphore_mem>>
    %dma_start3A_68 = arith.constant 0 : i32
    %dma_start3A_69 = tpu.memref_slice %arg9[%add3A_59, %dma_start3A_68] : memref<10240x32xf32, #tpu.memory_space<vmem_shared>> -> memref<256x32xf32, #tpu.memory_space<vmem_shared>>
    %dma_start3A_70 = arith.constant 0 : i32
    %dma_start3A_71 = arith.constant 0 : i32
    %dma_start3A_72 = tpu.memref_slice %arg8[%dma_start3A_70, %dma_start3A_71] : memref<384x32xf32, #tpu.memory_space<vmem>> -> memref<256x32xf32, #tpu.memory_space<vmem>>
    tpu.enqueue_dma source(%dma_start3A_72 : memref<256x32xf32, #tpu.memory_space<vmem>>) target(%dma_start3A_69 : memref<256x32xf32, #tpu.memory_space<vmem_shared>>) target_semaphore(%dma_start3A_67 : memref<!tpu.dma_semaphore, #tpu.memory_space<semaphore_mem>>)
    %dma_wait3A = arith.constant 0 : i32
    %dma_wait3A_73 = arith.constant 0 : i32
    %dma_wait3A_74 = arith.constant 0 : i32
    %dma_wait3A_75 = tpu.memref_slice %arg3[%add3A, %dma_wait3A_73, %dma_wait3A_74] : memref<32x81x128xi32, #tpu.memory_space<hbm>> -> memref<1x81x128xi32, #tpu.memory_space<hbm>>
    %dma_wait3A_76 = tpu.memref_squeeze %dma_wait3A_75 : memref<1x81x128xi32, #tpu.memory_space<hbm>> -> memref<81x128xi32, #tpu.memory_space<hbm>>
    %dma_wait3A_77 = tpu.memref_slice %arg11[%dma_wait3A] : memref<3x!tpu.dma_semaphore, #tpu.memory_space<semaphore_mem>> -> memref<1x!tpu.dma_semaphore, #tpu.memory_space<semaphore_mem>>
    %dma_wait3A_78 = tpu.memref_squeeze %dma_wait3A_77 : memref<1x!tpu.dma_semaphore, #tpu.memory_space<semaphore_mem>> -> memref<!tpu.dma_semaphore, #tpu.memory_space<semaphore_mem>>
    %dma_wait3A_79 = arith.constant 0 : i32
    %dma_wait3A_80 = arith.constant 0 : i32
    %dma_wait3A_81 = tpu.memref_slice %arg3[%add3A, %dma_wait3A_79, %dma_wait3A_80] : memref<32x81x128xi32, #tpu.memory_space<hbm>> -> memref<1x81x128xi32, #tpu.memory_space<hbm>>
    %dma_wait3A_82 = tpu.memref_squeeze %dma_wait3A_81 : memref<1x81x128xi32, #tpu.memory_space<hbm>> -> memref<81x128xi32, #tpu.memory_space<hbm>>
    tpu.wait_dma2 semaphore(%dma_wait3A_78 : memref<!tpu.dma_semaphore, #tpu.memory_space<semaphore_mem>>) src(%dma_wait3A_82 : memref<81x128xi32, #tpu.memory_space<hbm>>) dst(%arg6 : memref<81x128xi32, #tpu.memory_space<vmem>>)
    %dma_wait3A_83 = arith.constant 1 : i32
    %dma_wait3A_84 = arith.constant 0 : i32
    %dma_wait3A_85 = arith.constant 0 : i32
    %dma_wait3A_86 = tpu.memref_slice %arg4[%add3A, %dma_wait3A_84, %dma_wait3A_85] : memref<32x81x128xi32, #tpu.memory_space<hbm>> -> memref<1x81x128xi32, #tpu.memory_space<hbm>>
    %dma_wait3A_87 = tpu.memref_squeeze %dma_wait3A_86 : memref<1x81x128xi32, #tpu.memory_space<hbm>> -> memref<81x128xi32, #tpu.memory_space<hbm>>
    %dma_wait3A_88 = tpu.memref_slice %arg11[%dma_wait3A_83] : memref<3x!tpu.dma_semaphore, #tpu.memory_space<semaphore_mem>> -> memref<1x!tpu.dma_semaphore, #tpu.memory_space<semaphore_mem>>
    %dma_wait3A_89 = tpu.memref_squeeze %dma_wait3A_88 : memref<1x!tpu.dma_semaphore, #tpu.memory_space<semaphore_mem>> -> memref<!tpu.dma_semaphore, #tpu.memory_space<semaphore_mem>>
    %dma_wait3A_90 = arith.constant 0 : i32
    %dma_wait3A_91 = arith.constant 0 : i32
    %dma_wait3A_92 = tpu.memref_slice %arg4[%add3A, %dma_wait3A_90, %dma_wait3A_91] : memref<32x81x128xi32, #tpu.memory_space<hbm>> -> memref<1x81x128xi32, #tpu.memory_space<hbm>>
    %dma_wait3A_93 = tpu.memref_squeeze %dma_wait3A_92 : memref<1x81x128xi32, #tpu.memory_space<hbm>> -> memref<81x128xi32, #tpu.memory_space<hbm>>
    tpu.wait_dma2 semaphore(%dma_wait3A_89 : memref<!tpu.dma_semaphore, #tpu.memory_space<semaphore_mem>>) src(%dma_wait3A_93 : memref<81x128xi32, #tpu.memory_space<hbm>>) dst(%arg7 : memref<81x128xi32, #tpu.memory_space<vmem>>)
    %dma_wait3A_94 = arith.constant 2 : i32
    %dma_wait3A_95 = tpu.memref_slice %arg11[%dma_wait3A_94] : memref<3x!tpu.dma_semaphore, #tpu.memory_space<semaphore_mem>> -> memref<1x!tpu.dma_semaphore, #tpu.memory_space<semaphore_mem>>
    %dma_wait3A_96 = tpu.memref_squeeze %dma_wait3A_95 : memref<1x!tpu.dma_semaphore, #tpu.memory_space<semaphore_mem>> -> memref<!tpu.dma_semaphore, #tpu.memory_space<semaphore_mem>>
    %dma_wait3A_97 = arith.constant 0 : i32
    %dma_wait3A_98 = tpu.memref_slice %arg10[%mul3A_25, %dma_wait3A_97] : memref<10240x32xf32, #tpu.memory_space<vmem_shared>> -> memref<640x32xf32, #tpu.memory_space<vmem_shared>>
    %dma_wait3A_99 = arith.constant 0 : i32
    %dma_wait3A_100 = tpu.memref_slice %arg2[%mul3A_23, %dma_wait3A_99] : memref<10240x32xf32, #tpu.memory_space<hbm>> -> memref<640x32xf32, #tpu.memory_space<hbm>>
    tpu.wait_dma2 semaphore(%dma_wait3A_96 : memref<!tpu.dma_semaphore, #tpu.memory_space<semaphore_mem>>) src(%dma_wait3A_100 : memref<640x32xf32, #tpu.memory_space<hbm>>) dst(%dma_wait3A_98 : memref<640x32xf32, #tpu.memory_space<vmem_shared>>)
    %dma_wait3A_101 = arith.constant 0 : i32
    %dma_wait3A_102 = arith.constant 0 : i32
    %dma_wait3A_103 = arith.constant 0 : i32
    %dma_wait3A_104 = tpu.memref_slice %arg8[%dma_wait3A_102, %dma_wait3A_103] : memref<384x32xf32, #tpu.memory_space<vmem>> -> memref<384x32xf32, #tpu.memory_space<vmem>>
    %dma_wait3A_105 = arith.constant 0 : i32
    %dma_wait3A_106 = tpu.memref_slice %arg9[%add3A_42, %dma_wait3A_105] : memref<10240x32xf32, #tpu.memory_space<vmem_shared>> -> memref<384x32xf32, #tpu.memory_space<vmem_shared>>
    %dma_wait3A_107 = tpu.memref_slice %arg12[%dma_wait3A_101] : memref<3x!tpu.dma_semaphore, #tpu.memory_space<semaphore_mem>> -> memref<1x!tpu.dma_semaphore, #tpu.memory_space<semaphore_mem>>
    %dma_wait3A_108 = tpu.memref_squeeze %dma_wait3A_107 : memref<1x!tpu.dma_semaphore, #tpu.memory_space<semaphore_mem>> -> memref<!tpu.dma_semaphore, #tpu.memory_space<semaphore_mem>>
    %dma_wait3A_109 = arith.constant 0 : i32
    %dma_wait3A_110 = tpu.memref_slice %arg9[%add3A_42, %dma_wait3A_109] : memref<10240x32xf32, #tpu.memory_space<vmem_shared>> -> memref<384x32xf32, #tpu.memory_space<vmem_shared>>
    %dma_wait3A_111 = arith.constant 0 : i32
    %dma_wait3A_112 = arith.constant 0 : i32
    %dma_wait3A_113 = tpu.memref_slice %arg8[%dma_wait3A_111, %dma_wait3A_112] : memref<384x32xf32, #tpu.memory_space<vmem>> -> memref<384x32xf32, #tpu.memory_space<vmem>>
    tpu.wait_dma2 semaphore(%dma_wait3A_108 : memref<!tpu.dma_semaphore, #tpu.memory_space<semaphore_mem>>) src(%dma_wait3A_113 : memref<384x32xf32, #tpu.memory_space<vmem>>) dst(%dma_wait3A_110 : memref<384x32xf32, #tpu.memory_space<vmem_shared>>)
    %dma_wait3A_114 = arith.constant 1 : i32
    %dma_wait3A_115 = arith.constant 0 : i32
    %dma_wait3A_116 = arith.constant 0 : i32
    %dma_wait3A_117 = tpu.memref_slice %arg8[%dma_wait3A_115, %dma_wait3A_116] : memref<384x32xf32, #tpu.memory_space<vmem>> -> memref<256x32xf32, #tpu.memory_space<vmem>>
    %dma_wait3A_118 = arith.constant 0 : i32
    %dma_wait3A_119 = tpu.memref_slice %arg9[%add3A_59, %dma_wait3A_118] : memref<10240x32xf32, #tpu.memory_space<vmem_shared>> -> memref<256x32xf32, #tpu.memory_space<vmem_shared>>
    %dma_wait3A_120 = tpu.memref_slice %arg12[%dma_wait3A_114] : memref<3x!tpu.dma_semaphore, #tpu.memory_space<semaphore_mem>> -> memref<1x!tpu.dma_semaphore, #tpu.memory_space<semaphore_mem>>
    %dma_wait3A_121 = tpu.memref_squeeze %dma_wait3A_120 : memref<1x!tpu.dma_semaphore, #tpu.memory_space<semaphore_mem>> -> memref<!tpu.dma_semaphore, #tpu.memory_space<semaphore_mem>>
    %dma_wait3A_122 = arith.constant 0 : i32
    %dma_wait3A_123 = tpu.memref_slice %arg9[%add3A_59, %dma_wait3A_122] : memref<10240x32xf32, #tpu.memory_space<vmem_shared>> -> memref<256x32xf32, #tpu.memory_space<vmem_shared>>
    %dma_wait3A_124 = arith.constant 0 : i32
    %dma_wait3A_125 = arith.constant 0 : i32
    %dma_wait3A_126 = tpu.memref_slice %arg8[%dma_wait3A_124, %dma_wait3A_125] : memref<384x32xf32, #tpu.memory_space<vmem>> -> memref<256x32xf32, #tpu.memory_space<vmem>>
    tpu.wait_dma2 semaphore(%dma_wait3A_121 : memref<!tpu.dma_semaphore, #tpu.memory_space<semaphore_mem>>) src(%dma_wait3A_126 : memref<256x32xf32, #tpu.memory_space<vmem>>) dst(%dma_wait3A_123 : memref<256x32xf32, #tpu.memory_space<vmem_shared>>)
    %barrier3A = arith.constant 0 : index
    tpu.barrier barrier_id(%barrier3A)
    %dma_start3A_127 = arith.constant 0 : i32
    %dma_start3A_128 = arith.constant 0 : i32
    %dma_start3A_129 = arith.constant 0 : i32
    %dma_start3A_130 = arith.constant 0 : i32
    %dma_start3A_131 = tpu.memref_slice %arg8[%dma_start3A_129, %dma_start3A_130] : memref<384x32xf32, #tpu.memory_space<vmem>> -> memref<128x32xf32, #tpu.memory_space<vmem>>
    %dma_start3A_132 = arith.constant 0 : i32
    %dma_start3A_133 = tpu.memref_slice %arg6[%dma_start3A_127, %dma_start3A_132] : memref<81x128xi32, #tpu.memory_space<vmem>> -> memref<1x128xi32, #tpu.memory_space<vmem>>
    %dma_start3A_134 = tpu.memref_squeeze %dma_start3A_133 : memref<1x128xi32, #tpu.memory_space<vmem>> -> memref<128xi32, #tpu.memory_space<vmem>>
    %dma_start3A_135 = arith.constant 0 : i32
    %dma_start3A_136 = arith.constant 0 : i32
    %dma_start3A_137 = tpu.memref_slice %arg10[%dma_start3A_135, %dma_start3A_136] : memref<10240x32xf32, #tpu.memory_space<vmem_shared>> -> memref<10240x32xf32, #tpu.memory_space<vmem_shared>>
    %dma_start3A_138 = tpu.memref_slice %arg11[%dma_start3A_128] : memref<3x!tpu.dma_semaphore, #tpu.memory_space<semaphore_mem>> -> memref<1x!tpu.dma_semaphore, #tpu.memory_space<semaphore_mem>>
    %dma_start3A_139 = tpu.memref_squeeze %dma_start3A_138 : memref<1x!tpu.dma_semaphore, #tpu.memory_space<semaphore_mem>> -> memref<!tpu.dma_semaphore, #tpu.memory_space<semaphore_mem>>
    tpu.enqueue_indirect_dma source(%dma_start3A_137 : memref<10240x32xf32, #tpu.memory_space<vmem_shared>>) target(%dma_start3A_131 : memref<128x32xf32, #tpu.memory_space<vmem>>) offsets(%dma_start3A_134 : memref<128xi32, #tpu.memory_space<vmem>>) semaphore(%dma_start3A_139 : memref<!tpu.dma_semaphore, #tpu.memory_space<semaphore_mem>>)
    %scan3A_140 = arith.constant 0 : i32
    %scan3A_141 = arith.constant 0 : i32
    %scan3A_142 = arith.constant 27 : i32
    %scan3A_143 = arith.addi %scan3A_141, %scan3A_142 : i32
    %scan3A_144 = arith.constant 1 : i32
    scf.for %scan3A_190 = %scan3A_141 to %scan3A_143 step %scan3A_144  : i32 {
      %mul3A_191 = arith.constant 3 : i32
      %mul3A_192 = arith.muli %scan3A_190, %mul3A_191 : i32
      %add3A_193 = arith.constant 0 : i32
      %add3A_194 = arith.addi %mul3A_192, %add3A_193 : i32
      %gt3A = arith.constant 0 : i32
      %gt3A_195 = arith.cmpi sgt, %scan3A_190, %gt3A : i32
      %convert_element_type3A = arith.extui %gt3A_195 : i1 to i32
      %cond3A = arith.constant 0 : i32
      %cond3A_196 = arith.cmpi ne, %convert_element_type3A, %cond3A : i32
      scf.if %cond3A_196 {
        %add3A_314 = arith.constant 1 : i32
        %add3A_315 = arith.addi %add3A_194, %add3A_314 : i32
        %sub3A = arith.constant 3 : i32
        %sub3A_316 = arith.subi %add3A_315, %sub3A : i32
        %dma_wait3A_317 = arith.constant 1 : i32
        %dma_wait3A_318 = arith.constant 128 : i32
        %dma_wait3A_319 = arith.constant 0 : i32
        %dma_wait3A_320 = tpu.memref_slice %arg8[%dma_wait3A_318, %dma_wait3A_319] : memref<384x32xf32, #tpu.memory_space<vmem>> -> memref<128x32xf32, #tpu.memory_space<vmem>>
        %dma_wait3A_321 = arith.constant 0 : i32
        %dma_wait3A_322 = tpu.memref_slice %arg7[%sub3A_316, %dma_wait3A_321] : memref<81x128xi32, #tpu.memory_space<vmem>> -> memref<1x128xi32, #tpu.memory_space<vmem>>
        %dma_wait3A_323 = tpu.memref_squeeze %dma_wait3A_322 : memref<1x128xi32, #tpu.memory_space<vmem>> -> memref<128xi32, #tpu.memory_space<vmem>>
        %dma_wait3A_324 = arith.constant 0 : i32
        %dma_wait3A_325 = arith.constant 0 : i32
        %dma_wait3A_326 = tpu.memref_slice %arg9[%dma_wait3A_324, %dma_wait3A_325] : memref<10240x32xf32, #tpu.memory_space<vmem_shared>> -> memref<10240x32xf32, #tpu.memory_space<vmem_shared>>
        %dma_wait3A_327 = tpu.memref_slice %arg12[%dma_wait3A_317] : memref<3x!tpu.dma_semaphore, #tpu.memory_space<semaphore_mem>> -> memref<1x!tpu.dma_semaphore, #tpu.memory_space<semaphore_mem>>
        %dma_wait3A_328 = tpu.memref_squeeze %dma_wait3A_327 : memref<1x!tpu.dma_semaphore, #tpu.memory_space<semaphore_mem>> -> memref<!tpu.dma_semaphore, #tpu.memory_space<semaphore_mem>>
        tpu.wait_indirect_dma semaphore(%dma_wait3A_328 : memref<!tpu.dma_semaphore, #tpu.memory_space<semaphore_mem>>) src(%dma_wait3A_320 : memref<128x32xf32, #tpu.memory_space<vmem>>) dst(%dma_wait3A_326 : memref<10240x32xf32, #tpu.memory_space<vmem_shared>>)
      } else {
      }
      %add3A_197 = arith.constant 1 : i32
      %add3A_198 = arith.addi %add3A_194, %add3A_197 : i32
      %dma_start3A_199 = arith.constant 1 : i32
      %dma_start3A_200 = arith.constant 128 : i32
      %dma_start3A_201 = arith.constant 0 : i32
      %dma_start3A_202 = tpu.memref_slice %arg8[%dma_start3A_200, %dma_start3A_201] : memref<384x32xf32, #tpu.memory_space<vmem>> -> memref<128x32xf32, #tpu.memory_space<vmem>>
      %dma_start3A_203 = arith.constant 0 : i32
      %dma_start3A_204 = tpu.memref_slice %arg6[%add3A_198, %dma_start3A_203] : memref<81x128xi32, #tpu.memory_space<vmem>> -> memref<1x128xi32, #tpu.memory_space<vmem>>
      %dma_start3A_205 = tpu.memref_squeeze %dma_start3A_204 : memref<1x128xi32, #tpu.memory_space<vmem>> -> memref<128xi32, #tpu.memory_space<vmem>>
      %dma_start3A_206 = arith.constant 0 : i32
      %dma_start3A_207 = arith.constant 0 : i32
      %dma_start3A_208 = tpu.memref_slice %arg10[%dma_start3A_206, %dma_start3A_207] : memref<10240x32xf32, #tpu.memory_space<vmem_shared>> -> memref<10240x32xf32, #tpu.memory_space<vmem_shared>>
      %dma_start3A_209 = tpu.memref_slice %arg11[%dma_start3A_199] : memref<3x!tpu.dma_semaphore, #tpu.memory_space<semaphore_mem>> -> memref<1x!tpu.dma_semaphore, #tpu.memory_space<semaphore_mem>>
      %dma_start3A_210 = tpu.memref_squeeze %dma_start3A_209 : memref<1x!tpu.dma_semaphore, #tpu.memory_space<semaphore_mem>> -> memref<!tpu.dma_semaphore, #tpu.memory_space<semaphore_mem>>
      tpu.enqueue_indirect_dma source(%dma_start3A_208 : memref<10240x32xf32, #tpu.memory_space<vmem_shared>>) target(%dma_start3A_202 : memref<128x32xf32, #tpu.memory_space<vmem>>) offsets(%dma_start3A_205 : memref<128xi32, #tpu.memory_space<vmem>>) semaphore(%dma_start3A_210 : memref<!tpu.dma_semaphore, #tpu.memory_space<semaphore_mem>>)
      %dma_wait3A_211 = arith.constant 0 : i32
      %dma_wait3A_212 = arith.constant 0 : i32
      %dma_wait3A_213 = arith.constant 0 : i32
      %dma_wait3A_214 = tpu.memref_slice %arg8[%dma_wait3A_212, %dma_wait3A_213] : memref<384x32xf32, #tpu.memory_space<vmem>> -> memref<128x32xf32, #tpu.memory_space<vmem>>
      %dma_wait3A_215 = arith.constant 0 : i32
      %dma_wait3A_216 = tpu.memref_slice %arg6[%add3A_194, %dma_wait3A_215] : memref<81x128xi32, #tpu.memory_space<vmem>> -> memref<1x128xi32, #tpu.memory_space<vmem>>
      %dma_wait3A_217 = tpu.memref_squeeze %dma_wait3A_216 : memref<1x128xi32, #tpu.memory_space<vmem>> -> memref<128xi32, #tpu.memory_space<vmem>>
      %dma_wait3A_218 = arith.constant 0 : i32
      %dma_wait3A_219 = arith.constant 0 : i32
      %dma_wait3A_220 = tpu.memref_slice %arg10[%dma_wait3A_218, %dma_wait3A_219] : memref<10240x32xf32, #tpu.memory_space<vmem_shared>> -> memref<10240x32xf32, #tpu.memory_space<vmem_shared>>
      %dma_wait3A_221 = tpu.memref_slice %arg11[%dma_wait3A_211] : memref<3x!tpu.dma_semaphore, #tpu.memory_space<semaphore_mem>> -> memref<1x!tpu.dma_semaphore, #tpu.memory_space<semaphore_mem>>
      %dma_wait3A_222 = tpu.memref_squeeze %dma_wait3A_221 : memref<1x!tpu.dma_semaphore, #tpu.memory_space<semaphore_mem>> -> memref<!tpu.dma_semaphore, #tpu.memory_space<semaphore_mem>>
      tpu.wait_indirect_dma semaphore(%dma_wait3A_222 : memref<!tpu.dma_semaphore, #tpu.memory_space<semaphore_mem>>) src(%dma_wait3A_220 : memref<10240x32xf32, #tpu.memory_space<vmem_shared>>) dst(%dma_wait3A_214 : memref<128x32xf32, #tpu.memory_space<vmem>>)
      %dma_start3A_223 = arith.constant 0 : i32
      %dma_start3A_224 = arith.constant 0 : i32
      %dma_start3A_225 = arith.constant 0 : i32
      %dma_start3A_226 = tpu.memref_slice %arg8[%dma_start3A_224, %dma_start3A_225] : memref<384x32xf32, #tpu.memory_space<vmem>> -> memref<128x32xf32, #tpu.memory_space<vmem>>
      %dma_start3A_227 = arith.constant 0 : i32
      %dma_start3A_228 = tpu.memref_slice %arg7[%add3A_194, %dma_start3A_227] : memref<81x128xi32, #tpu.memory_space<vmem>> -> memref<1x128xi32, #tpu.memory_space<vmem>>
      %dma_start3A_229 = tpu.memref_squeeze %dma_start3A_228 : memref<1x128xi32, #tpu.memory_space<vmem>> -> memref<128xi32, #tpu.memory_space<vmem>>
      %dma_start3A_230 = arith.constant 0 : i32
      %dma_start3A_231 = arith.constant 0 : i32
      %dma_start3A_232 = tpu.memref_slice %arg9[%dma_start3A_230, %dma_start3A_231] : memref<10240x32xf32, #tpu.memory_space<vmem_shared>> -> memref<10240x32xf32, #tpu.memory_space<vmem_shared>>
      %dma_start3A_233 = tpu.memref_slice %arg12[%dma_start3A_223] : memref<3x!tpu.dma_semaphore, #tpu.memory_space<semaphore_mem>> -> memref<1x!tpu.dma_semaphore, #tpu.memory_space<semaphore_mem>>
      %dma_start3A_234 = tpu.memref_squeeze %dma_start3A_233 : memref<1x!tpu.dma_semaphore, #tpu.memory_space<semaphore_mem>> -> memref<!tpu.dma_semaphore, #tpu.memory_space<semaphore_mem>>
      tpu.enqueue_indirect_dma source(%dma_start3A_226 : memref<128x32xf32, #tpu.memory_space<vmem>>) target(%dma_start3A_232 : memref<10240x32xf32, #tpu.memory_space<vmem_shared>>) offsets(%dma_start3A_229 : memref<128xi32, #tpu.memory_space<vmem>>) semaphore(%dma_start3A_234 : memref<!tpu.dma_semaphore, #tpu.memory_space<semaphore_mem>>) {add = true}
      %mul3A_235 = arith.constant 3 : i32
      %mul3A_236 = arith.muli %scan3A_190, %mul3A_235 : i32
      %add3A_237 = arith.constant 1 : i32
      %add3A_238 = arith.addi %mul3A_236, %add3A_237 : i32
      %gt3A_239 = arith.constant 0 : i32
      %gt3A_240 = arith.cmpi sgt, %scan3A_190, %gt3A_239 : i32
      %convert_element_type3A_241 = arith.extui %gt3A_240 : i1 to i32
      %cond3A_242 = arith.constant 0 : i32
      %cond3A_243 = arith.cmpi ne, %convert_element_type3A_241, %cond3A_242 : i32
      scf.if %cond3A_243 {
        %add3A_314 = arith.constant 1 : i32
        %add3A_315 = arith.addi %add3A_238, %add3A_314 : i32
        %sub3A = arith.constant 3 : i32
        %sub3A_316 = arith.subi %add3A_315, %sub3A : i32
        %dma_wait3A_317 = arith.constant 2 : i32
        %dma_wait3A_318 = arith.constant 256 : i32
        %dma_wait3A_319 = arith.constant 0 : i32
        %dma_wait3A_320 = tpu.memref_slice %arg8[%dma_wait3A_318, %dma_wait3A_319] : memref<384x32xf32, #tpu.memory_space<vmem>> -> memref<128x32xf32, #tpu.memory_space<vmem>>
        %dma_wait3A_321 = arith.constant 0 : i32
        %dma_wait3A_322 = tpu.memref_slice %arg7[%sub3A_316, %dma_wait3A_321] : memref<81x128xi32, #tpu.memory_space<vmem>> -> memref<1x128xi32, #tpu.memory_space<vmem>>
        %dma_wait3A_323 = tpu.memref_squeeze %dma_wait3A_322 : memref<1x128xi32, #tpu.memory_space<vmem>> -> memref<128xi32, #tpu.memory_space<vmem>>
        %dma_wait3A_324 = arith.constant 0 : i32
        %dma_wait3A_325 = arith.constant 0 : i32
        %dma_wait3A_326 = tpu.memref_slice %arg9[%dma_wait3A_324, %dma_wait3A_325] : memref<10240x32xf32, #tpu.memory_space<vmem_shared>> -> memref<10240x32xf32, #tpu.memory_space<vmem_shared>>
        %dma_wait3A_327 = tpu.memref_slice %arg12[%dma_wait3A_317] : memref<3x!tpu.dma_semaphore, #tpu.memory_space<semaphore_mem>> -> memref<1x!tpu.dma_semaphore, #tpu.memory_space<semaphore_mem>>
        %dma_wait3A_328 = tpu.memref_squeeze %dma_wait3A_327 : memref<1x!tpu.dma_semaphore, #tpu.memory_space<semaphore_mem>> -> memref<!tpu.dma_semaphore, #tpu.memory_space<semaphore_mem>>
        tpu.wait_indirect_dma semaphore(%dma_wait3A_328 : memref<!tpu.dma_semaphore, #tpu.memory_space<semaphore_mem>>) src(%dma_wait3A_320 : memref<128x32xf32, #tpu.memory_space<vmem>>) dst(%dma_wait3A_326 : memref<10240x32xf32, #tpu.memory_space<vmem_shared>>)
      } else {
      }
      %add3A_244 = arith.constant 1 : i32
      %add3A_245 = arith.addi %add3A_238, %add3A_244 : i32
      %dma_start3A_246 = arith.constant 2 : i32
      %dma_start3A_247 = arith.constant 256 : i32
      %dma_start3A_248 = arith.constant 0 : i32
      %dma_start3A_249 = tpu.memref_slice %arg8[%dma_start3A_247, %dma_start3A_248] : memref<384x32xf32, #tpu.memory_space<vmem>> -> memref<128x32xf32, #tpu.memory_space<vmem>>
      %dma_start3A_250 = arith.constant 0 : i32
      %dma_start3A_251 = tpu.memref_slice %arg6[%add3A_245, %dma_start3A_250] : memref<81x128xi32, #tpu.memory_space<vmem>> -> memref<1x128xi32, #tpu.memory_space<vmem>>
      %dma_start3A_252 = tpu.memref_squeeze %dma_start3A_251 : memref<1x128xi32, #tpu.memory_space<vmem>> -> memref<128xi32, #tpu.memory_space<vmem>>
      %dma_start3A_253 = arith.constant 0 : i32
      %dma_start3A_254 = arith.constant 0 : i32
      %dma_start3A_255 = tpu.memref_slice %arg10[%dma_start3A_253, %dma_start3A_254] : memref<10240x32xf32, #tpu.memory_space<vmem_shared>> -> memref<10240x32xf32, #tpu.memory_space<vmem_shared>>
      %dma_start3A_256 = tpu.memref_slice %arg11[%dma_start3A_246] : memref<3x!tpu.dma_semaphore, #tpu.memory_space<semaphore_mem>> -> memref<1x!tpu.dma_semaphore, #tpu.memory_space<semaphore_mem>>
      %dma_start3A_257 = tpu.memref_squeeze %dma_start3A_256 : memref<1x!tpu.dma_semaphore, #tpu.memory_space<semaphore_mem>> -> memref<!tpu.dma_semaphore, #tpu.memory_space<semaphore_mem>>
      tpu.enqueue_indirect_dma source(%dma_start3A_255 : memref<10240x32xf32, #tpu.memory_space<vmem_shared>>) target(%dma_start3A_249 : memref<128x32xf32, #tpu.memory_space<vmem>>) offsets(%dma_start3A_252 : memref<128xi32, #tpu.memory_space<vmem>>) semaphore(%dma_start3A_257 : memref<!tpu.dma_semaphore, #tpu.memory_space<semaphore_mem>>)
      %dma_wait3A_258 = arith.constant 1 : i32
      %dma_wait3A_259 = arith.constant 128 : i32
      %dma_wait3A_260 = arith.constant 0 : i32
      %dma_wait3A_261 = tpu.memref_slice %arg8[%dma_wait3A_259, %dma_wait3A_260] : memref<384x32xf32, #tpu.memory_space<vmem>> -> memref<128x32xf32, #tpu.memory_space<vmem>>
      %dma_wait3A_262 = arith.constant 0 : i32
      %dma_wait3A_263 = tpu.memref_slice %arg6[%add3A_238, %dma_wait3A_262] : memref<81x128xi32, #tpu.memory_space<vmem>> -> memref<1x128xi32, #tpu.memory_space<vmem>>
      %dma_wait3A_264 = tpu.memref_squeeze %dma_wait3A_263 : memref<1x128xi32, #tpu.memory_space<vmem>> -> memref<128xi32, #tpu.memory_space<vmem>>
      %dma_wait3A_265 = arith.constant 0 : i32
      %dma_wait3A_266 = arith.constant 0 : i32
      %dma_wait3A_267 = tpu.memref_slice %arg10[%dma_wait3A_265, %dma_wait3A_266] : memref<10240x32xf32, #tpu.memory_space<vmem_shared>> -> memref<10240x32xf32, #tpu.memory_space<vmem_shared>>
      %dma_wait3A_268 = tpu.memref_slice %arg11[%dma_wait3A_258] : memref<3x!tpu.dma_semaphore, #tpu.memory_space<semaphore_mem>> -> memref<1x!tpu.dma_semaphore, #tpu.memory_space<semaphore_mem>>
      %dma_wait3A_269 = tpu.memref_squeeze %dma_wait3A_268 : memref<1x!tpu.dma_semaphore, #tpu.memory_space<semaphore_mem>> -> memref<!tpu.dma_semaphore, #tpu.memory_space<semaphore_mem>>
      tpu.wait_indirect_dma semaphore(%dma_wait3A_269 : memref<!tpu.dma_semaphore, #tpu.memory_space<semaphore_mem>>) src(%dma_wait3A_267 : memref<10240x32xf32, #tpu.memory_space<vmem_shared>>) dst(%dma_wait3A_261 : memref<128x32xf32, #tpu.memory_space<vmem>>)
      %dma_start3A_270 = arith.constant 1 : i32
      %dma_start3A_271 = arith.constant 128 : i32
      %dma_start3A_272 = arith.constant 0 : i32
      %dma_start3A_273 = tpu.memref_slice %arg8[%dma_start3A_271, %dma_start3A_272] : memref<384x32xf32, #tpu.memory_space<vmem>> -> memref<128x32xf32, #tpu.memory_space<vmem>>
      %dma_start3A_274 = arith.constant 0 : i32
      %dma_start3A_275 = tpu.memref_slice %arg7[%add3A_238, %dma_start3A_274] : memref<81x128xi32, #tpu.memory_space<vmem>> -> memref<1x128xi32, #tpu.memory_space<vmem>>
      %dma_start3A_276 = tpu.memref_squeeze %dma_start3A_275 : memref<1x128xi32, #tpu.memory_space<vmem>> -> memref<128xi32, #tpu.memory_space<vmem>>
      %dma_start3A_277 = arith.constant 0 : i32
      %dma_start3A_278 = arith.constant 0 : i32
      %dma_start3A_279 = tpu.memref_slice %arg9[%dma_start3A_277, %dma_start3A_278] : memref<10240x32xf32, #tpu.memory_space<vmem_shared>> -> memref<10240x32xf32, #tpu.memory_space<vmem_shared>>
      %dma_start3A_280 = tpu.memref_slice %arg12[%dma_start3A_270] : memref<3x!tpu.dma_semaphore, #tpu.memory_space<semaphore_mem>> -> memref<1x!tpu.dma_semaphore, #tpu.memory_space<semaphore_mem>>
      %dma_start3A_281 = tpu.memref_squeeze %dma_start3A_280 : memref<1x!tpu.dma_semaphore, #tpu.memory_space<semaphore_mem>> -> memref<!tpu.dma_semaphore, #tpu.memory_space<semaphore_mem>>
      tpu.enqueue_indirect_dma source(%dma_start3A_273 : memref<128x32xf32, #tpu.memory_space<vmem>>) target(%dma_start3A_279 : memref<10240x32xf32, #tpu.memory_space<vmem_shared>>) offsets(%dma_start3A_276 : memref<128xi32, #tpu.memory_space<vmem>>) semaphore(%dma_start3A_281 : memref<!tpu.dma_semaphore, #tpu.memory_space<semaphore_mem>>) {add = true}
      %mul3A_282 = arith.constant 3 : i32
      %mul3A_283 = arith.muli %scan3A_190, %mul3A_282 : i32
      %add3A_284 = arith.constant 2 : i32
      %add3A_285 = arith.addi %mul3A_283, %add3A_284 : i32
      %lt3A = arith.constant 26 : i32
      %lt3A_286 = arith.cmpi slt, %scan3A_190, %lt3A : i32
      %convert_element_type3A_287 = arith.extui %lt3A_286 : i1 to i32
      %cond3A_288 = arith.constant 0 : i32
      %cond3A_289 = arith.cmpi ne, %convert_element_type3A_287, %cond3A_288 : i32
      scf.if %cond3A_289 {
        %add3A_314 = arith.constant 1 : i32
        %add3A_315 = arith.addi %add3A_285, %add3A_314 : i32
        %sub3A = arith.constant 3 : i32
        %sub3A_316 = arith.subi %add3A_315, %sub3A : i32
        %dma_wait3A_317 = arith.constant 0 : i32
        %dma_wait3A_318 = arith.constant 0 : i32
        %dma_wait3A_319 = arith.constant 0 : i32
        %dma_wait3A_320 = tpu.memref_slice %arg8[%dma_wait3A_318, %dma_wait3A_319] : memref<384x32xf32, #tpu.memory_space<vmem>> -> memref<128x32xf32, #tpu.memory_space<vmem>>
        %dma_wait3A_321 = arith.constant 0 : i32
        %dma_wait3A_322 = tpu.memref_slice %arg7[%sub3A_316, %dma_wait3A_321] : memref<81x128xi32, #tpu.memory_space<vmem>> -> memref<1x128xi32, #tpu.memory_space<vmem>>
        %dma_wait3A_323 = tpu.memref_squeeze %dma_wait3A_322 : memref<1x128xi32, #tpu.memory_space<vmem>> -> memref<128xi32, #tpu.memory_space<vmem>>
        %dma_wait3A_324 = arith.constant 0 : i32
        %dma_wait3A_325 = arith.constant 0 : i32
        %dma_wait3A_326 = tpu.memref_slice %arg9[%dma_wait3A_324, %dma_wait3A_325] : memref<10240x32xf32, #tpu.memory_space<vmem_shared>> -> memref<10240x32xf32, #tpu.memory_space<vmem_shared>>
        %dma_wait3A_327 = tpu.memref_slice %arg12[%dma_wait3A_317] : memref<3x!tpu.dma_semaphore, #tpu.memory_space<semaphore_mem>> -> memref<1x!tpu.dma_semaphore, #tpu.memory_space<semaphore_mem>>
        %dma_wait3A_328 = tpu.memref_squeeze %dma_wait3A_327 : memref<1x!tpu.dma_semaphore, #tpu.memory_space<semaphore_mem>> -> memref<!tpu.dma_semaphore, #tpu.memory_space<semaphore_mem>>
        tpu.wait_indirect_dma semaphore(%dma_wait3A_328 : memref<!tpu.dma_semaphore, #tpu.memory_space<semaphore_mem>>) src(%dma_wait3A_320 : memref<128x32xf32, #tpu.memory_space<vmem>>) dst(%dma_wait3A_326 : memref<10240x32xf32, #tpu.memory_space<vmem_shared>>)
        %add3A_329 = arith.constant 1 : i32
        %add3A_330 = arith.addi %add3A_285, %add3A_329 : i32
        %dma_start3A_331 = arith.constant 0 : i32
        %dma_start3A_332 = arith.constant 0 : i32
        %dma_start3A_333 = arith.constant 0 : i32
        %dma_start3A_334 = tpu.memref_slice %arg8[%dma_start3A_332, %dma_start3A_333] : memref<384x32xf32, #tpu.memory_space<vmem>> -> memref<128x32xf32, #tpu.memory_space<vmem>>
        %dma_start3A_335 = arith.constant 0 : i32
        %dma_start3A_336 = tpu.memref_slice %arg6[%add3A_330, %dma_start3A_335] : memref<81x128xi32, #tpu.memory_space<vmem>> -> memref<1x128xi32, #tpu.memory_space<vmem>>
        %dma_start3A_337 = tpu.memref_squeeze %dma_start3A_336 : memref<1x128xi32, #tpu.memory_space<vmem>> -> memref<128xi32, #tpu.memory_space<vmem>>
        %dma_start3A_338 = arith.constant 0 : i32
        %dma_start3A_339 = arith.constant 0 : i32
        %dma_start3A_340 = tpu.memref_slice %arg10[%dma_start3A_338, %dma_start3A_339] : memref<10240x32xf32, #tpu.memory_space<vmem_shared>> -> memref<10240x32xf32, #tpu.memory_space<vmem_shared>>
        %dma_start3A_341 = tpu.memref_slice %arg11[%dma_start3A_331] : memref<3x!tpu.dma_semaphore, #tpu.memory_space<semaphore_mem>> -> memref<1x!tpu.dma_semaphore, #tpu.memory_space<semaphore_mem>>
        %dma_start3A_342 = tpu.memref_squeeze %dma_start3A_341 : memref<1x!tpu.dma_semaphore, #tpu.memory_space<semaphore_mem>> -> memref<!tpu.dma_semaphore, #tpu.memory_space<semaphore_mem>>
        tpu.enqueue_indirect_dma source(%dma_start3A_340 : memref<10240x32xf32, #tpu.memory_space<vmem_shared>>) target(%dma_start3A_334 : memref<128x32xf32, #tpu.memory_space<vmem>>) offsets(%dma_start3A_337 : memref<128xi32, #tpu.memory_space<vmem>>) semaphore(%dma_start3A_342 : memref<!tpu.dma_semaphore, #tpu.memory_space<semaphore_mem>>)
      } else {
      }
      %dma_wait3A_290 = arith.constant 2 : i32
      %dma_wait3A_291 = arith.constant 256 : i32
      %dma_wait3A_292 = arith.constant 0 : i32
      %dma_wait3A_293 = tpu.memref_slice %arg8[%dma_wait3A_291, %dma_wait3A_292] : memref<384x32xf32, #tpu.memory_space<vmem>> -> memref<128x32xf32, #tpu.memory_space<vmem>>
      %dma_wait3A_294 = arith.constant 0 : i32
      %dma_wait3A_295 = tpu.memref_slice %arg6[%add3A_285, %dma_wait3A_294] : memref<81x128xi32, #tpu.memory_space<vmem>> -> memref<1x128xi32, #tpu.memory_space<vmem>>
      %dma_wait3A_296 = tpu.memref_squeeze %dma_wait3A_295 : memref<1x128xi32, #tpu.memory_space<vmem>> -> memref<128xi32, #tpu.memory_space<vmem>>
      %dma_wait3A_297 = arith.constant 0 : i32
      %dma_wait3A_298 = arith.constant 0 : i32
      %dma_wait3A_299 = tpu.memref_slice %arg10[%dma_wait3A_297, %dma_wait3A_298] : memref<10240x32xf32, #tpu.memory_space<vmem_shared>> -> memref<10240x32xf32, #tpu.memory_space<vmem_shared>>
      %dma_wait3A_300 = tpu.memref_slice %arg11[%dma_wait3A_290] : memref<3x!tpu.dma_semaphore, #tpu.memory_space<semaphore_mem>> -> memref<1x!tpu.dma_semaphore, #tpu.memory_space<semaphore_mem>>
      %dma_wait3A_301 = tpu.memref_squeeze %dma_wait3A_300 : memref<1x!tpu.dma_semaphore, #tpu.memory_space<semaphore_mem>> -> memref<!tpu.dma_semaphore, #tpu.memory_space<semaphore_mem>>
      tpu.wait_indirect_dma semaphore(%dma_wait3A_301 : memref<!tpu.dma_semaphore, #tpu.memory_space<semaphore_mem>>) src(%dma_wait3A_299 : memref<10240x32xf32, #tpu.memory_space<vmem_shared>>) dst(%dma_wait3A_293 : memref<128x32xf32, #tpu.memory_space<vmem>>)
      %dma_start3A_302 = arith.constant 2 : i32
      %dma_start3A_303 = arith.constant 256 : i32
      %dma_start3A_304 = arith.constant 0 : i32
      %dma_start3A_305 = tpu.memref_slice %arg8[%dma_start3A_303, %dma_start3A_304] : memref<384x32xf32, #tpu.memory_space<vmem>> -> memref<128x32xf32, #tpu.memory_space<vmem>>
      %dma_start3A_306 = arith.constant 0 : i32
      %dma_start3A_307 = tpu.memref_slice %arg7[%add3A_285, %dma_start3A_306] : memref<81x128xi32, #tpu.memory_space<vmem>> -> memref<1x128xi32, #tpu.memory_space<vmem>>
      %dma_start3A_308 = tpu.memref_squeeze %dma_start3A_307 : memref<1x128xi32, #tpu.memory_space<vmem>> -> memref<128xi32, #tpu.memory_space<vmem>>
      %dma_start3A_309 = arith.constant 0 : i32
      %dma_start3A_310 = arith.constant 0 : i32
      %dma_start3A_311 = tpu.memref_slice %arg9[%dma_start3A_309, %dma_start3A_310] : memref<10240x32xf32, #tpu.memory_space<vmem_shared>> -> memref<10240x32xf32, #tpu.memory_space<vmem_shared>>
      %dma_start3A_312 = tpu.memref_slice %arg12[%dma_start3A_302] : memref<3x!tpu.dma_semaphore, #tpu.memory_space<semaphore_mem>> -> memref<1x!tpu.dma_semaphore, #tpu.memory_space<semaphore_mem>>
      %dma_start3A_313 = tpu.memref_squeeze %dma_start3A_312 : memref<1x!tpu.dma_semaphore, #tpu.memory_space<semaphore_mem>> -> memref<!tpu.dma_semaphore, #tpu.memory_space<semaphore_mem>>
      tpu.enqueue_indirect_dma source(%dma_start3A_305 : memref<128x32xf32, #tpu.memory_space<vmem>>) target(%dma_start3A_311 : memref<10240x32xf32, #tpu.memory_space<vmem_shared>>) offsets(%dma_start3A_308 : memref<128xi32, #tpu.memory_space<vmem>>) semaphore(%dma_start3A_313 : memref<!tpu.dma_semaphore, #tpu.memory_space<semaphore_mem>>) {add = true}
    }
    %scan3A_145 = arith.constant 27 : i32
    %dma_wait3A_146 = arith.constant 78 : i32
    %dma_wait3A_147 = arith.constant 0 : i32
    %dma_wait3A_148 = arith.constant 0 : i32
    %dma_wait3A_149 = arith.constant 0 : i32
    %dma_wait3A_150 = tpu.memref_slice %arg8[%dma_wait3A_148, %dma_wait3A_149] : memref<384x32xf32, #tpu.memory_space<vmem>> -> memref<128x32xf32, #tpu.memory_space<vmem>>
    %dma_wait3A_151 = arith.constant 0 : i32
    %dma_wait3A_152 = tpu.memref_slice %arg7[%dma_wait3A_146, %dma_wait3A_151] : memref<81x128xi32, #tpu.memory_space<vmem>> -> memref<1x128xi32, #tpu.memory_space<vmem>>
    %dma_wait3A_153 = tpu.memref_squeeze %dma_wait3A_152 : memref<1x128xi32, #tpu.memory_space<vmem>> -> memref<128xi32, #tpu.memory_space<vmem>>
    %dma_wait3A_154 = arith.constant 0 : i32
    %dma_wait3A_155 = arith.constant 0 : i32
    %dma_wait3A_156 = tpu.memref_slice %arg9[%dma_wait3A_154, %dma_wait3A_155] : memref<10240x32xf32, #tpu.memory_space<vmem_shared>> -> memref<10240x32xf32, #tpu.memory_space<vmem_shared>>
    %dma_wait3A_157 = tpu.memref_slice %arg12[%dma_wait3A_147] : memref<3x!tpu.dma_semaphore, #tpu.memory_space<semaphore_mem>> -> memref<1x!tpu.dma_semaphore, #tpu.memory_space<semaphore_mem>>
    %dma_wait3A_158 = tpu.memref_squeeze %dma_wait3A_157 : memref<1x!tpu.dma_semaphore, #tpu.memory_space<semaphore_mem>> -> memref<!tpu.dma_semaphore, #tpu.memory_space<semaphore_mem>>
    tpu.wait_indirect_dma semaphore(%dma_wait3A_158 : memref<!tpu.dma_semaphore, #tpu.memory_space<semaphore_mem>>) src(%dma_wait3A_150 : memref<128x32xf32, #tpu.memory_space<vmem>>) dst(%dma_wait3A_156 : memref<10240x32xf32, #tpu.memory_space<vmem_shared>>)
    %dma_wait3A_159 = arith.constant 79 : i32
    %dma_wait3A_160 = arith.constant 1 : i32
    %dma_wait3A_161 = arith.constant 128 : i32
    %dma_wait3A_162 = arith.constant 0 : i32
    %dma_wait3A_163 = tpu.memref_slice %arg8[%dma_wait3A_161, %dma_wait3A_162] : memref<384x32xf32, #tpu.memory_space<vmem>> -> memref<128x32xf32, #tpu.memory_space<vmem>>
    %dma_wait3A_164 = arith.constant 0 : i32
    %dma_wait3A_165 = tpu.memref_slice %arg7[%dma_wait3A_159, %dma_wait3A_164] : memref<81x128xi32, #tpu.memory_space<vmem>> -> memref<1x128xi32, #tpu.memory_space<vmem>>
    %dma_wait3A_166 = tpu.memref_squeeze %dma_wait3A_165 : memref<1x128xi32, #tpu.memory_space<vmem>> -> memref<128xi32, #tpu.memory_space<vmem>>
    %dma_wait3A_167 = arith.constant 0 : i32
    %dma_wait3A_168 = arith.constant 0 : i32
    %dma_wait3A_169 = tpu.memref_slice %arg9[%dma_wait3A_167, %dma_wait3A_168] : memref<10240x32xf32, #tpu.memory_space<vmem_shared>> -> memref<10240x32xf32, #tpu.memory_space<vmem_shared>>
    %dma_wait3A_170 = tpu.memref_slice %arg12[%dma_wait3A_160] : memref<3x!tpu.dma_semaphore, #tpu.memory_space<semaphore_mem>> -> memref<1x!tpu.dma_semaphore, #tpu.memory_space<semaphore_mem>>
    %dma_wait3A_171 = tpu.memref_squeeze %dma_wait3A_170 : memref<1x!tpu.dma_semaphore, #tpu.memory_space<semaphore_mem>> -> memref<!tpu.dma_semaphore, #tpu.memory_space<semaphore_mem>>
    tpu.wait_indirect_dma semaphore(%dma_wait3A_171 : memref<!tpu.dma_semaphore, #tpu.memory_space<semaphore_mem>>) src(%dma_wait3A_163 : memref<128x32xf32, #tpu.memory_space<vmem>>) dst(%dma_wait3A_169 : memref<10240x32xf32, #tpu.memory_space<vmem_shared>>)
    %dma_wait3A_172 = arith.constant 80 : i32
    %dma_wait3A_173 = arith.constant 2 : i32
    %dma_wait3A_174 = arith.constant 256 : i32
    %dma_wait3A_175 = arith.constant 0 : i32
    %dma_wait3A_176 = tpu.memref_slice %arg8[%dma_wait3A_174, %dma_wait3A_175] : memref<384x32xf32, #tpu.memory_space<vmem>> -> memref<128x32xf32, #tpu.memory_space<vmem>>
    %dma_wait3A_177 = arith.constant 0 : i32
    %dma_wait3A_178 = tpu.memref_slice %arg7[%dma_wait3A_172, %dma_wait3A_177] : memref<81x128xi32, #tpu.memory_space<vmem>> -> memref<1x128xi32, #tpu.memory_space<vmem>>
    %dma_wait3A_179 = tpu.memref_squeeze %dma_wait3A_178 : memref<1x128xi32, #tpu.memory_space<vmem>> -> memref<128xi32, #tpu.memory_space<vmem>>
    %dma_wait3A_180 = arith.constant 0 : i32
    %dma_wait3A_181 = arith.constant 0 : i32
    %dma_wait3A_182 = tpu.memref_slice %arg9[%dma_wait3A_180, %dma_wait3A_181] : memref<10240x32xf32, #tpu.memory_space<vmem_shared>> -> memref<10240x32xf32, #tpu.memory_space<vmem_shared>>
    %dma_wait3A_183 = tpu.memref_slice %arg12[%dma_wait3A_173] : memref<3x!tpu.dma_semaphore, #tpu.memory_space<semaphore_mem>> -> memref<1x!tpu.dma_semaphore, #tpu.memory_space<semaphore_mem>>
    %dma_wait3A_184 = tpu.memref_squeeze %dma_wait3A_183 : memref<1x!tpu.dma_semaphore, #tpu.memory_space<semaphore_mem>> -> memref<!tpu.dma_semaphore, #tpu.memory_space<semaphore_mem>>
    tpu.wait_indirect_dma semaphore(%dma_wait3A_184 : memref<!tpu.dma_semaphore, #tpu.memory_space<semaphore_mem>>) src(%dma_wait3A_176 : memref<128x32xf32, #tpu.memory_space<vmem>>) dst(%dma_wait3A_182 : memref<10240x32xf32, #tpu.memory_space<vmem_shared>>)
    %barrier3A_185 = arith.constant 0 : index
    tpu.barrier barrier_id(%barrier3A_185)
    %mul3A_186 = arith.constant 640 : i32
    %mul3A_187 = arith.muli %arg1, %mul3A_186 : i32
    %mul3A_188 = arith.constant 640 : i32
    %mul3A_189 = arith.muli %arg1, %mul3A_188 : i32
    "tpu.region"() ({
      %run_scoped3A = tpu.sem_alloc : memref<!tpu.dma_semaphore, #tpu.memory_space<semaphore_mem>>
      %dma_start3A_190 = arith.constant 0 : i32
      %dma_start3A_191 = tpu.memref_slice %arg5[%arg0, %mul3A_189, %dma_start3A_190] : memref<2x10240x32xf32, #tpu.memory_space<hbm>> -> memref<1x640x32xf32, #tpu.memory_space<hbm>>
      %dma_start3A_192 = tpu.memref_squeeze %dma_start3A_191 : memref<1x640x32xf32, #tpu.memory_space<hbm>> -> memref<640x32xf32, #tpu.memory_space<hbm>>
      %dma_start3A_193 = arith.constant 0 : i32
      %dma_start3A_194 = tpu.memref_slice %arg9[%mul3A_187, %dma_start3A_193] : memref<10240x32xf32, #tpu.memory_space<vmem_shared>> -> memref<640x32xf32, #tpu.memory_space<vmem_shared>>
      tpu.enqueue_dma source(%dma_start3A_194 : memref<640x32xf32, #tpu.memory_space<vmem_shared>>) target(%dma_start3A_192 : memref<640x32xf32, #tpu.memory_space<hbm>>) target_semaphore(%run_scoped3A : memref<!tpu.dma_semaphore, #tpu.memory_space<semaphore_mem>>)
      %dma_wait3A_195 = arith.constant 0 : i32
      %dma_wait3A_196 = tpu.memref_slice %arg5[%arg0, %mul3A_189, %dma_wait3A_195] : memref<2x10240x32xf32, #tpu.memory_space<hbm>> -> memref<1x640x32xf32, #tpu.memory_space<hbm>>
      %dma_wait3A_197 = tpu.memref_squeeze %dma_wait3A_196 : memref<1x640x32xf32, #tpu.memory_space<hbm>> -> memref<640x32xf32, #tpu.memory_space<hbm>>
      %dma_wait3A_198 = arith.constant 0 : i32
      %dma_wait3A_199 = tpu.memref_slice %arg9[%mul3A_187, %dma_wait3A_198] : memref<10240x32xf32, #tpu.memory_space<vmem_shared>> -> memref<640x32xf32, #tpu.memory_space<vmem_shared>>
      tpu.wait_dma2 semaphore(%run_scoped3A : memref<!tpu.dma_semaphore, #tpu.memory_space<semaphore_mem>>) src(%dma_wait3A_199 : memref<640x32xf32, #tpu.memory_space<vmem_shared>>) dst(%dma_wait3A_197 : memref<640x32xf32, #tpu.memory_space<hbm>>)
      tpu.yield
    }) : () -> ()
    return
  }
}

#map = affine_map<(d0, d1) -> (0, 0)>
#map1 = affine_map<(d0, d1) -> (0, 0, 0)>
module attributes {stable_mosaic.version = 14 : i64} {
  func.func @agg(%arg0: i32, %arg1: i32, %arg2: memref<10240x64xf32, #tpu.memory_space<hbm>>, %arg3: memref<32x81x128xi32, #tpu.memory_space<hbm>>, %arg4: memref<32x81x128xi32, #tpu.memory_space<hbm>>, %arg5: memref<2x10240x64xf32, #tpu.memory_space<hbm>>, %arg6: memref<81x128xi32, #tpu.memory_space<vmem>>, %arg7: memref<81x128xi32, #tpu.memory_space<vmem>>, %arg8: memref<384x64xf32, #tpu.memory_space<vmem>>, %arg9: memref<10240x64xf32, #tpu.memory_space<vmem_shared>>, %arg10: memref<10240x64xf32, #tpu.memory_space<vmem_shared>>, %arg11: memref<3x!tpu.dma_semaphore, #tpu.memory_space<semaphore_mem>>, %arg12: memref<3x!tpu.dma_semaphore, #tpu.memory_space<semaphore_mem>>) attributes {dimension_semantics = [#tpu.dimension_semantics<core_parallel>, #tpu.dimension_semantics<subcore_parallel>], iteration_bounds = array<i64: 2, 16>, scalar_prefetch = 0 : i64, scratch_operands = 7 : i64, tpu.core_type = #tpu.core_type<sc_vector_subcore>, window_params = [{transform_indices = #map}, {transform_indices = #map1}, {transform_indices = #map1}, {transform_indices = #map1}]} {
    %mul3A = arith.constant 2 : i32
    %mul3A_0 = arith.muli %arg1, %mul3A : i32
    %add3A = arith.addi %mul3A_0, %arg0 : i32
    %dma_start3A = arith.constant 0 : i32
    %dma_start3A_1 = arith.constant 0 : i32
    %dma_start3A_2 = arith.constant 0 : i32
    %dma_start3A_3 = tpu.memref_slice %arg3[%add3A, %dma_start3A_1, %dma_start3A_2] : memref<32x81x128xi32, #tpu.memory_space<hbm>> -> memref<1x81x128xi32, #tpu.memory_space<hbm>>
    %dma_start3A_4 = tpu.memref_squeeze %dma_start3A_3 : memref<1x81x128xi32, #tpu.memory_space<hbm>> -> memref<81x128xi32, #tpu.memory_space<hbm>>
    %dma_start3A_5 = tpu.memref_slice %arg11[%dma_start3A] : memref<3x!tpu.dma_semaphore, #tpu.memory_space<semaphore_mem>> -> memref<1x!tpu.dma_semaphore, #tpu.memory_space<semaphore_mem>>
    %dma_start3A_6 = tpu.memref_squeeze %dma_start3A_5 : memref<1x!tpu.dma_semaphore, #tpu.memory_space<semaphore_mem>> -> memref<!tpu.dma_semaphore, #tpu.memory_space<semaphore_mem>>
    %dma_start3A_7 = arith.constant 0 : i32
    %dma_start3A_8 = arith.constant 0 : i32
    %dma_start3A_9 = tpu.memref_slice %arg3[%add3A, %dma_start3A_7, %dma_start3A_8] : memref<32x81x128xi32, #tpu.memory_space<hbm>> -> memref<1x81x128xi32, #tpu.memory_space<hbm>>
    %dma_start3A_10 = tpu.memref_squeeze %dma_start3A_9 : memref<1x81x128xi32, #tpu.memory_space<hbm>> -> memref<81x128xi32, #tpu.memory_space<hbm>>
    tpu.enqueue_dma source(%dma_start3A_10 : memref<81x128xi32, #tpu.memory_space<hbm>>) target(%arg6 : memref<81x128xi32, #tpu.memory_space<vmem>>) target_semaphore(%dma_start3A_6 : memref<!tpu.dma_semaphore, #tpu.memory_space<semaphore_mem>>)
    %dma_start3A_11 = arith.constant 1 : i32
    %dma_start3A_12 = arith.constant 0 : i32
    %dma_start3A_13 = arith.constant 0 : i32
    %dma_start3A_14 = tpu.memref_slice %arg4[%add3A, %dma_start3A_12, %dma_start3A_13] : memref<32x81x128xi32, #tpu.memory_space<hbm>> -> memref<1x81x128xi32, #tpu.memory_space<hbm>>
    %dma_start3A_15 = tpu.memref_squeeze %dma_start3A_14 : memref<1x81x128xi32, #tpu.memory_space<hbm>> -> memref<81x128xi32, #tpu.memory_space<hbm>>
    %dma_start3A_16 = tpu.memref_slice %arg11[%dma_start3A_11] : memref<3x!tpu.dma_semaphore, #tpu.memory_space<semaphore_mem>> -> memref<1x!tpu.dma_semaphore, #tpu.memory_space<semaphore_mem>>
    %dma_start3A_17 = tpu.memref_squeeze %dma_start3A_16 : memref<1x!tpu.dma_semaphore, #tpu.memory_space<semaphore_mem>> -> memref<!tpu.dma_semaphore, #tpu.memory_space<semaphore_mem>>
    %dma_start3A_18 = arith.constant 0 : i32
    %dma_start3A_19 = arith.constant 0 : i32
    %dma_start3A_20 = tpu.memref_slice %arg4[%add3A, %dma_start3A_18, %dma_start3A_19] : memref<32x81x128xi32, #tpu.memory_space<hbm>> -> memref<1x81x128xi32, #tpu.memory_space<hbm>>
    %dma_start3A_21 = tpu.memref_squeeze %dma_start3A_20 : memref<1x81x128xi32, #tpu.memory_space<hbm>> -> memref<81x128xi32, #tpu.memory_space<hbm>>
    tpu.enqueue_dma source(%dma_start3A_21 : memref<81x128xi32, #tpu.memory_space<hbm>>) target(%arg7 : memref<81x128xi32, #tpu.memory_space<vmem>>) target_semaphore(%dma_start3A_17 : memref<!tpu.dma_semaphore, #tpu.memory_space<semaphore_mem>>)
    %mul3A_22 = arith.constant 640 : i32
    %mul3A_23 = arith.muli %arg1, %mul3A_22 : i32
    %mul3A_24 = arith.constant 640 : i32
    %mul3A_25 = arith.muli %arg1, %mul3A_24 : i32
    %dma_start3A_26 = arith.constant 2 : i32
    %dma_start3A_27 = tpu.memref_slice %arg11[%dma_start3A_26] : memref<3x!tpu.dma_semaphore, #tpu.memory_space<semaphore_mem>> -> memref<1x!tpu.dma_semaphore, #tpu.memory_space<semaphore_mem>>
    %dma_start3A_28 = tpu.memref_squeeze %dma_start3A_27 : memref<1x!tpu.dma_semaphore, #tpu.memory_space<semaphore_mem>> -> memref<!tpu.dma_semaphore, #tpu.memory_space<semaphore_mem>>
    %dma_start3A_29 = arith.constant 0 : i32
    %dma_start3A_30 = tpu.memref_slice %arg10[%mul3A_25, %dma_start3A_29] : memref<10240x64xf32, #tpu.memory_space<vmem_shared>> -> memref<640x64xf32, #tpu.memory_space<vmem_shared>>
    %dma_start3A_31 = arith.constant 0 : i32
    %dma_start3A_32 = tpu.memref_slice %arg2[%mul3A_23, %dma_start3A_31] : memref<10240x64xf32, #tpu.memory_space<hbm>> -> memref<640x64xf32, #tpu.memory_space<hbm>>
    tpu.enqueue_dma source(%dma_start3A_32 : memref<640x64xf32, #tpu.memory_space<hbm>>) target(%dma_start3A_30 : memref<640x64xf32, #tpu.memory_space<vmem_shared>>) target_semaphore(%dma_start3A_28 : memref<!tpu.dma_semaphore, #tpu.memory_space<semaphore_mem>>)
    %broadcast_in_dim3A = arith.constant 0.000000e+00 : f32
    %broadcast_in_dim3A_33 = vector.broadcast %broadcast_in_dim3A : f32 to vector<16xf32>
    %scan3A = arith.constant 0 : i32
    %scan3A_34 = arith.constant 0 : i32
    %scan3A_35 = arith.constant 384 : i32
    %scan3A_36 = arith.addi %scan3A_34, %scan3A_35 : i32
    %scan3A_37 = arith.constant 1 : i32
    scf.for %scan3A_190 = %scan3A_34 to %scan3A_36 step %scan3A_37  : i32 {
      %swap3A = arith.index_cast %scan3A_190 : i32 to index
      %swap3A_191 = arith.constant 0 : index
      %swap3A_192 = tpu.vector_load %arg8[%swap3A, %swap3A_191] {strides = array<i32>} : memref<384x64xf32, #tpu.memory_space<vmem>>, vector<1x16xf32>,
      %swap3A_193 = vector.shape_cast %swap3A_192 : vector<1x16xf32> to vector<16xf32>
      %swap3A_194 = vector.shape_cast %broadcast_in_dim3A_33 : vector<16xf32> to vector<1x16xf32>
      tpu.vector_store %arg8[%swap3A, %swap3A_191], %swap3A_194 {strides = array<i32>} : memref<384x64xf32, #tpu.memory_space<vmem>>, vector<1x16xf32>,
      %swap3A_195 = arith.index_cast %scan3A_190 : i32 to index
      %swap3A_196 = arith.constant 16 : index
      %swap3A_197 = tpu.vector_load %arg8[%swap3A_195, %swap3A_196] {strides = array<i32>} : memref<384x64xf32, #tpu.memory_space<vmem>>, vector<1x16xf32>,
      %swap3A_198 = vector.shape_cast %swap3A_197 : vector<1x16xf32> to vector<16xf32>
      %swap3A_199 = vector.shape_cast %broadcast_in_dim3A_33 : vector<16xf32> to vector<1x16xf32>
      tpu.vector_store %arg8[%swap3A_195, %swap3A_196], %swap3A_199 {strides = array<i32>} : memref<384x64xf32, #tpu.memory_space<vmem>>, vector<1x16xf32>,
      %swap3A_200 = arith.index_cast %scan3A_190 : i32 to index
      %swap3A_201 = arith.constant 32 : index
      %swap3A_202 = tpu.vector_load %arg8[%swap3A_200, %swap3A_201] {strides = array<i32>} : memref<384x64xf32, #tpu.memory_space<vmem>>, vector<1x16xf32>,
      %swap3A_203 = vector.shape_cast %swap3A_202 : vector<1x16xf32> to vector<16xf32>
      %swap3A_204 = vector.shape_cast %broadcast_in_dim3A_33 : vector<16xf32> to vector<1x16xf32>
      tpu.vector_store %arg8[%swap3A_200, %swap3A_201], %swap3A_204 {strides = array<i32>} : memref<384x64xf32, #tpu.memory_space<vmem>>, vector<1x16xf32>,
      %swap3A_205 = arith.index_cast %scan3A_190 : i32 to index
      %swap3A_206 = arith.constant 48 : index
      %swap3A_207 = tpu.vector_load %arg8[%swap3A_205, %swap3A_206] {strides = array<i32>} : memref<384x64xf32, #tpu.memory_space<vmem>>, vector<1x16xf32>,
      %swap3A_208 = vector.shape_cast %swap3A_207 : vector<1x16xf32> to vector<16xf32>
      %swap3A_209 = vector.shape_cast %broadcast_in_dim3A_33 : vector<16xf32> to vector<1x16xf32>
      tpu.vector_store %arg8[%swap3A_205, %swap3A_206], %swap3A_209 {strides = array<i32>} : memref<384x64xf32, #tpu.memory_space<vmem>>, vector<1x16xf32>,
    }
    %scan3A_38 = arith.constant 384 : i32
    %mul3A_39 = arith.constant 640 : i32
    %mul3A_40 = arith.muli %arg1, %mul3A_39 : i32
    %add3A_41 = arith.constant 0 : i32
    %add3A_42 = arith.addi %mul3A_40, %add3A_41 : i32
    %dma_start3A_43 = arith.constant 0 : i32
    %dma_start3A_44 = arith.constant 0 : i32
    %dma_start3A_45 = arith.constant 0 : i32
    %dma_start3A_46 = tpu.memref_slice %arg8[%dma_start3A_44, %dma_start3A_45] : memref<384x64xf32, #tpu.memory_space<vmem>> -> memref<384x64xf32, #tpu.memory_space<vmem>>
    %dma_start3A_47 = arith.constant 0 : i32
    %dma_start3A_48 = tpu.memref_slice %arg9[%add3A_42, %dma_start3A_47] : memref<10240x64xf32, #tpu.memory_space<vmem_shared>> -> memref<384x64xf32, #tpu.memory_space<vmem_shared>>
    %dma_start3A_49 = tpu.memref_slice %arg12[%dma_start3A_43] : memref<3x!tpu.dma_semaphore, #tpu.memory_space<semaphore_mem>> -> memref<1x!tpu.dma_semaphore, #tpu.memory_space<semaphore_mem>>
    %dma_start3A_50 = tpu.memref_squeeze %dma_start3A_49 : memref<1x!tpu.dma_semaphore, #tpu.memory_space<semaphore_mem>> -> memref<!tpu.dma_semaphore, #tpu.memory_space<semaphore_mem>>
    %dma_start3A_51 = arith.constant 0 : i32
    %dma_start3A_52 = tpu.memref_slice %arg9[%add3A_42, %dma_start3A_51] : memref<10240x64xf32, #tpu.memory_space<vmem_shared>> -> memref<384x64xf32, #tpu.memory_space<vmem_shared>>
    %dma_start3A_53 = arith.constant 0 : i32
    %dma_start3A_54 = arith.constant 0 : i32
    %dma_start3A_55 = tpu.memref_slice %arg8[%dma_start3A_53, %dma_start3A_54] : memref<384x64xf32, #tpu.memory_space<vmem>> -> memref<384x64xf32, #tpu.memory_space<vmem>>
    tpu.enqueue_dma source(%dma_start3A_55 : memref<384x64xf32, #tpu.memory_space<vmem>>) target(%dma_start3A_52 : memref<384x64xf32, #tpu.memory_space<vmem_shared>>) target_semaphore(%dma_start3A_50 : memref<!tpu.dma_semaphore, #tpu.memory_space<semaphore_mem>>)
    %mul3A_56 = arith.constant 640 : i32
    %mul3A_57 = arith.muli %arg1, %mul3A_56 : i32
    %add3A_58 = arith.constant 384 : i32
    %add3A_59 = arith.addi %mul3A_57, %add3A_58 : i32
    %dma_start3A_60 = arith.constant 1 : i32
    %dma_start3A_61 = arith.constant 0 : i32
    %dma_start3A_62 = arith.constant 0 : i32
    %dma_start3A_63 = tpu.memref_slice %arg8[%dma_start3A_61, %dma_start3A_62] : memref<384x64xf32, #tpu.memory_space<vmem>> -> memref<256x64xf32, #tpu.memory_space<vmem>>
    %dma_start3A_64 = arith.constant 0 : i32
    %dma_start3A_65 = tpu.memref_slice %arg9[%add3A_59, %dma_start3A_64] : memref<10240x64xf32, #tpu.memory_space<vmem_shared>> -> memref<256x64xf32, #tpu.memory_space<vmem_shared>>
    %dma_start3A_66 = tpu.memref_slice %arg12[%dma_start3A_60] : memref<3x!tpu.dma_semaphore, #tpu.memory_space<semaphore_mem>> -> memref<1x!tpu.dma_semaphore, #tpu.memory_space<semaphore_mem>>
    %dma_start3A_67 = tpu.memref_squeeze %dma_start3A_66 : memref<1x!tpu.dma_semaphore, #tpu.memory_space<semaphore_mem>> -> memref<!tpu.dma_semaphore, #tpu.memory_space<semaphore_mem>>
    %dma_start3A_68 = arith.constant 0 : i32
    %dma_start3A_69 = tpu.memref_slice %arg9[%add3A_59, %dma_start3A_68] : memref<10240x64xf32, #tpu.memory_space<vmem_shared>> -> memref<256x64xf32, #tpu.memory_space<vmem_shared>>
    %dma_start3A_70 = arith.constant 0 : i32
    %dma_start3A_71 = arith.constant 0 : i32
    %dma_start3A_72 = tpu.memref_slice %arg8[%dma_start3A_70, %dma_start3A_71] : memref<384x64xf32, #tpu.memory_space<vmem>> -> memref<256x64xf32, #tpu.memory_space<vmem>>
    tpu.enqueue_dma source(%dma_start3A_72 : memref<256x64xf32, #tpu.memory_space<vmem>>) target(%dma_start3A_69 : memref<256x64xf32, #tpu.memory_space<vmem_shared>>) target_semaphore(%dma_start3A_67 : memref<!tpu.dma_semaphore, #tpu.memory_space<semaphore_mem>>)
    %dma_wait3A = arith.constant 0 : i32
    %dma_wait3A_73 = arith.constant 0 : i32
    %dma_wait3A_74 = arith.constant 0 : i32
    %dma_wait3A_75 = tpu.memref_slice %arg3[%add3A, %dma_wait3A_73, %dma_wait3A_74] : memref<32x81x128xi32, #tpu.memory_space<hbm>> -> memref<1x81x128xi32, #tpu.memory_space<hbm>>
    %dma_wait3A_76 = tpu.memref_squeeze %dma_wait3A_75 : memref<1x81x128xi32, #tpu.memory_space<hbm>> -> memref<81x128xi32, #tpu.memory_space<hbm>>
    %dma_wait3A_77 = tpu.memref_slice %arg11[%dma_wait3A] : memref<3x!tpu.dma_semaphore, #tpu.memory_space<semaphore_mem>> -> memref<1x!tpu.dma_semaphore, #tpu.memory_space<semaphore_mem>>
    %dma_wait3A_78 = tpu.memref_squeeze %dma_wait3A_77 : memref<1x!tpu.dma_semaphore, #tpu.memory_space<semaphore_mem>> -> memref<!tpu.dma_semaphore, #tpu.memory_space<semaphore_mem>>
    %dma_wait3A_79 = arith.constant 0 : i32
    %dma_wait3A_80 = arith.constant 0 : i32
    %dma_wait3A_81 = tpu.memref_slice %arg3[%add3A, %dma_wait3A_79, %dma_wait3A_80] : memref<32x81x128xi32, #tpu.memory_space<hbm>> -> memref<1x81x128xi32, #tpu.memory_space<hbm>>
    %dma_wait3A_82 = tpu.memref_squeeze %dma_wait3A_81 : memref<1x81x128xi32, #tpu.memory_space<hbm>> -> memref<81x128xi32, #tpu.memory_space<hbm>>
    tpu.wait_dma2 semaphore(%dma_wait3A_78 : memref<!tpu.dma_semaphore, #tpu.memory_space<semaphore_mem>>) src(%dma_wait3A_82 : memref<81x128xi32, #tpu.memory_space<hbm>>) dst(%arg6 : memref<81x128xi32, #tpu.memory_space<vmem>>)
    %dma_wait3A_83 = arith.constant 1 : i32
    %dma_wait3A_84 = arith.constant 0 : i32
    %dma_wait3A_85 = arith.constant 0 : i32
    %dma_wait3A_86 = tpu.memref_slice %arg4[%add3A, %dma_wait3A_84, %dma_wait3A_85] : memref<32x81x128xi32, #tpu.memory_space<hbm>> -> memref<1x81x128xi32, #tpu.memory_space<hbm>>
    %dma_wait3A_87 = tpu.memref_squeeze %dma_wait3A_86 : memref<1x81x128xi32, #tpu.memory_space<hbm>> -> memref<81x128xi32, #tpu.memory_space<hbm>>
    %dma_wait3A_88 = tpu.memref_slice %arg11[%dma_wait3A_83] : memref<3x!tpu.dma_semaphore, #tpu.memory_space<semaphore_mem>> -> memref<1x!tpu.dma_semaphore, #tpu.memory_space<semaphore_mem>>
    %dma_wait3A_89 = tpu.memref_squeeze %dma_wait3A_88 : memref<1x!tpu.dma_semaphore, #tpu.memory_space<semaphore_mem>> -> memref<!tpu.dma_semaphore, #tpu.memory_space<semaphore_mem>>
    %dma_wait3A_90 = arith.constant 0 : i32
    %dma_wait3A_91 = arith.constant 0 : i32
    %dma_wait3A_92 = tpu.memref_slice %arg4[%add3A, %dma_wait3A_90, %dma_wait3A_91] : memref<32x81x128xi32, #tpu.memory_space<hbm>> -> memref<1x81x128xi32, #tpu.memory_space<hbm>>
    %dma_wait3A_93 = tpu.memref_squeeze %dma_wait3A_92 : memref<1x81x128xi32, #tpu.memory_space<hbm>> -> memref<81x128xi32, #tpu.memory_space<hbm>>
    tpu.wait_dma2 semaphore(%dma_wait3A_89 : memref<!tpu.dma_semaphore, #tpu.memory_space<semaphore_mem>>) src(%dma_wait3A_93 : memref<81x128xi32, #tpu.memory_space<hbm>>) dst(%arg7 : memref<81x128xi32, #tpu.memory_space<vmem>>)
    %dma_wait3A_94 = arith.constant 2 : i32
    %dma_wait3A_95 = tpu.memref_slice %arg11[%dma_wait3A_94] : memref<3x!tpu.dma_semaphore, #tpu.memory_space<semaphore_mem>> -> memref<1x!tpu.dma_semaphore, #tpu.memory_space<semaphore_mem>>
    %dma_wait3A_96 = tpu.memref_squeeze %dma_wait3A_95 : memref<1x!tpu.dma_semaphore, #tpu.memory_space<semaphore_mem>> -> memref<!tpu.dma_semaphore, #tpu.memory_space<semaphore_mem>>
    %dma_wait3A_97 = arith.constant 0 : i32
    %dma_wait3A_98 = tpu.memref_slice %arg10[%mul3A_25, %dma_wait3A_97] : memref<10240x64xf32, #tpu.memory_space<vmem_shared>> -> memref<640x64xf32, #tpu.memory_space<vmem_shared>>
    %dma_wait3A_99 = arith.constant 0 : i32
    %dma_wait3A_100 = tpu.memref_slice %arg2[%mul3A_23, %dma_wait3A_99] : memref<10240x64xf32, #tpu.memory_space<hbm>> -> memref<640x64xf32, #tpu.memory_space<hbm>>
    tpu.wait_dma2 semaphore(%dma_wait3A_96 : memref<!tpu.dma_semaphore, #tpu.memory_space<semaphore_mem>>) src(%dma_wait3A_100 : memref<640x64xf32, #tpu.memory_space<hbm>>) dst(%dma_wait3A_98 : memref<640x64xf32, #tpu.memory_space<vmem_shared>>)
    %dma_wait3A_101 = arith.constant 0 : i32
    %dma_wait3A_102 = arith.constant 0 : i32
    %dma_wait3A_103 = arith.constant 0 : i32
    %dma_wait3A_104 = tpu.memref_slice %arg8[%dma_wait3A_102, %dma_wait3A_103] : memref<384x64xf32, #tpu.memory_space<vmem>> -> memref<384x64xf32, #tpu.memory_space<vmem>>
    %dma_wait3A_105 = arith.constant 0 : i32
    %dma_wait3A_106 = tpu.memref_slice %arg9[%add3A_42, %dma_wait3A_105] : memref<10240x64xf32, #tpu.memory_space<vmem_shared>> -> memref<384x64xf32, #tpu.memory_space<vmem_shared>>
    %dma_wait3A_107 = tpu.memref_slice %arg12[%dma_wait3A_101] : memref<3x!tpu.dma_semaphore, #tpu.memory_space<semaphore_mem>> -> memref<1x!tpu.dma_semaphore, #tpu.memory_space<semaphore_mem>>
    %dma_wait3A_108 = tpu.memref_squeeze %dma_wait3A_107 : memref<1x!tpu.dma_semaphore, #tpu.memory_space<semaphore_mem>> -> memref<!tpu.dma_semaphore, #tpu.memory_space<semaphore_mem>>
    %dma_wait3A_109 = arith.constant 0 : i32
    %dma_wait3A_110 = tpu.memref_slice %arg9[%add3A_42, %dma_wait3A_109] : memref<10240x64xf32, #tpu.memory_space<vmem_shared>> -> memref<384x64xf32, #tpu.memory_space<vmem_shared>>
    %dma_wait3A_111 = arith.constant 0 : i32
    %dma_wait3A_112 = arith.constant 0 : i32
    %dma_wait3A_113 = tpu.memref_slice %arg8[%dma_wait3A_111, %dma_wait3A_112] : memref<384x64xf32, #tpu.memory_space<vmem>> -> memref<384x64xf32, #tpu.memory_space<vmem>>
    tpu.wait_dma2 semaphore(%dma_wait3A_108 : memref<!tpu.dma_semaphore, #tpu.memory_space<semaphore_mem>>) src(%dma_wait3A_113 : memref<384x64xf32, #tpu.memory_space<vmem>>) dst(%dma_wait3A_110 : memref<384x64xf32, #tpu.memory_space<vmem_shared>>)
    %dma_wait3A_114 = arith.constant 1 : i32
    %dma_wait3A_115 = arith.constant 0 : i32
    %dma_wait3A_116 = arith.constant 0 : i32
    %dma_wait3A_117 = tpu.memref_slice %arg8[%dma_wait3A_115, %dma_wait3A_116] : memref<384x64xf32, #tpu.memory_space<vmem>> -> memref<256x64xf32, #tpu.memory_space<vmem>>
    %dma_wait3A_118 = arith.constant 0 : i32
    %dma_wait3A_119 = tpu.memref_slice %arg9[%add3A_59, %dma_wait3A_118] : memref<10240x64xf32, #tpu.memory_space<vmem_shared>> -> memref<256x64xf32, #tpu.memory_space<vmem_shared>>
    %dma_wait3A_120 = tpu.memref_slice %arg12[%dma_wait3A_114] : memref<3x!tpu.dma_semaphore, #tpu.memory_space<semaphore_mem>> -> memref<1x!tpu.dma_semaphore, #tpu.memory_space<semaphore_mem>>
    %dma_wait3A_121 = tpu.memref_squeeze %dma_wait3A_120 : memref<1x!tpu.dma_semaphore, #tpu.memory_space<semaphore_mem>> -> memref<!tpu.dma_semaphore, #tpu.memory_space<semaphore_mem>>
    %dma_wait3A_122 = arith.constant 0 : i32
    %dma_wait3A_123 = tpu.memref_slice %arg9[%add3A_59, %dma_wait3A_122] : memref<10240x64xf32, #tpu.memory_space<vmem_shared>> -> memref<256x64xf32, #tpu.memory_space<vmem_shared>>
    %dma_wait3A_124 = arith.constant 0 : i32
    %dma_wait3A_125 = arith.constant 0 : i32
    %dma_wait3A_126 = tpu.memref_slice %arg8[%dma_wait3A_124, %dma_wait3A_125] : memref<384x64xf32, #tpu.memory_space<vmem>> -> memref<256x64xf32, #tpu.memory_space<vmem>>
    tpu.wait_dma2 semaphore(%dma_wait3A_121 : memref<!tpu.dma_semaphore, #tpu.memory_space<semaphore_mem>>) src(%dma_wait3A_126 : memref<256x64xf32, #tpu.memory_space<vmem>>) dst(%dma_wait3A_123 : memref<256x64xf32, #tpu.memory_space<vmem_shared>>)
    %barrier3A = arith.constant 0 : index
    tpu.barrier barrier_id(%barrier3A)
    %dma_start3A_127 = arith.constant 0 : i32
    %dma_start3A_128 = arith.constant 0 : i32
    %dma_start3A_129 = arith.constant 0 : i32
    %dma_start3A_130 = arith.constant 0 : i32
    %dma_start3A_131 = tpu.memref_slice %arg8[%dma_start3A_129, %dma_start3A_130] : memref<384x64xf32, #tpu.memory_space<vmem>> -> memref<128x64xf32, #tpu.memory_space<vmem>>
    %dma_start3A_132 = arith.constant 0 : i32
    %dma_start3A_133 = tpu.memref_slice %arg6[%dma_start3A_127, %dma_start3A_132] : memref<81x128xi32, #tpu.memory_space<vmem>> -> memref<1x128xi32, #tpu.memory_space<vmem>>
    %dma_start3A_134 = tpu.memref_squeeze %dma_start3A_133 : memref<1x128xi32, #tpu.memory_space<vmem>> -> memref<128xi32, #tpu.memory_space<vmem>>
    %dma_start3A_135 = arith.constant 0 : i32
    %dma_start3A_136 = arith.constant 0 : i32
    %dma_start3A_137 = tpu.memref_slice %arg10[%dma_start3A_135, %dma_start3A_136] : memref<10240x64xf32, #tpu.memory_space<vmem_shared>> -> memref<10240x64xf32, #tpu.memory_space<vmem_shared>>
    %dma_start3A_138 = tpu.memref_slice %arg11[%dma_start3A_128] : memref<3x!tpu.dma_semaphore, #tpu.memory_space<semaphore_mem>> -> memref<1x!tpu.dma_semaphore, #tpu.memory_space<semaphore_mem>>
    %dma_start3A_139 = tpu.memref_squeeze %dma_start3A_138 : memref<1x!tpu.dma_semaphore, #tpu.memory_space<semaphore_mem>> -> memref<!tpu.dma_semaphore, #tpu.memory_space<semaphore_mem>>
    tpu.enqueue_indirect_dma source(%dma_start3A_137 : memref<10240x64xf32, #tpu.memory_space<vmem_shared>>) target(%dma_start3A_131 : memref<128x64xf32, #tpu.memory_space<vmem>>) offsets(%dma_start3A_134 : memref<128xi32, #tpu.memory_space<vmem>>) semaphore(%dma_start3A_139 : memref<!tpu.dma_semaphore, #tpu.memory_space<semaphore_mem>>)
    %scan3A_140 = arith.constant 0 : i32
    %scan3A_141 = arith.constant 0 : i32
    %scan3A_142 = arith.constant 27 : i32
    %scan3A_143 = arith.addi %scan3A_141, %scan3A_142 : i32
    %scan3A_144 = arith.constant 1 : i32
    scf.for %scan3A_190 = %scan3A_141 to %scan3A_143 step %scan3A_144  : i32 {
      %mul3A_191 = arith.constant 3 : i32
      %mul3A_192 = arith.muli %scan3A_190, %mul3A_191 : i32
      %add3A_193 = arith.constant 0 : i32
      %add3A_194 = arith.addi %mul3A_192, %add3A_193 : i32
      %gt3A = arith.constant 0 : i32
      %gt3A_195 = arith.cmpi sgt, %scan3A_190, %gt3A : i32
      %convert_element_type3A = arith.extui %gt3A_195 : i1 to i32
      %cond3A = arith.constant 0 : i32
      %cond3A_196 = arith.cmpi ne, %convert_element_type3A, %cond3A : i32
      scf.if %cond3A_196 {
        %add3A_314 = arith.constant 1 : i32
        %add3A_315 = arith.addi %add3A_194, %add3A_314 : i32
        %sub3A = arith.constant 3 : i32
        %sub3A_316 = arith.subi %add3A_315, %sub3A : i32
        %dma_wait3A_317 = arith.constant 1 : i32
        %dma_wait3A_318 = arith.constant 128 : i32
        %dma_wait3A_319 = arith.constant 0 : i32
        %dma_wait3A_320 = tpu.memref_slice %arg8[%dma_wait3A_318, %dma_wait3A_319] : memref<384x64xf32, #tpu.memory_space<vmem>> -> memref<128x64xf32, #tpu.memory_space<vmem>>
        %dma_wait3A_321 = arith.constant 0 : i32
        %dma_wait3A_322 = tpu.memref_slice %arg7[%sub3A_316, %dma_wait3A_321] : memref<81x128xi32, #tpu.memory_space<vmem>> -> memref<1x128xi32, #tpu.memory_space<vmem>>
        %dma_wait3A_323 = tpu.memref_squeeze %dma_wait3A_322 : memref<1x128xi32, #tpu.memory_space<vmem>> -> memref<128xi32, #tpu.memory_space<vmem>>
        %dma_wait3A_324 = arith.constant 0 : i32
        %dma_wait3A_325 = arith.constant 0 : i32
        %dma_wait3A_326 = tpu.memref_slice %arg9[%dma_wait3A_324, %dma_wait3A_325] : memref<10240x64xf32, #tpu.memory_space<vmem_shared>> -> memref<10240x64xf32, #tpu.memory_space<vmem_shared>>
        %dma_wait3A_327 = tpu.memref_slice %arg12[%dma_wait3A_317] : memref<3x!tpu.dma_semaphore, #tpu.memory_space<semaphore_mem>> -> memref<1x!tpu.dma_semaphore, #tpu.memory_space<semaphore_mem>>
        %dma_wait3A_328 = tpu.memref_squeeze %dma_wait3A_327 : memref<1x!tpu.dma_semaphore, #tpu.memory_space<semaphore_mem>> -> memref<!tpu.dma_semaphore, #tpu.memory_space<semaphore_mem>>
        tpu.wait_indirect_dma semaphore(%dma_wait3A_328 : memref<!tpu.dma_semaphore, #tpu.memory_space<semaphore_mem>>) src(%dma_wait3A_320 : memref<128x64xf32, #tpu.memory_space<vmem>>) dst(%dma_wait3A_326 : memref<10240x64xf32, #tpu.memory_space<vmem_shared>>)
      } else {
      }
      %add3A_197 = arith.constant 1 : i32
      %add3A_198 = arith.addi %add3A_194, %add3A_197 : i32
      %dma_start3A_199 = arith.constant 1 : i32
      %dma_start3A_200 = arith.constant 128 : i32
      %dma_start3A_201 = arith.constant 0 : i32
      %dma_start3A_202 = tpu.memref_slice %arg8[%dma_start3A_200, %dma_start3A_201] : memref<384x64xf32, #tpu.memory_space<vmem>> -> memref<128x64xf32, #tpu.memory_space<vmem>>
      %dma_start3A_203 = arith.constant 0 : i32
      %dma_start3A_204 = tpu.memref_slice %arg6[%add3A_198, %dma_start3A_203] : memref<81x128xi32, #tpu.memory_space<vmem>> -> memref<1x128xi32, #tpu.memory_space<vmem>>
      %dma_start3A_205 = tpu.memref_squeeze %dma_start3A_204 : memref<1x128xi32, #tpu.memory_space<vmem>> -> memref<128xi32, #tpu.memory_space<vmem>>
      %dma_start3A_206 = arith.constant 0 : i32
      %dma_start3A_207 = arith.constant 0 : i32
      %dma_start3A_208 = tpu.memref_slice %arg10[%dma_start3A_206, %dma_start3A_207] : memref<10240x64xf32, #tpu.memory_space<vmem_shared>> -> memref<10240x64xf32, #tpu.memory_space<vmem_shared>>
      %dma_start3A_209 = tpu.memref_slice %arg11[%dma_start3A_199] : memref<3x!tpu.dma_semaphore, #tpu.memory_space<semaphore_mem>> -> memref<1x!tpu.dma_semaphore, #tpu.memory_space<semaphore_mem>>
      %dma_start3A_210 = tpu.memref_squeeze %dma_start3A_209 : memref<1x!tpu.dma_semaphore, #tpu.memory_space<semaphore_mem>> -> memref<!tpu.dma_semaphore, #tpu.memory_space<semaphore_mem>>
      tpu.enqueue_indirect_dma source(%dma_start3A_208 : memref<10240x64xf32, #tpu.memory_space<vmem_shared>>) target(%dma_start3A_202 : memref<128x64xf32, #tpu.memory_space<vmem>>) offsets(%dma_start3A_205 : memref<128xi32, #tpu.memory_space<vmem>>) semaphore(%dma_start3A_210 : memref<!tpu.dma_semaphore, #tpu.memory_space<semaphore_mem>>)
      %dma_wait3A_211 = arith.constant 0 : i32
      %dma_wait3A_212 = arith.constant 0 : i32
      %dma_wait3A_213 = arith.constant 0 : i32
      %dma_wait3A_214 = tpu.memref_slice %arg8[%dma_wait3A_212, %dma_wait3A_213] : memref<384x64xf32, #tpu.memory_space<vmem>> -> memref<128x64xf32, #tpu.memory_space<vmem>>
      %dma_wait3A_215 = arith.constant 0 : i32
      %dma_wait3A_216 = tpu.memref_slice %arg6[%add3A_194, %dma_wait3A_215] : memref<81x128xi32, #tpu.memory_space<vmem>> -> memref<1x128xi32, #tpu.memory_space<vmem>>
      %dma_wait3A_217 = tpu.memref_squeeze %dma_wait3A_216 : memref<1x128xi32, #tpu.memory_space<vmem>> -> memref<128xi32, #tpu.memory_space<vmem>>
      %dma_wait3A_218 = arith.constant 0 : i32
      %dma_wait3A_219 = arith.constant 0 : i32
      %dma_wait3A_220 = tpu.memref_slice %arg10[%dma_wait3A_218, %dma_wait3A_219] : memref<10240x64xf32, #tpu.memory_space<vmem_shared>> -> memref<10240x64xf32, #tpu.memory_space<vmem_shared>>
      %dma_wait3A_221 = tpu.memref_slice %arg11[%dma_wait3A_211] : memref<3x!tpu.dma_semaphore, #tpu.memory_space<semaphore_mem>> -> memref<1x!tpu.dma_semaphore, #tpu.memory_space<semaphore_mem>>
      %dma_wait3A_222 = tpu.memref_squeeze %dma_wait3A_221 : memref<1x!tpu.dma_semaphore, #tpu.memory_space<semaphore_mem>> -> memref<!tpu.dma_semaphore, #tpu.memory_space<semaphore_mem>>
      tpu.wait_indirect_dma semaphore(%dma_wait3A_222 : memref<!tpu.dma_semaphore, #tpu.memory_space<semaphore_mem>>) src(%dma_wait3A_220 : memref<10240x64xf32, #tpu.memory_space<vmem_shared>>) dst(%dma_wait3A_214 : memref<128x64xf32, #tpu.memory_space<vmem>>)
      %dma_start3A_223 = arith.constant 0 : i32
      %dma_start3A_224 = arith.constant 0 : i32
      %dma_start3A_225 = arith.constant 0 : i32
      %dma_start3A_226 = tpu.memref_slice %arg8[%dma_start3A_224, %dma_start3A_225] : memref<384x64xf32, #tpu.memory_space<vmem>> -> memref<128x64xf32, #tpu.memory_space<vmem>>
      %dma_start3A_227 = arith.constant 0 : i32
      %dma_start3A_228 = tpu.memref_slice %arg7[%add3A_194, %dma_start3A_227] : memref<81x128xi32, #tpu.memory_space<vmem>> -> memref<1x128xi32, #tpu.memory_space<vmem>>
      %dma_start3A_229 = tpu.memref_squeeze %dma_start3A_228 : memref<1x128xi32, #tpu.memory_space<vmem>> -> memref<128xi32, #tpu.memory_space<vmem>>
      %dma_start3A_230 = arith.constant 0 : i32
      %dma_start3A_231 = arith.constant 0 : i32
      %dma_start3A_232 = tpu.memref_slice %arg9[%dma_start3A_230, %dma_start3A_231] : memref<10240x64xf32, #tpu.memory_space<vmem_shared>> -> memref<10240x64xf32, #tpu.memory_space<vmem_shared>>
      %dma_start3A_233 = tpu.memref_slice %arg12[%dma_start3A_223] : memref<3x!tpu.dma_semaphore, #tpu.memory_space<semaphore_mem>> -> memref<1x!tpu.dma_semaphore, #tpu.memory_space<semaphore_mem>>
      %dma_start3A_234 = tpu.memref_squeeze %dma_start3A_233 : memref<1x!tpu.dma_semaphore, #tpu.memory_space<semaphore_mem>> -> memref<!tpu.dma_semaphore, #tpu.memory_space<semaphore_mem>>
      tpu.enqueue_indirect_dma source(%dma_start3A_226 : memref<128x64xf32, #tpu.memory_space<vmem>>) target(%dma_start3A_232 : memref<10240x64xf32, #tpu.memory_space<vmem_shared>>) offsets(%dma_start3A_229 : memref<128xi32, #tpu.memory_space<vmem>>) semaphore(%dma_start3A_234 : memref<!tpu.dma_semaphore, #tpu.memory_space<semaphore_mem>>) {add = true}
      %mul3A_235 = arith.constant 3 : i32
      %mul3A_236 = arith.muli %scan3A_190, %mul3A_235 : i32
      %add3A_237 = arith.constant 1 : i32
      %add3A_238 = arith.addi %mul3A_236, %add3A_237 : i32
      %gt3A_239 = arith.constant 0 : i32
      %gt3A_240 = arith.cmpi sgt, %scan3A_190, %gt3A_239 : i32
      %convert_element_type3A_241 = arith.extui %gt3A_240 : i1 to i32
      %cond3A_242 = arith.constant 0 : i32
      %cond3A_243 = arith.cmpi ne, %convert_element_type3A_241, %cond3A_242 : i32
      scf.if %cond3A_243 {
        %add3A_314 = arith.constant 1 : i32
        %add3A_315 = arith.addi %add3A_238, %add3A_314 : i32
        %sub3A = arith.constant 3 : i32
        %sub3A_316 = arith.subi %add3A_315, %sub3A : i32
        %dma_wait3A_317 = arith.constant 2 : i32
        %dma_wait3A_318 = arith.constant 256 : i32
        %dma_wait3A_319 = arith.constant 0 : i32
        %dma_wait3A_320 = tpu.memref_slice %arg8[%dma_wait3A_318, %dma_wait3A_319] : memref<384x64xf32, #tpu.memory_space<vmem>> -> memref<128x64xf32, #tpu.memory_space<vmem>>
        %dma_wait3A_321 = arith.constant 0 : i32
        %dma_wait3A_322 = tpu.memref_slice %arg7[%sub3A_316, %dma_wait3A_321] : memref<81x128xi32, #tpu.memory_space<vmem>> -> memref<1x128xi32, #tpu.memory_space<vmem>>
        %dma_wait3A_323 = tpu.memref_squeeze %dma_wait3A_322 : memref<1x128xi32, #tpu.memory_space<vmem>> -> memref<128xi32, #tpu.memory_space<vmem>>
        %dma_wait3A_324 = arith.constant 0 : i32
        %dma_wait3A_325 = arith.constant 0 : i32
        %dma_wait3A_326 = tpu.memref_slice %arg9[%dma_wait3A_324, %dma_wait3A_325] : memref<10240x64xf32, #tpu.memory_space<vmem_shared>> -> memref<10240x64xf32, #tpu.memory_space<vmem_shared>>
        %dma_wait3A_327 = tpu.memref_slice %arg12[%dma_wait3A_317] : memref<3x!tpu.dma_semaphore, #tpu.memory_space<semaphore_mem>> -> memref<1x!tpu.dma_semaphore, #tpu.memory_space<semaphore_mem>>
        %dma_wait3A_328 = tpu.memref_squeeze %dma_wait3A_327 : memref<1x!tpu.dma_semaphore, #tpu.memory_space<semaphore_mem>> -> memref<!tpu.dma_semaphore, #tpu.memory_space<semaphore_mem>>
        tpu.wait_indirect_dma semaphore(%dma_wait3A_328 : memref<!tpu.dma_semaphore, #tpu.memory_space<semaphore_mem>>) src(%dma_wait3A_320 : memref<128x64xf32, #tpu.memory_space<vmem>>) dst(%dma_wait3A_326 : memref<10240x64xf32, #tpu.memory_space<vmem_shared>>)
      } else {
      }
      %add3A_244 = arith.constant 1 : i32
      %add3A_245 = arith.addi %add3A_238, %add3A_244 : i32
      %dma_start3A_246 = arith.constant 2 : i32
      %dma_start3A_247 = arith.constant 256 : i32
      %dma_start3A_248 = arith.constant 0 : i32
      %dma_start3A_249 = tpu.memref_slice %arg8[%dma_start3A_247, %dma_start3A_248] : memref<384x64xf32, #tpu.memory_space<vmem>> -> memref<128x64xf32, #tpu.memory_space<vmem>>
      %dma_start3A_250 = arith.constant 0 : i32
      %dma_start3A_251 = tpu.memref_slice %arg6[%add3A_245, %dma_start3A_250] : memref<81x128xi32, #tpu.memory_space<vmem>> -> memref<1x128xi32, #tpu.memory_space<vmem>>
      %dma_start3A_252 = tpu.memref_squeeze %dma_start3A_251 : memref<1x128xi32, #tpu.memory_space<vmem>> -> memref<128xi32, #tpu.memory_space<vmem>>
      %dma_start3A_253 = arith.constant 0 : i32
      %dma_start3A_254 = arith.constant 0 : i32
      %dma_start3A_255 = tpu.memref_slice %arg10[%dma_start3A_253, %dma_start3A_254] : memref<10240x64xf32, #tpu.memory_space<vmem_shared>> -> memref<10240x64xf32, #tpu.memory_space<vmem_shared>>
      %dma_start3A_256 = tpu.memref_slice %arg11[%dma_start3A_246] : memref<3x!tpu.dma_semaphore, #tpu.memory_space<semaphore_mem>> -> memref<1x!tpu.dma_semaphore, #tpu.memory_space<semaphore_mem>>
      %dma_start3A_257 = tpu.memref_squeeze %dma_start3A_256 : memref<1x!tpu.dma_semaphore, #tpu.memory_space<semaphore_mem>> -> memref<!tpu.dma_semaphore, #tpu.memory_space<semaphore_mem>>
      tpu.enqueue_indirect_dma source(%dma_start3A_255 : memref<10240x64xf32, #tpu.memory_space<vmem_shared>>) target(%dma_start3A_249 : memref<128x64xf32, #tpu.memory_space<vmem>>) offsets(%dma_start3A_252 : memref<128xi32, #tpu.memory_space<vmem>>) semaphore(%dma_start3A_257 : memref<!tpu.dma_semaphore, #tpu.memory_space<semaphore_mem>>)
      %dma_wait3A_258 = arith.constant 1 : i32
      %dma_wait3A_259 = arith.constant 128 : i32
      %dma_wait3A_260 = arith.constant 0 : i32
      %dma_wait3A_261 = tpu.memref_slice %arg8[%dma_wait3A_259, %dma_wait3A_260] : memref<384x64xf32, #tpu.memory_space<vmem>> -> memref<128x64xf32, #tpu.memory_space<vmem>>
      %dma_wait3A_262 = arith.constant 0 : i32
      %dma_wait3A_263 = tpu.memref_slice %arg6[%add3A_238, %dma_wait3A_262] : memref<81x128xi32, #tpu.memory_space<vmem>> -> memref<1x128xi32, #tpu.memory_space<vmem>>
      %dma_wait3A_264 = tpu.memref_squeeze %dma_wait3A_263 : memref<1x128xi32, #tpu.memory_space<vmem>> -> memref<128xi32, #tpu.memory_space<vmem>>
      %dma_wait3A_265 = arith.constant 0 : i32
      %dma_wait3A_266 = arith.constant 0 : i32
      %dma_wait3A_267 = tpu.memref_slice %arg10[%dma_wait3A_265, %dma_wait3A_266] : memref<10240x64xf32, #tpu.memory_space<vmem_shared>> -> memref<10240x64xf32, #tpu.memory_space<vmem_shared>>
      %dma_wait3A_268 = tpu.memref_slice %arg11[%dma_wait3A_258] : memref<3x!tpu.dma_semaphore, #tpu.memory_space<semaphore_mem>> -> memref<1x!tpu.dma_semaphore, #tpu.memory_space<semaphore_mem>>
      %dma_wait3A_269 = tpu.memref_squeeze %dma_wait3A_268 : memref<1x!tpu.dma_semaphore, #tpu.memory_space<semaphore_mem>> -> memref<!tpu.dma_semaphore, #tpu.memory_space<semaphore_mem>>
      tpu.wait_indirect_dma semaphore(%dma_wait3A_269 : memref<!tpu.dma_semaphore, #tpu.memory_space<semaphore_mem>>) src(%dma_wait3A_267 : memref<10240x64xf32, #tpu.memory_space<vmem_shared>>) dst(%dma_wait3A_261 : memref<128x64xf32, #tpu.memory_space<vmem>>)
      %dma_start3A_270 = arith.constant 1 : i32
      %dma_start3A_271 = arith.constant 128 : i32
      %dma_start3A_272 = arith.constant 0 : i32
      %dma_start3A_273 = tpu.memref_slice %arg8[%dma_start3A_271, %dma_start3A_272] : memref<384x64xf32, #tpu.memory_space<vmem>> -> memref<128x64xf32, #tpu.memory_space<vmem>>
      %dma_start3A_274 = arith.constant 0 : i32
      %dma_start3A_275 = tpu.memref_slice %arg7[%add3A_238, %dma_start3A_274] : memref<81x128xi32, #tpu.memory_space<vmem>> -> memref<1x128xi32, #tpu.memory_space<vmem>>
      %dma_start3A_276 = tpu.memref_squeeze %dma_start3A_275 : memref<1x128xi32, #tpu.memory_space<vmem>> -> memref<128xi32, #tpu.memory_space<vmem>>
      %dma_start3A_277 = arith.constant 0 : i32
      %dma_start3A_278 = arith.constant 0 : i32
      %dma_start3A_279 = tpu.memref_slice %arg9[%dma_start3A_277, %dma_start3A_278] : memref<10240x64xf32, #tpu.memory_space<vmem_shared>> -> memref<10240x64xf32, #tpu.memory_space<vmem_shared>>
      %dma_start3A_280 = tpu.memref_slice %arg12[%dma_start3A_270] : memref<3x!tpu.dma_semaphore, #tpu.memory_space<semaphore_mem>> -> memref<1x!tpu.dma_semaphore, #tpu.memory_space<semaphore_mem>>
      %dma_start3A_281 = tpu.memref_squeeze %dma_start3A_280 : memref<1x!tpu.dma_semaphore, #tpu.memory_space<semaphore_mem>> -> memref<!tpu.dma_semaphore, #tpu.memory_space<semaphore_mem>>
      tpu.enqueue_indirect_dma source(%dma_start3A_273 : memref<128x64xf32, #tpu.memory_space<vmem>>) target(%dma_start3A_279 : memref<10240x64xf32, #tpu.memory_space<vmem_shared>>) offsets(%dma_start3A_276 : memref<128xi32, #tpu.memory_space<vmem>>) semaphore(%dma_start3A_281 : memref<!tpu.dma_semaphore, #tpu.memory_space<semaphore_mem>>) {add = true}
      %mul3A_282 = arith.constant 3 : i32
      %mul3A_283 = arith.muli %scan3A_190, %mul3A_282 : i32
      %add3A_284 = arith.constant 2 : i32
      %add3A_285 = arith.addi %mul3A_283, %add3A_284 : i32
      %lt3A = arith.constant 26 : i32
      %lt3A_286 = arith.cmpi slt, %scan3A_190, %lt3A : i32
      %convert_element_type3A_287 = arith.extui %lt3A_286 : i1 to i32
      %cond3A_288 = arith.constant 0 : i32
      %cond3A_289 = arith.cmpi ne, %convert_element_type3A_287, %cond3A_288 : i32
      scf.if %cond3A_289 {
        %add3A_314 = arith.constant 1 : i32
        %add3A_315 = arith.addi %add3A_285, %add3A_314 : i32
        %sub3A = arith.constant 3 : i32
        %sub3A_316 = arith.subi %add3A_315, %sub3A : i32
        %dma_wait3A_317 = arith.constant 0 : i32
        %dma_wait3A_318 = arith.constant 0 : i32
        %dma_wait3A_319 = arith.constant 0 : i32
        %dma_wait3A_320 = tpu.memref_slice %arg8[%dma_wait3A_318, %dma_wait3A_319] : memref<384x64xf32, #tpu.memory_space<vmem>> -> memref<128x64xf32, #tpu.memory_space<vmem>>
        %dma_wait3A_321 = arith.constant 0 : i32
        %dma_wait3A_322 = tpu.memref_slice %arg7[%sub3A_316, %dma_wait3A_321] : memref<81x128xi32, #tpu.memory_space<vmem>> -> memref<1x128xi32, #tpu.memory_space<vmem>>
        %dma_wait3A_323 = tpu.memref_squeeze %dma_wait3A_322 : memref<1x128xi32, #tpu.memory_space<vmem>> -> memref<128xi32, #tpu.memory_space<vmem>>
        %dma_wait3A_324 = arith.constant 0 : i32
        %dma_wait3A_325 = arith.constant 0 : i32
        %dma_wait3A_326 = tpu.memref_slice %arg9[%dma_wait3A_324, %dma_wait3A_325] : memref<10240x64xf32, #tpu.memory_space<vmem_shared>> -> memref<10240x64xf32, #tpu.memory_space<vmem_shared>>
        %dma_wait3A_327 = tpu.memref_slice %arg12[%dma_wait3A_317] : memref<3x!tpu.dma_semaphore, #tpu.memory_space<semaphore_mem>> -> memref<1x!tpu.dma_semaphore, #tpu.memory_space<semaphore_mem>>
        %dma_wait3A_328 = tpu.memref_squeeze %dma_wait3A_327 : memref<1x!tpu.dma_semaphore, #tpu.memory_space<semaphore_mem>> -> memref<!tpu.dma_semaphore, #tpu.memory_space<semaphore_mem>>
        tpu.wait_indirect_dma semaphore(%dma_wait3A_328 : memref<!tpu.dma_semaphore, #tpu.memory_space<semaphore_mem>>) src(%dma_wait3A_320 : memref<128x64xf32, #tpu.memory_space<vmem>>) dst(%dma_wait3A_326 : memref<10240x64xf32, #tpu.memory_space<vmem_shared>>)
        %add3A_329 = arith.constant 1 : i32
        %add3A_330 = arith.addi %add3A_285, %add3A_329 : i32
        %dma_start3A_331 = arith.constant 0 : i32
        %dma_start3A_332 = arith.constant 0 : i32
        %dma_start3A_333 = arith.constant 0 : i32
        %dma_start3A_334 = tpu.memref_slice %arg8[%dma_start3A_332, %dma_start3A_333] : memref<384x64xf32, #tpu.memory_space<vmem>> -> memref<128x64xf32, #tpu.memory_space<vmem>>
        %dma_start3A_335 = arith.constant 0 : i32
        %dma_start3A_336 = tpu.memref_slice %arg6[%add3A_330, %dma_start3A_335] : memref<81x128xi32, #tpu.memory_space<vmem>> -> memref<1x128xi32, #tpu.memory_space<vmem>>
        %dma_start3A_337 = tpu.memref_squeeze %dma_start3A_336 : memref<1x128xi32, #tpu.memory_space<vmem>> -> memref<128xi32, #tpu.memory_space<vmem>>
        %dma_start3A_338 = arith.constant 0 : i32
        %dma_start3A_339 = arith.constant 0 : i32
        %dma_start3A_340 = tpu.memref_slice %arg10[%dma_start3A_338, %dma_start3A_339] : memref<10240x64xf32, #tpu.memory_space<vmem_shared>> -> memref<10240x64xf32, #tpu.memory_space<vmem_shared>>
        %dma_start3A_341 = tpu.memref_slice %arg11[%dma_start3A_331] : memref<3x!tpu.dma_semaphore, #tpu.memory_space<semaphore_mem>> -> memref<1x!tpu.dma_semaphore, #tpu.memory_space<semaphore_mem>>
        %dma_start3A_342 = tpu.memref_squeeze %dma_start3A_341 : memref<1x!tpu.dma_semaphore, #tpu.memory_space<semaphore_mem>> -> memref<!tpu.dma_semaphore, #tpu.memory_space<semaphore_mem>>
        tpu.enqueue_indirect_dma source(%dma_start3A_340 : memref<10240x64xf32, #tpu.memory_space<vmem_shared>>) target(%dma_start3A_334 : memref<128x64xf32, #tpu.memory_space<vmem>>) offsets(%dma_start3A_337 : memref<128xi32, #tpu.memory_space<vmem>>) semaphore(%dma_start3A_342 : memref<!tpu.dma_semaphore, #tpu.memory_space<semaphore_mem>>)
      } else {
      }
      %dma_wait3A_290 = arith.constant 2 : i32
      %dma_wait3A_291 = arith.constant 256 : i32
      %dma_wait3A_292 = arith.constant 0 : i32
      %dma_wait3A_293 = tpu.memref_slice %arg8[%dma_wait3A_291, %dma_wait3A_292] : memref<384x64xf32, #tpu.memory_space<vmem>> -> memref<128x64xf32, #tpu.memory_space<vmem>>
      %dma_wait3A_294 = arith.constant 0 : i32
      %dma_wait3A_295 = tpu.memref_slice %arg6[%add3A_285, %dma_wait3A_294] : memref<81x128xi32, #tpu.memory_space<vmem>> -> memref<1x128xi32, #tpu.memory_space<vmem>>
      %dma_wait3A_296 = tpu.memref_squeeze %dma_wait3A_295 : memref<1x128xi32, #tpu.memory_space<vmem>> -> memref<128xi32, #tpu.memory_space<vmem>>
      %dma_wait3A_297 = arith.constant 0 : i32
      %dma_wait3A_298 = arith.constant 0 : i32
      %dma_wait3A_299 = tpu.memref_slice %arg10[%dma_wait3A_297, %dma_wait3A_298] : memref<10240x64xf32, #tpu.memory_space<vmem_shared>> -> memref<10240x64xf32, #tpu.memory_space<vmem_shared>>
      %dma_wait3A_300 = tpu.memref_slice %arg11[%dma_wait3A_290] : memref<3x!tpu.dma_semaphore, #tpu.memory_space<semaphore_mem>> -> memref<1x!tpu.dma_semaphore, #tpu.memory_space<semaphore_mem>>
      %dma_wait3A_301 = tpu.memref_squeeze %dma_wait3A_300 : memref<1x!tpu.dma_semaphore, #tpu.memory_space<semaphore_mem>> -> memref<!tpu.dma_semaphore, #tpu.memory_space<semaphore_mem>>
      tpu.wait_indirect_dma semaphore(%dma_wait3A_301 : memref<!tpu.dma_semaphore, #tpu.memory_space<semaphore_mem>>) src(%dma_wait3A_299 : memref<10240x64xf32, #tpu.memory_space<vmem_shared>>) dst(%dma_wait3A_293 : memref<128x64xf32, #tpu.memory_space<vmem>>)
      %dma_start3A_302 = arith.constant 2 : i32
      %dma_start3A_303 = arith.constant 256 : i32
      %dma_start3A_304 = arith.constant 0 : i32
      %dma_start3A_305 = tpu.memref_slice %arg8[%dma_start3A_303, %dma_start3A_304] : memref<384x64xf32, #tpu.memory_space<vmem>> -> memref<128x64xf32, #tpu.memory_space<vmem>>
      %dma_start3A_306 = arith.constant 0 : i32
      %dma_start3A_307 = tpu.memref_slice %arg7[%add3A_285, %dma_start3A_306] : memref<81x128xi32, #tpu.memory_space<vmem>> -> memref<1x128xi32, #tpu.memory_space<vmem>>
      %dma_start3A_308 = tpu.memref_squeeze %dma_start3A_307 : memref<1x128xi32, #tpu.memory_space<vmem>> -> memref<128xi32, #tpu.memory_space<vmem>>
      %dma_start3A_309 = arith.constant 0 : i32
      %dma_start3A_310 = arith.constant 0 : i32
      %dma_start3A_311 = tpu.memref_slice %arg9[%dma_start3A_309, %dma_start3A_310] : memref<10240x64xf32, #tpu.memory_space<vmem_shared>> -> memref<10240x64xf32, #tpu.memory_space<vmem_shared>>
      %dma_start3A_312 = tpu.memref_slice %arg12[%dma_start3A_302] : memref<3x!tpu.dma_semaphore, #tpu.memory_space<semaphore_mem>> -> memref<1x!tpu.dma_semaphore, #tpu.memory_space<semaphore_mem>>
      %dma_start3A_313 = tpu.memref_squeeze %dma_start3A_312 : memref<1x!tpu.dma_semaphore, #tpu.memory_space<semaphore_mem>> -> memref<!tpu.dma_semaphore, #tpu.memory_space<semaphore_mem>>
      tpu.enqueue_indirect_dma source(%dma_start3A_305 : memref<128x64xf32, #tpu.memory_space<vmem>>) target(%dma_start3A_311 : memref<10240x64xf32, #tpu.memory_space<vmem_shared>>) offsets(%dma_start3A_308 : memref<128xi32, #tpu.memory_space<vmem>>) semaphore(%dma_start3A_313 : memref<!tpu.dma_semaphore, #tpu.memory_space<semaphore_mem>>) {add = true}
    }
    %scan3A_145 = arith.constant 27 : i32
    %dma_wait3A_146 = arith.constant 78 : i32
    %dma_wait3A_147 = arith.constant 0 : i32
    %dma_wait3A_148 = arith.constant 0 : i32
    %dma_wait3A_149 = arith.constant 0 : i32
    %dma_wait3A_150 = tpu.memref_slice %arg8[%dma_wait3A_148, %dma_wait3A_149] : memref<384x64xf32, #tpu.memory_space<vmem>> -> memref<128x64xf32, #tpu.memory_space<vmem>>
    %dma_wait3A_151 = arith.constant 0 : i32
    %dma_wait3A_152 = tpu.memref_slice %arg7[%dma_wait3A_146, %dma_wait3A_151] : memref<81x128xi32, #tpu.memory_space<vmem>> -> memref<1x128xi32, #tpu.memory_space<vmem>>
    %dma_wait3A_153 = tpu.memref_squeeze %dma_wait3A_152 : memref<1x128xi32, #tpu.memory_space<vmem>> -> memref<128xi32, #tpu.memory_space<vmem>>
    %dma_wait3A_154 = arith.constant 0 : i32
    %dma_wait3A_155 = arith.constant 0 : i32
    %dma_wait3A_156 = tpu.memref_slice %arg9[%dma_wait3A_154, %dma_wait3A_155] : memref<10240x64xf32, #tpu.memory_space<vmem_shared>> -> memref<10240x64xf32, #tpu.memory_space<vmem_shared>>
    %dma_wait3A_157 = tpu.memref_slice %arg12[%dma_wait3A_147] : memref<3x!tpu.dma_semaphore, #tpu.memory_space<semaphore_mem>> -> memref<1x!tpu.dma_semaphore, #tpu.memory_space<semaphore_mem>>
    %dma_wait3A_158 = tpu.memref_squeeze %dma_wait3A_157 : memref<1x!tpu.dma_semaphore, #tpu.memory_space<semaphore_mem>> -> memref<!tpu.dma_semaphore, #tpu.memory_space<semaphore_mem>>
    tpu.wait_indirect_dma semaphore(%dma_wait3A_158 : memref<!tpu.dma_semaphore, #tpu.memory_space<semaphore_mem>>) src(%dma_wait3A_150 : memref<128x64xf32, #tpu.memory_space<vmem>>) dst(%dma_wait3A_156 : memref<10240x64xf32, #tpu.memory_space<vmem_shared>>)
    %dma_wait3A_159 = arith.constant 79 : i32
    %dma_wait3A_160 = arith.constant 1 : i32
    %dma_wait3A_161 = arith.constant 128 : i32
    %dma_wait3A_162 = arith.constant 0 : i32
    %dma_wait3A_163 = tpu.memref_slice %arg8[%dma_wait3A_161, %dma_wait3A_162] : memref<384x64xf32, #tpu.memory_space<vmem>> -> memref<128x64xf32, #tpu.memory_space<vmem>>
    %dma_wait3A_164 = arith.constant 0 : i32
    %dma_wait3A_165 = tpu.memref_slice %arg7[%dma_wait3A_159, %dma_wait3A_164] : memref<81x128xi32, #tpu.memory_space<vmem>> -> memref<1x128xi32, #tpu.memory_space<vmem>>
    %dma_wait3A_166 = tpu.memref_squeeze %dma_wait3A_165 : memref<1x128xi32, #tpu.memory_space<vmem>> -> memref<128xi32, #tpu.memory_space<vmem>>
    %dma_wait3A_167 = arith.constant 0 : i32
    %dma_wait3A_168 = arith.constant 0 : i32
    %dma_wait3A_169 = tpu.memref_slice %arg9[%dma_wait3A_167, %dma_wait3A_168] : memref<10240x64xf32, #tpu.memory_space<vmem_shared>> -> memref<10240x64xf32, #tpu.memory_space<vmem_shared>>
    %dma_wait3A_170 = tpu.memref_slice %arg12[%dma_wait3A_160] : memref<3x!tpu.dma_semaphore, #tpu.memory_space<semaphore_mem>> -> memref<1x!tpu.dma_semaphore, #tpu.memory_space<semaphore_mem>>
    %dma_wait3A_171 = tpu.memref_squeeze %dma_wait3A_170 : memref<1x!tpu.dma_semaphore, #tpu.memory_space<semaphore_mem>> -> memref<!tpu.dma_semaphore, #tpu.memory_space<semaphore_mem>>
    tpu.wait_indirect_dma semaphore(%dma_wait3A_171 : memref<!tpu.dma_semaphore, #tpu.memory_space<semaphore_mem>>) src(%dma_wait3A_163 : memref<128x64xf32, #tpu.memory_space<vmem>>) dst(%dma_wait3A_169 : memref<10240x64xf32, #tpu.memory_space<vmem_shared>>)
    %dma_wait3A_172 = arith.constant 80 : i32
    %dma_wait3A_173 = arith.constant 2 : i32
    %dma_wait3A_174 = arith.constant 256 : i32
    %dma_wait3A_175 = arith.constant 0 : i32
    %dma_wait3A_176 = tpu.memref_slice %arg8[%dma_wait3A_174, %dma_wait3A_175] : memref<384x64xf32, #tpu.memory_space<vmem>> -> memref<128x64xf32, #tpu.memory_space<vmem>>
    %dma_wait3A_177 = arith.constant 0 : i32
    %dma_wait3A_178 = tpu.memref_slice %arg7[%dma_wait3A_172, %dma_wait3A_177] : memref<81x128xi32, #tpu.memory_space<vmem>> -> memref<1x128xi32, #tpu.memory_space<vmem>>
    %dma_wait3A_179 = tpu.memref_squeeze %dma_wait3A_178 : memref<1x128xi32, #tpu.memory_space<vmem>> -> memref<128xi32, #tpu.memory_space<vmem>>
    %dma_wait3A_180 = arith.constant 0 : i32
    %dma_wait3A_181 = arith.constant 0 : i32
    %dma_wait3A_182 = tpu.memref_slice %arg9[%dma_wait3A_180, %dma_wait3A_181] : memref<10240x64xf32, #tpu.memory_space<vmem_shared>> -> memref<10240x64xf32, #tpu.memory_space<vmem_shared>>
    %dma_wait3A_183 = tpu.memref_slice %arg12[%dma_wait3A_173] : memref<3x!tpu.dma_semaphore, #tpu.memory_space<semaphore_mem>> -> memref<1x!tpu.dma_semaphore, #tpu.memory_space<semaphore_mem>>
    %dma_wait3A_184 = tpu.memref_squeeze %dma_wait3A_183 : memref<1x!tpu.dma_semaphore, #tpu.memory_space<semaphore_mem>> -> memref<!tpu.dma_semaphore, #tpu.memory_space<semaphore_mem>>
    tpu.wait_indirect_dma semaphore(%dma_wait3A_184 : memref<!tpu.dma_semaphore, #tpu.memory_space<semaphore_mem>>) src(%dma_wait3A_176 : memref<128x64xf32, #tpu.memory_space<vmem>>) dst(%dma_wait3A_182 : memref<10240x64xf32, #tpu.memory_space<vmem_shared>>)
    %barrier3A_185 = arith.constant 0 : index
    tpu.barrier barrier_id(%barrier3A_185)
    %mul3A_186 = arith.constant 640 : i32
    %mul3A_187 = arith.muli %arg1, %mul3A_186 : i32
    %mul3A_188 = arith.constant 640 : i32
    %mul3A_189 = arith.muli %arg1, %mul3A_188 : i32
    "tpu.region"() ({
      %run_scoped3A = tpu.sem_alloc : memref<!tpu.dma_semaphore, #tpu.memory_space<semaphore_mem>>
      %dma_start3A_190 = arith.constant 0 : i32
      %dma_start3A_191 = tpu.memref_slice %arg5[%arg0, %mul3A_189, %dma_start3A_190] : memref<2x10240x64xf32, #tpu.memory_space<hbm>> -> memref<1x640x64xf32, #tpu.memory_space<hbm>>
      %dma_start3A_192 = tpu.memref_squeeze %dma_start3A_191 : memref<1x640x64xf32, #tpu.memory_space<hbm>> -> memref<640x64xf32, #tpu.memory_space<hbm>>
      %dma_start3A_193 = arith.constant 0 : i32
      %dma_start3A_194 = tpu.memref_slice %arg9[%mul3A_187, %dma_start3A_193] : memref<10240x64xf32, #tpu.memory_space<vmem_shared>> -> memref<640x64xf32, #tpu.memory_space<vmem_shared>>
      tpu.enqueue_dma source(%dma_start3A_194 : memref<640x64xf32, #tpu.memory_space<vmem_shared>>) target(%dma_start3A_192 : memref<640x64xf32, #tpu.memory_space<hbm>>) target_semaphore(%run_scoped3A : memref<!tpu.dma_semaphore, #tpu.memory_space<semaphore_mem>>)
      %dma_wait3A_195 = arith.constant 0 : i32
      %dma_wait3A_196 = tpu.memref_slice %arg5[%arg0, %mul3A_189, %dma_wait3A_195] : memref<2x10240x64xf32, #tpu.memory_space<hbm>> -> memref<1x640x64xf32, #tpu.memory_space<hbm>>
      %dma_wait3A_197 = tpu.memref_squeeze %dma_wait3A_196 : memref<1x640x64xf32, #tpu.memory_space<hbm>> -> memref<640x64xf32, #tpu.memory_space<hbm>>
      %dma_wait3A_198 = arith.constant 0 : i32
      %dma_wait3A_199 = tpu.memref_slice %arg9[%mul3A_187, %dma_wait3A_198] : memref<10240x64xf32, #tpu.memory_space<vmem_shared>> -> memref<640x64xf32, #tpu.memory_space<vmem_shared>>
      tpu.wait_dma2 semaphore(%run_scoped3A : memref<!tpu.dma_semaphore, #tpu.memory_space<semaphore_mem>>) src(%dma_wait3A_199 : memref<640x64xf32, #tpu.memory_space<vmem_shared>>) dst(%dma_wait3A_197 : memref<640x64xf32, #tpu.memory_space<hbm>>)
      tpu.yield
    }) : () -> ()
    return
  }
}

#map = affine_map<(d0, d1) -> (0, 0, 0)>
#map1 = affine_map<(d0, d1) -> (0, 0)>
module attributes {stable_mosaic.version = 14 : i64} {
  func.func @_deg_kernel(%arg0: i32, %arg1: i32, %arg2: memref<32x81x128xi32, #tpu.memory_space<hbm>>, %arg3: memref<128x8xf32, #tpu.memory_space<hbm>>, %arg4: memref<640x8xf32, #tpu.memory_space<hbm>>, %arg5: memref<2x10240x8xf32, #tpu.memory_space<hbm>>, %arg6: memref<81x128xi32, #tpu.memory_space<vmem>>, %arg7: memref<128x8xf32, #tpu.memory_space<vmem>>, %arg8: memref<10240x8xf32, #tpu.memory_space<vmem_shared>>) attributes {dimension_semantics = [#tpu.dimension_semantics<core_parallel>, #tpu.dimension_semantics<subcore_parallel>], iteration_bounds = array<i64: 2, 16>, scalar_prefetch = 0 : i64, scratch_operands = 3 : i64, tpu.core_type = #tpu.core_type<sc_vector_subcore>, window_params = [{transform_indices = #map}, {transform_indices = #map1}, {transform_indices = #map1}, {transform_indices = #map}]} {
    %mul3A = arith.constant 2 : i32
    %mul3A_0 = arith.muli %arg1, %mul3A : i32
    %add3A = arith.addi %mul3A_0, %arg0 : i32
    "tpu.region"() ({
      %run_scoped3A = tpu.sem_alloc : memref<!tpu.dma_semaphore, #tpu.memory_space<semaphore_mem>>
      %dma_start3A = arith.constant 0 : i32
      %dma_start3A_13 = arith.constant 0 : i32
      %dma_start3A_14 = tpu.memref_slice %arg2[%add3A, %dma_start3A, %dma_start3A_13] : memref<32x81x128xi32, #tpu.memory_space<hbm>> -> memref<1x81x128xi32, #tpu.memory_space<hbm>>
      %dma_start3A_15 = tpu.memref_squeeze %dma_start3A_14 : memref<1x81x128xi32, #tpu.memory_space<hbm>> -> memref<81x128xi32, #tpu.memory_space<hbm>>
      %dma_start3A_16 = arith.constant 0 : i32
      %dma_start3A_17 = arith.constant 0 : i32
      %dma_start3A_18 = tpu.memref_slice %arg2[%add3A, %dma_start3A_16, %dma_start3A_17] : memref<32x81x128xi32, #tpu.memory_space<hbm>> -> memref<1x81x128xi32, #tpu.memory_space<hbm>>
      %dma_start3A_19 = tpu.memref_squeeze %dma_start3A_18 : memref<1x81x128xi32, #tpu.memory_space<hbm>> -> memref<81x128xi32, #tpu.memory_space<hbm>>
      tpu.enqueue_dma source(%dma_start3A_19 : memref<81x128xi32, #tpu.memory_space<hbm>>) target(%arg6 : memref<81x128xi32, #tpu.memory_space<vmem>>) target_semaphore(%run_scoped3A : memref<!tpu.dma_semaphore, #tpu.memory_space<semaphore_mem>>)
      %dma_wait3A = arith.constant 0 : i32
      %dma_wait3A_20 = arith.constant 0 : i32
      %dma_wait3A_21 = tpu.memref_slice %arg2[%add3A, %dma_wait3A, %dma_wait3A_20] : memref<32x81x128xi32, #tpu.memory_space<hbm>> -> memref<1x81x128xi32, #tpu.memory_space<hbm>>
      %dma_wait3A_22 = tpu.memref_squeeze %dma_wait3A_21 : memref<1x81x128xi32, #tpu.memory_space<hbm>> -> memref<81x128xi32, #tpu.memory_space<hbm>>
      %dma_wait3A_23 = arith.constant 0 : i32
      %dma_wait3A_24 = arith.constant 0 : i32
      %dma_wait3A_25 = tpu.memref_slice %arg2[%add3A, %dma_wait3A_23, %dma_wait3A_24] : memref<32x81x128xi32, #tpu.memory_space<hbm>> -> memref<1x81x128xi32, #tpu.memory_space<hbm>>
      %dma_wait3A_26 = tpu.memref_squeeze %dma_wait3A_25 : memref<1x81x128xi32, #tpu.memory_space<hbm>> -> memref<81x128xi32, #tpu.memory_space<hbm>>
      tpu.wait_dma2 semaphore(%run_scoped3A : memref<!tpu.dma_semaphore, #tpu.memory_space<semaphore_mem>>) src(%dma_wait3A_26 : memref<81x128xi32, #tpu.memory_space<hbm>>) dst(%arg6 : memref<81x128xi32, #tpu.memory_space<vmem>>)
      tpu.yield
    }) : () -> ()
    "tpu.region"() ({
      %run_scoped3A = tpu.sem_alloc : memref<!tpu.dma_semaphore, #tpu.memory_space<semaphore_mem>>
      tpu.enqueue_dma source(%arg3 : memref<128x8xf32, #tpu.memory_space<hbm>>) target(%arg7 : memref<128x8xf32, #tpu.memory_space<vmem>>) target_semaphore(%run_scoped3A : memref<!tpu.dma_semaphore, #tpu.memory_space<semaphore_mem>>)
      tpu.wait_dma2 semaphore(%run_scoped3A : memref<!tpu.dma_semaphore, #tpu.memory_space<semaphore_mem>>) src(%arg3 : memref<128x8xf32, #tpu.memory_space<hbm>>) dst(%arg7 : memref<128x8xf32, #tpu.memory_space<vmem>>)
      tpu.yield
    }) : () -> ()
    %mul3A_1 = arith.constant 640 : i32
    %mul3A_2 = arith.muli %arg1, %mul3A_1 : i32
    "tpu.region"() ({
      %run_scoped3A = tpu.sem_alloc : memref<!tpu.dma_semaphore, #tpu.memory_space<semaphore_mem>>
      %dma_start3A = arith.constant 0 : i32
      %dma_start3A_13 = tpu.memref_slice %arg8[%mul3A_2, %dma_start3A] : memref<10240x8xf32, #tpu.memory_space<vmem_shared>> -> memref<640x8xf32, #tpu.memory_space<vmem_shared>>
      tpu.enqueue_dma source(%arg4 : memref<640x8xf32, #tpu.memory_space<hbm>>) target(%dma_start3A_13 : memref<640x8xf32, #tpu.memory_space<vmem_shared>>) target_semaphore(%run_scoped3A : memref<!tpu.dma_semaphore, #tpu.memory_space<semaphore_mem>>)
      %dma_wait3A = arith.constant 0 : i32
      %dma_wait3A_14 = tpu.memref_slice %arg8[%mul3A_2, %dma_wait3A] : memref<10240x8xf32, #tpu.memory_space<vmem_shared>> -> memref<640x8xf32, #tpu.memory_space<vmem_shared>>
      tpu.wait_dma2 semaphore(%run_scoped3A : memref<!tpu.dma_semaphore, #tpu.memory_space<semaphore_mem>>) src(%arg4 : memref<640x8xf32, #tpu.memory_space<hbm>>) dst(%dma_wait3A_14 : memref<640x8xf32, #tpu.memory_space<vmem_shared>>)
      tpu.yield
    }) : () -> ()
    %barrier3A = arith.constant 0 : index
    tpu.barrier barrier_id(%barrier3A)
    %scan3A = arith.constant 0 : i32
    %scan3A_3 = arith.constant 0 : i32
    %scan3A_4 = arith.constant 81 : i32
    %scan3A_5 = arith.addi %scan3A_3, %scan3A_4 : i32
    %scan3A_6 = arith.constant 1 : i32
    scf.for %scan3A_13 = %scan3A_3 to %scan3A_5 step %scan3A_6  : i32 {
      "tpu.region"() ({
        %run_scoped3A = tpu.sem_alloc : memref<!tpu.dma_semaphore, #tpu.memory_space<semaphore_mem>>
        %dma_start3A = arith.constant 0 : i32
        %dma_start3A_14 = tpu.memref_slice %arg6[%scan3A_13, %dma_start3A] : memref<81x128xi32, #tpu.memory_space<vmem>> -> memref<1x128xi32, #tpu.memory_space<vmem>>
        %dma_start3A_15 = tpu.memref_squeeze %dma_start3A_14 : memref<1x128xi32, #tpu.memory_space<vmem>> -> memref<128xi32, #tpu.memory_space<vmem>>
        %dma_start3A_16 = arith.constant 0 : i32
        %dma_start3A_17 = arith.constant 0 : i32
        %dma_start3A_18 = tpu.memref_slice %arg8[%dma_start3A_16, %dma_start3A_17] : memref<10240x8xf32, #tpu.memory_space<vmem_shared>> -> memref<10240x8xf32, #tpu.memory_space<vmem_shared>>
        tpu.enqueue_indirect_dma source(%arg7 : memref<128x8xf32, #tpu.memory_space<vmem>>) target(%dma_start3A_18 : memref<10240x8xf32, #tpu.memory_space<vmem_shared>>) offsets(%dma_start3A_15 : memref<128xi32, #tpu.memory_space<vmem>>) semaphore(%run_scoped3A : memref<!tpu.dma_semaphore, #tpu.memory_space<semaphore_mem>>) {add = true}
        %dma_wait3A = arith.constant 0 : i32
        %dma_wait3A_19 = tpu.memref_slice %arg6[%scan3A_13, %dma_wait3A] : memref<81x128xi32, #tpu.memory_space<vmem>> -> memref<1x128xi32, #tpu.memory_space<vmem>>
        %dma_wait3A_20 = tpu.memref_squeeze %dma_wait3A_19 : memref<1x128xi32, #tpu.memory_space<vmem>> -> memref<128xi32, #tpu.memory_space<vmem>>
        %dma_wait3A_21 = arith.constant 0 : i32
        %dma_wait3A_22 = arith.constant 0 : i32
        %dma_wait3A_23 = tpu.memref_slice %arg8[%dma_wait3A_21, %dma_wait3A_22] : memref<10240x8xf32, #tpu.memory_space<vmem_shared>> -> memref<10240x8xf32, #tpu.memory_space<vmem_shared>>
        tpu.wait_indirect_dma semaphore(%run_scoped3A : memref<!tpu.dma_semaphore, #tpu.memory_space<semaphore_mem>>) src(%arg7 : memref<128x8xf32, #tpu.memory_space<vmem>>) dst(%dma_wait3A_23 : memref<10240x8xf32, #tpu.memory_space<vmem_shared>>)
        tpu.yield
      }) : () -> ()
    }
    %scan3A_7 = arith.constant 81 : i32
    %barrier3A_8 = arith.constant 0 : index
    tpu.barrier barrier_id(%barrier3A_8)
    %mul3A_9 = arith.constant 640 : i32
    %mul3A_10 = arith.muli %arg1, %mul3A_9 : i32
    %mul3A_11 = arith.constant 640 : i32
    %mul3A_12 = arith.muli %arg1, %mul3A_11 : i32
    "tpu.region"() ({
      %run_scoped3A = tpu.sem_alloc : memref<!tpu.dma_semaphore, #tpu.memory_space<semaphore_mem>>
      %dma_start3A = arith.constant 0 : i32
      %dma_start3A_13 = tpu.memref_slice %arg5[%arg0, %mul3A_12, %dma_start3A] : memref<2x10240x8xf32, #tpu.memory_space<hbm>> -> memref<1x640x8xf32, #tpu.memory_space<hbm>>
      %dma_start3A_14 = tpu.memref_squeeze %dma_start3A_13 : memref<1x640x8xf32, #tpu.memory_space<hbm>> -> memref<640x8xf32, #tpu.memory_space<hbm>>
      %dma_start3A_15 = arith.constant 0 : i32
      %dma_start3A_16 = tpu.memref_slice %arg8[%mul3A_10, %dma_start3A_15] : memref<10240x8xf32, #tpu.memory_space<vmem_shared>> -> memref<640x8xf32, #tpu.memory_space<vmem_shared>>
      tpu.enqueue_dma source(%dma_start3A_16 : memref<640x8xf32, #tpu.memory_space<vmem_shared>>) target(%dma_start3A_14 : memref<640x8xf32, #tpu.memory_space<hbm>>) target_semaphore(%run_scoped3A : memref<!tpu.dma_semaphore, #tpu.memory_space<semaphore_mem>>)
      %dma_wait3A = arith.constant 0 : i32
      %dma_wait3A_17 = tpu.memref_slice %arg5[%arg0, %mul3A_12, %dma_wait3A] : memref<2x10240x8xf32, #tpu.memory_space<hbm>> -> memref<1x640x8xf32, #tpu.memory_space<hbm>>
      %dma_wait3A_18 = tpu.memref_squeeze %dma_wait3A_17 : memref<1x640x8xf32, #tpu.memory_space<hbm>> -> memref<640x8xf32, #tpu.memory_space<hbm>>
      %dma_wait3A_19 = arith.constant 0 : i32
      %dma_wait3A_20 = tpu.memref_slice %arg8[%mul3A_10, %dma_wait3A_19] : memref<10240x8xf32, #tpu.memory_space<vmem_shared>> -> memref<640x8xf32, #tpu.memory_space<vmem_shared>>
      tpu.wait_dma2 semaphore(%run_scoped3A : memref<!tpu.dma_semaphore, #tpu.memory_space<semaphore_mem>>) src(%dma_wait3A_20 : memref<640x8xf32, #tpu.memory_space<vmem_shared>>) dst(%dma_wait3A_18 : memref<640x8xf32, #tpu.memory_space<hbm>>)
      tpu.yield
    }) : () -> ()
    return
  }
}

#map = affine_map<(d0, d1) -> (0, 0)>
#map1 = affine_map<(d0, d1) -> (0, 0, 0)>
module attributes {stable_mosaic.version = 14 : i64} {
  func.func @agg(%arg0: i32, %arg1: i32, %arg2: memref<10240x64xf32, #tpu.memory_space<hbm>>, %arg3: memref<32x81x128xi32, #tpu.memory_space<hbm>>, %arg4: memref<32x81x128xi32, #tpu.memory_space<hbm>>, %arg5: memref<2x10240x64xf32, #tpu.memory_space<hbm>>, %arg6: memref<81x128xi32, #tpu.memory_space<vmem>>, %arg7: memref<81x128xi32, #tpu.memory_space<vmem>>, %arg8: memref<384x64xf32, #tpu.memory_space<vmem>>, %arg9: memref<10240x64xf32, #tpu.memory_space<vmem_shared>>, %arg10: memref<10240x64xf32, #tpu.memory_space<vmem_shared>>, %arg11: memref<3x!tpu.dma_semaphore, #tpu.memory_space<semaphore_mem>>, %arg12: memref<3x!tpu.dma_semaphore, #tpu.memory_space<semaphore_mem>>) attributes {dimension_semantics = [#tpu.dimension_semantics<core_parallel>, #tpu.dimension_semantics<subcore_parallel>], iteration_bounds = array<i64: 2, 16>, scalar_prefetch = 0 : i64, scratch_operands = 7 : i64, tpu.core_type = #tpu.core_type<sc_vector_subcore>, window_params = [{transform_indices = #map}, {transform_indices = #map1}, {transform_indices = #map1}, {transform_indices = #map1}]} {
    %mul3A = arith.constant 2 : i32
    %mul3A_0 = arith.muli %arg1, %mul3A : i32
    %add3A = arith.addi %mul3A_0, %arg0 : i32
    %dma_start3A = arith.constant 0 : i32
    %dma_start3A_1 = arith.constant 0 : i32
    %dma_start3A_2 = arith.constant 0 : i32
    %dma_start3A_3 = tpu.memref_slice %arg3[%add3A, %dma_start3A_1, %dma_start3A_2] : memref<32x81x128xi32, #tpu.memory_space<hbm>> -> memref<1x81x128xi32, #tpu.memory_space<hbm>>
    %dma_start3A_4 = tpu.memref_squeeze %dma_start3A_3 : memref<1x81x128xi32, #tpu.memory_space<hbm>> -> memref<81x128xi32, #tpu.memory_space<hbm>>
    %dma_start3A_5 = tpu.memref_slice %arg11[%dma_start3A] : memref<3x!tpu.dma_semaphore, #tpu.memory_space<semaphore_mem>> -> memref<1x!tpu.dma_semaphore, #tpu.memory_space<semaphore_mem>>
    %dma_start3A_6 = tpu.memref_squeeze %dma_start3A_5 : memref<1x!tpu.dma_semaphore, #tpu.memory_space<semaphore_mem>> -> memref<!tpu.dma_semaphore, #tpu.memory_space<semaphore_mem>>
    %dma_start3A_7 = arith.constant 0 : i32
    %dma_start3A_8 = arith.constant 0 : i32
    %dma_start3A_9 = tpu.memref_slice %arg3[%add3A, %dma_start3A_7, %dma_start3A_8] : memref<32x81x128xi32, #tpu.memory_space<hbm>> -> memref<1x81x128xi32, #tpu.memory_space<hbm>>
    %dma_start3A_10 = tpu.memref_squeeze %dma_start3A_9 : memref<1x81x128xi32, #tpu.memory_space<hbm>> -> memref<81x128xi32, #tpu.memory_space<hbm>>
    tpu.enqueue_dma source(%dma_start3A_10 : memref<81x128xi32, #tpu.memory_space<hbm>>) target(%arg6 : memref<81x128xi32, #tpu.memory_space<vmem>>) target_semaphore(%dma_start3A_6 : memref<!tpu.dma_semaphore, #tpu.memory_space<semaphore_mem>>)
    %dma_start3A_11 = arith.constant 1 : i32
    %dma_start3A_12 = arith.constant 0 : i32
    %dma_start3A_13 = arith.constant 0 : i32
    %dma_start3A_14 = tpu.memref_slice %arg4[%add3A, %dma_start3A_12, %dma_start3A_13] : memref<32x81x128xi32, #tpu.memory_space<hbm>> -> memref<1x81x128xi32, #tpu.memory_space<hbm>>
    %dma_start3A_15 = tpu.memref_squeeze %dma_start3A_14 : memref<1x81x128xi32, #tpu.memory_space<hbm>> -> memref<81x128xi32, #tpu.memory_space<hbm>>
    %dma_start3A_16 = tpu.memref_slice %arg11[%dma_start3A_11] : memref<3x!tpu.dma_semaphore, #tpu.memory_space<semaphore_mem>> -> memref<1x!tpu.dma_semaphore, #tpu.memory_space<semaphore_mem>>
    %dma_start3A_17 = tpu.memref_squeeze %dma_start3A_16 : memref<1x!tpu.dma_semaphore, #tpu.memory_space<semaphore_mem>> -> memref<!tpu.dma_semaphore, #tpu.memory_space<semaphore_mem>>
    %dma_start3A_18 = arith.constant 0 : i32
    %dma_start3A_19 = arith.constant 0 : i32
    %dma_start3A_20 = tpu.memref_slice %arg4[%add3A, %dma_start3A_18, %dma_start3A_19] : memref<32x81x128xi32, #tpu.memory_space<hbm>> -> memref<1x81x128xi32, #tpu.memory_space<hbm>>
    %dma_start3A_21 = tpu.memref_squeeze %dma_start3A_20 : memref<1x81x128xi32, #tpu.memory_space<hbm>> -> memref<81x128xi32, #tpu.memory_space<hbm>>
    tpu.enqueue_dma source(%dma_start3A_21 : memref<81x128xi32, #tpu.memory_space<hbm>>) target(%arg7 : memref<81x128xi32, #tpu.memory_space<vmem>>) target_semaphore(%dma_start3A_17 : memref<!tpu.dma_semaphore, #tpu.memory_space<semaphore_mem>>)
    %mul3A_22 = arith.constant 640 : i32
    %mul3A_23 = arith.muli %arg1, %mul3A_22 : i32
    %mul3A_24 = arith.constant 640 : i32
    %mul3A_25 = arith.muli %arg1, %mul3A_24 : i32
    %dma_start3A_26 = arith.constant 2 : i32
    %dma_start3A_27 = tpu.memref_slice %arg11[%dma_start3A_26] : memref<3x!tpu.dma_semaphore, #tpu.memory_space<semaphore_mem>> -> memref<1x!tpu.dma_semaphore, #tpu.memory_space<semaphore_mem>>
    %dma_start3A_28 = tpu.memref_squeeze %dma_start3A_27 : memref<1x!tpu.dma_semaphore, #tpu.memory_space<semaphore_mem>> -> memref<!tpu.dma_semaphore, #tpu.memory_space<semaphore_mem>>
    %dma_start3A_29 = arith.constant 0 : i32
    %dma_start3A_30 = tpu.memref_slice %arg10[%mul3A_25, %dma_start3A_29] : memref<10240x64xf32, #tpu.memory_space<vmem_shared>> -> memref<640x64xf32, #tpu.memory_space<vmem_shared>>
    %dma_start3A_31 = arith.constant 0 : i32
    %dma_start3A_32 = tpu.memref_slice %arg2[%mul3A_23, %dma_start3A_31] : memref<10240x64xf32, #tpu.memory_space<hbm>> -> memref<640x64xf32, #tpu.memory_space<hbm>>
    tpu.enqueue_dma source(%dma_start3A_32 : memref<640x64xf32, #tpu.memory_space<hbm>>) target(%dma_start3A_30 : memref<640x64xf32, #tpu.memory_space<vmem_shared>>) target_semaphore(%dma_start3A_28 : memref<!tpu.dma_semaphore, #tpu.memory_space<semaphore_mem>>)
    %broadcast_in_dim3A = arith.constant 0.000000e+00 : f32
    %broadcast_in_dim3A_33 = vector.broadcast %broadcast_in_dim3A : f32 to vector<16xf32>
    %scan3A = arith.constant 0 : i32
    %scan3A_34 = arith.constant 0 : i32
    %scan3A_35 = arith.constant 384 : i32
    %scan3A_36 = arith.addi %scan3A_34, %scan3A_35 : i32
    %scan3A_37 = arith.constant 1 : i32
    scf.for %scan3A_190 = %scan3A_34 to %scan3A_36 step %scan3A_37  : i32 {
      %swap3A = arith.index_cast %scan3A_190 : i32 to index
      %swap3A_191 = arith.constant 0 : index
      %swap3A_192 = tpu.vector_load %arg8[%swap3A, %swap3A_191] {strides = array<i32>} : memref<384x64xf32, #tpu.memory_space<vmem>>, vector<1x16xf32>,
      %swap3A_193 = vector.shape_cast %swap3A_192 : vector<1x16xf32> to vector<16xf32>
      %swap3A_194 = vector.shape_cast %broadcast_in_dim3A_33 : vector<16xf32> to vector<1x16xf32>
      tpu.vector_store %arg8[%swap3A, %swap3A_191], %swap3A_194 {strides = array<i32>} : memref<384x64xf32, #tpu.memory_space<vmem>>, vector<1x16xf32>,
      %swap3A_195 = arith.index_cast %scan3A_190 : i32 to index
      %swap3A_196 = arith.constant 16 : index
      %swap3A_197 = tpu.vector_load %arg8[%swap3A_195, %swap3A_196] {strides = array<i32>} : memref<384x64xf32, #tpu.memory_space<vmem>>, vector<1x16xf32>,
      %swap3A_198 = vector.shape_cast %swap3A_197 : vector<1x16xf32> to vector<16xf32>
      %swap3A_199 = vector.shape_cast %broadcast_in_dim3A_33 : vector<16xf32> to vector<1x16xf32>
      tpu.vector_store %arg8[%swap3A_195, %swap3A_196], %swap3A_199 {strides = array<i32>} : memref<384x64xf32, #tpu.memory_space<vmem>>, vector<1x16xf32>,
      %swap3A_200 = arith.index_cast %scan3A_190 : i32 to index
      %swap3A_201 = arith.constant 32 : index
      %swap3A_202 = tpu.vector_load %arg8[%swap3A_200, %swap3A_201] {strides = array<i32>} : memref<384x64xf32, #tpu.memory_space<vmem>>, vector<1x16xf32>,
      %swap3A_203 = vector.shape_cast %swap3A_202 : vector<1x16xf32> to vector<16xf32>
      %swap3A_204 = vector.shape_cast %broadcast_in_dim3A_33 : vector<16xf32> to vector<1x16xf32>
      tpu.vector_store %arg8[%swap3A_200, %swap3A_201], %swap3A_204 {strides = array<i32>} : memref<384x64xf32, #tpu.memory_space<vmem>>, vector<1x16xf32>,
      %swap3A_205 = arith.index_cast %scan3A_190 : i32 to index
      %swap3A_206 = arith.constant 48 : index
      %swap3A_207 = tpu.vector_load %arg8[%swap3A_205, %swap3A_206] {strides = array<i32>} : memref<384x64xf32, #tpu.memory_space<vmem>>, vector<1x16xf32>,
      %swap3A_208 = vector.shape_cast %swap3A_207 : vector<1x16xf32> to vector<16xf32>
      %swap3A_209 = vector.shape_cast %broadcast_in_dim3A_33 : vector<16xf32> to vector<1x16xf32>
      tpu.vector_store %arg8[%swap3A_205, %swap3A_206], %swap3A_209 {strides = array<i32>} : memref<384x64xf32, #tpu.memory_space<vmem>>, vector<1x16xf32>,
    }
    %scan3A_38 = arith.constant 384 : i32
    %mul3A_39 = arith.constant 640 : i32
    %mul3A_40 = arith.muli %arg1, %mul3A_39 : i32
    %add3A_41 = arith.constant 0 : i32
    %add3A_42 = arith.addi %mul3A_40, %add3A_41 : i32
    %dma_start3A_43 = arith.constant 0 : i32
    %dma_start3A_44 = arith.constant 0 : i32
    %dma_start3A_45 = arith.constant 0 : i32
    %dma_start3A_46 = tpu.memref_slice %arg8[%dma_start3A_44, %dma_start3A_45] : memref<384x64xf32, #tpu.memory_space<vmem>> -> memref<384x64xf32, #tpu.memory_space<vmem>>
    %dma_start3A_47 = arith.constant 0 : i32
    %dma_start3A_48 = tpu.memref_slice %arg9[%add3A_42, %dma_start3A_47] : memref<10240x64xf32, #tpu.memory_space<vmem_shared>> -> memref<384x64xf32, #tpu.memory_space<vmem_shared>>
    %dma_start3A_49 = tpu.memref_slice %arg12[%dma_start3A_43] : memref<3x!tpu.dma_semaphore, #tpu.memory_space<semaphore_mem>> -> memref<1x!tpu.dma_semaphore, #tpu.memory_space<semaphore_mem>>
    %dma_start3A_50 = tpu.memref_squeeze %dma_start3A_49 : memref<1x!tpu.dma_semaphore, #tpu.memory_space<semaphore_mem>> -> memref<!tpu.dma_semaphore, #tpu.memory_space<semaphore_mem>>
    %dma_start3A_51 = arith.constant 0 : i32
    %dma_start3A_52 = tpu.memref_slice %arg9[%add3A_42, %dma_start3A_51] : memref<10240x64xf32, #tpu.memory_space<vmem_shared>> -> memref<384x64xf32, #tpu.memory_space<vmem_shared>>
    %dma_start3A_53 = arith.constant 0 : i32
    %dma_start3A_54 = arith.constant 0 : i32
    %dma_start3A_55 = tpu.memref_slice %arg8[%dma_start3A_53, %dma_start3A_54] : memref<384x64xf32, #tpu.memory_space<vmem>> -> memref<384x64xf32, #tpu.memory_space<vmem>>
    tpu.enqueue_dma source(%dma_start3A_55 : memref<384x64xf32, #tpu.memory_space<vmem>>) target(%dma_start3A_52 : memref<384x64xf32, #tpu.memory_space<vmem_shared>>) target_semaphore(%dma_start3A_50 : memref<!tpu.dma_semaphore, #tpu.memory_space<semaphore_mem>>)
    %mul3A_56 = arith.constant 640 : i32
    %mul3A_57 = arith.muli %arg1, %mul3A_56 : i32
    %add3A_58 = arith.constant 384 : i32
    %add3A_59 = arith.addi %mul3A_57, %add3A_58 : i32
    %dma_start3A_60 = arith.constant 1 : i32
    %dma_start3A_61 = arith.constant 0 : i32
    %dma_start3A_62 = arith.constant 0 : i32
    %dma_start3A_63 = tpu.memref_slice %arg8[%dma_start3A_61, %dma_start3A_62] : memref<384x64xf32, #tpu.memory_space<vmem>> -> memref<256x64xf32, #tpu.memory_space<vmem>>
    %dma_start3A_64 = arith.constant 0 : i32
    %dma_start3A_65 = tpu.memref_slice %arg9[%add3A_59, %dma_start3A_64] : memref<10240x64xf32, #tpu.memory_space<vmem_shared>> -> memref<256x64xf32, #tpu.memory_space<vmem_shared>>
    %dma_start3A_66 = tpu.memref_slice %arg12[%dma_start3A_60] : memref<3x!tpu.dma_semaphore, #tpu.memory_space<semaphore_mem>> -> memref<1x!tpu.dma_semaphore, #tpu.memory_space<semaphore_mem>>
    %dma_start3A_67 = tpu.memref_squeeze %dma_start3A_66 : memref<1x!tpu.dma_semaphore, #tpu.memory_space<semaphore_mem>> -> memref<!tpu.dma_semaphore, #tpu.memory_space<semaphore_mem>>
    %dma_start3A_68 = arith.constant 0 : i32
    %dma_start3A_69 = tpu.memref_slice %arg9[%add3A_59, %dma_start3A_68] : memref<10240x64xf32, #tpu.memory_space<vmem_shared>> -> memref<256x64xf32, #tpu.memory_space<vmem_shared>>
    %dma_start3A_70 = arith.constant 0 : i32
    %dma_start3A_71 = arith.constant 0 : i32
    %dma_start3A_72 = tpu.memref_slice %arg8[%dma_start3A_70, %dma_start3A_71] : memref<384x64xf32, #tpu.memory_space<vmem>> -> memref<256x64xf32, #tpu.memory_space<vmem>>
    tpu.enqueue_dma source(%dma_start3A_72 : memref<256x64xf32, #tpu.memory_space<vmem>>) target(%dma_start3A_69 : memref<256x64xf32, #tpu.memory_space<vmem_shared>>) target_semaphore(%dma_start3A_67 : memref<!tpu.dma_semaphore, #tpu.memory_space<semaphore_mem>>)
    %dma_wait3A = arith.constant 0 : i32
    %dma_wait3A_73 = arith.constant 0 : i32
    %dma_wait3A_74 = arith.constant 0 : i32
    %dma_wait3A_75 = tpu.memref_slice %arg3[%add3A, %dma_wait3A_73, %dma_wait3A_74] : memref<32x81x128xi32, #tpu.memory_space<hbm>> -> memref<1x81x128xi32, #tpu.memory_space<hbm>>
    %dma_wait3A_76 = tpu.memref_squeeze %dma_wait3A_75 : memref<1x81x128xi32, #tpu.memory_space<hbm>> -> memref<81x128xi32, #tpu.memory_space<hbm>>
    %dma_wait3A_77 = tpu.memref_slice %arg11[%dma_wait3A] : memref<3x!tpu.dma_semaphore, #tpu.memory_space<semaphore_mem>> -> memref<1x!tpu.dma_semaphore, #tpu.memory_space<semaphore_mem>>
    %dma_wait3A_78 = tpu.memref_squeeze %dma_wait3A_77 : memref<1x!tpu.dma_semaphore, #tpu.memory_space<semaphore_mem>> -> memref<!tpu.dma_semaphore, #tpu.memory_space<semaphore_mem>>
    %dma_wait3A_79 = arith.constant 0 : i32
    %dma_wait3A_80 = arith.constant 0 : i32
    %dma_wait3A_81 = tpu.memref_slice %arg3[%add3A, %dma_wait3A_79, %dma_wait3A_80] : memref<32x81x128xi32, #tpu.memory_space<hbm>> -> memref<1x81x128xi32, #tpu.memory_space<hbm>>
    %dma_wait3A_82 = tpu.memref_squeeze %dma_wait3A_81 : memref<1x81x128xi32, #tpu.memory_space<hbm>> -> memref<81x128xi32, #tpu.memory_space<hbm>>
    tpu.wait_dma2 semaphore(%dma_wait3A_78 : memref<!tpu.dma_semaphore, #tpu.memory_space<semaphore_mem>>) src(%dma_wait3A_82 : memref<81x128xi32, #tpu.memory_space<hbm>>) dst(%arg6 : memref<81x128xi32, #tpu.memory_space<vmem>>)
    %dma_wait3A_83 = arith.constant 1 : i32
    %dma_wait3A_84 = arith.constant 0 : i32
    %dma_wait3A_85 = arith.constant 0 : i32
    %dma_wait3A_86 = tpu.memref_slice %arg4[%add3A, %dma_wait3A_84, %dma_wait3A_85] : memref<32x81x128xi32, #tpu.memory_space<hbm>> -> memref<1x81x128xi32, #tpu.memory_space<hbm>>
    %dma_wait3A_87 = tpu.memref_squeeze %dma_wait3A_86 : memref<1x81x128xi32, #tpu.memory_space<hbm>> -> memref<81x128xi32, #tpu.memory_space<hbm>>
    %dma_wait3A_88 = tpu.memref_slice %arg11[%dma_wait3A_83] : memref<3x!tpu.dma_semaphore, #tpu.memory_space<semaphore_mem>> -> memref<1x!tpu.dma_semaphore, #tpu.memory_space<semaphore_mem>>
    %dma_wait3A_89 = tpu.memref_squeeze %dma_wait3A_88 : memref<1x!tpu.dma_semaphore, #tpu.memory_space<semaphore_mem>> -> memref<!tpu.dma_semaphore, #tpu.memory_space<semaphore_mem>>
    %dma_wait3A_90 = arith.constant 0 : i32
    %dma_wait3A_91 = arith.constant 0 : i32
    %dma_wait3A_92 = tpu.memref_slice %arg4[%add3A, %dma_wait3A_90, %dma_wait3A_91] : memref<32x81x128xi32, #tpu.memory_space<hbm>> -> memref<1x81x128xi32, #tpu.memory_space<hbm>>
    %dma_wait3A_93 = tpu.memref_squeeze %dma_wait3A_92 : memref<1x81x128xi32, #tpu.memory_space<hbm>> -> memref<81x128xi32, #tpu.memory_space<hbm>>
    tpu.wait_dma2 semaphore(%dma_wait3A_89 : memref<!tpu.dma_semaphore, #tpu.memory_space<semaphore_mem>>) src(%dma_wait3A_93 : memref<81x128xi32, #tpu.memory_space<hbm>>) dst(%arg7 : memref<81x128xi32, #tpu.memory_space<vmem>>)
    %dma_wait3A_94 = arith.constant 2 : i32
    %dma_wait3A_95 = tpu.memref_slice %arg11[%dma_wait3A_94] : memref<3x!tpu.dma_semaphore, #tpu.memory_space<semaphore_mem>> -> memref<1x!tpu.dma_semaphore, #tpu.memory_space<semaphore_mem>>
    %dma_wait3A_96 = tpu.memref_squeeze %dma_wait3A_95 : memref<1x!tpu.dma_semaphore, #tpu.memory_space<semaphore_mem>> -> memref<!tpu.dma_semaphore, #tpu.memory_space<semaphore_mem>>
    %dma_wait3A_97 = arith.constant 0 : i32
    %dma_wait3A_98 = tpu.memref_slice %arg10[%mul3A_25, %dma_wait3A_97] : memref<10240x64xf32, #tpu.memory_space<vmem_shared>> -> memref<640x64xf32, #tpu.memory_space<vmem_shared>>
    %dma_wait3A_99 = arith.constant 0 : i32
    %dma_wait3A_100 = tpu.memref_slice %arg2[%mul3A_23, %dma_wait3A_99] : memref<10240x64xf32, #tpu.memory_space<hbm>> -> memref<640x64xf32, #tpu.memory_space<hbm>>
    tpu.wait_dma2 semaphore(%dma_wait3A_96 : memref<!tpu.dma_semaphore, #tpu.memory_space<semaphore_mem>>) src(%dma_wait3A_100 : memref<640x64xf32, #tpu.memory_space<hbm>>) dst(%dma_wait3A_98 : memref<640x64xf32, #tpu.memory_space<vmem_shared>>)
    %dma_wait3A_101 = arith.constant 0 : i32
    %dma_wait3A_102 = arith.constant 0 : i32
    %dma_wait3A_103 = arith.constant 0 : i32
    %dma_wait3A_104 = tpu.memref_slice %arg8[%dma_wait3A_102, %dma_wait3A_103] : memref<384x64xf32, #tpu.memory_space<vmem>> -> memref<384x64xf32, #tpu.memory_space<vmem>>
    %dma_wait3A_105 = arith.constant 0 : i32
    %dma_wait3A_106 = tpu.memref_slice %arg9[%add3A_42, %dma_wait3A_105] : memref<10240x64xf32, #tpu.memory_space<vmem_shared>> -> memref<384x64xf32, #tpu.memory_space<vmem_shared>>
    %dma_wait3A_107 = tpu.memref_slice %arg12[%dma_wait3A_101] : memref<3x!tpu.dma_semaphore, #tpu.memory_space<semaphore_mem>> -> memref<1x!tpu.dma_semaphore, #tpu.memory_space<semaphore_mem>>
    %dma_wait3A_108 = tpu.memref_squeeze %dma_wait3A_107 : memref<1x!tpu.dma_semaphore, #tpu.memory_space<semaphore_mem>> -> memref<!tpu.dma_semaphore, #tpu.memory_space<semaphore_mem>>
    %dma_wait3A_109 = arith.constant 0 : i32
    %dma_wait3A_110 = tpu.memref_slice %arg9[%add3A_42, %dma_wait3A_109] : memref<10240x64xf32, #tpu.memory_space<vmem_shared>> -> memref<384x64xf32, #tpu.memory_space<vmem_shared>>
    %dma_wait3A_111 = arith.constant 0 : i32
    %dma_wait3A_112 = arith.constant 0 : i32
    %dma_wait3A_113 = tpu.memref_slice %arg8[%dma_wait3A_111, %dma_wait3A_112] : memref<384x64xf32, #tpu.memory_space<vmem>> -> memref<384x64xf32, #tpu.memory_space<vmem>>
    tpu.wait_dma2 semaphore(%dma_wait3A_108 : memref<!tpu.dma_semaphore, #tpu.memory_space<semaphore_mem>>) src(%dma_wait3A_113 : memref<384x64xf32, #tpu.memory_space<vmem>>) dst(%dma_wait3A_110 : memref<384x64xf32, #tpu.memory_space<vmem_shared>>)
    %dma_wait3A_114 = arith.constant 1 : i32
    %dma_wait3A_115 = arith.constant 0 : i32
    %dma_wait3A_116 = arith.constant 0 : i32
    %dma_wait3A_117 = tpu.memref_slice %arg8[%dma_wait3A_115, %dma_wait3A_116] : memref<384x64xf32, #tpu.memory_space<vmem>> -> memref<256x64xf32, #tpu.memory_space<vmem>>
    %dma_wait3A_118 = arith.constant 0 : i32
    %dma_wait3A_119 = tpu.memref_slice %arg9[%add3A_59, %dma_wait3A_118] : memref<10240x64xf32, #tpu.memory_space<vmem_shared>> -> memref<256x64xf32, #tpu.memory_space<vmem_shared>>
    %dma_wait3A_120 = tpu.memref_slice %arg12[%dma_wait3A_114] : memref<3x!tpu.dma_semaphore, #tpu.memory_space<semaphore_mem>> -> memref<1x!tpu.dma_semaphore, #tpu.memory_space<semaphore_mem>>
    %dma_wait3A_121 = tpu.memref_squeeze %dma_wait3A_120 : memref<1x!tpu.dma_semaphore, #tpu.memory_space<semaphore_mem>> -> memref<!tpu.dma_semaphore, #tpu.memory_space<semaphore_mem>>
    %dma_wait3A_122 = arith.constant 0 : i32
    %dma_wait3A_123 = tpu.memref_slice %arg9[%add3A_59, %dma_wait3A_122] : memref<10240x64xf32, #tpu.memory_space<vmem_shared>> -> memref<256x64xf32, #tpu.memory_space<vmem_shared>>
    %dma_wait3A_124 = arith.constant 0 : i32
    %dma_wait3A_125 = arith.constant 0 : i32
    %dma_wait3A_126 = tpu.memref_slice %arg8[%dma_wait3A_124, %dma_wait3A_125] : memref<384x64xf32, #tpu.memory_space<vmem>> -> memref<256x64xf32, #tpu.memory_space<vmem>>
    tpu.wait_dma2 semaphore(%dma_wait3A_121 : memref<!tpu.dma_semaphore, #tpu.memory_space<semaphore_mem>>) src(%dma_wait3A_126 : memref<256x64xf32, #tpu.memory_space<vmem>>) dst(%dma_wait3A_123 : memref<256x64xf32, #tpu.memory_space<vmem_shared>>)
    %barrier3A = arith.constant 0 : index
    tpu.barrier barrier_id(%barrier3A)
    %dma_start3A_127 = arith.constant 0 : i32
    %dma_start3A_128 = arith.constant 0 : i32
    %dma_start3A_129 = arith.constant 0 : i32
    %dma_start3A_130 = arith.constant 0 : i32
    %dma_start3A_131 = tpu.memref_slice %arg8[%dma_start3A_129, %dma_start3A_130] : memref<384x64xf32, #tpu.memory_space<vmem>> -> memref<128x64xf32, #tpu.memory_space<vmem>>
    %dma_start3A_132 = arith.constant 0 : i32
    %dma_start3A_133 = tpu.memref_slice %arg6[%dma_start3A_127, %dma_start3A_132] : memref<81x128xi32, #tpu.memory_space<vmem>> -> memref<1x128xi32, #tpu.memory_space<vmem>>
    %dma_start3A_134 = tpu.memref_squeeze %dma_start3A_133 : memref<1x128xi32, #tpu.memory_space<vmem>> -> memref<128xi32, #tpu.memory_space<vmem>>
    %dma_start3A_135 = arith.constant 0 : i32
    %dma_start3A_136 = arith.constant 0 : i32
    %dma_start3A_137 = tpu.memref_slice %arg10[%dma_start3A_135, %dma_start3A_136] : memref<10240x64xf32, #tpu.memory_space<vmem_shared>> -> memref<10240x64xf32, #tpu.memory_space<vmem_shared>>
    %dma_start3A_138 = tpu.memref_slice %arg11[%dma_start3A_128] : memref<3x!tpu.dma_semaphore, #tpu.memory_space<semaphore_mem>> -> memref<1x!tpu.dma_semaphore, #tpu.memory_space<semaphore_mem>>
    %dma_start3A_139 = tpu.memref_squeeze %dma_start3A_138 : memref<1x!tpu.dma_semaphore, #tpu.memory_space<semaphore_mem>> -> memref<!tpu.dma_semaphore, #tpu.memory_space<semaphore_mem>>
    tpu.enqueue_indirect_dma source(%dma_start3A_137 : memref<10240x64xf32, #tpu.memory_space<vmem_shared>>) target(%dma_start3A_131 : memref<128x64xf32, #tpu.memory_space<vmem>>) offsets(%dma_start3A_134 : memref<128xi32, #tpu.memory_space<vmem>>) semaphore(%dma_start3A_139 : memref<!tpu.dma_semaphore, #tpu.memory_space<semaphore_mem>>)
    %scan3A_140 = arith.constant 0 : i32
    %scan3A_141 = arith.constant 0 : i32
    %scan3A_142 = arith.constant 27 : i32
    %scan3A_143 = arith.addi %scan3A_141, %scan3A_142 : i32
    %scan3A_144 = arith.constant 1 : i32
    scf.for %scan3A_190 = %scan3A_141 to %scan3A_143 step %scan3A_144  : i32 {
      %mul3A_191 = arith.constant 3 : i32
      %mul3A_192 = arith.muli %scan3A_190, %mul3A_191 : i32
      %add3A_193 = arith.constant 0 : i32
      %add3A_194 = arith.addi %mul3A_192, %add3A_193 : i32
      %gt3A = arith.constant 0 : i32
      %gt3A_195 = arith.cmpi sgt, %scan3A_190, %gt3A : i32
      %convert_element_type3A = arith.extui %gt3A_195 : i1 to i32
      %cond3A = arith.constant 0 : i32
      %cond3A_196 = arith.cmpi ne, %convert_element_type3A, %cond3A : i32
      scf.if %cond3A_196 {
        %add3A_314 = arith.constant 1 : i32
        %add3A_315 = arith.addi %add3A_194, %add3A_314 : i32
        %sub3A = arith.constant 3 : i32
        %sub3A_316 = arith.subi %add3A_315, %sub3A : i32
        %dma_wait3A_317 = arith.constant 1 : i32
        %dma_wait3A_318 = arith.constant 128 : i32
        %dma_wait3A_319 = arith.constant 0 : i32
        %dma_wait3A_320 = tpu.memref_slice %arg8[%dma_wait3A_318, %dma_wait3A_319] : memref<384x64xf32, #tpu.memory_space<vmem>> -> memref<128x64xf32, #tpu.memory_space<vmem>>
        %dma_wait3A_321 = arith.constant 0 : i32
        %dma_wait3A_322 = tpu.memref_slice %arg7[%sub3A_316, %dma_wait3A_321] : memref<81x128xi32, #tpu.memory_space<vmem>> -> memref<1x128xi32, #tpu.memory_space<vmem>>
        %dma_wait3A_323 = tpu.memref_squeeze %dma_wait3A_322 : memref<1x128xi32, #tpu.memory_space<vmem>> -> memref<128xi32, #tpu.memory_space<vmem>>
        %dma_wait3A_324 = arith.constant 0 : i32
        %dma_wait3A_325 = arith.constant 0 : i32
        %dma_wait3A_326 = tpu.memref_slice %arg9[%dma_wait3A_324, %dma_wait3A_325] : memref<10240x64xf32, #tpu.memory_space<vmem_shared>> -> memref<10240x64xf32, #tpu.memory_space<vmem_shared>>
        %dma_wait3A_327 = tpu.memref_slice %arg12[%dma_wait3A_317] : memref<3x!tpu.dma_semaphore, #tpu.memory_space<semaphore_mem>> -> memref<1x!tpu.dma_semaphore, #tpu.memory_space<semaphore_mem>>
        %dma_wait3A_328 = tpu.memref_squeeze %dma_wait3A_327 : memref<1x!tpu.dma_semaphore, #tpu.memory_space<semaphore_mem>> -> memref<!tpu.dma_semaphore, #tpu.memory_space<semaphore_mem>>
        tpu.wait_indirect_dma semaphore(%dma_wait3A_328 : memref<!tpu.dma_semaphore, #tpu.memory_space<semaphore_mem>>) src(%dma_wait3A_320 : memref<128x64xf32, #tpu.memory_space<vmem>>) dst(%dma_wait3A_326 : memref<10240x64xf32, #tpu.memory_space<vmem_shared>>)
      } else {
      }
      %add3A_197 = arith.constant 1 : i32
      %add3A_198 = arith.addi %add3A_194, %add3A_197 : i32
      %dma_start3A_199 = arith.constant 1 : i32
      %dma_start3A_200 = arith.constant 128 : i32
      %dma_start3A_201 = arith.constant 0 : i32
      %dma_start3A_202 = tpu.memref_slice %arg8[%dma_start3A_200, %dma_start3A_201] : memref<384x64xf32, #tpu.memory_space<vmem>> -> memref<128x64xf32, #tpu.memory_space<vmem>>
      %dma_start3A_203 = arith.constant 0 : i32
      %dma_start3A_204 = tpu.memref_slice %arg6[%add3A_198, %dma_start3A_203] : memref<81x128xi32, #tpu.memory_space<vmem>> -> memref<1x128xi32, #tpu.memory_space<vmem>>
      %dma_start3A_205 = tpu.memref_squeeze %dma_start3A_204 : memref<1x128xi32, #tpu.memory_space<vmem>> -> memref<128xi32, #tpu.memory_space<vmem>>
      %dma_start3A_206 = arith.constant 0 : i32
      %dma_start3A_207 = arith.constant 0 : i32
      %dma_start3A_208 = tpu.memref_slice %arg10[%dma_start3A_206, %dma_start3A_207] : memref<10240x64xf32, #tpu.memory_space<vmem_shared>> -> memref<10240x64xf32, #tpu.memory_space<vmem_shared>>
      %dma_start3A_209 = tpu.memref_slice %arg11[%dma_start3A_199] : memref<3x!tpu.dma_semaphore, #tpu.memory_space<semaphore_mem>> -> memref<1x!tpu.dma_semaphore, #tpu.memory_space<semaphore_mem>>
      %dma_start3A_210 = tpu.memref_squeeze %dma_start3A_209 : memref<1x!tpu.dma_semaphore, #tpu.memory_space<semaphore_mem>> -> memref<!tpu.dma_semaphore, #tpu.memory_space<semaphore_mem>>
      tpu.enqueue_indirect_dma source(%dma_start3A_208 : memref<10240x64xf32, #tpu.memory_space<vmem_shared>>) target(%dma_start3A_202 : memref<128x64xf32, #tpu.memory_space<vmem>>) offsets(%dma_start3A_205 : memref<128xi32, #tpu.memory_space<vmem>>) semaphore(%dma_start3A_210 : memref<!tpu.dma_semaphore, #tpu.memory_space<semaphore_mem>>)
      %dma_wait3A_211 = arith.constant 0 : i32
      %dma_wait3A_212 = arith.constant 0 : i32
      %dma_wait3A_213 = arith.constant 0 : i32
      %dma_wait3A_214 = tpu.memref_slice %arg8[%dma_wait3A_212, %dma_wait3A_213] : memref<384x64xf32, #tpu.memory_space<vmem>> -> memref<128x64xf32, #tpu.memory_space<vmem>>
      %dma_wait3A_215 = arith.constant 0 : i32
      %dma_wait3A_216 = tpu.memref_slice %arg6[%add3A_194, %dma_wait3A_215] : memref<81x128xi32, #tpu.memory_space<vmem>> -> memref<1x128xi32, #tpu.memory_space<vmem>>
      %dma_wait3A_217 = tpu.memref_squeeze %dma_wait3A_216 : memref<1x128xi32, #tpu.memory_space<vmem>> -> memref<128xi32, #tpu.memory_space<vmem>>
      %dma_wait3A_218 = arith.constant 0 : i32
      %dma_wait3A_219 = arith.constant 0 : i32
      %dma_wait3A_220 = tpu.memref_slice %arg10[%dma_wait3A_218, %dma_wait3A_219] : memref<10240x64xf32, #tpu.memory_space<vmem_shared>> -> memref<10240x64xf32, #tpu.memory_space<vmem_shared>>
      %dma_wait3A_221 = tpu.memref_slice %arg11[%dma_wait3A_211] : memref<3x!tpu.dma_semaphore, #tpu.memory_space<semaphore_mem>> -> memref<1x!tpu.dma_semaphore, #tpu.memory_space<semaphore_mem>>
      %dma_wait3A_222 = tpu.memref_squeeze %dma_wait3A_221 : memref<1x!tpu.dma_semaphore, #tpu.memory_space<semaphore_mem>> -> memref<!tpu.dma_semaphore, #tpu.memory_space<semaphore_mem>>
      tpu.wait_indirect_dma semaphore(%dma_wait3A_222 : memref<!tpu.dma_semaphore, #tpu.memory_space<semaphore_mem>>) src(%dma_wait3A_220 : memref<10240x64xf32, #tpu.memory_space<vmem_shared>>) dst(%dma_wait3A_214 : memref<128x64xf32, #tpu.memory_space<vmem>>)
      %dma_start3A_223 = arith.constant 0 : i32
      %dma_start3A_224 = arith.constant 0 : i32
      %dma_start3A_225 = arith.constant 0 : i32
      %dma_start3A_226 = tpu.memref_slice %arg8[%dma_start3A_224, %dma_start3A_225] : memref<384x64xf32, #tpu.memory_space<vmem>> -> memref<128x64xf32, #tpu.memory_space<vmem>>
      %dma_start3A_227 = arith.constant 0 : i32
      %dma_start3A_228 = tpu.memref_slice %arg7[%add3A_194, %dma_start3A_227] : memref<81x128xi32, #tpu.memory_space<vmem>> -> memref<1x128xi32, #tpu.memory_space<vmem>>
      %dma_start3A_229 = tpu.memref_squeeze %dma_start3A_228 : memref<1x128xi32, #tpu.memory_space<vmem>> -> memref<128xi32, #tpu.memory_space<vmem>>
      %dma_start3A_230 = arith.constant 0 : i32
      %dma_start3A_231 = arith.constant 0 : i32
      %dma_start3A_232 = tpu.memref_slice %arg9[%dma_start3A_230, %dma_start3A_231] : memref<10240x64xf32, #tpu.memory_space<vmem_shared>> -> memref<10240x64xf32, #tpu.memory_space<vmem_shared>>
      %dma_start3A_233 = tpu.memref_slice %arg12[%dma_start3A_223] : memref<3x!tpu.dma_semaphore, #tpu.memory_space<semaphore_mem>> -> memref<1x!tpu.dma_semaphore, #tpu.memory_space<semaphore_mem>>
      %dma_start3A_234 = tpu.memref_squeeze %dma_start3A_233 : memref<1x!tpu.dma_semaphore, #tpu.memory_space<semaphore_mem>> -> memref<!tpu.dma_semaphore, #tpu.memory_space<semaphore_mem>>
      tpu.enqueue_indirect_dma source(%dma_start3A_226 : memref<128x64xf32, #tpu.memory_space<vmem>>) target(%dma_start3A_232 : memref<10240x64xf32, #tpu.memory_space<vmem_shared>>) offsets(%dma_start3A_229 : memref<128xi32, #tpu.memory_space<vmem>>) semaphore(%dma_start3A_234 : memref<!tpu.dma_semaphore, #tpu.memory_space<semaphore_mem>>) {add = true}
      %mul3A_235 = arith.constant 3 : i32
      %mul3A_236 = arith.muli %scan3A_190, %mul3A_235 : i32
      %add3A_237 = arith.constant 1 : i32
      %add3A_238 = arith.addi %mul3A_236, %add3A_237 : i32
      %gt3A_239 = arith.constant 0 : i32
      %gt3A_240 = arith.cmpi sgt, %scan3A_190, %gt3A_239 : i32
      %convert_element_type3A_241 = arith.extui %gt3A_240 : i1 to i32
      %cond3A_242 = arith.constant 0 : i32
      %cond3A_243 = arith.cmpi ne, %convert_element_type3A_241, %cond3A_242 : i32
      scf.if %cond3A_243 {
        %add3A_314 = arith.constant 1 : i32
        %add3A_315 = arith.addi %add3A_238, %add3A_314 : i32
        %sub3A = arith.constant 3 : i32
        %sub3A_316 = arith.subi %add3A_315, %sub3A : i32
        %dma_wait3A_317 = arith.constant 2 : i32
        %dma_wait3A_318 = arith.constant 256 : i32
        %dma_wait3A_319 = arith.constant 0 : i32
        %dma_wait3A_320 = tpu.memref_slice %arg8[%dma_wait3A_318, %dma_wait3A_319] : memref<384x64xf32, #tpu.memory_space<vmem>> -> memref<128x64xf32, #tpu.memory_space<vmem>>
        %dma_wait3A_321 = arith.constant 0 : i32
        %dma_wait3A_322 = tpu.memref_slice %arg7[%sub3A_316, %dma_wait3A_321] : memref<81x128xi32, #tpu.memory_space<vmem>> -> memref<1x128xi32, #tpu.memory_space<vmem>>
        %dma_wait3A_323 = tpu.memref_squeeze %dma_wait3A_322 : memref<1x128xi32, #tpu.memory_space<vmem>> -> memref<128xi32, #tpu.memory_space<vmem>>
        %dma_wait3A_324 = arith.constant 0 : i32
        %dma_wait3A_325 = arith.constant 0 : i32
        %dma_wait3A_326 = tpu.memref_slice %arg9[%dma_wait3A_324, %dma_wait3A_325] : memref<10240x64xf32, #tpu.memory_space<vmem_shared>> -> memref<10240x64xf32, #tpu.memory_space<vmem_shared>>
        %dma_wait3A_327 = tpu.memref_slice %arg12[%dma_wait3A_317] : memref<3x!tpu.dma_semaphore, #tpu.memory_space<semaphore_mem>> -> memref<1x!tpu.dma_semaphore, #tpu.memory_space<semaphore_mem>>
        %dma_wait3A_328 = tpu.memref_squeeze %dma_wait3A_327 : memref<1x!tpu.dma_semaphore, #tpu.memory_space<semaphore_mem>> -> memref<!tpu.dma_semaphore, #tpu.memory_space<semaphore_mem>>
        tpu.wait_indirect_dma semaphore(%dma_wait3A_328 : memref<!tpu.dma_semaphore, #tpu.memory_space<semaphore_mem>>) src(%dma_wait3A_320 : memref<128x64xf32, #tpu.memory_space<vmem>>) dst(%dma_wait3A_326 : memref<10240x64xf32, #tpu.memory_space<vmem_shared>>)
      } else {
      }
      %add3A_244 = arith.constant 1 : i32
      %add3A_245 = arith.addi %add3A_238, %add3A_244 : i32
      %dma_start3A_246 = arith.constant 2 : i32
      %dma_start3A_247 = arith.constant 256 : i32
      %dma_start3A_248 = arith.constant 0 : i32
      %dma_start3A_249 = tpu.memref_slice %arg8[%dma_start3A_247, %dma_start3A_248] : memref<384x64xf32, #tpu.memory_space<vmem>> -> memref<128x64xf32, #tpu.memory_space<vmem>>
      %dma_start3A_250 = arith.constant 0 : i32
      %dma_start3A_251 = tpu.memref_slice %arg6[%add3A_245, %dma_start3A_250] : memref<81x128xi32, #tpu.memory_space<vmem>> -> memref<1x128xi32, #tpu.memory_space<vmem>>
      %dma_start3A_252 = tpu.memref_squeeze %dma_start3A_251 : memref<1x128xi32, #tpu.memory_space<vmem>> -> memref<128xi32, #tpu.memory_space<vmem>>
      %dma_start3A_253 = arith.constant 0 : i32
      %dma_start3A_254 = arith.constant 0 : i32
      %dma_start3A_255 = tpu.memref_slice %arg10[%dma_start3A_253, %dma_start3A_254] : memref<10240x64xf32, #tpu.memory_space<vmem_shared>> -> memref<10240x64xf32, #tpu.memory_space<vmem_shared>>
      %dma_start3A_256 = tpu.memref_slice %arg11[%dma_start3A_246] : memref<3x!tpu.dma_semaphore, #tpu.memory_space<semaphore_mem>> -> memref<1x!tpu.dma_semaphore, #tpu.memory_space<semaphore_mem>>
      %dma_start3A_257 = tpu.memref_squeeze %dma_start3A_256 : memref<1x!tpu.dma_semaphore, #tpu.memory_space<semaphore_mem>> -> memref<!tpu.dma_semaphore, #tpu.memory_space<semaphore_mem>>
      tpu.enqueue_indirect_dma source(%dma_start3A_255 : memref<10240x64xf32, #tpu.memory_space<vmem_shared>>) target(%dma_start3A_249 : memref<128x64xf32, #tpu.memory_space<vmem>>) offsets(%dma_start3A_252 : memref<128xi32, #tpu.memory_space<vmem>>) semaphore(%dma_start3A_257 : memref<!tpu.dma_semaphore, #tpu.memory_space<semaphore_mem>>)
      %dma_wait3A_258 = arith.constant 1 : i32
      %dma_wait3A_259 = arith.constant 128 : i32
      %dma_wait3A_260 = arith.constant 0 : i32
      %dma_wait3A_261 = tpu.memref_slice %arg8[%dma_wait3A_259, %dma_wait3A_260] : memref<384x64xf32, #tpu.memory_space<vmem>> -> memref<128x64xf32, #tpu.memory_space<vmem>>
      %dma_wait3A_262 = arith.constant 0 : i32
      %dma_wait3A_263 = tpu.memref_slice %arg6[%add3A_238, %dma_wait3A_262] : memref<81x128xi32, #tpu.memory_space<vmem>> -> memref<1x128xi32, #tpu.memory_space<vmem>>
      %dma_wait3A_264 = tpu.memref_squeeze %dma_wait3A_263 : memref<1x128xi32, #tpu.memory_space<vmem>> -> memref<128xi32, #tpu.memory_space<vmem>>
      %dma_wait3A_265 = arith.constant 0 : i32
      %dma_wait3A_266 = arith.constant 0 : i32
      %dma_wait3A_267 = tpu.memref_slice %arg10[%dma_wait3A_265, %dma_wait3A_266] : memref<10240x64xf32, #tpu.memory_space<vmem_shared>> -> memref<10240x64xf32, #tpu.memory_space<vmem_shared>>
      %dma_wait3A_268 = tpu.memref_slice %arg11[%dma_wait3A_258] : memref<3x!tpu.dma_semaphore, #tpu.memory_space<semaphore_mem>> -> memref<1x!tpu.dma_semaphore, #tpu.memory_space<semaphore_mem>>
      %dma_wait3A_269 = tpu.memref_squeeze %dma_wait3A_268 : memref<1x!tpu.dma_semaphore, #tpu.memory_space<semaphore_mem>> -> memref<!tpu.dma_semaphore, #tpu.memory_space<semaphore_mem>>
      tpu.wait_indirect_dma semaphore(%dma_wait3A_269 : memref<!tpu.dma_semaphore, #tpu.memory_space<semaphore_mem>>) src(%dma_wait3A_267 : memref<10240x64xf32, #tpu.memory_space<vmem_shared>>) dst(%dma_wait3A_261 : memref<128x64xf32, #tpu.memory_space<vmem>>)
      %dma_start3A_270 = arith.constant 1 : i32
      %dma_start3A_271 = arith.constant 128 : i32
      %dma_start3A_272 = arith.constant 0 : i32
      %dma_start3A_273 = tpu.memref_slice %arg8[%dma_start3A_271, %dma_start3A_272] : memref<384x64xf32, #tpu.memory_space<vmem>> -> memref<128x64xf32, #tpu.memory_space<vmem>>
      %dma_start3A_274 = arith.constant 0 : i32
      %dma_start3A_275 = tpu.memref_slice %arg7[%add3A_238, %dma_start3A_274] : memref<81x128xi32, #tpu.memory_space<vmem>> -> memref<1x128xi32, #tpu.memory_space<vmem>>
      %dma_start3A_276 = tpu.memref_squeeze %dma_start3A_275 : memref<1x128xi32, #tpu.memory_space<vmem>> -> memref<128xi32, #tpu.memory_space<vmem>>
      %dma_start3A_277 = arith.constant 0 : i32
      %dma_start3A_278 = arith.constant 0 : i32
      %dma_start3A_279 = tpu.memref_slice %arg9[%dma_start3A_277, %dma_start3A_278] : memref<10240x64xf32, #tpu.memory_space<vmem_shared>> -> memref<10240x64xf32, #tpu.memory_space<vmem_shared>>
      %dma_start3A_280 = tpu.memref_slice %arg12[%dma_start3A_270] : memref<3x!tpu.dma_semaphore, #tpu.memory_space<semaphore_mem>> -> memref<1x!tpu.dma_semaphore, #tpu.memory_space<semaphore_mem>>
      %dma_start3A_281 = tpu.memref_squeeze %dma_start3A_280 : memref<1x!tpu.dma_semaphore, #tpu.memory_space<semaphore_mem>> -> memref<!tpu.dma_semaphore, #tpu.memory_space<semaphore_mem>>
      tpu.enqueue_indirect_dma source(%dma_start3A_273 : memref<128x64xf32, #tpu.memory_space<vmem>>) target(%dma_start3A_279 : memref<10240x64xf32, #tpu.memory_space<vmem_shared>>) offsets(%dma_start3A_276 : memref<128xi32, #tpu.memory_space<vmem>>) semaphore(%dma_start3A_281 : memref<!tpu.dma_semaphore, #tpu.memory_space<semaphore_mem>>) {add = true}
      %mul3A_282 = arith.constant 3 : i32
      %mul3A_283 = arith.muli %scan3A_190, %mul3A_282 : i32
      %add3A_284 = arith.constant 2 : i32
      %add3A_285 = arith.addi %mul3A_283, %add3A_284 : i32
      %lt3A = arith.constant 26 : i32
      %lt3A_286 = arith.cmpi slt, %scan3A_190, %lt3A : i32
      %convert_element_type3A_287 = arith.extui %lt3A_286 : i1 to i32
      %cond3A_288 = arith.constant 0 : i32
      %cond3A_289 = arith.cmpi ne, %convert_element_type3A_287, %cond3A_288 : i32
      scf.if %cond3A_289 {
        %add3A_314 = arith.constant 1 : i32
        %add3A_315 = arith.addi %add3A_285, %add3A_314 : i32
        %sub3A = arith.constant 3 : i32
        %sub3A_316 = arith.subi %add3A_315, %sub3A : i32
        %dma_wait3A_317 = arith.constant 0 : i32
        %dma_wait3A_318 = arith.constant 0 : i32
        %dma_wait3A_319 = arith.constant 0 : i32
        %dma_wait3A_320 = tpu.memref_slice %arg8[%dma_wait3A_318, %dma_wait3A_319] : memref<384x64xf32, #tpu.memory_space<vmem>> -> memref<128x64xf32, #tpu.memory_space<vmem>>
        %dma_wait3A_321 = arith.constant 0 : i32
        %dma_wait3A_322 = tpu.memref_slice %arg7[%sub3A_316, %dma_wait3A_321] : memref<81x128xi32, #tpu.memory_space<vmem>> -> memref<1x128xi32, #tpu.memory_space<vmem>>
        %dma_wait3A_323 = tpu.memref_squeeze %dma_wait3A_322 : memref<1x128xi32, #tpu.memory_space<vmem>> -> memref<128xi32, #tpu.memory_space<vmem>>
        %dma_wait3A_324 = arith.constant 0 : i32
        %dma_wait3A_325 = arith.constant 0 : i32
        %dma_wait3A_326 = tpu.memref_slice %arg9[%dma_wait3A_324, %dma_wait3A_325] : memref<10240x64xf32, #tpu.memory_space<vmem_shared>> -> memref<10240x64xf32, #tpu.memory_space<vmem_shared>>
        %dma_wait3A_327 = tpu.memref_slice %arg12[%dma_wait3A_317] : memref<3x!tpu.dma_semaphore, #tpu.memory_space<semaphore_mem>> -> memref<1x!tpu.dma_semaphore, #tpu.memory_space<semaphore_mem>>
        %dma_wait3A_328 = tpu.memref_squeeze %dma_wait3A_327 : memref<1x!tpu.dma_semaphore, #tpu.memory_space<semaphore_mem>> -> memref<!tpu.dma_semaphore, #tpu.memory_space<semaphore_mem>>
        tpu.wait_indirect_dma semaphore(%dma_wait3A_328 : memref<!tpu.dma_semaphore, #tpu.memory_space<semaphore_mem>>) src(%dma_wait3A_320 : memref<128x64xf32, #tpu.memory_space<vmem>>) dst(%dma_wait3A_326 : memref<10240x64xf32, #tpu.memory_space<vmem_shared>>)
        %add3A_329 = arith.constant 1 : i32
        %add3A_330 = arith.addi %add3A_285, %add3A_329 : i32
        %dma_start3A_331 = arith.constant 0 : i32
        %dma_start3A_332 = arith.constant 0 : i32
        %dma_start3A_333 = arith.constant 0 : i32
        %dma_start3A_334 = tpu.memref_slice %arg8[%dma_start3A_332, %dma_start3A_333] : memref<384x64xf32, #tpu.memory_space<vmem>> -> memref<128x64xf32, #tpu.memory_space<vmem>>
        %dma_start3A_335 = arith.constant 0 : i32
        %dma_start3A_336 = tpu.memref_slice %arg6[%add3A_330, %dma_start3A_335] : memref<81x128xi32, #tpu.memory_space<vmem>> -> memref<1x128xi32, #tpu.memory_space<vmem>>
        %dma_start3A_337 = tpu.memref_squeeze %dma_start3A_336 : memref<1x128xi32, #tpu.memory_space<vmem>> -> memref<128xi32, #tpu.memory_space<vmem>>
        %dma_start3A_338 = arith.constant 0 : i32
        %dma_start3A_339 = arith.constant 0 : i32
        %dma_start3A_340 = tpu.memref_slice %arg10[%dma_start3A_338, %dma_start3A_339] : memref<10240x64xf32, #tpu.memory_space<vmem_shared>> -> memref<10240x64xf32, #tpu.memory_space<vmem_shared>>
        %dma_start3A_341 = tpu.memref_slice %arg11[%dma_start3A_331] : memref<3x!tpu.dma_semaphore, #tpu.memory_space<semaphore_mem>> -> memref<1x!tpu.dma_semaphore, #tpu.memory_space<semaphore_mem>>
        %dma_start3A_342 = tpu.memref_squeeze %dma_start3A_341 : memref<1x!tpu.dma_semaphore, #tpu.memory_space<semaphore_mem>> -> memref<!tpu.dma_semaphore, #tpu.memory_space<semaphore_mem>>
        tpu.enqueue_indirect_dma source(%dma_start3A_340 : memref<10240x64xf32, #tpu.memory_space<vmem_shared>>) target(%dma_start3A_334 : memref<128x64xf32, #tpu.memory_space<vmem>>) offsets(%dma_start3A_337 : memref<128xi32, #tpu.memory_space<vmem>>) semaphore(%dma_start3A_342 : memref<!tpu.dma_semaphore, #tpu.memory_space<semaphore_mem>>)
      } else {
      }
      %dma_wait3A_290 = arith.constant 2 : i32
      %dma_wait3A_291 = arith.constant 256 : i32
      %dma_wait3A_292 = arith.constant 0 : i32
      %dma_wait3A_293 = tpu.memref_slice %arg8[%dma_wait3A_291, %dma_wait3A_292] : memref<384x64xf32, #tpu.memory_space<vmem>> -> memref<128x64xf32, #tpu.memory_space<vmem>>
      %dma_wait3A_294 = arith.constant 0 : i32
      %dma_wait3A_295 = tpu.memref_slice %arg6[%add3A_285, %dma_wait3A_294] : memref<81x128xi32, #tpu.memory_space<vmem>> -> memref<1x128xi32, #tpu.memory_space<vmem>>
      %dma_wait3A_296 = tpu.memref_squeeze %dma_wait3A_295 : memref<1x128xi32, #tpu.memory_space<vmem>> -> memref<128xi32, #tpu.memory_space<vmem>>
      %dma_wait3A_297 = arith.constant 0 : i32
      %dma_wait3A_298 = arith.constant 0 : i32
      %dma_wait3A_299 = tpu.memref_slice %arg10[%dma_wait3A_297, %dma_wait3A_298] : memref<10240x64xf32, #tpu.memory_space<vmem_shared>> -> memref<10240x64xf32, #tpu.memory_space<vmem_shared>>
      %dma_wait3A_300 = tpu.memref_slice %arg11[%dma_wait3A_290] : memref<3x!tpu.dma_semaphore, #tpu.memory_space<semaphore_mem>> -> memref<1x!tpu.dma_semaphore, #tpu.memory_space<semaphore_mem>>
      %dma_wait3A_301 = tpu.memref_squeeze %dma_wait3A_300 : memref<1x!tpu.dma_semaphore, #tpu.memory_space<semaphore_mem>> -> memref<!tpu.dma_semaphore, #tpu.memory_space<semaphore_mem>>
      tpu.wait_indirect_dma semaphore(%dma_wait3A_301 : memref<!tpu.dma_semaphore, #tpu.memory_space<semaphore_mem>>) src(%dma_wait3A_299 : memref<10240x64xf32, #tpu.memory_space<vmem_shared>>) dst(%dma_wait3A_293 : memref<128x64xf32, #tpu.memory_space<vmem>>)
      %dma_start3A_302 = arith.constant 2 : i32
      %dma_start3A_303 = arith.constant 256 : i32
      %dma_start3A_304 = arith.constant 0 : i32
      %dma_start3A_305 = tpu.memref_slice %arg8[%dma_start3A_303, %dma_start3A_304] : memref<384x64xf32, #tpu.memory_space<vmem>> -> memref<128x64xf32, #tpu.memory_space<vmem>>
      %dma_start3A_306 = arith.constant 0 : i32
      %dma_start3A_307 = tpu.memref_slice %arg7[%add3A_285, %dma_start3A_306] : memref<81x128xi32, #tpu.memory_space<vmem>> -> memref<1x128xi32, #tpu.memory_space<vmem>>
      %dma_start3A_308 = tpu.memref_squeeze %dma_start3A_307 : memref<1x128xi32, #tpu.memory_space<vmem>> -> memref<128xi32, #tpu.memory_space<vmem>>
      %dma_start3A_309 = arith.constant 0 : i32
      %dma_start3A_310 = arith.constant 0 : i32
      %dma_start3A_311 = tpu.memref_slice %arg9[%dma_start3A_309, %dma_start3A_310] : memref<10240x64xf32, #tpu.memory_space<vmem_shared>> -> memref<10240x64xf32, #tpu.memory_space<vmem_shared>>
      %dma_start3A_312 = tpu.memref_slice %arg12[%dma_start3A_302] : memref<3x!tpu.dma_semaphore, #tpu.memory_space<semaphore_mem>> -> memref<1x!tpu.dma_semaphore, #tpu.memory_space<semaphore_mem>>
      %dma_start3A_313 = tpu.memref_squeeze %dma_start3A_312 : memref<1x!tpu.dma_semaphore, #tpu.memory_space<semaphore_mem>> -> memref<!tpu.dma_semaphore, #tpu.memory_space<semaphore_mem>>
      tpu.enqueue_indirect_dma source(%dma_start3A_305 : memref<128x64xf32, #tpu.memory_space<vmem>>) target(%dma_start3A_311 : memref<10240x64xf32, #tpu.memory_space<vmem_shared>>) offsets(%dma_start3A_308 : memref<128xi32, #tpu.memory_space<vmem>>) semaphore(%dma_start3A_313 : memref<!tpu.dma_semaphore, #tpu.memory_space<semaphore_mem>>) {add = true}
    }
    %scan3A_145 = arith.constant 27 : i32
    %dma_wait3A_146 = arith.constant 78 : i32
    %dma_wait3A_147 = arith.constant 0 : i32
    %dma_wait3A_148 = arith.constant 0 : i32
    %dma_wait3A_149 = arith.constant 0 : i32
    %dma_wait3A_150 = tpu.memref_slice %arg8[%dma_wait3A_148, %dma_wait3A_149] : memref<384x64xf32, #tpu.memory_space<vmem>> -> memref<128x64xf32, #tpu.memory_space<vmem>>
    %dma_wait3A_151 = arith.constant 0 : i32
    %dma_wait3A_152 = tpu.memref_slice %arg7[%dma_wait3A_146, %dma_wait3A_151] : memref<81x128xi32, #tpu.memory_space<vmem>> -> memref<1x128xi32, #tpu.memory_space<vmem>>
    %dma_wait3A_153 = tpu.memref_squeeze %dma_wait3A_152 : memref<1x128xi32, #tpu.memory_space<vmem>> -> memref<128xi32, #tpu.memory_space<vmem>>
    %dma_wait3A_154 = arith.constant 0 : i32
    %dma_wait3A_155 = arith.constant 0 : i32
    %dma_wait3A_156 = tpu.memref_slice %arg9[%dma_wait3A_154, %dma_wait3A_155] : memref<10240x64xf32, #tpu.memory_space<vmem_shared>> -> memref<10240x64xf32, #tpu.memory_space<vmem_shared>>
    %dma_wait3A_157 = tpu.memref_slice %arg12[%dma_wait3A_147] : memref<3x!tpu.dma_semaphore, #tpu.memory_space<semaphore_mem>> -> memref<1x!tpu.dma_semaphore, #tpu.memory_space<semaphore_mem>>
    %dma_wait3A_158 = tpu.memref_squeeze %dma_wait3A_157 : memref<1x!tpu.dma_semaphore, #tpu.memory_space<semaphore_mem>> -> memref<!tpu.dma_semaphore, #tpu.memory_space<semaphore_mem>>
    tpu.wait_indirect_dma semaphore(%dma_wait3A_158 : memref<!tpu.dma_semaphore, #tpu.memory_space<semaphore_mem>>) src(%dma_wait3A_150 : memref<128x64xf32, #tpu.memory_space<vmem>>) dst(%dma_wait3A_156 : memref<10240x64xf32, #tpu.memory_space<vmem_shared>>)
    %dma_wait3A_159 = arith.constant 79 : i32
    %dma_wait3A_160 = arith.constant 1 : i32
    %dma_wait3A_161 = arith.constant 128 : i32
    %dma_wait3A_162 = arith.constant 0 : i32
    %dma_wait3A_163 = tpu.memref_slice %arg8[%dma_wait3A_161, %dma_wait3A_162] : memref<384x64xf32, #tpu.memory_space<vmem>> -> memref<128x64xf32, #tpu.memory_space<vmem>>
    %dma_wait3A_164 = arith.constant 0 : i32
    %dma_wait3A_165 = tpu.memref_slice %arg7[%dma_wait3A_159, %dma_wait3A_164] : memref<81x128xi32, #tpu.memory_space<vmem>> -> memref<1x128xi32, #tpu.memory_space<vmem>>
    %dma_wait3A_166 = tpu.memref_squeeze %dma_wait3A_165 : memref<1x128xi32, #tpu.memory_space<vmem>> -> memref<128xi32, #tpu.memory_space<vmem>>
    %dma_wait3A_167 = arith.constant 0 : i32
    %dma_wait3A_168 = arith.constant 0 : i32
    %dma_wait3A_169 = tpu.memref_slice %arg9[%dma_wait3A_167, %dma_wait3A_168] : memref<10240x64xf32, #tpu.memory_space<vmem_shared>> -> memref<10240x64xf32, #tpu.memory_space<vmem_shared>>
    %dma_wait3A_170 = tpu.memref_slice %arg12[%dma_wait3A_160] : memref<3x!tpu.dma_semaphore, #tpu.memory_space<semaphore_mem>> -> memref<1x!tpu.dma_semaphore, #tpu.memory_space<semaphore_mem>>
    %dma_wait3A_171 = tpu.memref_squeeze %dma_wait3A_170 : memref<1x!tpu.dma_semaphore, #tpu.memory_space<semaphore_mem>> -> memref<!tpu.dma_semaphore, #tpu.memory_space<semaphore_mem>>
    tpu.wait_indirect_dma semaphore(%dma_wait3A_171 : memref<!tpu.dma_semaphore, #tpu.memory_space<semaphore_mem>>) src(%dma_wait3A_163 : memref<128x64xf32, #tpu.memory_space<vmem>>) dst(%dma_wait3A_169 : memref<10240x64xf32, #tpu.memory_space<vmem_shared>>)
    %dma_wait3A_172 = arith.constant 80 : i32
    %dma_wait3A_173 = arith.constant 2 : i32
    %dma_wait3A_174 = arith.constant 256 : i32
    %dma_wait3A_175 = arith.constant 0 : i32
    %dma_wait3A_176 = tpu.memref_slice %arg8[%dma_wait3A_174, %dma_wait3A_175] : memref<384x64xf32, #tpu.memory_space<vmem>> -> memref<128x64xf32, #tpu.memory_space<vmem>>
    %dma_wait3A_177 = arith.constant 0 : i32
    %dma_wait3A_178 = tpu.memref_slice %arg7[%dma_wait3A_172, %dma_wait3A_177] : memref<81x128xi32, #tpu.memory_space<vmem>> -> memref<1x128xi32, #tpu.memory_space<vmem>>
    %dma_wait3A_179 = tpu.memref_squeeze %dma_wait3A_178 : memref<1x128xi32, #tpu.memory_space<vmem>> -> memref<128xi32, #tpu.memory_space<vmem>>
    %dma_wait3A_180 = arith.constant 0 : i32
    %dma_wait3A_181 = arith.constant 0 : i32
    %dma_wait3A_182 = tpu.memref_slice %arg9[%dma_wait3A_180, %dma_wait3A_181] : memref<10240x64xf32, #tpu.memory_space<vmem_shared>> -> memref<10240x64xf32, #tpu.memory_space<vmem_shared>>
    %dma_wait3A_183 = tpu.memref_slice %arg12[%dma_wait3A_173] : memref<3x!tpu.dma_semaphore, #tpu.memory_space<semaphore_mem>> -> memref<1x!tpu.dma_semaphore, #tpu.memory_space<semaphore_mem>>
    %dma_wait3A_184 = tpu.memref_squeeze %dma_wait3A_183 : memref<1x!tpu.dma_semaphore, #tpu.memory_space<semaphore_mem>> -> memref<!tpu.dma_semaphore, #tpu.memory_space<semaphore_mem>>
    tpu.wait_indirect_dma semaphore(%dma_wait3A_184 : memref<!tpu.dma_semaphore, #tpu.memory_space<semaphore_mem>>) src(%dma_wait3A_176 : memref<128x64xf32, #tpu.memory_space<vmem>>) dst(%dma_wait3A_182 : memref<10240x64xf32, #tpu.memory_space<vmem_shared>>)
    %barrier3A_185 = arith.constant 0 : index
    tpu.barrier barrier_id(%barrier3A_185)
    %mul3A_186 = arith.constant 640 : i32
    %mul3A_187 = arith.muli %arg1, %mul3A_186 : i32
    %mul3A_188 = arith.constant 640 : i32
    %mul3A_189 = arith.muli %arg1, %mul3A_188 : i32
    "tpu.region"() ({
      %run_scoped3A = tpu.sem_alloc : memref<!tpu.dma_semaphore, #tpu.memory_space<semaphore_mem>>
      %dma_start3A_190 = arith.constant 0 : i32
      %dma_start3A_191 = tpu.memref_slice %arg5[%arg0, %mul3A_189, %dma_start3A_190] : memref<2x10240x64xf32, #tpu.memory_space<hbm>> -> memref<1x640x64xf32, #tpu.memory_space<hbm>>
      %dma_start3A_192 = tpu.memref_squeeze %dma_start3A_191 : memref<1x640x64xf32, #tpu.memory_space<hbm>> -> memref<640x64xf32, #tpu.memory_space<hbm>>
      %dma_start3A_193 = arith.constant 0 : i32
      %dma_start3A_194 = tpu.memref_slice %arg9[%mul3A_187, %dma_start3A_193] : memref<10240x64xf32, #tpu.memory_space<vmem_shared>> -> memref<640x64xf32, #tpu.memory_space<vmem_shared>>
      tpu.enqueue_dma source(%dma_start3A_194 : memref<640x64xf32, #tpu.memory_space<vmem_shared>>) target(%dma_start3A_192 : memref<640x64xf32, #tpu.memory_space<hbm>>) target_semaphore(%run_scoped3A : memref<!tpu.dma_semaphore, #tpu.memory_space<semaphore_mem>>)
      %dma_wait3A_195 = arith.constant 0 : i32
      %dma_wait3A_196 = tpu.memref_slice %arg5[%arg0, %mul3A_189, %dma_wait3A_195] : memref<2x10240x64xf32, #tpu.memory_space<hbm>> -> memref<1x640x64xf32, #tpu.memory_space<hbm>>
      %dma_wait3A_197 = tpu.memref_squeeze %dma_wait3A_196 : memref<1x640x64xf32, #tpu.memory_space<hbm>> -> memref<640x64xf32, #tpu.memory_space<hbm>>
      %dma_wait3A_198 = arith.constant 0 : i32
      %dma_wait3A_199 = tpu.memref_slice %arg9[%mul3A_187, %dma_wait3A_198] : memref<10240x64xf32, #tpu.memory_space<vmem_shared>> -> memref<640x64xf32, #tpu.memory_space<vmem_shared>>
      tpu.wait_dma2 semaphore(%run_scoped3A : memref<!tpu.dma_semaphore, #tpu.memory_space<semaphore_mem>>) src(%dma_wait3A_199 : memref<640x64xf32, #tpu.memory_space<vmem_shared>>) dst(%dma_wait3A_197 : memref<640x64xf32, #tpu.memory_space<hbm>>)
      tpu.yield
    }) : () -> ()
    return
  }
}

module attributes {stable_mosaic.version = 14 : i64} {
  func.func @body(%arg0: i32, %arg1: memref<2x10240x8xf32, #tpu.memory_space<vmem>>, %arg2: memref<10240x128xf32, #tpu.memory_space<vmem>>, %arg3: memref<128x64xf32, #tpu.memory_space<vmem>>, %arg4: memref<10240x64xf32, #tpu.memory_space<vmem>>, %arg5: memref<10240x8xf32, #tpu.memory_space<vmem>>) attributes {dimension_semantics = [#tpu.dimension_semantics<arbitrary>], iteration_bounds = array<i64: 1>, scalar_prefetch = 0 : i64, scratch_operands = 0 : i64, tpu.core_type = #tpu.core_type<tc>, window_params = [{transform_indices = @transform_0, window_bounds = array<i64: 2, 10240, 8>}, {transform_indices = @transform_1, window_bounds = array<i64: 10240, 128>}, {pipeline_mode = #tpu.pipeline_mode<synchronous>, transform_indices = @transform_2, window_bounds = array<i64: 128, 64>}, {transform_indices = @transform_3, window_bounds = array<i64: 10240, 64>}, {transform_indices = @transform_4, window_bounds = array<i64: 10240, 8>}]} {
    %get3A = arith.constant 0 : index
    %get3A_0 = arith.constant 0 : index
    %get3A_1 = arith.constant 0 : index
    %get3A_2 = vector.load %arg1[%get3A, %get3A_0, %get3A_1] : memref<2x10240x8xf32, #tpu.memory_space<vmem>>, vector<1x10240x1xf32>
    %get3A_3 = vector.shape_cast %get3A_2 : vector<1x10240x1xf32> to vector<10240x1xf32>
    %get3A_4 = arith.constant 1 : index
    %get3A_5 = arith.constant 0 : index
    %get3A_6 = arith.constant 0 : index
    %get3A_7 = vector.load %arg1[%get3A_4, %get3A_5, %get3A_6] : memref<2x10240x8xf32, #tpu.memory_space<vmem>>, vector<1x10240x1xf32>
    %get3A_8 = vector.shape_cast %get3A_7 : vector<1x10240x1xf32> to vector<10240x1xf32>
    %add3A = arith.addf %get3A_3, %get3A_8 : vector<10240x1xf32>
    %max3A = arith.constant 1.000000e+00 : f32
    %max3A_9 = vector.broadcast %max3A : f32 to vector<10240x1xf32>
    %max3A_10 = arith.maximumf %add3A, %max3A_9 : vector<10240x1xf32>
    %rsqrt3A = math.rsqrt %max3A_10 : vector<10240x1xf32>
    %get3A_11 = arith.constant 0 : index
    %get3A_12 = arith.constant 0 : index
    %get3A_13 = vector.load %arg2[%get3A_11, %get3A_12] : memref<10240x128xf32, #tpu.memory_space<vmem>>, vector<10240x128xf32>
    %get3A_14 = arith.constant 0 : index
    %get3A_15 = arith.constant 0 : index
    %get3A_16 = vector.load %arg3[%get3A_14, %get3A_15] : memref<128x64xf32, #tpu.memory_space<vmem>>, vector<128x64xf32>
    %dot_general3A = arith.constant dense<0.000000e+00> : vector<10240x64xf32>
    %dot_general3A_17 = tpu.matmul %get3A_13, %get3A_16, %dot_general3A {dimension_numbers = #tpu.dot_dimension_numbers<[1], [0], [0], [1], [0, 0, 1, 1], [], []>, transpose_lhs_hint = false} : vector<10240x128xf32>, vector<128x64xf32>, vector<10240x64xf32> -> vector<10240x64xf32>
    %mul3A = vector.broadcast %rsqrt3A : vector<10240x1xf32> to vector<10240x64xf32>
    %mul3A_18 = arith.mulf %dot_general3A_17, %mul3A : vector<10240x64xf32>
    %swap3A = arith.constant 0 : index
    %swap3A_19 = arith.constant 0 : index
    %swap3A_20 = vector.load %arg4[%swap3A, %swap3A_19] : memref<10240x64xf32, #tpu.memory_space<vmem>>, vector<10240x64xf32>
    tpu.vector_store %arg4[%swap3A, %swap3A_19], %mul3A_18 {strides = array<i32>} : memref<10240x64xf32, #tpu.memory_space<vmem>>, vector<10240x64xf32>,
    %broadcast_in_dim3A = vector.shape_cast %rsqrt3A : vector<10240x1xf32> to vector<10240x1xf32>
    %broadcast_in_dim3A_21 = vector.broadcast %broadcast_in_dim3A : vector<10240x1xf32> to vector<10240x8xf32>
    %swap3A_22 = arith.constant 0 : index
    %swap3A_23 = arith.constant 0 : index
    %swap3A_24 = vector.load %arg5[%swap3A_22, %swap3A_23] : memref<10240x8xf32, #tpu.memory_space<vmem>>, vector<10240x8xf32>
    tpu.vector_store %arg5[%swap3A_22, %swap3A_23], %broadcast_in_dim3A_21 {strides = array<i32>} : memref<10240x8xf32, #tpu.memory_space<vmem>>, vector<10240x8xf32>,
    return
  }
  func.func @transform_0(%arg0: i32) -> (i32, i32, i32) {
    %c0_i32 = arith.constant 0 : i32
    %c0_i32_0 = arith.constant 0 : i32
    %c0_i32_1 = arith.constant 0 : i32
    return %c0_i32, %arg0, %c0_i32_0 : i32, i32, i32
  }
  func.func @transform_1(%arg0: i32) -> (i32, i32) {
    %c0_i32 = arith.constant 0 : i32
    %c0_i32_0 = arith.constant 0 : i32
    return %arg0, %c0_i32 : i32, i32
  }
  func.func @transform_2(%arg0: i32) -> (i32, i32) {
    %c0_i32 = arith.constant 0 : i32
    %c0_i32_0 = arith.constant 0 : i32
    %c0_i32_1 = arith.constant 0 : i32
    return %c0_i32, %c0_i32_0 : i32, i32
  }
  func.func @transform_3(%arg0: i32) -> (i32, i32) {
    %c0_i32 = arith.constant 0 : i32
    %c0_i32_0 = arith.constant 0 : i32
    return %arg0, %c0_i32 : i32, i32
  }
  func.func @transform_4(%arg0: i32) -> (i32, i32) {
    %c0_i32 = arith.constant 0 : i32
    %c0_i32_0 = arith.constant 0 : i32
    return %arg0, %c0_i32 : i32, i32
  }
}

module attributes {stable_mosaic.version = 14 : i64} {
  func.func @body(%arg0: i32, %arg1: memref<2x10240x64xf32, #tpu.memory_space<vmem>>, %arg2: memref<10240x8xf32, #tpu.memory_space<vmem>>, %arg3: memref<1x64xf32, #tpu.memory_space<vmem>>, %arg4: memref<64x32xf32, #tpu.memory_space<vmem>>, %arg5: memref<10240x32xf32, #tpu.memory_space<vmem>>) attributes {dimension_semantics = [#tpu.dimension_semantics<arbitrary>], iteration_bounds = array<i64: 1>, scalar_prefetch = 0 : i64, scratch_operands = 0 : i64, tpu.core_type = #tpu.core_type<tc>, window_params = [{transform_indices = @transform_0, window_bounds = array<i64: 2, 10240, 64>}, {transform_indices = @transform_1, window_bounds = array<i64: 10240, 8>}, {pipeline_mode = #tpu.pipeline_mode<synchronous>, transform_indices = @transform_2, window_bounds = array<i64: 1, 64>}, {pipeline_mode = #tpu.pipeline_mode<synchronous>, transform_indices = @transform_3, window_bounds = array<i64: 64, 32>}, {transform_indices = @transform_4, window_bounds = array<i64: 10240, 32>}]} {
    %get3A = arith.constant 0 : index
    %get3A_0 = arith.constant 0 : index
    %get3A_1 = vector.load %arg2[%get3A, %get3A_0] : memref<10240x8xf32, #tpu.memory_space<vmem>>, vector<10240x1xf32>
    %get3A_2 = arith.constant 0 : index
    %get3A_3 = arith.constant 0 : index
    %get3A_4 = arith.constant 0 : index
    %get3A_5 = vector.load %arg1[%get3A_2, %get3A_3, %get3A_4] : memref<2x10240x64xf32, #tpu.memory_space<vmem>>, vector<1x10240x64xf32>
    %get3A_6 = vector.shape_cast %get3A_5 : vector<1x10240x64xf32> to vector<10240x64xf32>
    %get3A_7 = arith.constant 1 : index
    %get3A_8 = arith.constant 0 : index
    %get3A_9 = arith.constant 0 : index
    %get3A_10 = vector.load %arg1[%get3A_7, %get3A_8, %get3A_9] : memref<2x10240x64xf32, #tpu.memory_space<vmem>>, vector<1x10240x64xf32>
    %get3A_11 = vector.shape_cast %get3A_10 : vector<1x10240x64xf32> to vector<10240x64xf32>
    %add3A = arith.addf %get3A_6, %get3A_11 : vector<10240x64xf32>
    %mul3A = vector.broadcast %get3A_1 : vector<10240x1xf32> to vector<10240x64xf32>
    %mul3A_12 = arith.mulf %mul3A, %add3A : vector<10240x64xf32>
    %get3A_13 = arith.constant 0 : index
    %get3A_14 = arith.constant 0 : index
    %get3A_15 = vector.load %arg3[%get3A_13, %get3A_14] : memref<1x64xf32, #tpu.memory_space<vmem>>, vector<1x64xf32>
    %add3A_16 = vector.broadcast %get3A_15 : vector<1x64xf32> to vector<10240x64xf32>
    %add3A_17 = arith.addf %mul3A_12, %add3A_16 : vector<10240x64xf32>
    %max3A = arith.constant 0.000000e+00 : f32
    %max3A_18 = vector.broadcast %max3A : f32 to vector<10240x64xf32>
    %max3A_19 = arith.maximumf %add3A_17, %max3A_18 : vector<10240x64xf32>
    %get3A_20 = arith.constant 0 : index
    %get3A_21 = arith.constant 0 : index
    %get3A_22 = vector.load %arg4[%get3A_20, %get3A_21] : memref<64x32xf32, #tpu.memory_space<vmem>>, vector<64x32xf32>
    %dot_general3A = arith.constant dense<0.000000e+00> : vector<10240x32xf32>
    %dot_general3A_23 = tpu.matmul %max3A_19, %get3A_22, %dot_general3A {dimension_numbers = #tpu.dot_dimension_numbers<[1], [0], [0], [1], [0, 0, 1, 1], [], []>, transpose_lhs_hint = false} : vector<10240x64xf32>, vector<64x32xf32>, vector<10240x32xf32> -> vector<10240x32xf32>
    %mul3A_24 = vector.broadcast %get3A_1 : vector<10240x1xf32> to vector<10240x32xf32>
    %mul3A_25 = arith.mulf %dot_general3A_23, %mul3A_24 : vector<10240x32xf32>
    %swap3A = arith.constant 0 : index
    %swap3A_26 = arith.constant 0 : index
    %swap3A_27 = vector.load %arg5[%swap3A, %swap3A_26] : memref<10240x32xf32, #tpu.memory_space<vmem>>, vector<10240x32xf32>
    tpu.vector_store %arg5[%swap3A, %swap3A_26], %mul3A_25 {strides = array<i32>} : memref<10240x32xf32, #tpu.memory_space<vmem>>, vector<10240x32xf32>,
    return
  }
  func.func @transform_0(%arg0: i32) -> (i32, i32, i32) {
    %c0_i32 = arith.constant 0 : i32
    %c0_i32_0 = arith.constant 0 : i32
    %c0_i32_1 = arith.constant 0 : i32
    return %c0_i32, %arg0, %c0_i32_0 : i32, i32, i32
  }
  func.func @transform_1(%arg0: i32) -> (i32, i32) {
    %c0_i32 = arith.constant 0 : i32
    %c0_i32_0 = arith.constant 0 : i32
    return %arg0, %c0_i32 : i32, i32
  }
  func.func @transform_2(%arg0: i32) -> (i32, i32) {
    %c0_i32 = arith.constant 0 : i32
    %c0_i32_0 = arith.constant 0 : i32
    %c0_i32_1 = arith.constant 0 : i32
    return %c0_i32, %c0_i32_0 : i32, i32
  }
  func.func @transform_3(%arg0: i32) -> (i32, i32) {
    %c0_i32 = arith.constant 0 : i32
    %c0_i32_0 = arith.constant 0 : i32
    %c0_i32_1 = arith.constant 0 : i32
    return %c0_i32, %c0_i32_0 : i32, i32
  }
  func.func @transform_4(%arg0: i32) -> (i32, i32) {
    %c0_i32 = arith.constant 0 : i32
    %c0_i32_0 = arith.constant 0 : i32
    return %arg0, %c0_i32 : i32, i32
  }
}

module attributes {stable_mosaic.version = 14 : i64} {
  func.func @body(%arg0: i32, %arg1: memref<2x10240x32xf32, #tpu.memory_space<vmem>>, %arg2: memref<10240x8xf32, #tpu.memory_space<vmem>>, %arg3: memref<1x32xf32, #tpu.memory_space<vmem>>, %arg4: memref<32x64xf32, #tpu.memory_space<vmem>>, %arg5: memref<10240x64xf32, #tpu.memory_space<vmem>>, %arg6: memref<10240x32xf32, #tpu.memory_space<vmem>>) attributes {dimension_semantics = [#tpu.dimension_semantics<arbitrary>], iteration_bounds = array<i64: 1>, scalar_prefetch = 0 : i64, scratch_operands = 0 : i64, tpu.core_type = #tpu.core_type<tc>, window_params = [{transform_indices = @transform_0, window_bounds = array<i64: 2, 10240, 32>}, {transform_indices = @transform_1, window_bounds = array<i64: 10240, 8>}, {pipeline_mode = #tpu.pipeline_mode<synchronous>, transform_indices = @transform_2, window_bounds = array<i64: 1, 32>}, {pipeline_mode = #tpu.pipeline_mode<synchronous>, transform_indices = @transform_3, window_bounds = array<i64: 32, 64>}, {transform_indices = @transform_4, window_bounds = array<i64: 10240, 64>}, {transform_indices = @transform_5, window_bounds = array<i64: 10240, 32>}]} {
    %get3A = arith.constant 0 : index
    %get3A_0 = arith.constant 0 : index
    %get3A_1 = vector.load %arg2[%get3A, %get3A_0] : memref<10240x8xf32, #tpu.memory_space<vmem>>, vector<10240x1xf32>
    %get3A_2 = arith.constant 0 : index
    %get3A_3 = arith.constant 0 : index
    %get3A_4 = arith.constant 0 : index
    %get3A_5 = vector.load %arg1[%get3A_2, %get3A_3, %get3A_4] : memref<2x10240x32xf32, #tpu.memory_space<vmem>>, vector<1x10240x32xf32>
    %get3A_6 = vector.shape_cast %get3A_5 : vector<1x10240x32xf32> to vector<10240x32xf32>
    %get3A_7 = arith.constant 1 : index
    %get3A_8 = arith.constant 0 : index
    %get3A_9 = arith.constant 0 : index
    %get3A_10 = vector.load %arg1[%get3A_7, %get3A_8, %get3A_9] : memref<2x10240x32xf32, #tpu.memory_space<vmem>>, vector<1x10240x32xf32>
    %get3A_11 = vector.shape_cast %get3A_10 : vector<1x10240x32xf32> to vector<10240x32xf32>
    %add3A = arith.addf %get3A_6, %get3A_11 : vector<10240x32xf32>
    %mul3A = vector.broadcast %get3A_1 : vector<10240x1xf32> to vector<10240x32xf32>
    %mul3A_12 = arith.mulf %mul3A, %add3A : vector<10240x32xf32>
    %get3A_13 = arith.constant 0 : index
    %get3A_14 = arith.constant 0 : index
    %get3A_15 = vector.load %arg3[%get3A_13, %get3A_14] : memref<1x32xf32, #tpu.memory_space<vmem>>, vector<1x32xf32>
    %add3A_16 = vector.broadcast %get3A_15 : vector<1x32xf32> to vector<10240x32xf32>
    %add3A_17 = arith.addf %mul3A_12, %add3A_16 : vector<10240x32xf32>
    %max3A = arith.constant 0.000000e+00 : f32
    %max3A_18 = vector.broadcast %max3A : f32 to vector<10240x32xf32>
    %max3A_19 = arith.maximumf %add3A_17, %max3A_18 : vector<10240x32xf32>
    %get3A_20 = arith.constant 0 : index
    %get3A_21 = arith.constant 0 : index
    %get3A_22 = vector.load %arg4[%get3A_20, %get3A_21] : memref<32x64xf32, #tpu.memory_space<vmem>>, vector<32x64xf32>
    %dot_general3A = arith.constant dense<0.000000e+00> : vector<10240x64xf32>
    %dot_general3A_23 = tpu.matmul %max3A_19, %get3A_22, %dot_general3A {dimension_numbers = #tpu.dot_dimension_numbers<[1], [0], [0], [1], [0, 0, 1, 1], [], []>, transpose_lhs_hint = false} : vector<10240x32xf32>, vector<32x64xf32>, vector<10240x64xf32> -> vector<10240x64xf32>
    %mul3A_24 = vector.broadcast %get3A_1 : vector<10240x1xf32> to vector<10240x64xf32>
    %mul3A_25 = arith.mulf %dot_general3A_23, %mul3A_24 : vector<10240x64xf32>
    %swap3A = arith.constant 0 : index
    %swap3A_26 = arith.constant 0 : index
    %swap3A_27 = vector.load %arg5[%swap3A, %swap3A_26] : memref<10240x64xf32, #tpu.memory_space<vmem>>, vector<10240x64xf32>
    tpu.vector_store %arg5[%swap3A, %swap3A_26], %mul3A_25 {strides = array<i32>} : memref<10240x64xf32, #tpu.memory_space<vmem>>, vector<10240x64xf32>,
    %swap3A_28 = arith.constant 0 : index
    %swap3A_29 = arith.constant 0 : index
    %swap3A_30 = vector.load %arg6[%swap3A_28, %swap3A_29] : memref<10240x32xf32, #tpu.memory_space<vmem>>, vector<10240x32xf32>
    tpu.vector_store %arg6[%swap3A_28, %swap3A_29], %max3A_19 {strides = array<i32>} : memref<10240x32xf32, #tpu.memory_space<vmem>>, vector<10240x32xf32>,
    return
  }
  func.func @transform_0(%arg0: i32) -> (i32, i32, i32) {
    %c0_i32 = arith.constant 0 : i32
    %c0_i32_0 = arith.constant 0 : i32
    %c0_i32_1 = arith.constant 0 : i32
    return %c0_i32, %arg0, %c0_i32_0 : i32, i32, i32
  }
  func.func @transform_1(%arg0: i32) -> (i32, i32) {
    %c0_i32 = arith.constant 0 : i32
    %c0_i32_0 = arith.constant 0 : i32
    return %arg0, %c0_i32 : i32, i32
  }
  func.func @transform_2(%arg0: i32) -> (i32, i32) {
    %c0_i32 = arith.constant 0 : i32
    %c0_i32_0 = arith.constant 0 : i32
    %c0_i32_1 = arith.constant 0 : i32
    return %c0_i32, %c0_i32_0 : i32, i32
  }
  func.func @transform_3(%arg0: i32) -> (i32, i32) {
    %c0_i32 = arith.constant 0 : i32
    %c0_i32_0 = arith.constant 0 : i32
    %c0_i32_1 = arith.constant 0 : i32
    return %c0_i32, %c0_i32_0 : i32, i32
  }
  func.func @transform_4(%arg0: i32) -> (i32, i32) {
    %c0_i32 = arith.constant 0 : i32
    %c0_i32_0 = arith.constant 0 : i32
    return %arg0, %c0_i32 : i32, i32
  }
  func.func @transform_5(%arg0: i32) -> (i32, i32) {
    %c0_i32 = arith.constant 0 : i32
    %c0_i32_0 = arith.constant 0 : i32
    return %arg0, %c0_i32 : i32, i32
  }
}

module attributes {stable_mosaic.version = 14 : i64} {
  func.func @body(%arg0: i32, %arg1: memref<2x10240x64xf32, #tpu.memory_space<vmem>>, %arg2: memref<10240x8xf32, #tpu.memory_space<vmem>>, %arg3: memref<1x64xf32, #tpu.memory_space<vmem>>, %arg4: memref<10240x64xf32, #tpu.memory_space<vmem>>) attributes {dimension_semantics = [#tpu.dimension_semantics<arbitrary>], iteration_bounds = array<i64: 1>, scalar_prefetch = 0 : i64, scratch_operands = 0 : i64, tpu.core_type = #tpu.core_type<tc>, window_params = [{transform_indices = @transform_0, window_bounds = array<i64: 2, 10240, 64>}, {transform_indices = @transform_1, window_bounds = array<i64: 10240, 8>}, {pipeline_mode = #tpu.pipeline_mode<synchronous>, transform_indices = @transform_2, window_bounds = array<i64: 1, 64>}, {transform_indices = @transform_3, window_bounds = array<i64: 10240, 64>}]} {
    %get3A = arith.constant 0 : index
    %get3A_0 = arith.constant 0 : index
    %get3A_1 = vector.load %arg2[%get3A, %get3A_0] : memref<10240x8xf32, #tpu.memory_space<vmem>>, vector<10240x1xf32>
    %get3A_2 = arith.constant 0 : index
    %get3A_3 = arith.constant 0 : index
    %get3A_4 = arith.constant 0 : index
    %get3A_5 = vector.load %arg1[%get3A_2, %get3A_3, %get3A_4] : memref<2x10240x64xf32, #tpu.memory_space<vmem>>, vector<1x10240x64xf32>
    %get3A_6 = vector.shape_cast %get3A_5 : vector<1x10240x64xf32> to vector<10240x64xf32>
    %get3A_7 = arith.constant 1 : index
    %get3A_8 = arith.constant 0 : index
    %get3A_9 = arith.constant 0 : index
    %get3A_10 = vector.load %arg1[%get3A_7, %get3A_8, %get3A_9] : memref<2x10240x64xf32, #tpu.memory_space<vmem>>, vector<1x10240x64xf32>
    %get3A_11 = vector.shape_cast %get3A_10 : vector<1x10240x64xf32> to vector<10240x64xf32>
    %add3A = arith.addf %get3A_6, %get3A_11 : vector<10240x64xf32>
    %mul3A = vector.broadcast %get3A_1 : vector<10240x1xf32> to vector<10240x64xf32>
    %mul3A_12 = arith.mulf %mul3A, %add3A : vector<10240x64xf32>
    %get3A_13 = arith.constant 0 : index
    %get3A_14 = arith.constant 0 : index
    %get3A_15 = vector.load %arg3[%get3A_13, %get3A_14] : memref<1x64xf32, #tpu.memory_space<vmem>>, vector<1x64xf32>
    %add3A_16 = vector.broadcast %get3A_15 : vector<1x64xf32> to vector<10240x64xf32>
    %add3A_17 = arith.addf %mul3A_12, %add3A_16 : vector<10240x64xf32>
    %max3A = arith.constant 0.000000e+00 : f32
    %max3A_18 = vector.broadcast %max3A : f32 to vector<10240x64xf32>
    %max3A_19 = arith.maximumf %add3A_17, %max3A_18 : vector<10240x64xf32>
    %mul3A_20 = vector.broadcast %get3A_1 : vector<10240x1xf32> to vector<10240x64xf32>
    %mul3A_21 = arith.mulf %max3A_19, %mul3A_20 : vector<10240x64xf32>
    %swap3A = arith.constant 0 : index
    %swap3A_22 = arith.constant 0 : index
    %swap3A_23 = vector.load %arg4[%swap3A, %swap3A_22] : memref<10240x64xf32, #tpu.memory_space<vmem>>, vector<10240x64xf32>
    tpu.vector_store %arg4[%swap3A, %swap3A_22], %mul3A_21 {strides = array<i32>} : memref<10240x64xf32, #tpu.memory_space<vmem>>, vector<10240x64xf32>,
    return
  }
  func.func @transform_0(%arg0: i32) -> (i32, i32, i32) {
    %c0_i32 = arith.constant 0 : i32
    %c0_i32_0 = arith.constant 0 : i32
    %c0_i32_1 = arith.constant 0 : i32
    return %c0_i32, %arg0, %c0_i32_0 : i32, i32, i32
  }
  func.func @transform_1(%arg0: i32) -> (i32, i32) {
    %c0_i32 = arith.constant 0 : i32
    %c0_i32_0 = arith.constant 0 : i32
    return %arg0, %c0_i32 : i32, i32
  }
  func.func @transform_2(%arg0: i32) -> (i32, i32) {
    %c0_i32 = arith.constant 0 : i32
    %c0_i32_0 = arith.constant 0 : i32
    %c0_i32_1 = arith.constant 0 : i32
    return %c0_i32, %c0_i32_0 : i32, i32
  }
  func.func @transform_3(%arg0: i32) -> (i32, i32) {
    %c0_i32 = arith.constant 0 : i32
    %c0_i32_0 = arith.constant 0 : i32
    return %arg0, %c0_i32 : i32, i32
  }
}

module attributes {stable_mosaic.version = 14 : i64} {
  func.func @body(%arg0: i32, %arg1: memref<2x10240x64xf32, #tpu.memory_space<vmem>>, %arg2: memref<10240x8xf32, #tpu.memory_space<vmem>>, %arg3: memref<1x128xf32, #tpu.memory_space<vmem>>, %arg4: memref<64x128xf32, #tpu.memory_space<vmem>>, %arg5: memref<10240x128xf32, #tpu.memory_space<vmem>>) attributes {dimension_semantics = [#tpu.dimension_semantics<arbitrary>], iteration_bounds = array<i64: 1>, scalar_prefetch = 0 : i64, scratch_operands = 0 : i64, tpu.core_type = #tpu.core_type<tc>, window_params = [{transform_indices = @transform_0, window_bounds = array<i64: 2, 10240, 64>}, {transform_indices = @transform_1, window_bounds = array<i64: 10240, 8>}, {pipeline_mode = #tpu.pipeline_mode<synchronous>, transform_indices = @transform_2, window_bounds = array<i64: 1, 128>}, {pipeline_mode = #tpu.pipeline_mode<synchronous>, transform_indices = @transform_3, window_bounds = array<i64: 64, 128>}, {transform_indices = @transform_4, window_bounds = array<i64: 10240, 128>}]} {
    %get3A = arith.constant 0 : index
    %get3A_0 = arith.constant 0 : index
    %get3A_1 = vector.load %arg2[%get3A, %get3A_0] : memref<10240x8xf32, #tpu.memory_space<vmem>>, vector<10240x1xf32>
    %get3A_2 = arith.constant 0 : index
    %get3A_3 = arith.constant 0 : index
    %get3A_4 = arith.constant 0 : index
    %get3A_5 = vector.load %arg1[%get3A_2, %get3A_3, %get3A_4] : memref<2x10240x64xf32, #tpu.memory_space<vmem>>, vector<1x10240x64xf32>
    %get3A_6 = vector.shape_cast %get3A_5 : vector<1x10240x64xf32> to vector<10240x64xf32>
    %get3A_7 = arith.constant 1 : index
    %get3A_8 = arith.constant 0 : index
    %get3A_9 = arith.constant 0 : index
    %get3A_10 = vector.load %arg1[%get3A_7, %get3A_8, %get3A_9] : memref<2x10240x64xf32, #tpu.memory_space<vmem>>, vector<1x10240x64xf32>
    %get3A_11 = vector.shape_cast %get3A_10 : vector<1x10240x64xf32> to vector<10240x64xf32>
    %add3A = arith.addf %get3A_6, %get3A_11 : vector<10240x64xf32>
    %mul3A = vector.broadcast %get3A_1 : vector<10240x1xf32> to vector<10240x64xf32>
    %mul3A_12 = arith.mulf %mul3A, %add3A : vector<10240x64xf32>
    %get3A_13 = arith.constant 0 : index
    %get3A_14 = arith.constant 0 : index
    %get3A_15 = vector.load %arg4[%get3A_13, %get3A_14] : memref<64x128xf32, #tpu.memory_space<vmem>>, vector<64x128xf32>
    %dot_general3A = arith.constant dense<0.000000e+00> : vector<10240x128xf32>
    %dot_general3A_16 = tpu.matmul %mul3A_12, %get3A_15, %dot_general3A {dimension_numbers = #tpu.dot_dimension_numbers<[1], [0], [0], [1], [0, 0, 1, 1], [], []>, transpose_lhs_hint = false} : vector<10240x64xf32>, vector<64x128xf32>, vector<10240x128xf32> -> vector<10240x128xf32>
    %get3A_17 = arith.constant 0 : index
    %get3A_18 = arith.constant 0 : index
    %get3A_19 = vector.load %arg3[%get3A_17, %get3A_18] : memref<1x128xf32, #tpu.memory_space<vmem>>, vector<1x128xf32>
    %add3A_20 = vector.broadcast %get3A_19 : vector<1x128xf32> to vector<10240x128xf32>
    %add3A_21 = arith.addf %dot_general3A_16, %add3A_20 : vector<10240x128xf32>
    %swap3A = arith.constant 0 : index
    %swap3A_22 = arith.constant 0 : index
    %swap3A_23 = vector.load %arg5[%swap3A, %swap3A_22] : memref<10240x128xf32, #tpu.memory_space<vmem>>, vector<10240x128xf32>
    tpu.vector_store %arg5[%swap3A, %swap3A_22], %add3A_21 {strides = array<i32>} : memref<10240x128xf32, #tpu.memory_space<vmem>>, vector<10240x128xf32>,
    return
  }
  func.func @transform_0(%arg0: i32) -> (i32, i32, i32) {
    %c0_i32 = arith.constant 0 : i32
    %c0_i32_0 = arith.constant 0 : i32
    %c0_i32_1 = arith.constant 0 : i32
    return %c0_i32, %arg0, %c0_i32_0 : i32, i32, i32
  }
  func.func @transform_1(%arg0: i32) -> (i32, i32) {
    %c0_i32 = arith.constant 0 : i32
    %c0_i32_0 = arith.constant 0 : i32
    return %arg0, %c0_i32 : i32, i32
  }
  func.func @transform_2(%arg0: i32) -> (i32, i32) {
    %c0_i32 = arith.constant 0 : i32
    %c0_i32_0 = arith.constant 0 : i32
    %c0_i32_1 = arith.constant 0 : i32
    return %c0_i32, %c0_i32_0 : i32, i32
  }
  func.func @transform_3(%arg0: i32) -> (i32, i32) {
    %c0_i32 = arith.constant 0 : i32
    %c0_i32_0 = arith.constant 0 : i32
    %c0_i32_1 = arith.constant 0 : i32
    return %c0_i32, %c0_i32_0 : i32, i32
  }
  func.func @transform_4(%arg0: i32) -> (i32, i32) {
    %c0_i32 = arith.constant 0 : i32
    %c0_i32_0 = arith.constant 0 : i32
    return %arg0, %c0_i32 : i32, i32
  }
}

</mosaic_0001>

<sc_bundles>
// kernel: kernel.12.cloned.1.call-start
scs
__scs_entry_jumppad:
0x0: {  	(pc) =	sbr.rel $0x88, $3  }
0x1: {  	(tag) =	ssettag $0x0;
	lr =	simm.s32 $0x1  }
0x2: {  	[smem:$0x3F97] =	sst lr;
	_ =	strace $0xD0000000  }
0x3: {  	_ = 	snop  }
0x4: {  	_ = 	snop  }
0x5: {  	_ = 	snop  }
0x6: {  	_ = 	snop  }
0x7: {  	_ = 	snop  }
__scs_overlays_trampoline_lowered:
0x8: {  	[smem:$0x3FA6] =	sst s0  }
0x9: {  	[smem:$0x3FA7] =	sst s1  }
0xa: {  	[smem:$0x3FA8] =	sst s2  }
0xb: {  	[smem:$0x3FA9] =	sst s3  }
0xc: {  	[smem:$0x3FAA] =	sst s4  }
0xd: {  	[smem:$0x3FAB] =	sst s5  }
0xe: {  	[smem:$0x3FAC] =	sst s6  }
0xf: {  	[smem:$0x3FAD] =	sst s7  }
0x10: {  	[smem:$0x3FAE] =	sst s8  }
0x11: {  	[smem:$0x3FAF] =	sst s9;
	s0 =	simm.s32 @!p0 $0x0  }
0x12: {  	s1 =	sld [smem:$0x3F95];
	s0 =	simm.s32 @p0 $0x1  }
0x13: {  	[smem:$0x3FB0] =	sst s0;
	s0 =	simm.s32 @!p1 $0x0  }
0x14: {  	s2 =	sld [smem:$0x3F94];
	s0 =	simm.s32 @p1 $0x1  }
0x15: {  	[smem:$0x3FB1] =	sst s0;
	s0 =	simm.s32 @!p2 $0x0  }
0x16: {  	s3 =	sld [smem:$0x3FDB];
	s0 =	simm.s32 @p2 $0x1  }
0x17: {  	s4 =	simm.s32 $0x1BF5;
	[smem:$0x3FB3] =	sst s0  }
0x18: {  	s0 =	sld [smem:$0x3F96];
	_ =	swait.ge [sflag:s4], $0x0  }
0x19: {  	s7 =	sld [smem:$0x3F97]  }
0x1a: {  	s8 =	sadd.s32 $0xFFFFE003, lr  }
0x1b: {  	s9 =	sadd.s32 $0xFFFFFEF7, lr;
	s5 =	simm.s32 $0xFFFFFFFF;
	p2 =	slt.u32 s8, $0xFFFFF086  }
0x1c: {  	p1 =	slt.u32 s9, $0xF7A;
	s5 =	simm.s32 @!p2 $0x0  }
0x1d: {  	s5 =	simm.s32 @p1 $0x1;
	p0 =	seq.s32 s7, s2  }
0x1e: {  	s7 =	smul.u32 @!p0 $0xF7A, s2;
	p2 =	seq.s32 @!p0 s5, $0x0  }
0x1f: {  	s9 =	smul.u32 $0xF7A, s1;
	s8 =	simm.s32 @!p0 $0x1BF5;
	p2 =	por !p2, p0  }
0x20: {  	[sflag:s8] =	ssyncset.s32 @!p0 $0xFFFFF086;
	s6 =	sadd.s32 @!p0 s3, s7;
	s7 =	simm.s32 @!p0 $0x108  }
0x21: {  	s3 =	sadd.s32 s3, s9;
	s6 =	sadd.s32 @!p0 $0x88, s6;
	s7 =	simm.s32 @p2 $0x1082  }
0x22: {  	[simem:s7], [sflag:s8] =	dma.local @!p0 [hbm:s6], $0xF7A  }
0x23: {  	s9 =	sor.u32 $0xD0000000, s2;
	s6 =	simm.s32 $0x108;
	_ =	swait.ge @!p0 [sflag:s8], $0x0  }
0x24: {  	s3 =	sadd.s32 $0x88, s3;
	s6 =	simm.s32 @!p1 $0x1082;
	[sflag:s4] =	ssyncset.s32 $0xFFFFF086  }
0x25: {  	[simem:s6], [sflag:s4] =	dma.local [hbm:s3], $0xF7A  }
0x26: {  	[smem:$0x3F97] =	sst s1;
	(tag) =	ssettag s2;
	_ =	strace s9  }
0x27: {  	s1 =	sld [smem:$0x3FA7]  }
0x28: {  	s2 =	sld [smem:$0x3FA8]  }
0x29: {  	s4 =	sld [smem:$0x3FAA]  }
0x2a: {  	p0 =	seq.s32 s5, $0x0;
	s5 =	sld [smem:$0x3FAB]  }
0x2b: {  	s6 =	sld [smem:$0x3FAC]  }
0x2c: {  	s7 =	sld [smem:$0x3FAD]  }
0x2d: {  	s3 =	simm.s32 $0x108;
	s8 =	sld [smem:$0x3FAE]  }
0x2e: {  	s3 =	simm.s32 @!p0 $0x1082;
	s9 =	sld [smem:$0x3FAF]  }
0x2f: {  	lr =	sadd.s32 s0, s3;
	s0 =	sld [smem:$0x3FA6]  }
0x30: {  	s3 =	sld [smem:$0x3FA9]  }
0x31: {  	[smem:$0x3FB2] =	sst s10  }
0x32: {  	s10 =	sld [smem:$0x3FB0];
	_ =	sdelay $0x3  }
0x33: {  	p0 =	seq.s32 s10, $0x1;
	s10 =	sld [smem:$0x3FB2];
	_ =	sdelay $0x3  }
0x34: {  	[smem:$0x3FB2] =	sst s10  }
0x35: {  	s10 =	sld [smem:$0x3FB1];
	_ =	sdelay $0x3  }
0x36: {  	p1 =	seq.s32 s10, $0x1;
	s10 =	sld [smem:$0x3FB2];
	_ =	sdelay $0x3  }
0x37: {  	[smem:$0x3FB2] =	sst s10  }
0x38: {  	s10 =	sld [smem:$0x3FB3]  }
0x39: {  	_ = 	snop;
	(pc) =	sbr.ind lr, $3  }
0x3a: {  	_ = 	snop  }
0x3b: {  	_ = 	snop  }
0x3c: {  	p2 =	seq.s32 s10, $0x1;
	s10 =	sld [smem:$0x3FB2]  }
0x3d: {  	_ =	shalt  }
0x3e: {  	_ =	shalt  }
0x3f: {  	_ =	shalt  }
0x40: {  	_ =	shalt  }
0x41: {  	_ =	shalt  }
0x42: {  	_ =	shalt  }
0x43: {  	_ =	shalt  }
0x44: {  	_ =	shalt  }
0x45: {  	_ =	shalt  }
0x46: {  	_ =	shalt  }
0x47: {  	_ =	shalt  }
0x48: {  	_ =	shalt  }
0x49: {  	_ =	shalt  }
0x4a: {  	_ =	shalt  }
0x4b: {  	_ =	shalt  }
0x4c: {  	_ =	shalt  }
0x4d: {  	_ =	shalt  }
0x4e: {  	_ =	shalt  }
0x4f: {  	_ =	shalt  }
0x50: {  	_ =	shalt  }
0x51: {  	_ =	shalt  }
0x52: {  	_ =	shalt  }
0x53: {  	_ =	shalt  }
0x54: {  	_ =	shalt  }
0x55: {  	_ =	shalt  }
0x56: {  	_ =	shalt  }
0x57: {  	_ =	shalt  }
0x58: {  	_ =	shalt  }
0x59: {  	_ =	shalt  }
0x5a: {  	_ =	shalt  }
0x5b: {  	_ =	shalt  }
0x5c: {  	_ =	shalt  }
0x5d: {  	_ =	shalt  }
0x5e: {  	_ =	shalt  }
0x5f: {  	_ =	shalt  }
0x60: {  	_ =	shalt  }
0x61: {  	_ =	shalt  }
0x62: {  	_ =	shalt  }
0x63: {  	_ =	shalt  }
0x64: {  	_ =	shalt  }
0x65: {  	_ =	shalt  }
0x66: {  	_ =	shalt  }
0x67: {  	_ =	shalt  }
0x68: {  	_ =	shalt  }
0x69: {  	_ =	shalt  }
0x6a: {  	_ =	shalt  }
0x6b: {  	_ =	shalt  }
0x6c: {  	_ =	shalt  }
0x6d: {  	_ =	shalt  }
0x6e: {  	_ =	shalt  }
0x6f: {  	_ =	shalt  }
0x70: {  	_ =	shalt  }
0x71: {  	_ =	shalt  }
0x72: {  	_ =	shalt  }
0x73: {  	_ =	shalt  }
0x74: {  	_ =	shalt  }
0x75: {  	_ =	shalt  }
0x76: {  	_ =	shalt  }
0x77: {  	_ =	shalt  }
0x78: {  	_ =	shalt  }
0x79: {  	_ =	shalt  }
0x7a: {  	_ =	shalt  }
0x7b: {  	_ =	shalt  }
0x7c: {  	_ =	shalt  }
0x7d: {  	_ =	shalt  }
0x7e: {  	_ =	shalt  }
0x7f: {  	_ =	shalt  }
0x80: {  	_ =	shalt  }
0x81: {  	_ =	shalt  }
0x82: {  	_ =	shalt  }
0x83: {  	_ =	shalt  }
0x84: {  	_ =	shalt  }
0x85: {  	_ =	shalt  }
0x86: {  	_ =	shalt  }
0x87: {  	_ =	shalt  }
.Lfunc_end0:
.L_simem_size_0:
called_computation_lowered:
.L_overlay_start_0:
0x88: {  	s2 =	sld [smem:$0x3FD9]  }
0x89: {  	s3 =	sld [smem:$0x3FFE];
	_ =	sdelay $0x1  }
0x8a: {  	s1 =	srdreg.scid  }
0x8b: {  	s0 =	sand.u32 $0x1, s1  }
0x8c: {  	s14 =	sshll.u32 s0, $0xA;
	s2 =	sadd.s32 s3, s2  }
0x8d: {  	s2 =	sadd.s32 s2, s14  }
0x8e: {  	[smem:$0x3FBE] =	sst s2  }
0x8f: {  	_ = 	snop  }
0x90: {  	s2 =	sld [smem:$0x3FD0];
	_ =	sdelay $0x2  }
0x91: {  	s15 =	simm.s32 $0xA;
	s4 =	simm.s32 $0x10  }
0x92: {  	[smem:s4], [sflag:s15] =	dma.local [hbm:s2], $0x1  }
0x93: {  	_ =	swait.eq [sflag:s15], $0x1  }
0x94: {  	[sflag:s15] =	ssyncset.done $0x0  }
0x95: {  	s16 =	sld [smem:$0x10];
	[sflag:s15] =	ssyncadd.s32 $0xFFFFFFFF  }
0x96: {  	s17 =	sld [smem:$0x11];
	(tm) =	ssettm $0x1  }
0x97: {  	s18 =	sld [smem:$0x3FFB];
	_ =	sdelay $0x3  }
0x98: {  	_ =	strace s18  }
0x99: {  	s4 =	sld [smem:$0x3FFC];
	_ =	sdelay $0x3  }
0x9a: {  	_ =	strace s4  }
0x9b: {  	s4 =	sld [smem:$0x3FFD];
	_ =	sdelay $0x3  }
0x9c: {  	_ =	strace s4  }
0x9d: {  	_ =	strace $0x8FFFFFFF  }
0x9e: {  	s19 =	sld [smem:$0x3FDB];
	_ =	sdelay $0x1  }
0x9f: {  	s5 =	simm.s32 $_scs_section_size  }
0xa0: {  	s6 =	simm.s32 $_size__tile_overlayer_lowered;
	s7 =	simm.s32 $_tile_overlayer_lowered  }
0xa1: {  	s22 =	simm.s32 $0x1BFF;
	s21 =	sshll.u32 s7, $0x1;
	s4 =	sadd.s32 s5, s19  }
0xa2: {  	s8 =	simm.s32 $0x0;
	s20 =	sshll.u32 s6, $0x1;
	s6 =	sadd.s32 s21, s4  }
0xa3: {  	[timem:s8], [sflag:s22] =	dma.local [hbm:s6], s20  }
0xa4: {  	_ =	swait.ge [sflag:s22], s20  }
0xa5: {  	s5 =	ssub.s32 $0x0, s20;
	[sflag:s22] =	ssyncset.done $0x0  }
0xa6: {  	[sflag:s22] =	ssyncadd.s32 s5;
	_ =	sdelay $0x1  }
0xa7: {  	s23 =	simm.s32 $0x1B8B  }
0xa8: {  	_ =	swait.ge [sflag:s23], $0x1  }
0xa9: {  	[sflag:s23] =	ssyncset.done $0x0  }
0xaa: {  	s25 =	simm.s32 $0x1B8E;
	s24 =	sld [smem:$0x3FFE];
	[sflag:s23] =	ssyncadd.s32 $0xFFFFFFFF  }
0xab: {  	s26 =	simm.s32 $execute0_lowered;
	[smem:$0x3FD2] =	sst s25  }
0xac: {  	s6 =	sshll.u32 s26, $0x1;
	_ =	strace $0x80000046;
	[dreg:$0x1] =	wrdreg $0xFFFFFFFF  }
0xad: {  	s28 =	simm.s32 $_size_execute0_lowered;
	s4 =	sadd.s32 s4, s6;
	[dreg:$0x0] =	wrdreg $0x0  }
0xae: {  	s6 =	sshll.u32 s28, $0x1;
	[dreg:$0x2] =	wrdreg s4  }
0xaf: {  	[dreg:$0x3] =	wrdreg s6  }
0xb0: {  	[dreg:$0x4] =	wrdreg $0xC0  }
0xb1: {  	_ =	task [dreg:s8], $0x5FFFF  }
0xb2: {  	[dreg:$0x1] =	wrdreg $0xFFFFFFFF  }
0xb3: {  	[dreg:$0x0] =	wrdreg $0x60  }
0xb4: {  	[dreg:$0x2] =	wrdreg s24  }
0xb5: {  	[dreg:$0x3] =	wrdreg s16  }
0xb6: {  	[dreg:$0x4] =	wrdreg s17  }
0xb7: {  	[dreg:$0x5] =	wrdreg $0x2C800  }
0xb8: {  	[dreg:$0x6] =	wrdreg $0x9  }
0xb9: {  	_ =	task.clear_ibuf [dreg:s8], $0x7FFFF;
	_ =	strace $0x90000046  }
0xba: {  	s29 =	simm.s32 $0x9;
	_ =	strace $0x80000048  }
0xbb: {  	_ =	swait.ge [sflag:s29], $0x1  }
0xbc: {  	[sflag:s29] =	ssyncadd.s32 $0xFFFFFFFF  }
0xbd: {  	_ =	strace $0x90000048  }
0xbe: {  	_ =	sfence  }
0xbf: {  	s30 =	sld [smem:$0x0];
	_ =	sdelay $0x2  }
0xc0: {  	s31 =	sshll.u32 s1, $0xD;
	s1 =	sshrl.u32 s1, $0x2  }
0xc1: {  	s3 =	sand.u32 $0x4000, s31;
	s1 =	sadd.s32 s1, s30  }
0xc2: {  	s0 =	sor.u32 s3, s0;
	s1 =	sshll.u32 s1, $0x11  }
0xc3: {  	s0 =	sor.u32 s1, s0  }
0xc4: {  	s0 =	sadd.s32 $0x8F2B, s0  }
0xc5: {  	[sflag:s0] =	ssyncadd.remote.s32 $0x1  }
0xc6: {  	_ =	sfence.sel $0xFFFF  }
0xc7: {  	[dreg:$0x0] =	wrdreg $0xFFFFFFFF;
	(pc) =	sbr.abs _section_cstart, $3  }
0xc8: {  	[dreg:$0x1] =	wrdreg $0xFFFFFFFF  }
0xc9: {  	_ =	task.clear_ibuf [dreg:s8], $0x2FFFF;
	_ =	strace $0x9FFFFFFF  }
0xca: {  	(tm) =	ssettm $0x7FFFFFFF  }
0xcb: {  	_ =	shalt  }
tec
execute0_lowered:
.L_overlay_start_1:
0x0: {  	(tag) =	ssettag $0x1  }
0x1: {  	s5 =	rddreg [dreg:$0x0]  }
0x2: {  	s1 =	rddreg [dreg:$0x1]  }
0x3: {  	s2 =	srdreg.scid;
	s7 =	rddreg [dreg:$0x2]  }
0x4: {  	s0 =	stileid.u32;
	s3 =	rddreg [dreg:$0x3];
	s4 =	simm.s32 $0x0  }
0x5: {  	s13 =	simm.s32 $0x80;
	s14 =	simm.s32 $0x0;
	s6 =	sand.u32 $0x1, s2  }
0x6: {  	s28 =	sshll.u32 s0, $0x1;
	s9 =	smul.u32 $0x1400, s0;
	[smem:$0x7FF] =	sst s4  }
0x7: {  	s2 =	sor.u32 s6, s28;
	s10 =	ssub.s32 $0x2, s6;
	s6 =	smul.u32 $0x14000, s6  }
0x8: {  	s31 =	sshll.u32 s0, $0x6;
	s8 =	smul.u32 $0x510, s2;
	s2 =	rddreg [dreg:$0x4]  }
0x9: {  	_ =	strace $0x80000047;
	s11 =	sshrl.u32 s10, $0x1;
	s12 =	sadd.s32 s9, s3  }
0xa: {  	s10 =	ssub.s32 s10, s11;
	s29 =	sadd.s32 s9, s6;
	s9 =	simm.s32 $0x1  }
0xb: {  	s11 =	sor.u32 $0x1C01, s31;
	s12 =	sshrl.u32 s12, $0x3;
	s8 =	sadd.s32 s8, s5  }
0xc: {  	s5 =	sadd.s32 $0xCA00, s5;
	s30 =	sshrl.u32 s29, $0x3;
	s6 =	sadd.s32 $0x2800, s8  }
0xd: {  	s7 =	sadd.s32 s7, s30;
	s8 =	smax.u32 s10, $0x1;
	s10 =	simm.s32 $0x2880  }
.LBB2_1:
0xe: {  	[tilespmem:s4], [sflag:$0x1] =	stream.linear.gather [hbm4b:s6+s4], $0x2880, $0x38;
	[tilespmem:$0x4080] =	vst v63  }
0xf: {  	_ =	swait.ge [sflag:s9], $0x2880  }
0x10: {  	[sflag:s9] =	ssyncset.done $0x0  }
0x11: {  	[sflag:s9] =	ssyncadd.s32 $0xFFFFD780  }
0x12: {  	[tilespmem:s10], [sflag:$0x1] =	stream.linear.gather [hbm4b:s5+s4], $0x400, $0x38;
	[tilespmem:$0x4080] =	vst v63  }
0x13: {  	_ =	swait.ge [sflag:s9], $0x400  }
0x14: {  	[sflag:s9] =	ssyncset.done $0x0  }
0x15: {  	[sflag:s9] =	ssyncadd.s32 $0xFFFFFC00  }
0x16: {  	[spmem:s12], [sflag:s11] =	dma.local [hbm:s1], $0x280  }
0x17: {  	_ =	swait.ge [sflag:s9], $0x280  }
0x18: {  	[sflag:s9] =	ssyncset.done $0x0  }
0x19: {  	[sflag:s9] =	ssyncadd.s32 $0xFFFFFD80  }
0x1a: {  	s15 =	simm.s32 $0x0;
	[bflag:$0x0] =	sbarrier.arrive $0xFFFF  }
0x1b: {  	[spmem:s3] =	stream.indirect.scatter.add.f32 [tilespmem:s10], [sflag:$0x1], $0x8, s15, s13, $0xb8;
	[tilespmem:$0x4080] =	vst v63  }
0x1c: {  	_ =	swait.ge [sflag:s9], $0x400  }
0x1d: {  	s15 =	simm.s32 $0x200;
	[sflag:s9] =	ssyncset.done $0x0  }
.LBB2_2:
0x1e: {  	s16 =	sshra.s32 s15, $0x2;
	[sflag:s9] =	ssyncadd.s32 $0xFFFFFC00;
	p0 =	sne.s32 s15, $0xA000  }
0x1f: {  	[spmem:s3] =	stream.indirect.scatter.add.f32 [tilespmem:s10], [sflag:$0x1], $0x8, s16, s13, $0xb8;
	[tilespmem:$0x4080] =	vst v63  }
.Ltmp0:
0x20: {  	_ = 	snop;
	(pc) =	sbr.rel @p0 .LBB2_2-.Ltmp0, $4  }
0x21: {  	_ = 	snop  }
0x22: {  	s15 =	sadd.s32 $0x200, s15  }
0x23: {  	_ =	swait.ge [sflag:s9], $0x400  }
0x24: {  	[sflag:s9] =	ssyncset.done $0x0  }
0x25: {  	s14 =	sadd.s32 $0x1, s14  }
0x26: {  	[sflag:s9] =	ssyncadd.s32 $0xFFFFFC00;
	p0 =	sne.s32 s14, s8  }
.Ltmp1:
0x27: {  	[bflag:$0x0] =	sbarrier.arrive $0xFFFF;
	(pc) =	sbr.rel @p0 .LBB2_1-.Ltmp1, $4  }
0x28: {  	[hbm:s7], [sflag:s11] =	dma.local [spmem:s12], $0x280  }
0x29: {  	_ =	swait.ge [sflag:s9], $0x280  }
0x2a: {  	[sflag:s9] =	ssyncset.done $0x0  }
0x2b: {  	[sflag:s9] =	ssyncadd.s32 $0xFFFFFD80  }
0x2c: {  	_ =	sfence.sel $0x180000  }
0x2d: {  	[bflag:$0x0] =	sbarrier.arrive $0xFFFF  }
0x2e: {  	p0 =	sne.s32 s0, $0x0;
	_ =	strace $0x90000047  }
0x2f: {  	s0 =	sadd.s32 @!p0 $0x100000, s2;
	[bflag:$0x2] =	sbarrier.arrive $0xFFFF  }
0x30: {  	[sflag:s0] =	ssyncadd.tile.s32 @!p0 $0x1;
	_ =	shalt  }
.Lfunc_end2:
_tile_overlayer_lowered:
.L_overlay_start_2:
0x31: {  	(tag) =	ssettag $0x2  }
0x32: {  	s0 =	rddreg [dreg:$0x0];
	s2 =	stileid.u32  }
0x33: {  	s1 =	rddreg [dreg:$0x1];
	p0 =	sne.s32 s2, $0x0  }
0x34: {  	s3 =	rddreg [dreg:$0x2];
	[bflag:$0x3] =	sbarrier.arrive $0xFFFF;
	s2 =	simm.s32 @!p0 $0x1C01  }
0x35: {  	[timem:s3], [sflag:s2] =	dma.local @!p0 [hbm:s0], s1  }
0x36: {  	s0 =	simm.s32 @!p0 $0x1  }
0x37: {  	_ =	swait.ge @!p0 [sflag:s0], s1  }
0x38: {  	s1 =	ssub.s32 @!p0 $0x0, s1;
	[sflag:s0] =	ssyncset.done @!p0 $0x0  }
0x39: {  	[sflag:s0] =	ssyncadd.s32 @!p0 s1  }
0x3a: {  	[bflag:$0x3] =	sbarrier.arrive $0xFFFF  }
0x3b: {  	_ =	shalt  }

// kernel: kernel.15.cloned.1.call-start
scs
__scs_entry_jumppad:
0x0: {  	(pc) =	sbr.rel $0x88, $3  }
0x1: {  	(tag) =	ssettag $0x0;
	lr =	simm.s32 $0x1  }
0x2: {  	[smem:$0x3F97] =	sst lr;
	_ =	strace $0xD0000000  }
0x3: {  	_ = 	snop  }
0x4: {  	_ = 	snop  }
0x5: {  	_ = 	snop  }
0x6: {  	_ = 	snop  }
0x7: {  	_ = 	snop  }
__scs_overlays_trampoline_lowered:
0x8: {  	[smem:$0x3FA6] =	sst s0  }
0x9: {  	[smem:$0x3FA7] =	sst s1  }
0xa: {  	[smem:$0x3FA8] =	sst s2  }
0xb: {  	[smem:$0x3FA9] =	sst s3  }
0xc: {  	[smem:$0x3FAA] =	sst s4  }
0xd: {  	[smem:$0x3FAB] =	sst s5  }
0xe: {  	[smem:$0x3FAC] =	sst s6  }
0xf: {  	[smem:$0x3FAD] =	sst s7  }
0x10: {  	[smem:$0x3FAE] =	sst s8  }
0x11: {  	[smem:$0x3FAF] =	sst s9;
	s0 =	simm.s32 @!p0 $0x0  }
0x12: {  	s1 =	sld [smem:$0x3F95];
	s0 =	simm.s32 @p0 $0x1  }
0x13: {  	[smem:$0x3FB0] =	sst s0;
	s0 =	simm.s32 @!p1 $0x0  }
0x14: {  	s2 =	sld [smem:$0x3F94];
	s0 =	simm.s32 @p1 $0x1  }
0x15: {  	[smem:$0x3FB1] =	sst s0;
	s0 =	simm.s32 @!p2 $0x0  }
0x16: {  	s3 =	sld [smem:$0x3FDB];
	s0 =	simm.s32 @p2 $0x1  }
0x17: {  	s4 =	simm.s32 $0x1BF5;
	[smem:$0x3FB3] =	sst s0  }
0x18: {  	s0 =	sld [smem:$0x3F96];
	_ =	swait.ge [sflag:s4], $0x0  }
0x19: {  	s7 =	sld [smem:$0x3F97]  }
0x1a: {  	s8 =	sadd.s32 $0xFFFFE003, lr  }
0x1b: {  	s9 =	sadd.s32 $0xFFFFFEF7, lr;
	s5 =	simm.s32 $0xFFFFFFFF;
	p2 =	slt.u32 s8, $0xFFFFF086  }
0x1c: {  	p1 =	slt.u32 s9, $0xF7A;
	s5 =	simm.s32 @!p2 $0x0  }
0x1d: {  	s5 =	simm.s32 @p1 $0x1;
	p0 =	seq.s32 s7, s2  }
0x1e: {  	s7 =	smul.u32 @!p0 $0xF7A, s2;
	p2 =	seq.s32 @!p0 s5, $0x0  }
0x1f: {  	s9 =	smul.u32 $0xF7A, s1;
	s8 =	simm.s32 @!p0 $0x1BF5;
	p2 =	por !p2, p0  }
0x20: {  	[sflag:s8] =	ssyncset.s32 @!p0 $0xFFFFF086;
	s6 =	sadd.s32 @!p0 s3, s7;
	s7 =	simm.s32 @!p0 $0x108  }
0x21: {  	s3 =	sadd.s32 s3, s9;
	s6 =	sadd.s32 @!p0 $0x88, s6;
	s7 =	simm.s32 @p2 $0x1082  }
0x22: {  	[simem:s7], [sflag:s8] =	dma.local @!p0 [hbm:s6], $0xF7A  }
0x23: {  	s9 =	sor.u32 $0xD0000000, s2;
	s6 =	simm.s32 $0x108;
	_ =	swait.ge @!p0 [sflag:s8], $0x0  }
0x24: {  	s3 =	sadd.s32 $0x88, s3;
	s6 =	simm.s32 @!p1 $0x1082;
	[sflag:s4] =	ssyncset.s32 $0xFFFFF086  }
0x25: {  	[simem:s6], [sflag:s4] =	dma.local [hbm:s3], $0xF7A  }
0x26: {  	[smem:$0x3F97] =	sst s1;
	(tag) =	ssettag s2;
	_ =	strace s9  }
0x27: {  	s1 =	sld [smem:$0x3FA7]  }
0x28: {  	s2 =	sld [smem:$0x3FA8]  }
0x29: {  	s4 =	sld [smem:$0x3FAA]  }
0x2a: {  	p0 =	seq.s32 s5, $0x0;
	s5 =	sld [smem:$0x3FAB]  }
0x2b: {  	s6 =	sld [smem:$0x3FAC]  }
0x2c: {  	s7 =	sld [smem:$0x3FAD]  }
0x2d: {  	s3 =	simm.s32 $0x108;
	s8 =	sld [smem:$0x3FAE]  }
0x2e: {  	s3 =	simm.s32 @!p0 $0x1082;
	s9 =	sld [smem:$0x3FAF]  }
0x2f: {  	lr =	sadd.s32 s0, s3;
	s0 =	sld [smem:$0x3FA6]  }
0x30: {  	s3 =	sld [smem:$0x3FA9]  }
0x31: {  	[smem:$0x3FB2] =	sst s10  }
0x32: {  	s10 =	sld [smem:$0x3FB0];
	_ =	sdelay $0x3  }
0x33: {  	p0 =	seq.s32 s10, $0x1;
	s10 =	sld [smem:$0x3FB2];
	_ =	sdelay $0x3  }
0x34: {  	[smem:$0x3FB2] =	sst s10  }
0x35: {  	s10 =	sld [smem:$0x3FB1];
	_ =	sdelay $0x3  }
0x36: {  	p1 =	seq.s32 s10, $0x1;
	s10 =	sld [smem:$0x3FB2];
	_ =	sdelay $0x3  }
0x37: {  	[smem:$0x3FB2] =	sst s10  }
0x38: {  	s10 =	sld [smem:$0x3FB3]  }
0x39: {  	_ = 	snop;
	(pc) =	sbr.ind lr, $3  }
0x3a: {  	_ = 	snop  }
0x3b: {  	_ = 	snop  }
0x3c: {  	p2 =	seq.s32 s10, $0x1;
	s10 =	sld [smem:$0x3FB2]  }
0x3d: {  	_ =	shalt  }
0x3e: {  	_ =	shalt  }
0x3f: {  	_ =	shalt  }
0x40: {  	_ =	shalt  }
0x41: {  	_ =	shalt  }
0x42: {  	_ =	shalt  }
0x43: {  	_ =	shalt  }
0x44: {  	_ =	shalt  }
0x45: {  	_ =	shalt  }
0x46: {  	_ =	shalt  }
0x47: {  	_ =	shalt  }
0x48: {  	_ =	shalt  }
0x49: {  	_ =	shalt  }
0x4a: {  	_ =	shalt  }
0x4b: {  	_ =	shalt  }
0x4c: {  	_ =	shalt  }
0x4d: {  	_ =	shalt  }
0x4e: {  	_ =	shalt  }
0x4f: {  	_ =	shalt  }
0x50: {  	_ =	shalt  }
0x51: {  	_ =	shalt  }
0x52: {  	_ =	shalt  }
0x53: {  	_ =	shalt  }
0x54: {  	_ =	shalt  }
0x55: {  	_ =	shalt  }
0x56: {  	_ =	shalt  }
0x57: {  	_ =	shalt  }
0x58: {  	_ =	shalt  }
0x59: {  	_ =	shalt  }
0x5a: {  	_ =	shalt  }
0x5b: {  	_ =	shalt  }
0x5c: {  	_ =	shalt  }
0x5d: {  	_ =	shalt  }
0x5e: {  	_ =	shalt  }
0x5f: {  	_ =	shalt  }
0x60: {  	_ =	shalt  }
0x61: {  	_ =	shalt  }
0x62: {  	_ =	shalt  }
0x63: {  	_ =	shalt  }
0x64: {  	_ =	shalt  }
0x65: {  	_ =	shalt  }
0x66: {  	_ =	shalt  }
0x67: {  	_ =	shalt  }
0x68: {  	_ =	shalt  }
0x69: {  	_ =	shalt  }
0x6a: {  	_ =	shalt  }
0x6b: {  	_ =	shalt  }
0x6c: {  	_ =	shalt  }
0x6d: {  	_ =	shalt  }
0x6e: {  	_ =	shalt  }
0x6f: {  	_ =	shalt  }
0x70: {  	_ =	shalt  }
0x71: {  	_ =	shalt  }
0x72: {  	_ =	shalt  }
0x73: {  	_ =	shalt  }
0x74: {  	_ =	shalt  }
0x75: {  	_ =	shalt  }
0x76: {  	_ =	shalt  }
0x77: {  	_ =	shalt  }
0x78: {  	_ =	shalt  }
0x79: {  	_ =	shalt  }
0x7a: {  	_ =	shalt  }
0x7b: {  	_ =	shalt  }
0x7c: {  	_ =	shalt  }
0x7d: {  	_ =	shalt  }
0x7e: {  	_ =	shalt  }
0x7f: {  	_ =	shalt  }
0x80: {  	_ =	shalt  }
0x81: {  	_ =	shalt  }
0x82: {  	_ =	shalt  }
0x83: {  	_ =	shalt  }
0x84: {  	_ =	shalt  }
0x85: {  	_ =	shalt  }
0x86: {  	_ =	shalt  }
0x87: {  	_ =	shalt  }
.Lfunc_end0:
.L_simem_size_0:
called_computation.1_lowered:
.L_overlay_start_0:
0x88: {  	s2 =	sld [smem:$0x3FD9]  }
0x89: {  	s3 =	sld [smem:$0x3FFE];
	_ =	sdelay $0x1  }
0x8a: {  	s1 =	srdreg.scid  }
0x8b: {  	s0 =	sand.u32 $0x1, s1  }
0x8c: {  	s14 =	sshll.u32 s0, $0xA;
	s2 =	sadd.s32 s3, s2  }
0x8d: {  	s2 =	sadd.s32 s2, s14  }
0x8e: {  	[smem:$0x3FBE] =	sst s2  }
0x8f: {  	_ = 	snop  }
0x90: {  	s2 =	sld [smem:$0x3FD0];
	_ =	sdelay $0x2  }
0x91: {  	s15 =	simm.s32 $0xA;
	s4 =	simm.s32 $0x10  }
0x92: {  	[smem:s4], [sflag:s15] =	dma.local [hbm:s2], $0x1  }
0x93: {  	_ =	swait.eq [sflag:s15], $0x1  }
0x94: {  	[sflag:s15] =	ssyncset.done $0x0  }
0x95: {  	[sflag:s15] =	ssyncadd.s32 $0xFFFFFFFF  }
0x96: {  	s16 =	sld [smem:$0x10];
	(tm) =	ssettm $0x1  }
0x97: {  	s17 =	sld [smem:$0x3FFB];
	_ =	sdelay $0x3  }
0x98: {  	_ =	strace s17  }
0x99: {  	s3 =	sld [smem:$0x3FFC];
	_ =	sdelay $0x3  }
0x9a: {  	_ =	strace s3  }
0x9b: {  	s3 =	sld [smem:$0x3FFD];
	_ =	sdelay $0x3  }
0x9c: {  	_ =	strace s3  }
0x9d: {  	_ =	strace $0x8FFFFFFF  }
0x9e: {  	s18 =	sld [smem:$0x3FDB];
	_ =	sdelay $0x1  }
0x9f: {  	s19 =	simm.s32 $_scs_section_size  }
0xa0: {  	s5 =	simm.s32 $_size__tile_overlayer_lowered;
	s6 =	simm.s32 $_tile_overlayer_lowered  }
0xa1: {  	s22 =	simm.s32 $0x1BFF;
	s21 =	sshll.u32 s6, $0x1;
	s3 =	sadd.s32 s19, s18  }
0xa2: {  	s7 =	simm.s32 $0x0;
	s20 =	sshll.u32 s5, $0x1;
	s5 =	sadd.s32 s21, s3  }
0xa3: {  	[timem:s7], [sflag:s22] =	dma.local [hbm:s5], s20  }
0xa4: {  	_ =	swait.ge [sflag:s22], s20  }
0xa5: {  	s4 =	ssub.s32 $0x0, s20;
	[sflag:s22] =	ssyncset.done $0x0  }
0xa6: {  	[sflag:s22] =	ssyncadd.s32 s4;
	_ =	sdelay $0x1  }
0xa7: {  	s23 =	simm.s32 $0x1B8B  }
0xa8: {  	_ =	swait.ge [sflag:s23], $0x1  }
0xa9: {  	[sflag:s23] =	ssyncset.done $0x0  }
0xaa: {  	s25 =	simm.s32 $0x1B8E;
	s24 =	sld [smem:$0x3FFE];
	[sflag:s23] =	ssyncadd.s32 $0xFFFFFFFF  }
0xab: {  	s26 =	simm.s32 $execute0_lowered;
	[smem:$0x3FD2] =	sst s25  }
0xac: {  	s5 =	sshll.u32 s26, $0x1;
	_ =	strace $0x80000049;
	[dreg:$0x1] =	wrdreg $0xFFFFFFFF  }
0xad: {  	s28 =	simm.s32 $_size_execute0_lowered;
	s3 =	sadd.s32 s3, s5;
	[dreg:$0x0] =	wrdreg $0x0  }
0xae: {  	s5 =	sshll.u32 s28, $0x1;
	[dreg:$0x2] =	wrdreg s3  }
0xaf: {  	[dreg:$0x3] =	wrdreg s5  }
0xb0: {  	[dreg:$0x4] =	wrdreg $0xC0  }
0xb1: {  	_ =	task [dreg:s7], $0x5FFFF  }
0xb2: {  	[dreg:$0x1] =	wrdreg $0xFFFFFFFF  }
0xb3: {  	[dreg:$0x0] =	wrdreg $0x60  }
0xb4: {  	[dreg:$0x2] =	wrdreg s16  }
0xb5: {  	[dreg:$0x3] =	wrdreg s24  }
0xb6: {  	[dreg:$0x4] =	wrdreg $0x151000  }
0xb7: {  	[dreg:$0x5] =	wrdreg $0xB1000  }
0xb8: {  	[dreg:$0x6] =	wrdreg $0x9  }
0xb9: {  	_ =	task.clear_ibuf [dreg:s7], $0x7FFFF;
	_ =	strace $0x90000049  }
0xba: {  	s29 =	simm.s32 $0x9;
	_ =	strace $0x8000004B  }
0xbb: {  	_ =	swait.ge [sflag:s29], $0x1  }
0xbc: {  	[sflag:s29] =	ssyncadd.s32 $0xFFFFFFFF  }
0xbd: {  	_ =	strace $0x9000004B  }
0xbe: {  	_ =	sfence  }
0xbf: {  	s30 =	sld [smem:$0x0];
	_ =	sdelay $0x2  }
0xc0: {  	s31 =	sshll.u32 s1, $0xD;
	s1 =	sshrl.u32 s1, $0x2  }
0xc1: {  	s3 =	sand.u32 $0x4000, s31;
	s1 =	sadd.s32 s1, s30  }
0xc2: {  	s0 =	sor.u32 s3, s0;
	s1 =	sshll.u32 s1, $0x11  }
0xc3: {  	s0 =	sor.u32 s1, s0  }
0xc4: {  	s0 =	sadd.s32 $0x8F2B, s0  }
0xc5: {  	[sflag:s0] =	ssyncadd.remote.s32 $0x1  }
0xc6: {  	_ =	sfence.sel $0xFFFF  }
0xc7: {  	[dreg:$0x0] =	wrdreg $0xFFFFFFFF;
	(pc) =	sbr.abs _section_cstart, $3  }
0xc8: {  	[dreg:$0x1] =	wrdreg $0xFFFFFFFF  }
0xc9: {  	_ =	task.clear_ibuf [dreg:s7], $0x2FFFF;
	_ =	strace $0x9FFFFFFF  }
0xca: {  	(tm) =	ssettm $0x7FFFFFFF  }
0xcb: {  	_ =	shalt  }
tec
execute0_lowered:
.L_overlay_start_1:
0x0: {  	(tag) =	ssettag $0x1  }
0x1: {  	s0 =	rddreg [dreg:$0x0]  }
0x2: {  	s1 =	rddreg [dreg:$0x1]  }
0x3: {  	s2 =	rddreg [dreg:$0x2]  }
0x4: {  	s3 =	rddreg [dreg:$0x3]  }
0x5: {  	s4 =	srdreg.scid;
	s11 =	stileid.u32;
	s14 =	simm.s32 $0x2880  }
0x6: {  	s16 =	simm.s32 $0x5100;
	s17 =	simm.s32 $0x1;
	s18 =	simm.s32 $0x2  }
0x7: {  	s19 =	simm.s32 $0x3;
	s20 =	simm.s32 $0x4;
	s21 =	simm.s32 $0x5  }
0x8: {  	s22 =	simm.s32 $0x80;
	s23 =	simm.s32 $0x7100;
	s25 =	simm.s32 $0x9100  }
0x9: {  	s30 =	simm.s32 $0x6;
	s31 =	simm.s32 $0x2780;
	s24 =	simm.s32 $0x0  }
0xa: {  	s5 =	sand.u32 $0x1, s4;
	s6 =	sshll.u32 s11, $0x1;
	s10 =	smul.u32 $0xA000, s11  }
0xb: {  	s4 =	simm.s32 $0x0;
	s26 =	smul.u32 $0x28000, s11;
	s6 =	sor.u32 s5, s6  }
0xc: {  	s7 =	smul.u32 $0xA0000, s5;
	[smem:$0x7FF] =	sst s4;
	s5 =	ssub.s32 $0x2, s5  }
0xd: {  	s6 =	smul.u32 $0x510, s6;
	_ =	strace $0x8000004A;
	s8 =	sshrl.u32 s5, $0x1  }
0xe: {  	s15 =	sadd.s32 s10, s2;
	s9 =	sshrl.u32 s10, $0x3;
	s28 =	sshrl.u32 s26, $0x2  }
0xf: {  	s7 =	sadd.s32 s10, s7;
	s13 =	ssub.s32 s5, s8;
	s8 =	sadd.s32 s0, s9  }
0x10: {  	s29 =	sadd.s32 s28, s3;
	s10 =	sadd.s32 s10, s3;
	s15 =	sshrl.u32 s15, $0x3  }
0x11: {  	s0 =	simm.s32 $0x5000;
	s6 =	sadd.s32 s6, s1;
	s7 =	sshrl.u32 s7, $0x3  }
0x12: {  	s13 =	smax.u32 s13, $0x1;
	s1 =	sadd.s32 s7, s1;
	s5 =	sadd.s32 $0xCC00, s6  }
0x13: {  	s6 =	sadd.s32 $0x2800, s6;
	s7 =	sshll.u32 s11, $0x6;
	s11 =	sadd.s32 $0x6000, s29  }
0x14: {  	v0 =	vimm.f32 $0.0e+00;
	s9 =	sor.u32 $0x1C03, s7;
	s12 =	sadd.s32 $0x16E00, s1;
	s1 =	simm.s32 $0x7  }
.LBB2_1:
0x15: {  	[tilespmem:s4], [sflag:$0x1] =	stream.linear.gather [hbm4b:s5+s4], $0x2880, $0x38;
	[tilespmem:$0x1F100] =	vst v63  }
0x16: {  	s28 =	simm.s32 $0x100;
	s26 =	simm.s32 $0x0  }
0x17: {  	[tilespmem:s14], [sflag:$0x2] =	stream.linear.gather [hbm4b:s6+s4], $0x2880, $0x38;
	[tilespmem:$0x1F100] =	vst v63  }
0x18: {  	[spmem:s15], [sflag:s9] =	dma.local [hbm:s8], $0x1400  }
.LBB2_2:
0x19: {  	p0 =	sne.s32 s28, $0x17F00;
	[tilespmem:s26+$0x5130] =	vst v0;
	s29 =	smov.u32 s28;
	s28 =	sadd.s32 $0x100, s28  }
.Ltmp0:
0x1a: {  	[tilespmem:s26+$0x5120] =	vst v0;
	(pc) =	sbr.rel @p0 .LBB2_2-.Ltmp0, $3  }
0x1b: {  	[tilespmem:s26+$0x5100] =	vst v0  }
0x1c: {  	[tilespmem:s26+$0x5110] =	vst v0;
	_ =	sdelay $0x1  }
0x1d: {  	s26 =	sshra.s32 s29, $0x2  }
0x1e: {  	[tilespmem:s26+$0x5130] =	vst v0  }
0x1f: {  	[tilespmem:s26+$0x5120] =	vst v0  }
0x20: {  	[tilespmem:s26+$0x5100] =	vst v0  }
0x21: {  	[tilespmem:s26+$0x5110] =	vst v0  }
0x22: {  	[spmem:s10] =	stream.linear.scatter [tilespmem:s16], [sflag:$0x4], $0x6000, $0x38;
	[tilespmem:$0x1F100] =	vst v63  }
0x23: {  	_ = 	snop  }
0x24: {  	[spmem:s11] =	stream.linear.scatter [tilespmem:s16], [sflag:$0x5], $0x4000, $0x38;
	[tilespmem:$0x1F100] =	vst v63  }
0x25: {  	_ =	swait.ge [sflag:s17], $0x2880  }
0x26: {  	[sflag:s17] =	ssyncset.done $0x0  }
0x27: {  	[sflag:s17] =	ssyncadd.s32 $0xFFFFD780  }
0x28: {  	_ =	swait.ge [sflag:s18], $0x2880  }
0x29: {  	[sflag:s18] =	ssyncset.done $0x0  }
0x2a: {  	[sflag:s18] =	ssyncadd.s32 $0xFFFFD780  }
0x2b: {  	_ =	swait.ge [sflag:s19], $0x1400  }
0x2c: {  	[sflag:s19] =	ssyncset.done $0x0  }
0x2d: {  	[sflag:s19] =	ssyncadd.s32 $0xFFFFEC00  }
0x2e: {  	_ =	swait.ge [sflag:s20], $0x6000  }
0x2f: {  	[sflag:s20] =	ssyncset.done $0x0  }
0x30: {  	[sflag:s20] =	ssyncadd.s32 $0xFFFFA000  }
0x31: {  	_ =	swait.ge [sflag:s21], $0x4000  }
0x32: {  	[sflag:s21] =	ssyncset.done $0x0  }
0x33: {  	[sflag:s21] =	ssyncadd.s32 $0xFFFFC000  }
0x34: {  	s29 =	simm.s32 $0x0;
	[bflag:$0x0] =	sbarrier.arrive $0xFFFF  }
0x35: {  	[tilespmem:s16], [sflag:$0x1] =	stream.indirect.gather [spmem:s2], $0x40, s29, s22, $0xb8;
	[tilespmem:$0x1F100] =	vst v63  }
0x36: {  	_ = 	snop  }
0x37: {  	[tilespmem:s23], [sflag:$0x2] =	stream.indirect.gather [spmem:s2], $0x40, s22, s22, $0xb8;
	[tilespmem:$0x1F100] =	vst v63  }
0x38: {  	_ =	swait.ge [sflag:s17], $0x2000  }
0x39: {  	[sflag:s17] =	ssyncset.done $0x0  }
0x3a: {  	[sflag:s17] =	ssyncadd.s32 $0xFFFFE000  }
0x3b: {  	[spmem:s3] =	stream.indirect.scatter.add.f32 [tilespmem:s16], [sflag:$0x4], $0x40, s14, s22, $0xb8;
	[tilespmem:$0x1F100] =	vst v63  }
0x3c: {  	s29 =	simm.s32 $0x100  }
0x3d: {  	[tilespmem:s25], [sflag:$0x3] =	stream.indirect.gather [spmem:s2], $0x40, s29, s22, $0xb8;
	[tilespmem:$0x1F100] =	vst v63  }
0x3e: {  	_ =	swait.ge [sflag:s18], $0x2000  }
0x3f: {  	[sflag:s18] =	ssyncset.done $0x0  }
0x40: {  	s29 =	simm.s32 $0x2900;
	[sflag:s18] =	ssyncadd.s32 $0xFFFFE000  }
0x41: {  	[spmem:s3] =	stream.indirect.scatter.add.f32 [tilespmem:s23], [sflag:$0x5], $0x40, s29, s22, $0xb8;
	[tilespmem:$0x1F100] =	vst v63  }
0x42: {  	_ =	swait.ge [sflag:s20], $0x2000  }
0x43: {  	[sflag:s20] =	ssyncset.done $0x0  }
0x44: {  	s29 =	simm.s32 $0x180;
	[sflag:s20] =	ssyncadd.s32 $0xFFFFE000  }
0x45: {  	[tilespmem:s16], [sflag:$0x1] =	stream.indirect.gather [spmem:s2], $0x40, s29, s22, $0xb8;
	[tilespmem:$0x1F100] =	vst v63  }
0x46: {  	_ =	swait.ge [sflag:s19], $0x2000  }
0x47: {  	[sflag:s19] =	ssyncset.done $0x0  }
0x48: {  	s29 =	simm.s32 $0x2980;
	[sflag:s19] =	ssyncadd.s32 $0xFFFFE000  }
0x49: {  	[spmem:s3] =	stream.indirect.scatter.add.f32 [tilespmem:s25], [sflag:$0x6], $0x40, s29, s22, $0xb8;
	[tilespmem:$0x1F100] =	vst v63  }
0x4a: {  	_ =	swait.ge [sflag:s21], $0x2000  }
0x4b: {  	[sflag:s21] =	ssyncset.done $0x0  }
0x4c: {  	s29 =	simm.s32 $0x200;
	[sflag:s21] =	ssyncadd.s32 $0xFFFFE000  }
0x4d: {  	[tilespmem:s23], [sflag:$0x2] =	stream.indirect.gather [spmem:s2], $0x40, s29, s22, $0xb8;
	[tilespmem:$0x1F100] =	vst v63  }
0x4e: {  	_ =	swait.ge [sflag:s17], $0x2000  }
0x4f: {  	[sflag:s17] =	ssyncset.done $0x0  }
0x50: {  	s29 =	simm.s32 $0x2A00;
	[sflag:s17] =	ssyncadd.s32 $0xFFFFE000  }
0x51: {  	[spmem:s3] =	stream.indirect.scatter.add.f32 [tilespmem:s16], [sflag:$0x4], $0x40, s29, s22, $0xb8;
	[tilespmem:$0x1F100] =	vst v63  }
0x52: {  	_ =	swait.ge [sflag:s30], $0x2000  }
0x53: {  	[sflag:s30] =	ssyncset.done $0x0  }
0x54: {  	s29 =	simm.s32 $0x280;
	[sflag:s30] =	ssyncadd.s32 $0xFFFFE000  }
0x55: {  	[tilespmem:s25], [sflag:$0x3] =	stream.indirect.gather [spmem:s2], $0x40, s29, s22, $0xb8;
	[tilespmem:$0x1F100] =	vst v63  }
0x56: {  	_ =	swait.ge [sflag:s18], $0x2000  }
0x57: {  	[sflag:s18] =	ssyncset.done $0x0  }
0x58: {  	s29 =	simm.s32 $0x2A80;
	[sflag:s18] =	ssyncadd.s32 $0xFFFFE000  }
0x59: {  	[spmem:s3] =	stream.indirect.scatter.add.f32 [tilespmem:s23], [sflag:$0x5], $0x40, s29, s22, $0xb8;
	[tilespmem:$0x1F100] =	vst v63  }
0x5a: {  	_ =	swait.ge [sflag:s20], $0x2000  }
0x5b: {  	[sflag:s20] =	ssyncset.done $0x0  }
0x5c: {  	s29 =	simm.s32 $0x300;
	[sflag:s20] =	ssyncadd.s32 $0xFFFFE000  }
0x5d: {  	[tilespmem:s16], [sflag:$0x1] =	stream.indirect.gather [spmem:s2], $0x40, s29, s22, $0xb8;
	[tilespmem:$0x1F100] =	vst v63  }
0x5e: {  	_ =	swait.ge [sflag:s19], $0x2000  }
0x5f: {  	[sflag:s19] =	ssyncset.done $0x0  }
0x60: {  	s26 =	simm.s32 $0x600;
	s28 =	simm.s32 $0x2B00;
	[sflag:s19] =	ssyncadd.s32 $0xFFFFE000  }
.LBB2_4:
0x61: {  	[spmem:s3] =	stream.indirect.scatter.add.f32 [tilespmem:s25], [sflag:$0x6], $0x40, s28, s22, $0xb8;
	[tilespmem:$0x1F100] =	vst v63  }
0x62: {  	s28 =	smov.u32 s26;
	s26 =	sadd.s32 $0x600, s26;
	_ =	swait.ge [sflag:s21], $0x2000  }
0x63: {  	s28 =	sshra.s32 s28, $0x2;
	p0 =	sne.s32 s26, $0x9600;
	[sflag:s21] =	ssyncset.done $0x0  }
0x64: {  	s29 =	sadd.s32 $0x200, s28;
	[sflag:s21] =	ssyncadd.s32 $0xFFFFE000  }
0x65: {  	[tilespmem:s23], [sflag:$0x2] =	stream.indirect.gather [spmem:s2], $0x40, s29, s22, $0xb8;
	[tilespmem:$0x1F100] =	vst v63  }
0x66: {  	_ =	swait.ge [sflag:s17], $0x2000  }
0x67: {  	[sflag:s17] =	ssyncset.done $0x0  }
0x68: {  	s29 =	sadd.s32 $0x2A00, s28;
	[sflag:s17] =	ssyncadd.s32 $0xFFFFE000  }
0x69: {  	[spmem:s3] =	stream.indirect.scatter.add.f32 [tilespmem:s16], [sflag:$0x4], $0x40, s29, s22, $0xb8;
	[tilespmem:$0x1F100] =	vst v63  }
0x6a: {  	_ =	swait.ge [sflag:s30], $0x2000  }
0x6b: {  	[sflag:s30] =	ssyncset.done $0x0  }
0x6c: {  	s29 =	sadd.s32 $0x280, s28;
	[sflag:s30] =	ssyncadd.s32 $0xFFFFE000  }
0x6d: {  	[tilespmem:s25], [sflag:$0x3] =	stream.indirect.gather [spmem:s2], $0x40, s29, s22, $0xb8;
	[tilespmem:$0x1F100] =	vst v63  }
0x6e: {  	_ =	swait.ge [sflag:s18], $0x2000  }
0x6f: {  	[sflag:s18] =	ssyncset.done $0x0  }
0x70: {  	s29 =	sadd.s32 $0x2A80, s28;
	[sflag:s18] =	ssyncadd.s32 $0xFFFFE000  }
0x71: {  	[spmem:s3] =	stream.indirect.scatter.add.f32 [tilespmem:s23], [sflag:$0x5], $0x40, s29, s22, $0xb8;
	[tilespmem:$0x1F100] =	vst v63  }
0x72: {  	_ =	swait.ge [sflag:s20], $0x2000  }
0x73: {  	[sflag:s20] =	ssyncset.done $0x0  }
.Ltmp1:
0x74: {  	s29 =	sadd.s32 $0x300, s28;
	[sflag:s20] =	ssyncadd.s32 $0xFFFFE000;
	(pc) =	sbr.rel @p0 .LBB2_4-.Ltmp1, $4  }
0x75: {  	[tilespmem:s16], [sflag:$0x1] =	stream.indirect.gather [spmem:s2], $0x40, s29, s22, $0xb8;
	[tilespmem:$0x1F100] =	vst v63  }
0x76: {  	_ =	swait.ge [sflag:s19], $0x2000  }
0x77: {  	[sflag:s19] =	ssyncset.done $0x0  }
0x78: {  	s28 =	sadd.s32 $0x2B00, s28;
	[sflag:s19] =	ssyncadd.s32 $0xFFFFE000  }
0x79: {  	[spmem:s3] =	stream.indirect.scatter.add.f32 [tilespmem:s25], [sflag:$0x6], $0x40, s28, s22, $0xb8;
	[tilespmem:$0x1F100] =	vst v63  }
0x7a: {  	_ =	swait.ge [sflag:s21], $0x2000  }
0x7b: {  	[sflag:s21] =	ssyncset.done $0x0  }
0x7c: {  	[sflag:s21] =	ssyncadd.s32 $0xFFFFE000  }
0x7d: {  	[tilespmem:s23], [sflag:$0x2] =	stream.indirect.gather [spmem:s2], $0x40, s31, s22, $0xb8;
	[tilespmem:$0x1F100] =	vst v63  }
0x7e: {  	_ =	swait.ge [sflag:s17], $0x2000  }
0x7f: {  	s26 =	sshra.s32 s26, $0x2;
	[sflag:s17] =	ssyncset.done $0x0  }
0x80: {  	s29 =	sadd.s32 $0x2A00, s26;
	[sflag:s17] =	ssyncadd.s32 $0xFFFFE000  }
0x81: {  	[spmem:s3] =	stream.indirect.scatter.add.f32 [tilespmem:s16], [sflag:$0x4], $0x40, s29, s22, $0xb8;
	[tilespmem:$0x1F100] =	vst v63  }
0x82: {  	_ =	swait.ge [sflag:s30], $0x2000  }
0x83: {  	[sflag:s30] =	ssyncset.done $0x0  }
0x84: {  	s29 =	sadd.s32 $0x280, s26;
	[sflag:s30] =	ssyncadd.s32 $0xFFFFE000  }
0x85: {  	[tilespmem:s25], [sflag:$0x3] =	stream.indirect.gather [spmem:s2], $0x40, s29, s22, $0xb8;
	[tilespmem:$0x1F100] =	vst v63  }
0x86: {  	_ =	swait.ge [sflag:s18], $0x2000  }
0x87: {  	[sflag:s18] =	ssyncset.done $0x0  }
0x88: {  	[sflag:s18] =	ssyncadd.s32 $0xFFFFE000  }
0x89: {  	[spmem:s3] =	stream.indirect.scatter.add.f32 [tilespmem:s23], [sflag:$0x5], $0x40, s0, s22, $0xb8;
	[tilespmem:$0x1F100] =	vst v63  }
0x8a: {  	_ =	swait.ge [sflag:s19], $0x2000  }
0x8b: {  	[sflag:s19] =	ssyncset.done $0x0  }
0x8c: {  	s26 =	sadd.s32 $0x2B00, s26;
	[sflag:s19] =	ssyncadd.s32 $0xFFFFE000  }
0x8d: {  	[spmem:s3] =	stream.indirect.scatter.add.f32 [tilespmem:s25], [sflag:$0x6], $0x40, s26, s22, $0xb8;
	[tilespmem:$0x1F100] =	vst v63  }
0x8e: {  	_ =	swait.ge [sflag:s20], $0x2000  }
0x8f: {  	[sflag:s20] =	ssyncset.done $0x0  }
0x90: {  	[sflag:s20] =	ssyncadd.s32 $0xFFFFE000  }
0x91: {  	_ =	swait.ge [sflag:s21], $0x2000  }
0x92: {  	[sflag:s21] =	ssyncset.done $0x0  }
0x93: {  	[sflag:s21] =	ssyncadd.s32 $0xFFFFE000  }
0x94: {  	_ =	swait.ge [sflag:s30], $0x2000  }
0x95: {  	s24 =	sadd.s32 $0x1, s24;
	[sflag:s30] =	ssyncset.done $0x0  }
0x96: {  	p0 =	sne.s32 s24, s13;
	s29 =	sshrl.u32 s10, $0x3;
	[sflag:s30] =	ssyncadd.s32 $0xFFFFE000  }
.Ltmp2:
0x97: {  	s26 =	sor.u32 $0x1C07, s7;
	[bflag:$0x0] =	sbarrier.arrive $0xFFFF;
	(pc) =	sbr.rel @p0 .LBB2_1-.Ltmp2, $4  }
0x98: {  	[hbm:s12], [sflag:s26] =	dma.local [spmem:s29], $0x1400  }
0x99: {  	_ =	swait.ge [sflag:s1], $0x1400  }
0x9a: {  	[sflag:s1] =	ssyncset.done $0x0  }
0x9b: {  	[sflag:s1] =	ssyncadd.s32 $0xFFFFEC00  }
0x9c: {  	_ =	sfence.sel $0x180000  }
0x9d: {  	[bflag:$0x0] =	sbarrier.arrive $0xFFFF  }
0x9e: {  	_ =	strace $0x9000004A  }
0x9f: {  	s0 =	stileid.u32;
	[bflag:$0x2] =	sbarrier.arrive $0xFFFF  }
0xa0: {  	p0 =	sne.s32 s0, $0x0;
	s0 =	rddreg [dreg:$0x4]  }
0xa1: {  	s0 =	sadd.s32 @!p0 $0x100000, s0  }
0xa2: {  	[sflag:s0] =	ssyncadd.tile.s32 @!p0 $0x1;
	_ =	shalt  }
.Lfunc_end2:
_tile_overlayer_lowered:
.L_overlay_start_2:
0xa3: {  	(tag) =	ssettag $0x2  }
0xa4: {  	s0 =	rddreg [dreg:$0x0];
	s2 =	stileid.u32  }
0xa5: {  	s1 =	rddreg [dreg:$0x1];
	p0 =	sne.s32 s2, $0x0  }
0xa6: {  	s3 =	rddreg [dreg:$0x2];
	[bflag:$0x3] =	sbarrier.arrive $0xFFFF;
	s2 =	simm.s32 @!p0 $0x1C07  }
0xa7: {  	[timem:s3], [sflag:s2] =	dma.local @!p0 [hbm:s0], s1  }
0xa8: {  	s0 =	simm.s32 @!p0 $0x7  }
0xa9: {  	_ =	swait.ge @!p0 [sflag:s0], s1  }
0xaa: {  	s1 =	ssub.s32 @!p0 $0x0, s1;
	[sflag:s0] =	ssyncset.done @!p0 $0x0  }
0xab: {  	[sflag:s0] =	ssyncadd.s32 @!p0 s1  }
0xac: {  	[bflag:$0x3] =	sbarrier.arrive $0xFFFF  }
0xad: {  	_ =	shalt  }

// kernel: kernel.18.cloned.1.call-start
scs
__scs_entry_jumppad:
0x0: {  	(pc) =	sbr.rel $0x88, $3  }
0x1: {  	(tag) =	ssettag $0x0;
	lr =	simm.s32 $0x1  }
0x2: {  	[smem:$0x3F97] =	sst lr;
	_ =	strace $0xD0000000  }
0x3: {  	_ = 	snop  }
0x4: {  	_ = 	snop  }
0x5: {  	_ = 	snop  }
0x6: {  	_ = 	snop  }
0x7: {  	_ = 	snop  }
__scs_overlays_trampoline_lowered:
0x8: {  	[smem:$0x3FA6] =	sst s0  }
0x9: {  	[smem:$0x3FA7] =	sst s1  }
0xa: {  	[smem:$0x3FA8] =	sst s2  }
0xb: {  	[smem:$0x3FA9] =	sst s3  }
0xc: {  	[smem:$0x3FAA] =	sst s4  }
0xd: {  	[smem:$0x3FAB] =	sst s5  }
0xe: {  	[smem:$0x3FAC] =	sst s6  }
0xf: {  	[smem:$0x3FAD] =	sst s7  }
0x10: {  	[smem:$0x3FAE] =	sst s8  }
0x11: {  	[smem:$0x3FAF] =	sst s9;
	s0 =	simm.s32 @!p0 $0x0  }
0x12: {  	s1 =	sld [smem:$0x3F95];
	s0 =	simm.s32 @p0 $0x1  }
0x13: {  	[smem:$0x3FB0] =	sst s0;
	s0 =	simm.s32 @!p1 $0x0  }
0x14: {  	s2 =	sld [smem:$0x3F94];
	s0 =	simm.s32 @p1 $0x1  }
0x15: {  	[smem:$0x3FB1] =	sst s0;
	s0 =	simm.s32 @!p2 $0x0  }
0x16: {  	s3 =	sld [smem:$0x3FDB];
	s0 =	simm.s32 @p2 $0x1  }
0x17: {  	s4 =	simm.s32 $0x1BF5;
	[smem:$0x3FB3] =	sst s0  }
0x18: {  	s0 =	sld [smem:$0x3F96];
	_ =	swait.ge [sflag:s4], $0x0  }
0x19: {  	s7 =	sld [smem:$0x3F97]  }
0x1a: {  	s8 =	sadd.s32 $0xFFFFE003, lr  }
0x1b: {  	s9 =	sadd.s32 $0xFFFFFEF7, lr;
	s5 =	simm.s32 $0xFFFFFFFF;
	p2 =	slt.u32 s8, $0xFFFFF086  }
0x1c: {  	p1 =	slt.u32 s9, $0xF7A;
	s5 =	simm.s32 @!p2 $0x0  }
0x1d: {  	s5 =	simm.s32 @p1 $0x1;
	p0 =	seq.s32 s7, s2  }
0x1e: {  	s7 =	smul.u32 @!p0 $0xF7A, s2;
	p2 =	seq.s32 @!p0 s5, $0x0  }
0x1f: {  	s9 =	smul.u32 $0xF7A, s1;
	s8 =	simm.s32 @!p0 $0x1BF5;
	p2 =	por !p2, p0  }
0x20: {  	[sflag:s8] =	ssyncset.s32 @!p0 $0xFFFFF086;
	s6 =	sadd.s32 @!p0 s3, s7;
	s7 =	simm.s32 @!p0 $0x108  }
0x21: {  	s3 =	sadd.s32 s3, s9;
	s6 =	sadd.s32 @!p0 $0x88, s6;
	s7 =	simm.s32 @p2 $0x1082  }
0x22: {  	[simem:s7], [sflag:s8] =	dma.local @!p0 [hbm:s6], $0xF7A  }
0x23: {  	s9 =	sor.u32 $0xD0000000, s2;
	s6 =	simm.s32 $0x108;
	_ =	swait.ge @!p0 [sflag:s8], $0x0  }
0x24: {  	s3 =	sadd.s32 $0x88, s3;
	s6 =	simm.s32 @!p1 $0x1082;
	[sflag:s4] =	ssyncset.s32 $0xFFFFF086  }
0x25: {  	[simem:s6], [sflag:s4] =	dma.local [hbm:s3], $0xF7A  }
0x26: {  	[smem:$0x3F97] =	sst s1;
	(tag) =	ssettag s2;
	_ =	strace s9  }
0x27: {  	s1 =	sld [smem:$0x3FA7]  }
0x28: {  	s2 =	sld [smem:$0x3FA8]  }
0x29: {  	s4 =	sld [smem:$0x3FAA]  }
0x2a: {  	p0 =	seq.s32 s5, $0x0;
	s5 =	sld [smem:$0x3FAB]  }
0x2b: {  	s6 =	sld [smem:$0x3FAC]  }
0x2c: {  	s7 =	sld [smem:$0x3FAD]  }
0x2d: {  	s3 =	simm.s32 $0x108;
	s8 =	sld [smem:$0x3FAE]  }
0x2e: {  	s3 =	simm.s32 @!p0 $0x1082;
	s9 =	sld [smem:$0x3FAF]  }
0x2f: {  	lr =	sadd.s32 s0, s3;
	s0 =	sld [smem:$0x3FA6]  }
0x30: {  	s3 =	sld [smem:$0x3FA9]  }
0x31: {  	[smem:$0x3FB2] =	sst s10  }
0x32: {  	s10 =	sld [smem:$0x3FB0];
	_ =	sdelay $0x3  }
0x33: {  	p0 =	seq.s32 s10, $0x1;
	s10 =	sld [smem:$0x3FB2];
	_ =	sdelay $0x3  }
0x34: {  	[smem:$0x3FB2] =	sst s10  }
0x35: {  	s10 =	sld [smem:$0x3FB1];
	_ =	sdelay $0x3  }
0x36: {  	p1 =	seq.s32 s10, $0x1;
	s10 =	sld [smem:$0x3FB2];
	_ =	sdelay $0x3  }
0x37: {  	[smem:$0x3FB2] =	sst s10  }
0x38: {  	s10 =	sld [smem:$0x3FB3]  }
0x39: {  	_ = 	snop;
	(pc) =	sbr.ind lr, $3  }
0x3a: {  	_ = 	snop  }
0x3b: {  	_ = 	snop  }
0x3c: {  	p2 =	seq.s32 s10, $0x1;
	s10 =	sld [smem:$0x3FB2]  }
0x3d: {  	_ =	shalt  }
0x3e: {  	_ =	shalt  }
0x3f: {  	_ =	shalt  }
0x40: {  	_ =	shalt  }
0x41: {  	_ =	shalt  }
0x42: {  	_ =	shalt  }
0x43: {  	_ =	shalt  }
0x44: {  	_ =	shalt  }
0x45: {  	_ =	shalt  }
0x46: {  	_ =	shalt  }
0x47: {  	_ =	shalt  }
0x48: {  	_ =	shalt  }
0x49: {  	_ =	shalt  }
0x4a: {  	_ =	shalt  }
0x4b: {  	_ =	shalt  }
0x4c: {  	_ =	shalt  }
0x4d: {  	_ =	shalt  }
0x4e: {  	_ =	shalt  }
0x4f: {  	_ =	shalt  }
0x50: {  	_ =	shalt  }
0x51: {  	_ =	shalt  }
0x52: {  	_ =	shalt  }
0x53: {  	_ =	shalt  }
0x54: {  	_ =	shalt  }
0x55: {  	_ =	shalt  }
0x56: {  	_ =	shalt  }
0x57: {  	_ =	shalt  }
0x58: {  	_ =	shalt  }
0x59: {  	_ =	shalt  }
0x5a: {  	_ =	shalt  }
0x5b: {  	_ =	shalt  }
0x5c: {  	_ =	shalt  }
0x5d: {  	_ =	shalt  }
0x5e: {  	_ =	shalt  }
0x5f: {  	_ =	shalt  }
0x60: {  	_ =	shalt  }
0x61: {  	_ =	shalt  }
0x62: {  	_ =	shalt  }
0x63: {  	_ =	shalt  }
0x64: {  	_ =	shalt  }
0x65: {  	_ =	shalt  }
0x66: {  	_ =	shalt  }
0x67: {  	_ =	shalt  }
0x68: {  	_ =	shalt  }
0x69: {  	_ =	shalt  }
0x6a: {  	_ =	shalt  }
0x6b: {  	_ =	shalt  }
0x6c: {  	_ =	shalt  }
0x6d: {  	_ =	shalt  }
0x6e: {  	_ =	shalt  }
0x6f: {  	_ =	shalt  }
0x70: {  	_ =	shalt  }
0x71: {  	_ =	shalt  }
0x72: {  	_ =	shalt  }
0x73: {  	_ =	shalt  }
0x74: {  	_ =	shalt  }
0x75: {  	_ =	shalt  }
0x76: {  	_ =	shalt  }
0x77: {  	_ =	shalt  }
0x78: {  	_ =	shalt  }
0x79: {  	_ =	shalt  }
0x7a: {  	_ =	shalt  }
0x7b: {  	_ =	shalt  }
0x7c: {  	_ =	shalt  }
0x7d: {  	_ =	shalt  }
0x7e: {  	_ =	shalt  }
0x7f: {  	_ =	shalt  }
0x80: {  	_ =	shalt  }
0x81: {  	_ =	shalt  }
0x82: {  	_ =	shalt  }
0x83: {  	_ =	shalt  }
0x84: {  	_ =	shalt  }
0x85: {  	_ =	shalt  }
0x86: {  	_ =	shalt  }
0x87: {  	_ =	shalt  }
.Lfunc_end0:
.L_simem_size_0:
called_computation.2_lowered:
.L_overlay_start_0:
0x88: {  	s2 =	sld [smem:$0x3FD9]  }
0x89: {  	s3 =	sld [smem:$0x3FFE];
	_ =	sdelay $0x1  }
0x8a: {  	s1 =	srdreg.scid  }
0x8b: {  	s0 =	sand.u32 $0x1, s1  }
0x8c: {  	s14 =	sshll.u32 s0, $0xA;
	s2 =	sadd.s32 s3, s2  }
0x8d: {  	s2 =	sadd.s32 s2, s14  }
0x8e: {  	[smem:$0x3FBE] =	sst s2  }
0x8f: {  	_ = 	snop  }
0x90: {  	s2 =	sld [smem:$0x3FD0];
	_ =	sdelay $0x2  }
0x91: {  	s15 =	simm.s32 $0xA;
	s4 =	simm.s32 $0x10  }
0x92: {  	[smem:s4], [sflag:s15] =	dma.local [hbm:s2], $0x1  }
0x93: {  	_ =	swait.eq [sflag:s15], $0x1  }
0x94: {  	[sflag:s15] =	ssyncset.done $0x0  }
0x95: {  	[sflag:s15] =	ssyncadd.s32 $0xFFFFFFFF  }
0x96: {  	s16 =	sld [smem:$0x10];
	(tm) =	ssettm $0x1  }
0x97: {  	s17 =	sld [smem:$0x3FFB];
	_ =	sdelay $0x3  }
0x98: {  	_ =	strace s17  }
0x99: {  	s3 =	sld [smem:$0x3FFC];
	_ =	sdelay $0x3  }
0x9a: {  	_ =	strace s3  }
0x9b: {  	s3 =	sld [smem:$0x3FFD];
	_ =	sdelay $0x3  }
0x9c: {  	_ =	strace s3  }
0x9d: {  	_ =	strace $0x8FFFFFFF  }
0x9e: {  	s18 =	sld [smem:$0x3FDB];
	_ =	sdelay $0x1  }
0x9f: {  	s19 =	simm.s32 $_scs_section_size  }
0xa0: {  	s5 =	simm.s32 $_size__tile_overlayer_lowered;
	s6 =	simm.s32 $_tile_overlayer_lowered  }
0xa1: {  	s22 =	simm.s32 $0x1BFF;
	s21 =	sshll.u32 s6, $0x1;
	s3 =	sadd.s32 s19, s18  }
0xa2: {  	s7 =	simm.s32 $0x0;
	s20 =	sshll.u32 s5, $0x1;
	s5 =	sadd.s32 s21, s3  }
0xa3: {  	[timem:s7], [sflag:s22] =	dma.local [hbm:s5], s20  }
0xa4: {  	_ =	swait.ge [sflag:s22], s20  }
0xa5: {  	s4 =	ssub.s32 $0x0, s20;
	[sflag:s22] =	ssyncset.done $0x0  }
0xa6: {  	[sflag:s22] =	ssyncadd.s32 s4;
	_ =	sdelay $0x1  }
0xa7: {  	s23 =	simm.s32 $0x1B8B  }
0xa8: {  	_ =	swait.ge [sflag:s23], $0x1  }
0xa9: {  	[sflag:s23] =	ssyncset.done $0x0  }
0xaa: {  	s25 =	simm.s32 $0x1B8E;
	s24 =	sld [smem:$0x3FFE];
	[sflag:s23] =	ssyncadd.s32 $0xFFFFFFFF  }
0xab: {  	s26 =	simm.s32 $execute0_lowered;
	[smem:$0x3FD2] =	sst s25  }
0xac: {  	s5 =	sshll.u32 s26, $0x1;
	_ =	strace $0x8000004C;
	[dreg:$0x1] =	wrdreg $0xFFFFFFFF  }
0xad: {  	s28 =	simm.s32 $_size_execute0_lowered;
	s3 =	sadd.s32 s3, s5;
	[dreg:$0x0] =	wrdreg $0x0  }
0xae: {  	s5 =	sshll.u32 s28, $0x1;
	[dreg:$0x2] =	wrdreg s3  }
0xaf: {  	[dreg:$0x3] =	wrdreg s5  }
0xb0: {  	[dreg:$0x4] =	wrdreg $0xC0  }
0xb1: {  	_ =	task [dreg:s7], $0x5FFFF  }
0xb2: {  	[dreg:$0x1] =	wrdreg $0xFFFFFFFF  }
0xb3: {  	[dreg:$0x0] =	wrdreg $0x60  }
0xb4: {  	[dreg:$0x2] =	wrdreg s24  }
0xb5: {  	[dreg:$0x3] =	wrdreg s16  }
0xb6: {  	[dreg:$0x4] =	wrdreg $0xD1000  }
0xb7: {  	[dreg:$0x5] =	wrdreg $0x81000  }
0xb8: {  	[dreg:$0x6] =	wrdreg $0x9  }
0xb9: {  	_ =	task.clear_ibuf [dreg:s7], $0x7FFFF;
	_ =	strace $0x9000004C  }
0xba: {  	s29 =	simm.s32 $0x9;
	_ =	strace $0x8000004E  }
0xbb: {  	_ =	swait.ge [sflag:s29], $0x1  }
0xbc: {  	[sflag:s29] =	ssyncadd.s32 $0xFFFFFFFF  }
0xbd: {  	_ =	strace $0x9000004E  }
0xbe: {  	_ =	sfence  }
0xbf: {  	s30 =	sld [smem:$0x0];
	_ =	sdelay $0x2  }
0xc0: {  	s31 =	sshll.u32 s1, $0xD;
	s1 =	sshrl.u32 s1, $0x2  }
0xc1: {  	s3 =	sand.u32 $0x4000, s31;
	s1 =	sadd.s32 s1, s30  }
0xc2: {  	s0 =	sor.u32 s3, s0;
	s1 =	sshll.u32 s1, $0x11  }
0xc3: {  	s0 =	sor.u32 s1, s0  }
0xc4: {  	s0 =	sadd.s32 $0x8F2B, s0  }
0xc5: {  	[sflag:s0] =	ssyncadd.remote.s32 $0x1  }
0xc6: {  	_ =	sfence.sel $0xFFFF  }
0xc7: {  	[dreg:$0x0] =	wrdreg $0xFFFFFFFF;
	(pc) =	sbr.abs _section_cstart, $3  }
0xc8: {  	[dreg:$0x1] =	wrdreg $0xFFFFFFFF  }
0xc9: {  	_ =	task.clear_ibuf [dreg:s7], $0x2FFFF;
	_ =	strace $0x9FFFFFFF  }
0xca: {  	(tm) =	ssettm $0x7FFFFFFF  }
0xcb: {  	_ =	shalt  }
tec
execute0_lowered:
.L_overlay_start_1:
0x0: {  	(tag) =	ssettag $0x1  }
0x1: {  	s0 =	rddreg [dreg:$0x0]  }
0x2: {  	s2 =	rddreg [dreg:$0x1]  }
0x3: {  	s1 =	rddreg [dreg:$0x2]  }
0x4: {  	s3 =	rddreg [dreg:$0x3]  }
0x5: {  	s12 =	stileid.u32;
	s4 =	srdreg.scid;
	s16 =	simm.s32 $0x5100  }
0x6: {  	s17 =	simm.s32 $0x1;
	s18 =	simm.s32 $0x2;
	s19 =	simm.s32 $0x3  }
0x7: {  	s20 =	simm.s32 $0x4;
	s21 =	simm.s32 $0x5;
	s22 =	simm.s32 $0x80  }
0x8: {  	s23 =	simm.s32 $0x6100;
	s25 =	simm.s32 $0x7100;
	s30 =	simm.s32 $0x6  }
0x9: {  	s31 =	simm.s32 $0x2780;
	s24 =	simm.s32 $0x0;
	s10 =	smul.u32 $0x5000, s12  }
0xa: {  	s6 =	sand.u32 $0x1, s4;
	s5 =	sshll.u32 s12, $0x1;
	s4 =	simm.s32 $0x0  }
0xb: {  	s9 =	smul.u32 $0x14000, s12;
	s5 =	sor.u32 s6, s5;
	[smem:$0x7FF] =	sst s4  }
0xc: {  	s8 =	ssub.s32 $0x2, s6;
	s11 =	smul.u32 $0x50000, s6;
	s7 =	sshrl.u32 s10, $0x3  }
0xd: {  	s5 =	smul.u32 $0x510, s5;
	_ =	strace $0x8000004D;
	s26 =	sshrl.u32 s8, $0x1  }
0xe: {  	s28 =	sadd.s32 s10, s1;
	s29 =	sshrl.u32 s9, $0x2;
	s7 =	sadd.s32 s7, s0  }
0xf: {  	s13 =	ssub.s32 s8, s26;
	s8 =	sshll.u32 s12, $0x6;
	s11 =	sadd.s32 s10, s11  }
0x10: {  	s12 =	sadd.s32 s29, s3;
	s10 =	sadd.s32 s10, s3;
	s15 =	sshrl.u32 s28, $0x3  }
0x11: {  	s0 =	sadd.s32 s5, s0;
	s7 =	sadd.s32 $0x16E00, s7;
	s9 =	sor.u32 $0x1C03, s8  }
0x12: {  	s14 =	sshrl.u32 s11, $0x3;
	s11 =	sadd.s32 $0x3000, s12;
	s13 =	smax.u32 s13, $0x1  }
0x13: {  	s5 =	sadd.s32 $0xCC00, s0;
	s6 =	sadd.s32 $0x2800, s0;
	s12 =	sadd.s32 s2, s14  }
0x14: {  	v0 =	vimm.f32 $0.0e+00;
	s14 =	simm.s32 $0x2880;
	s2 =	simm.s32 $0x5000;
	s0 =	simm.s32 $0x7  }
.LBB2_1:
0x15: {  	[tilespmem:s4], [sflag:$0x1] =	stream.linear.gather [hbm4b:s5+s4], $0x2880, $0x38;
	[tilespmem:$0x12100] =	vst v63  }
0x16: {  	s26 =	simm.s32 $0x80;
	s28 =	simm.s32 $0x0  }
0x17: {  	[tilespmem:s14], [sflag:$0x2] =	stream.linear.gather [hbm4b:s6+s4], $0x2880, $0x38;
	[tilespmem:$0x12100] =	vst v63  }
0x18: {  	[spmem:s15], [sflag:s9] =	dma.local [hbm:s7], $0xA00  }
.LBB2_2:
0x19: {  	p0 =	sne.s32 s26, $0xBF80;
	[tilespmem:s28+$0x5100] =	vst v0;
	s29 =	smov.u32 s26;
	s26 =	sadd.s32 $0x80, s26  }
.Ltmp0:
0x1a: {  	[tilespmem:s28+$0x5110] =	vst v0;
	(pc) =	sbr.rel @p0 .LBB2_2-.Ltmp0, $2  }
0x1b: {  	_ =	sdelay $0x2  }
0x1c: {  	s28 =	sshra.s32 s29, $0x2  }
0x1d: {  	[tilespmem:s28+$0x5100] =	vst v0  }
0x1e: {  	[tilespmem:s28+$0x5110] =	vst v0  }
0x1f: {  	[spmem:s10] =	stream.linear.scatter [tilespmem:s16], [sflag:$0x4], $0x3000, $0x38;
	[tilespmem:$0x12100] =	vst v63  }
0x20: {  	_ = 	snop  }
0x21: {  	[spmem:s11] =	stream.linear.scatter [tilespmem:s16], [sflag:$0x5], $0x2000, $0x38;
	[tilespmem:$0x12100] =	vst v63  }
0x22: {  	_ =	swait.ge [sflag:s17], $0x2880  }
0x23: {  	[sflag:s17] =	ssyncset.done $0x0  }
0x24: {  	[sflag:s17] =	ssyncadd.s32 $0xFFFFD780  }
0x25: {  	_ =	swait.ge [sflag:s18], $0x2880  }
0x26: {  	[sflag:s18] =	ssyncset.done $0x0  }
0x27: {  	[sflag:s18] =	ssyncadd.s32 $0xFFFFD780  }
0x28: {  	_ =	swait.ge [sflag:s19], $0xA00  }
0x29: {  	[sflag:s19] =	ssyncset.done $0x0  }
0x2a: {  	[sflag:s19] =	ssyncadd.s32 $0xFFFFF600  }
0x2b: {  	_ =	swait.ge [sflag:s20], $0x3000  }
0x2c: {  	[sflag:s20] =	ssyncset.done $0x0  }
0x2d: {  	[sflag:s20] =	ssyncadd.s32 $0xFFFFD000  }
0x2e: {  	_ =	swait.ge [sflag:s21], $0x2000  }
0x2f: {  	[sflag:s21] =	ssyncset.done $0x0  }
0x30: {  	[sflag:s21] =	ssyncadd.s32 $0xFFFFE000  }
0x31: {  	s26 =	simm.s32 $0x0;
	[bflag:$0x0] =	sbarrier.arrive $0xFFFF  }
0x32: {  	[tilespmem:s16], [sflag:$0x1] =	stream.indirect.gather [spmem:s1], $0x20, s26, s22, $0xb8;
	[tilespmem:$0x12100] =	vst v63  }
0x33: {  	_ = 	snop  }
0x34: {  	[tilespmem:s23], [sflag:$0x2] =	stream.indirect.gather [spmem:s1], $0x20, s22, s22, $0xb8;
	[tilespmem:$0x12100] =	vst v63  }
0x35: {  	_ =	swait.ge [sflag:s17], $0x1000  }
0x36: {  	[sflag:s17] =	ssyncset.done $0x0  }
0x37: {  	[sflag:s17] =	ssyncadd.s32 $0xFFFFF000  }
0x38: {  	[spmem:s3] =	stream.indirect.scatter.add.f32 [tilespmem:s16], [sflag:$0x4], $0x20, s14, s22, $0xb8;
	[tilespmem:$0x12100] =	vst v63  }
0x39: {  	s29 =	simm.s32 $0x100  }
0x3a: {  	[tilespmem:s25], [sflag:$0x3] =	stream.indirect.gather [spmem:s1], $0x20, s29, s22, $0xb8;
	[tilespmem:$0x12100] =	vst v63  }
0x3b: {  	_ =	swait.ge [sflag:s18], $0x1000  }
0x3c: {  	[sflag:s18] =	ssyncset.done $0x0  }
0x3d: {  	s29 =	simm.s32 $0x2900;
	[sflag:s18] =	ssyncadd.s32 $0xFFFFF000  }
0x3e: {  	[spmem:s3] =	stream.indirect.scatter.add.f32 [tilespmem:s23], [sflag:$0x5], $0x20, s29, s22, $0xb8;
	[tilespmem:$0x12100] =	vst v63  }
0x3f: {  	_ =	swait.ge [sflag:s20], $0x1000  }
0x40: {  	[sflag:s20] =	ssyncset.done $0x0  }
0x41: {  	s29 =	simm.s32 $0x180;
	[sflag:s20] =	ssyncadd.s32 $0xFFFFF000  }
0x42: {  	[tilespmem:s16], [sflag:$0x1] =	stream.indirect.gather [spmem:s1], $0x20, s29, s22, $0xb8;
	[tilespmem:$0x12100] =	vst v63  }
0x43: {  	_ =	swait.ge [sflag:s19], $0x1000  }
0x44: {  	[sflag:s19] =	ssyncset.done $0x0  }
0x45: {  	s29 =	simm.s32 $0x2980;
	[sflag:s19] =	ssyncadd.s32 $0xFFFFF000  }
0x46: {  	[spmem:s3] =	stream.indirect.scatter.add.f32 [tilespmem:s25], [sflag:$0x6], $0x20, s29, s22, $0xb8;
	[tilespmem:$0x12100] =	vst v63  }
0x47: {  	_ =	swait.ge [sflag:s21], $0x1000  }
0x48: {  	[sflag:s21] =	ssyncset.done $0x0  }
0x49: {  	s29 =	simm.s32 $0x200;
	[sflag:s21] =	ssyncadd.s32 $0xFFFFF000  }
0x4a: {  	[tilespmem:s23], [sflag:$0x2] =	stream.indirect.gather [spmem:s1], $0x20, s29, s22, $0xb8;
	[tilespmem:$0x12100] =	vst v63  }
0x4b: {  	_ =	swait.ge [sflag:s17], $0x1000  }
0x4c: {  	[sflag:s17] =	ssyncset.done $0x0  }
0x4d: {  	s29 =	simm.s32 $0x2A00;
	[sflag:s17] =	ssyncadd.s32 $0xFFFFF000  }
0x4e: {  	[spmem:s3] =	stream.indirect.scatter.add.f32 [tilespmem:s16], [sflag:$0x4], $0x20, s29, s22, $0xb8;
	[tilespmem:$0x12100] =	vst v63  }
0x4f: {  	_ =	swait.ge [sflag:s30], $0x1000  }
0x50: {  	[sflag:s30] =	ssyncset.done $0x0  }
0x51: {  	s29 =	simm.s32 $0x280;
	[sflag:s30] =	ssyncadd.s32 $0xFFFFF000  }
0x52: {  	[tilespmem:s25], [sflag:$0x3] =	stream.indirect.gather [spmem:s1], $0x20, s29, s22, $0xb8;
	[tilespmem:$0x12100] =	vst v63  }
0x53: {  	_ =	swait.ge [sflag:s18], $0x1000  }
0x54: {  	[sflag:s18] =	ssyncset.done $0x0  }
0x55: {  	s29 =	simm.s32 $0x2A80;
	[sflag:s18] =	ssyncadd.s32 $0xFFFFF000  }
0x56: {  	[spmem:s3] =	stream.indirect.scatter.add.f32 [tilespmem:s23], [sflag:$0x5], $0x20, s29, s22, $0xb8;
	[tilespmem:$0x12100] =	vst v63  }
0x57: {  	_ =	swait.ge [sflag:s20], $0x1000  }
0x58: {  	[sflag:s20] =	ssyncset.done $0x0  }
0x59: {  	s29 =	simm.s32 $0x300;
	[sflag:s20] =	ssyncadd.s32 $0xFFFFF000  }
0x5a: {  	[tilespmem:s16], [sflag:$0x1] =	stream.indirect.gather [spmem:s1], $0x20, s29, s22, $0xb8;
	[tilespmem:$0x12100] =	vst v63  }
0x5b: {  	_ =	swait.ge [sflag:s19], $0x1000  }
0x5c: {  	[sflag:s19] =	ssyncset.done $0x0  }
0x5d: {  	s28 =	simm.s32 $0x2B00;
	s26 =	simm.s32 $0x600;
	[sflag:s19] =	ssyncadd.s32 $0xFFFFF000  }
.LBB2_4:
0x5e: {  	[spmem:s3] =	stream.indirect.scatter.add.f32 [tilespmem:s25], [sflag:$0x6], $0x20, s28, s22, $0xb8;
	[tilespmem:$0x12100] =	vst v63  }
0x5f: {  	s28 =	smov.u32 s26;
	s26 =	sadd.s32 $0x600, s26;
	_ =	swait.ge [sflag:s21], $0x1000  }
0x60: {  	s28 =	sshra.s32 s28, $0x2;
	p0 =	sne.s32 s26, $0x9600;
	[sflag:s21] =	ssyncset.done $0x0  }
0x61: {  	s29 =	sadd.s32 $0x200, s28;
	[sflag:s21] =	ssyncadd.s32 $0xFFFFF000  }
0x62: {  	[tilespmem:s23], [sflag:$0x2] =	stream.indirect.gather [spmem:s1], $0x20, s29, s22, $0xb8;
	[tilespmem:$0x12100] =	vst v63  }
0x63: {  	_ =	swait.ge [sflag:s17], $0x1000  }
0x64: {  	[sflag:s17] =	ssyncset.done $0x0  }
0x65: {  	s29 =	sadd.s32 $0x2A00, s28;
	[sflag:s17] =	ssyncadd.s32 $0xFFFFF000  }
0x66: {  	[spmem:s3] =	stream.indirect.scatter.add.f32 [tilespmem:s16], [sflag:$0x4], $0x20, s29, s22, $0xb8;
	[tilespmem:$0x12100] =	vst v63  }
0x67: {  	_ =	swait.ge [sflag:s30], $0x1000  }
0x68: {  	[sflag:s30] =	ssyncset.done $0x0  }
0x69: {  	s29 =	sadd.s32 $0x280, s28;
	[sflag:s30] =	ssyncadd.s32 $0xFFFFF000  }
0x6a: {  	[tilespmem:s25], [sflag:$0x3] =	stream.indirect.gather [spmem:s1], $0x20, s29, s22, $0xb8;
	[tilespmem:$0x12100] =	vst v63  }
0x6b: {  	_ =	swait.ge [sflag:s18], $0x1000  }
0x6c: {  	[sflag:s18] =	ssyncset.done $0x0  }
0x6d: {  	s29 =	sadd.s32 $0x2A80, s28;
	[sflag:s18] =	ssyncadd.s32 $0xFFFFF000  }
0x6e: {  	[spmem:s3] =	stream.indirect.scatter.add.f32 [tilespmem:s23], [sflag:$0x5], $0x20, s29, s22, $0xb8;
	[tilespmem:$0x12100] =	vst v63  }
0x6f: {  	_ =	swait.ge [sflag:s20], $0x1000  }
0x70: {  	[sflag:s20] =	ssyncset.done $0x0  }
.Ltmp1:
0x71: {  	s29 =	sadd.s32 $0x300, s28;
	[sflag:s20] =	ssyncadd.s32 $0xFFFFF000;
	(pc) =	sbr.rel @p0 .LBB2_4-.Ltmp1, $4  }
0x72: {  	[tilespmem:s16], [sflag:$0x1] =	stream.indirect.gather [spmem:s1], $0x20, s29, s22, $0xb8;
	[tilespmem:$0x12100] =	vst v63  }
0x73: {  	_ =	swait.ge [sflag:s19], $0x1000  }
0x74: {  	[sflag:s19] =	ssyncset.done $0x0  }
0x75: {  	s28 =	sadd.s32 $0x2B00, s28;
	[sflag:s19] =	ssyncadd.s32 $0xFFFFF000  }
0x76: {  	[spmem:s3] =	stream.indirect.scatter.add.f32 [tilespmem:s25], [sflag:$0x6], $0x20, s28, s22, $0xb8;
	[tilespmem:$0x12100] =	vst v63  }
0x77: {  	_ =	swait.ge [sflag:s21], $0x1000  }
0x78: {  	[sflag:s21] =	ssyncset.done $0x0  }
0x79: {  	[sflag:s21] =	ssyncadd.s32 $0xFFFFF000  }
0x7a: {  	[tilespmem:s23], [sflag:$0x2] =	stream.indirect.gather [spmem:s1], $0x20, s31, s22, $0xb8;
	[tilespmem:$0x12100] =	vst v63  }
0x7b: {  	_ =	swait.ge [sflag:s17], $0x1000  }
0x7c: {  	s26 =	sshra.s32 s26, $0x2;
	[sflag:s17] =	ssyncset.done $0x0  }
0x7d: {  	s29 =	sadd.s32 $0x2A00, s26;
	[sflag:s17] =	ssyncadd.s32 $0xFFFFF000  }
0x7e: {  	[spmem:s3] =	stream.indirect.scatter.add.f32 [tilespmem:s16], [sflag:$0x4], $0x20, s29, s22, $0xb8;
	[tilespmem:$0x12100] =	vst v63  }
0x7f: {  	_ =	swait.ge [sflag:s30], $0x1000  }
0x80: {  	[sflag:s30] =	ssyncset.done $0x0  }
0x81: {  	s29 =	sadd.s32 $0x280, s26;
	[sflag:s30] =	ssyncadd.s32 $0xFFFFF000  }
0x82: {  	[tilespmem:s25], [sflag:$0x3] =	stream.indirect.gather [spmem:s1], $0x20, s29, s22, $0xb8;
	[tilespmem:$0x12100] =	vst v63  }
0x83: {  	_ =	swait.ge [sflag:s18], $0x1000  }
0x84: {  	[sflag:s18] =	ssyncset.done $0x0  }
0x85: {  	[sflag:s18] =	ssyncadd.s32 $0xFFFFF000  }
0x86: {  	[spmem:s3] =	stream.indirect.scatter.add.f32 [tilespmem:s23], [sflag:$0x5], $0x20, s2, s22, $0xb8;
	[tilespmem:$0x12100] =	vst v63  }
0x87: {  	_ =	swait.ge [sflag:s19], $0x1000  }
0x88: {  	[sflag:s19] =	ssyncset.done $0x0  }
0x89: {  	s26 =	sadd.s32 $0x2B00, s26;
	[sflag:s19] =	ssyncadd.s32 $0xFFFFF000  }
0x8a: {  	[spmem:s3] =	stream.indirect.scatter.add.f32 [tilespmem:s25], [sflag:$0x6], $0x20, s26, s22, $0xb8;
	[tilespmem:$0x12100] =	vst v63  }
0x8b: {  	_ =	swait.ge [sflag:s20], $0x1000  }
0x8c: {  	[sflag:s20] =	ssyncset.done $0x0  }
0x8d: {  	[sflag:s20] =	ssyncadd.s32 $0xFFFFF000  }
0x8e: {  	_ =	swait.ge [sflag:s21], $0x1000  }
0x8f: {  	[sflag:s21] =	ssyncset.done $0x0  }
0x90: {  	[sflag:s21] =	ssyncadd.s32 $0xFFFFF000  }
0x91: {  	_ =	swait.ge [sflag:s30], $0x1000  }
0x92: {  	s24 =	sadd.s32 $0x1, s24;
	[sflag:s30] =	ssyncset.done $0x0  }
0x93: {  	p0 =	sne.s32 s24, s13;
	s29 =	sshrl.u32 s10, $0x3;
	[sflag:s30] =	ssyncadd.s32 $0xFFFFF000  }
.Ltmp2:
0x94: {  	s26 =	sor.u32 $0x1C07, s8;
	[bflag:$0x0] =	sbarrier.arrive $0xFFFF;
	(pc) =	sbr.rel @p0 .LBB2_1-.Ltmp2, $4  }
0x95: {  	[hbm:s12], [sflag:s26] =	dma.local [spmem:s29], $0xA00  }
0x96: {  	_ =	swait.ge [sflag:s0], $0xA00  }
0x97: {  	[sflag:s0] =	ssyncset.done $0x0  }
0x98: {  	[sflag:s0] =	ssyncadd.s32 $0xFFFFF600  }
0x99: {  	_ =	sfence.sel $0x180000  }
0x9a: {  	[bflag:$0x0] =	sbarrier.arrive $0xFFFF  }
0x9b: {  	_ =	strace $0x9000004D  }
0x9c: {  	s0 =	stileid.u32;
	[bflag:$0x2] =	sbarrier.arrive $0xFFFF  }
0x9d: {  	p0 =	sne.s32 s0, $0x0;
	s0 =	rddreg [dreg:$0x4]  }
0x9e: {  	s0 =	sadd.s32 @!p0 $0x100000, s0  }
0x9f: {  	[sflag:s0] =	ssyncadd.tile.s32 @!p0 $0x1;
	_ =	shalt  }
.Lfunc_end2:
_tile_overlayer_lowered:
.L_overlay_start_2:
0xa0: {  	(tag) =	ssettag $0x2  }
0xa1: {  	s0 =	rddreg [dreg:$0x0];
	s2 =	stileid.u32  }
0xa2: {  	s1 =	rddreg [dreg:$0x1];
	p0 =	sne.s32 s2, $0x0  }
0xa3: {  	s3 =	rddreg [dreg:$0x2];
	[bflag:$0x3] =	sbarrier.arrive $0xFFFF;
	s2 =	simm.s32 @!p0 $0x1C07  }
0xa4: {  	[timem:s3], [sflag:s2] =	dma.local @!p0 [hbm:s0], s1  }
0xa5: {  	s0 =	simm.s32 @!p0 $0x7  }
0xa6: {  	_ =	swait.ge @!p0 [sflag:s0], s1  }
0xa7: {  	s1 =	ssub.s32 @!p0 $0x0, s1;
	[sflag:s0] =	ssyncset.done @!p0 $0x0  }
0xa8: {  	[sflag:s0] =	ssyncadd.s32 @!p0 s1  }
0xa9: {  	[bflag:$0x3] =	sbarrier.arrive $0xFFFF  }
0xaa: {  	_ =	shalt  }

// kernel: kernel.21.cloned.1.call-start
scs
__scs_entry_jumppad:
0x0: {  	(pc) =	sbr.rel $0x88, $3  }
0x1: {  	(tag) =	ssettag $0x0;
	lr =	simm.s32 $0x1  }
0x2: {  	[smem:$0x3F97] =	sst lr;
	_ =	strace $0xD0000000  }
0x3: {  	_ = 	snop  }
0x4: {  	_ = 	snop  }
0x5: {  	_ = 	snop  }
0x6: {  	_ = 	snop  }
0x7: {  	_ = 	snop  }
__scs_overlays_trampoline_lowered:
0x8: {  	[smem:$0x3FA6] =	sst s0  }
0x9: {  	[smem:$0x3FA7] =	sst s1  }
0xa: {  	[smem:$0x3FA8] =	sst s2  }
0xb: {  	[smem:$0x3FA9] =	sst s3  }
0xc: {  	[smem:$0x3FAA] =	sst s4  }
0xd: {  	[smem:$0x3FAB] =	sst s5  }
0xe: {  	[smem:$0x3FAC] =	sst s6  }
0xf: {  	[smem:$0x3FAD] =	sst s7  }
0x10: {  	[smem:$0x3FAE] =	sst s8  }
0x11: {  	[smem:$0x3FAF] =	sst s9;
	s0 =	simm.s32 @!p0 $0x0  }
0x12: {  	s1 =	sld [smem:$0x3F95];
	s0 =	simm.s32 @p0 $0x1  }
0x13: {  	[smem:$0x3FB0] =	sst s0;
	s0 =	simm.s32 @!p1 $0x0  }
0x14: {  	s2 =	sld [smem:$0x3F94];
	s0 =	simm.s32 @p1 $0x1  }
0x15: {  	[smem:$0x3FB1] =	sst s0;
	s0 =	simm.s32 @!p2 $0x0  }
0x16: {  	s3 =	sld [smem:$0x3FDB];
	s0 =	simm.s32 @p2 $0x1  }
0x17: {  	s4 =	simm.s32 $0x1BF5;
	[smem:$0x3FB3] =	sst s0  }
0x18: {  	s0 =	sld [smem:$0x3F96];
	_ =	swait.ge [sflag:s4], $0x0  }
0x19: {  	s7 =	sld [smem:$0x3F97]  }
0x1a: {  	s8 =	sadd.s32 $0xFFFFE003, lr  }
0x1b: {  	s9 =	sadd.s32 $0xFFFFFEF7, lr;
	s5 =	simm.s32 $0xFFFFFFFF;
	p2 =	slt.u32 s8, $0xFFFFF086  }
0x1c: {  	p1 =	slt.u32 s9, $0xF7A;
	s5 =	simm.s32 @!p2 $0x0  }
0x1d: {  	s5 =	simm.s32 @p1 $0x1;
	p0 =	seq.s32 s7, s2  }
0x1e: {  	s7 =	smul.u32 @!p0 $0xF7A, s2;
	p2 =	seq.s32 @!p0 s5, $0x0  }
0x1f: {  	s9 =	smul.u32 $0xF7A, s1;
	s8 =	simm.s32 @!p0 $0x1BF5;
	p2 =	por !p2, p0  }
0x20: {  	[sflag:s8] =	ssyncset.s32 @!p0 $0xFFFFF086;
	s6 =	sadd.s32 @!p0 s3, s7;
	s7 =	simm.s32 @!p0 $0x108  }
0x21: {  	s3 =	sadd.s32 s3, s9;
	s6 =	sadd.s32 @!p0 $0x88, s6;
	s7 =	simm.s32 @p2 $0x1082  }
0x22: {  	[simem:s7], [sflag:s8] =	dma.local @!p0 [hbm:s6], $0xF7A  }
0x23: {  	s9 =	sor.u32 $0xD0000000, s2;
	s6 =	simm.s32 $0x108;
	_ =	swait.ge @!p0 [sflag:s8], $0x0  }
0x24: {  	s3 =	sadd.s32 $0x88, s3;
	s6 =	simm.s32 @!p1 $0x1082;
	[sflag:s4] =	ssyncset.s32 $0xFFFFF086  }
0x25: {  	[simem:s6], [sflag:s4] =	dma.local [hbm:s3], $0xF7A  }
0x26: {  	[smem:$0x3F97] =	sst s1;
	(tag) =	ssettag s2;
	_ =	strace s9  }
0x27: {  	s1 =	sld [smem:$0x3FA7]  }
0x28: {  	s2 =	sld [smem:$0x3FA8]  }
0x29: {  	s4 =	sld [smem:$0x3FAA]  }
0x2a: {  	p0 =	seq.s32 s5, $0x0;
	s5 =	sld [smem:$0x3FAB]  }
0x2b: {  	s6 =	sld [smem:$0x3FAC]  }
0x2c: {  	s7 =	sld [smem:$0x3FAD]  }
0x2d: {  	s3 =	simm.s32 $0x108;
	s8 =	sld [smem:$0x3FAE]  }
0x2e: {  	s3 =	simm.s32 @!p0 $0x1082;
	s9 =	sld [smem:$0x3FAF]  }
0x2f: {  	lr =	sadd.s32 s0, s3;
	s0 =	sld [smem:$0x3FA6]  }
0x30: {  	s3 =	sld [smem:$0x3FA9]  }
0x31: {  	[smem:$0x3FB2] =	sst s10  }
0x32: {  	s10 =	sld [smem:$0x3FB0];
	_ =	sdelay $0x3  }
0x33: {  	p0 =	seq.s32 s10, $0x1;
	s10 =	sld [smem:$0x3FB2];
	_ =	sdelay $0x3  }
0x34: {  	[smem:$0x3FB2] =	sst s10  }
0x35: {  	s10 =	sld [smem:$0x3FB1];
	_ =	sdelay $0x3  }
0x36: {  	p1 =	seq.s32 s10, $0x1;
	s10 =	sld [smem:$0x3FB2];
	_ =	sdelay $0x3  }
0x37: {  	[smem:$0x3FB2] =	sst s10  }
0x38: {  	s10 =	sld [smem:$0x3FB3]  }
0x39: {  	_ = 	snop;
	(pc) =	sbr.ind lr, $3  }
0x3a: {  	_ = 	snop  }
0x3b: {  	_ = 	snop  }
0x3c: {  	p2 =	seq.s32 s10, $0x1;
	s10 =	sld [smem:$0x3FB2]  }
0x3d: {  	_ =	shalt  }
0x3e: {  	_ =	shalt  }
0x3f: {  	_ =	shalt  }
0x40: {  	_ =	shalt  }
0x41: {  	_ =	shalt  }
0x42: {  	_ =	shalt  }
0x43: {  	_ =	shalt  }
0x44: {  	_ =	shalt  }
0x45: {  	_ =	shalt  }
0x46: {  	_ =	shalt  }
0x47: {  	_ =	shalt  }
0x48: {  	_ =	shalt  }
0x49: {  	_ =	shalt  }
0x4a: {  	_ =	shalt  }
0x4b: {  	_ =	shalt  }
0x4c: {  	_ =	shalt  }
0x4d: {  	_ =	shalt  }
0x4e: {  	_ =	shalt  }
0x4f: {  	_ =	shalt  }
0x50: {  	_ =	shalt  }
0x51: {  	_ =	shalt  }
0x52: {  	_ =	shalt  }
0x53: {  	_ =	shalt  }
0x54: {  	_ =	shalt  }
0x55: {  	_ =	shalt  }
0x56: {  	_ =	shalt  }
0x57: {  	_ =	shalt  }
0x58: {  	_ =	shalt  }
0x59: {  	_ =	shalt  }
0x5a: {  	_ =	shalt  }
0x5b: {  	_ =	shalt  }
0x5c: {  	_ =	shalt  }
0x5d: {  	_ =	shalt  }
0x5e: {  	_ =	shalt  }
0x5f: {  	_ =	shalt  }
0x60: {  	_ =	shalt  }
0x61: {  	_ =	shalt  }
0x62: {  	_ =	shalt  }
0x63: {  	_ =	shalt  }
0x64: {  	_ =	shalt  }
0x65: {  	_ =	shalt  }
0x66: {  	_ =	shalt  }
0x67: {  	_ =	shalt  }
0x68: {  	_ =	shalt  }
0x69: {  	_ =	shalt  }
0x6a: {  	_ =	shalt  }
0x6b: {  	_ =	shalt  }
0x6c: {  	_ =	shalt  }
0x6d: {  	_ =	shalt  }
0x6e: {  	_ =	shalt  }
0x6f: {  	_ =	shalt  }
0x70: {  	_ =	shalt  }
0x71: {  	_ =	shalt  }
0x72: {  	_ =	shalt  }
0x73: {  	_ =	shalt  }
0x74: {  	_ =	shalt  }
0x75: {  	_ =	shalt  }
0x76: {  	_ =	shalt  }
0x77: {  	_ =	shalt  }
0x78: {  	_ =	shalt  }
0x79: {  	_ =	shalt  }
0x7a: {  	_ =	shalt  }
0x7b: {  	_ =	shalt  }
0x7c: {  	_ =	shalt  }
0x7d: {  	_ =	shalt  }
0x7e: {  	_ =	shalt  }
0x7f: {  	_ =	shalt  }
0x80: {  	_ =	shalt  }
0x81: {  	_ =	shalt  }
0x82: {  	_ =	shalt  }
0x83: {  	_ =	shalt  }
0x84: {  	_ =	shalt  }
0x85: {  	_ =	shalt  }
0x86: {  	_ =	shalt  }
0x87: {  	_ =	shalt  }
.Lfunc_end0:
.L_simem_size_0:
called_computation.3_lowered:
.L_overlay_start_0:
0x88: {  	s2 =	sld [smem:$0x3FD9]  }
0x89: {  	s3 =	sld [smem:$0x3FFE];
	_ =	sdelay $0x1  }
0x8a: {  	s1 =	srdreg.scid  }
0x8b: {  	s0 =	sand.u32 $0x1, s1  }
0x8c: {  	s14 =	sshll.u32 s0, $0xA;
	s2 =	sadd.s32 s3, s2  }
0x8d: {  	s2 =	sadd.s32 s2, s14  }
0x8e: {  	[smem:$0x3FBE] =	sst s2  }
0x8f: {  	_ = 	snop  }
0x90: {  	s2 =	sld [smem:$0x3FD0];
	_ =	sdelay $0x2  }
0x91: {  	s15 =	simm.s32 $0xA;
	s4 =	simm.s32 $0x10  }
0x92: {  	[smem:s4], [sflag:s15] =	dma.local [hbm:s2], $0x1  }
0x93: {  	_ =	swait.eq [sflag:s15], $0x1  }
0x94: {  	[sflag:s15] =	ssyncset.done $0x0  }
0x95: {  	[sflag:s15] =	ssyncadd.s32 $0xFFFFFFFF  }
0x96: {  	s16 =	sld [smem:$0x10];
	(tm) =	ssettm $0x1  }
0x97: {  	s17 =	sld [smem:$0x3FFB];
	_ =	sdelay $0x3  }
0x98: {  	_ =	strace s17  }
0x99: {  	s3 =	sld [smem:$0x3FFC];
	_ =	sdelay $0x3  }
0x9a: {  	_ =	strace s3  }
0x9b: {  	s3 =	sld [smem:$0x3FFD];
	_ =	sdelay $0x3  }
0x9c: {  	_ =	strace s3  }
0x9d: {  	_ =	strace $0x8FFFFFFF  }
0x9e: {  	s18 =	sld [smem:$0x3FDB];
	_ =	sdelay $0x1  }
0x9f: {  	s19 =	simm.s32 $_scs_section_size  }
0xa0: {  	s5 =	simm.s32 $_size__tile_overlayer_lowered;
	s6 =	simm.s32 $_tile_overlayer_lowered  }
0xa1: {  	s22 =	simm.s32 $0x1BFF;
	s21 =	sshll.u32 s6, $0x1;
	s3 =	sadd.s32 s19, s18  }
0xa2: {  	s7 =	simm.s32 $0x0;
	s20 =	sshll.u32 s5, $0x1;
	s5 =	sadd.s32 s21, s3  }
0xa3: {  	[timem:s7], [sflag:s22] =	dma.local [hbm:s5], s20  }
0xa4: {  	_ =	swait.ge [sflag:s22], s20  }
0xa5: {  	s4 =	ssub.s32 $0x0, s20;
	[sflag:s22] =	ssyncset.done $0x0  }
0xa6: {  	[sflag:s22] =	ssyncadd.s32 s4;
	_ =	sdelay $0x1  }
0xa7: {  	s23 =	simm.s32 $0x1B8B  }
0xa8: {  	_ =	swait.ge [sflag:s23], $0x1  }
0xa9: {  	[sflag:s23] =	ssyncset.done $0x0  }
0xaa: {  	s25 =	simm.s32 $0x1B8E;
	s24 =	sld [smem:$0x3FFE];
	[sflag:s23] =	ssyncadd.s32 $0xFFFFFFFF  }
0xab: {  	s26 =	simm.s32 $execute0_lowered;
	[smem:$0x3FD2] =	sst s25  }
0xac: {  	s5 =	sshll.u32 s26, $0x1;
	_ =	strace $0x8000004F;
	[dreg:$0x1] =	wrdreg $0xFFFFFFFF  }
0xad: {  	s28 =	simm.s32 $_size_execute0_lowered;
	s3 =	sadd.s32 s3, s5;
	[dreg:$0x0] =	wrdreg $0x0  }
0xae: {  	s5 =	sshll.u32 s28, $0x1;
	[dreg:$0x2] =	wrdreg s3  }
0xaf: {  	[dreg:$0x3] =	wrdreg s5  }
0xb0: {  	[dreg:$0x4] =	wrdreg $0xC0  }
0xb1: {  	_ =	task [dreg:s7], $0x5FFFF  }
0xb2: {  	[dreg:$0x1] =	wrdreg $0xFFFFFFFF  }
0xb3: {  	[dreg:$0x0] =	wrdreg $0x60  }
0xb4: {  	[dreg:$0x2] =	wrdreg s16  }
0xb5: {  	[dreg:$0x3] =	wrdreg s24  }
0xb6: {  	[dreg:$0x4] =	wrdreg $0x151000  }
0xb7: {  	[dreg:$0x5] =	wrdreg $0xB1000  }
0xb8: {  	[dreg:$0x6] =	wrdreg $0x9  }
0xb9: {  	_ =	task.clear_ibuf [dreg:s7], $0x7FFFF;
	_ =	strace $0x9000004F  }
0xba: {  	s29 =	simm.s32 $0x9;
	_ =	strace $0x80000051  }
0xbb: {  	_ =	swait.ge [sflag:s29], $0x1  }
0xbc: {  	[sflag:s29] =	ssyncadd.s32 $0xFFFFFFFF  }
0xbd: {  	_ =	strace $0x90000051  }
0xbe: {  	_ =	sfence  }
0xbf: {  	s30 =	sld [smem:$0x0];
	_ =	sdelay $0x2  }
0xc0: {  	s31 =	sshll.u32 s1, $0xD;
	s1 =	sshrl.u32 s1, $0x2  }
0xc1: {  	s3 =	sand.u32 $0x4000, s31;
	s1 =	sadd.s32 s1, s30  }
0xc2: {  	s0 =	sor.u32 s3, s0;
	s1 =	sshll.u32 s1, $0x11  }
0xc3: {  	s0 =	sor.u32 s1, s0  }
0xc4: {  	s0 =	sadd.s32 $0x8F2B, s0  }
0xc5: {  	[sflag:s0] =	ssyncadd.remote.s32 $0x1  }
0xc6: {  	_ =	sfence.sel $0xFFFF  }
0xc7: {  	[dreg:$0x0] =	wrdreg $0xFFFFFFFF;
	(pc) =	sbr.abs _section_cstart, $3  }
0xc8: {  	[dreg:$0x1] =	wrdreg $0xFFFFFFFF  }
0xc9: {  	_ =	task.clear_ibuf [dreg:s7], $0x2FFFF;
	_ =	strace $0x9FFFFFFF  }
0xca: {  	(tm) =	ssettm $0x7FFFFFFF  }
0xcb: {  	_ =	shalt  }
tec
execute0_lowered:
.L_overlay_start_1:
0x0: {  	(tag) =	ssettag $0x1  }
0x1: {  	s0 =	rddreg [dreg:$0x0]  }
0x2: {  	s1 =	rddreg [dreg:$0x1]  }
0x3: {  	s2 =	rddreg [dreg:$0x2]  }
0x4: {  	s3 =	rddreg [dreg:$0x3]  }
0x5: {  	s4 =	srdreg.scid;
	s11 =	stileid.u32;
	s14 =	simm.s32 $0x2880  }
0x6: {  	s16 =	simm.s32 $0x5100;
	s17 =	simm.s32 $0x1;
	s18 =	simm.s32 $0x2  }
0x7: {  	s19 =	simm.s32 $0x3;
	s20 =	simm.s32 $0x4;
	s21 =	simm.s32 $0x5  }
0x8: {  	s22 =	simm.s32 $0x80;
	s23 =	simm.s32 $0x7100;
	s25 =	simm.s32 $0x9100  }
0x9: {  	s30 =	simm.s32 $0x6;
	s31 =	simm.s32 $0x2780;
	s24 =	simm.s32 $0x0  }
0xa: {  	s5 =	sand.u32 $0x1, s4;
	s6 =	sshll.u32 s11, $0x1;
	s10 =	smul.u32 $0xA000, s11  }
0xb: {  	s4 =	simm.s32 $0x0;
	s26 =	smul.u32 $0x28000, s11;
	s6 =	sor.u32 s5, s6  }
0xc: {  	s7 =	smul.u32 $0xA0000, s5;
	[smem:$0x7FF] =	sst s4;
	s5 =	ssub.s32 $0x2, s5  }
0xd: {  	s6 =	smul.u32 $0x510, s6;
	_ =	strace $0x80000050;
	s8 =	sshrl.u32 s5, $0x1  }
0xe: {  	s15 =	sadd.s32 s10, s2;
	s9 =	sshrl.u32 s10, $0x3;
	s28 =	sshrl.u32 s26, $0x2  }
0xf: {  	s7 =	sadd.s32 s10, s7;
	s13 =	ssub.s32 s5, s8;
	s8 =	sadd.s32 s0, s9  }
0x10: {  	s29 =	sadd.s32 s28, s3;
	s10 =	sadd.s32 s10, s3;
	s15 =	sshrl.u32 s15, $0x3  }
0x11: {  	s0 =	simm.s32 $0x5000;
	s6 =	sadd.s32 s6, s1;
	s7 =	sshrl.u32 s7, $0x3  }
0x12: {  	s13 =	smax.u32 s13, $0x1;
	s1 =	sadd.s32 s7, s1;
	s5 =	sadd.s32 $0xCC00, s6  }
0x13: {  	s6 =	sadd.s32 $0x2800, s6;
	s7 =	sshll.u32 s11, $0x6;
	s11 =	sadd.s32 $0x6000, s29  }
0x14: {  	v0 =	vimm.f32 $0.0e+00;
	s9 =	sor.u32 $0x1C03, s7;
	s12 =	sadd.s32 $0x16E00, s1;
	s1 =	simm.s32 $0x7  }
.LBB2_1:
0x15: {  	[tilespmem:s4], [sflag:$0x1] =	stream.linear.gather [hbm4b:s5+s4], $0x2880, $0x38;
	[tilespmem:$0x1F100] =	vst v63  }
0x16: {  	s28 =	simm.s32 $0x100;
	s26 =	simm.s32 $0x0  }
0x17: {  	[tilespmem:s14], [sflag:$0x2] =	stream.linear.gather [hbm4b:s6+s4], $0x2880, $0x38;
	[tilespmem:$0x1F100] =	vst v63  }
0x18: {  	[spmem:s15], [sflag:s9] =	dma.local [hbm:s8], $0x1400  }
.LBB2_2:
0x19: {  	p0 =	sne.s32 s28, $0x17F00;
	[tilespmem:s26+$0x5130] =	vst v0;
	s29 =	smov.u32 s28;
	s28 =	sadd.s32 $0x100, s28  }
.Ltmp0:
0x1a: {  	[tilespmem:s26+$0x5120] =	vst v0;
	(pc) =	sbr.rel @p0 .LBB2_2-.Ltmp0, $3  }
0x1b: {  	[tilespmem:s26+$0x5100] =	vst v0  }
0x1c: {  	[tilespmem:s26+$0x5110] =	vst v0;
	_ =	sdelay $0x1  }
0x1d: {  	s26 =	sshra.s32 s29, $0x2  }
0x1e: {  	[tilespmem:s26+$0x5130] =	vst v0  }
0x1f: {  	[tilespmem:s26+$0x5120] =	vst v0  }
0x20: {  	[tilespmem:s26+$0x5100] =	vst v0  }
0x21: {  	[tilespmem:s26+$0x5110] =	vst v0  }
0x22: {  	[spmem:s10] =	stream.linear.scatter [tilespmem:s16], [sflag:$0x4], $0x6000, $0x38;
	[tilespmem:$0x1F100] =	vst v63  }
0x23: {  	_ = 	snop  }
0x24: {  	[spmem:s11] =	stream.linear.scatter [tilespmem:s16], [sflag:$0x5], $0x4000, $0x38;
	[tilespmem:$0x1F100] =	vst v63  }
0x25: {  	_ =	swait.ge [sflag:s17], $0x2880  }
0x26: {  	[sflag:s17] =	ssyncset.done $0x0  }
0x27: {  	[sflag:s17] =	ssyncadd.s32 $0xFFFFD780  }
0x28: {  	_ =	swait.ge [sflag:s18], $0x2880  }
0x29: {  	[sflag:s18] =	ssyncset.done $0x0  }
0x2a: {  	[sflag:s18] =	ssyncadd.s32 $0xFFFFD780  }
0x2b: {  	_ =	swait.ge [sflag:s19], $0x1400  }
0x2c: {  	[sflag:s19] =	ssyncset.done $0x0  }
0x2d: {  	[sflag:s19] =	ssyncadd.s32 $0xFFFFEC00  }
0x2e: {  	_ =	swait.ge [sflag:s20], $0x6000  }
0x2f: {  	[sflag:s20] =	ssyncset.done $0x0  }
0x30: {  	[sflag:s20] =	ssyncadd.s32 $0xFFFFA000  }
0x31: {  	_ =	swait.ge [sflag:s21], $0x4000  }
0x32: {  	[sflag:s21] =	ssyncset.done $0x0  }
0x33: {  	[sflag:s21] =	ssyncadd.s32 $0xFFFFC000  }
0x34: {  	s29 =	simm.s32 $0x0;
	[bflag:$0x0] =	sbarrier.arrive $0xFFFF  }
0x35: {  	[tilespmem:s16], [sflag:$0x1] =	stream.indirect.gather [spmem:s2], $0x40, s29, s22, $0xb8;
	[tilespmem:$0x1F100] =	vst v63  }
0x36: {  	_ = 	snop  }
0x37: {  	[tilespmem:s23], [sflag:$0x2] =	stream.indirect.gather [spmem:s2], $0x40, s22, s22, $0xb8;
	[tilespmem:$0x1F100] =	vst v63  }
0x38: {  	_ =	swait.ge [sflag:s17], $0x2000  }
0x39: {  	[sflag:s17] =	ssyncset.done $0x0  }
0x3a: {  	[sflag:s17] =	ssyncadd.s32 $0xFFFFE000  }
0x3b: {  	[spmem:s3] =	stream.indirect.scatter.add.f32 [tilespmem:s16], [sflag:$0x4], $0x40, s14, s22, $0xb8;
	[tilespmem:$0x1F100] =	vst v63  }
0x3c: {  	s29 =	simm.s32 $0x100  }
0x3d: {  	[tilespmem:s25], [sflag:$0x3] =	stream.indirect.gather [spmem:s2], $0x40, s29, s22, $0xb8;
	[tilespmem:$0x1F100] =	vst v63  }
0x3e: {  	_ =	swait.ge [sflag:s18], $0x2000  }
0x3f: {  	[sflag:s18] =	ssyncset.done $0x0  }
0x40: {  	s29 =	simm.s32 $0x2900;
	[sflag:s18] =	ssyncadd.s32 $0xFFFFE000  }
0x41: {  	[spmem:s3] =	stream.indirect.scatter.add.f32 [tilespmem:s23], [sflag:$0x5], $0x40, s29, s22, $0xb8;
	[tilespmem:$0x1F100] =	vst v63  }
0x42: {  	_ =	swait.ge [sflag:s20], $0x2000  }
0x43: {  	[sflag:s20] =	ssyncset.done $0x0  }
0x44: {  	s29 =	simm.s32 $0x180;
	[sflag:s20] =	ssyncadd.s32 $0xFFFFE000  }
0x45: {  	[tilespmem:s16], [sflag:$0x1] =	stream.indirect.gather [spmem:s2], $0x40, s29, s22, $0xb8;
	[tilespmem:$0x1F100] =	vst v63  }
0x46: {  	_ =	swait.ge [sflag:s19], $0x2000  }
0x47: {  	[sflag:s19] =	ssyncset.done $0x0  }
0x48: {  	s29 =	simm.s32 $0x2980;
	[sflag:s19] =	ssyncadd.s32 $0xFFFFE000  }
0x49: {  	[spmem:s3] =	stream.indirect.scatter.add.f32 [tilespmem:s25], [sflag:$0x6], $0x40, s29, s22, $0xb8;
	[tilespmem:$0x1F100] =	vst v63  }
0x4a: {  	_ =	swait.ge [sflag:s21], $0x2000  }
0x4b: {  	[sflag:s21] =	ssyncset.done $0x0  }
0x4c: {  	s29 =	simm.s32 $0x200;
	[sflag:s21] =	ssyncadd.s32 $0xFFFFE000  }
0x4d: {  	[tilespmem:s23], [sflag:$0x2] =	stream.indirect.gather [spmem:s2], $0x40, s29, s22, $0xb8;
	[tilespmem:$0x1F100] =	vst v63  }
0x4e: {  	_ =	swait.ge [sflag:s17], $0x2000  }
0x4f: {  	[sflag:s17] =	ssyncset.done $0x0  }
0x50: {  	s29 =	simm.s32 $0x2A00;
	[sflag:s17] =	ssyncadd.s32 $0xFFFFE000  }
0x51: {  	[spmem:s3] =	stream.indirect.scatter.add.f32 [tilespmem:s16], [sflag:$0x4], $0x40, s29, s22, $0xb8;
	[tilespmem:$0x1F100] =	vst v63  }
0x52: {  	_ =	swait.ge [sflag:s30], $0x2000  }
0x53: {  	[sflag:s30] =	ssyncset.done $0x0  }
0x54: {  	s29 =	simm.s32 $0x280;
	[sflag:s30] =	ssyncadd.s32 $0xFFFFE000  }
0x55: {  	[tilespmem:s25], [sflag:$0x3] =	stream.indirect.gather [spmem:s2], $0x40, s29, s22, $0xb8;
	[tilespmem:$0x1F100] =	vst v63  }
0x56: {  	_ =	swait.ge [sflag:s18], $0x2000  }
0x57: {  	[sflag:s18] =	ssyncset.done $0x0  }
0x58: {  	s29 =	simm.s32 $0x2A80;
	[sflag:s18] =	ssyncadd.s32 $0xFFFFE000  }
0x59: {  	[spmem:s3] =	stream.indirect.scatter.add.f32 [tilespmem:s23], [sflag:$0x5], $0x40, s29, s22, $0xb8;
	[tilespmem:$0x1F100] =	vst v63  }
0x5a: {  	_ =	swait.ge [sflag:s20], $0x2000  }
0x5b: {  	[sflag:s20] =	ssyncset.done $0x0  }
0x5c: {  	s29 =	simm.s32 $0x300;
	[sflag:s20] =	ssyncadd.s32 $0xFFFFE000  }
0x5d: {  	[tilespmem:s16], [sflag:$0x1] =	stream.indirect.gather [spmem:s2], $0x40, s29, s22, $0xb8;
	[tilespmem:$0x1F100] =	vst v63  }
0x5e: {  	_ =	swait.ge [sflag:s19], $0x2000  }
0x5f: {  	[sflag:s19] =	ssyncset.done $0x0  }
0x60: {  	s26 =	simm.s32 $0x600;
	s28 =	simm.s32 $0x2B00;
	[sflag:s19] =	ssyncadd.s32 $0xFFFFE000  }
.LBB2_4:
0x61: {  	[spmem:s3] =	stream.indirect.scatter.add.f32 [tilespmem:s25], [sflag:$0x6], $0x40, s28, s22, $0xb8;
	[tilespmem:$0x1F100] =	vst v63  }
0x62: {  	s28 =	smov.u32 s26;
	s26 =	sadd.s32 $0x600, s26;
	_ =	swait.ge [sflag:s21], $0x2000  }
0x63: {  	s28 =	sshra.s32 s28, $0x2;
	p0 =	sne.s32 s26, $0x9600;
	[sflag:s21] =	ssyncset.done $0x0  }
0x64: {  	s29 =	sadd.s32 $0x200, s28;
	[sflag:s21] =	ssyncadd.s32 $0xFFFFE000  }
0x65: {  	[tilespmem:s23], [sflag:$0x2] =	stream.indirect.gather [spmem:s2], $0x40, s29, s22, $0xb8;
	[tilespmem:$0x1F100] =	vst v63  }
0x66: {  	_ =	swait.ge [sflag:s17], $0x2000  }
0x67: {  	[sflag:s17] =	ssyncset.done $0x0  }
0x68: {  	s29 =	sadd.s32 $0x2A00, s28;
	[sflag:s17] =	ssyncadd.s32 $0xFFFFE000  }
0x69: {  	[spmem:s3] =	stream.indirect.scatter.add.f32 [tilespmem:s16], [sflag:$0x4], $0x40, s29, s22, $0xb8;
	[tilespmem:$0x1F100] =	vst v63  }
0x6a: {  	_ =	swait.ge [sflag:s30], $0x2000  }
0x6b: {  	[sflag:s30] =	ssyncset.done $0x0  }
0x6c: {  	s29 =	sadd.s32 $0x280, s28;
	[sflag:s30] =	ssyncadd.s32 $0xFFFFE000  }
0x6d: {  	[tilespmem:s25], [sflag:$0x3] =	stream.indirect.gather [spmem:s2], $0x40, s29, s22, $0xb8;
	[tilespmem:$0x1F100] =	vst v63  }
0x6e: {  	_ =	swait.ge [sflag:s18], $0x2000  }
0x6f: {  	[sflag:s18] =	ssyncset.done $0x0  }
0x70: {  	s29 =	sadd.s32 $0x2A80, s28;
	[sflag:s18] =	ssyncadd.s32 $0xFFFFE000  }
0x71: {  	[spmem:s3] =	stream.indirect.scatter.add.f32 [tilespmem:s23], [sflag:$0x5], $0x40, s29, s22, $0xb8;
	[tilespmem:$0x1F100] =	vst v63  }
0x72: {  	_ =	swait.ge [sflag:s20], $0x2000  }
0x73: {  	[sflag:s20] =	ssyncset.done $0x0  }
.Ltmp1:
0x74: {  	s29 =	sadd.s32 $0x300, s28;
	[sflag:s20] =	ssyncadd.s32 $0xFFFFE000;
	(pc) =	sbr.rel @p0 .LBB2_4-.Ltmp1, $4  }
0x75: {  	[tilespmem:s16], [sflag:$0x1] =	stream.indirect.gather [spmem:s2], $0x40, s29, s22, $0xb8;
	[tilespmem:$0x1F100] =	vst v63  }
0x76: {  	_ =	swait.ge [sflag:s19], $0x2000  }
0x77: {  	[sflag:s19] =	ssyncset.done $0x0  }
0x78: {  	s28 =	sadd.s32 $0x2B00, s28;
	[sflag:s19] =	ssyncadd.s32 $0xFFFFE000  }
0x79: {  	[spmem:s3] =	stream.indirect.scatter.add.f32 [tilespmem:s25], [sflag:$0x6], $0x40, s28, s22, $0xb8;
	[tilespmem:$0x1F100] =	vst v63  }
0x7a: {  	_ =	swait.ge [sflag:s21], $0x2000  }
0x7b: {  	[sflag:s21] =	ssyncset.done $0x0  }
0x7c: {  	[sflag:s21] =	ssyncadd.s32 $0xFFFFE000  }
0x7d: {  	[tilespmem:s23], [sflag:$0x2] =	stream.indirect.gather [spmem:s2], $0x40, s31, s22, $0xb8;
	[tilespmem:$0x1F100] =	vst v63  }
0x7e: {  	_ =	swait.ge [sflag:s17], $0x2000  }
0x7f: {  	s26 =	sshra.s32 s26, $0x2;
	[sflag:s17] =	ssyncset.done $0x0  }
0x80: {  	s29 =	sadd.s32 $0x2A00, s26;
	[sflag:s17] =	ssyncadd.s32 $0xFFFFE000  }
0x81: {  	[spmem:s3] =	stream.indirect.scatter.add.f32 [tilespmem:s16], [sflag:$0x4], $0x40, s29, s22, $0xb8;
	[tilespmem:$0x1F100] =	vst v63  }
0x82: {  	_ =	swait.ge [sflag:s30], $0x2000  }
0x83: {  	[sflag:s30] =	ssyncset.done $0x0  }
0x84: {  	s29 =	sadd.s32 $0x280, s26;
	[sflag:s30] =	ssyncadd.s32 $0xFFFFE000  }
0x85: {  	[tilespmem:s25], [sflag:$0x3] =	stream.indirect.gather [spmem:s2], $0x40, s29, s22, $0xb8;
	[tilespmem:$0x1F100] =	vst v63  }
0x86: {  	_ =	swait.ge [sflag:s18], $0x2000  }
0x87: {  	[sflag:s18] =	ssyncset.done $0x0  }
0x88: {  	[sflag:s18] =	ssyncadd.s32 $0xFFFFE000  }
0x89: {  	[spmem:s3] =	stream.indirect.scatter.add.f32 [tilespmem:s23], [sflag:$0x5], $0x40, s0, s22, $0xb8;
	[tilespmem:$0x1F100] =	vst v63  }
0x8a: {  	_ =	swait.ge [sflag:s19], $0x2000  }
0x8b: {  	[sflag:s19] =	ssyncset.done $0x0  }
0x8c: {  	s26 =	sadd.s32 $0x2B00, s26;
	[sflag:s19] =	ssyncadd.s32 $0xFFFFE000  }
0x8d: {  	[spmem:s3] =	stream.indirect.scatter.add.f32 [tilespmem:s25], [sflag:$0x6], $0x40, s26, s22, $0xb8;
	[tilespmem:$0x1F100] =	vst v63  }
0x8e: {  	_ =	swait.ge [sflag:s20], $0x2000  }
0x8f: {  	[sflag:s20] =	ssyncset.done $0x0  }
0x90: {  	[sflag:s20] =	ssyncadd.s32 $0xFFFFE000  }
0x91: {  	_ =	swait.ge [sflag:s21], $0x2000  }
0x92: {  	[sflag:s21] =	ssyncset.done $0x0  }
0x93: {  	[sflag:s21] =	ssyncadd.s32 $0xFFFFE000  }
0x94: {  	_ =	swait.ge [sflag:s30], $0x2000  }
0x95: {  	s24 =	sadd.s32 $0x1, s24;
	[sflag:s30] =	ssyncset.done $0x0  }
0x96: {  	p0 =	sne.s32 s24, s13;
	s29 =	sshrl.u32 s10, $0x3;
	[sflag:s30] =	ssyncadd.s32 $0xFFFFE000  }
.Ltmp2:
0x97: {  	s26 =	sor.u32 $0x1C07, s7;
	[bflag:$0x0] =	sbarrier.arrive $0xFFFF;
	(pc) =	sbr.rel @p0 .LBB2_1-.Ltmp2, $4  }
0x98: {  	[hbm:s12], [sflag:s26] =	dma.local [spmem:s29], $0x1400  }
0x99: {  	_ =	swait.ge [sflag:s1], $0x1400  }
0x9a: {  	[sflag:s1] =	ssyncset.done $0x0  }
0x9b: {  	[sflag:s1] =	ssyncadd.s32 $0xFFFFEC00  }
0x9c: {  	_ =	sfence.sel $0x180000  }
0x9d: {  	[bflag:$0x0] =	sbarrier.arrive $0xFFFF  }
0x9e: {  	_ =	strace $0x90000050  }
0x9f: {  	s0 =	stileid.u32;
	[bflag:$0x2] =	sbarrier.arrive $0xFFFF  }
0xa0: {  	p0 =	sne.s32 s0, $0x0;
	s0 =	rddreg [dreg:$0x4]  }
0xa1: {  	s0 =	sadd.s32 @!p0 $0x100000, s0  }
0xa2: {  	[sflag:s0] =	ssyncadd.tile.s32 @!p0 $0x1;
	_ =	shalt  }
.Lfunc_end2:
_tile_overlayer_lowered:
.L_overlay_start_2:
0xa3: {  	(tag) =	ssettag $0x2  }
0xa4: {  	s0 =	rddreg [dreg:$0x0];
	s2 =	stileid.u32  }
0xa5: {  	s1 =	rddreg [dreg:$0x1];
	p0 =	sne.s32 s2, $0x0  }
0xa6: {  	s3 =	rddreg [dreg:$0x2];
	[bflag:$0x3] =	sbarrier.arrive $0xFFFF;
	s2 =	simm.s32 @!p0 $0x1C07  }
0xa7: {  	[timem:s3], [sflag:s2] =	dma.local @!p0 [hbm:s0], s1  }
0xa8: {  	s0 =	simm.s32 @!p0 $0x7  }
0xa9: {  	_ =	swait.ge @!p0 [sflag:s0], s1  }
0xaa: {  	s1 =	ssub.s32 @!p0 $0x0, s1;
	[sflag:s0] =	ssyncset.done @!p0 $0x0  }
0xab: {  	[sflag:s0] =	ssyncadd.s32 @!p0 s1  }
0xac: {  	[bflag:$0x3] =	sbarrier.arrive $0xFFFF  }
0xad: {  	_ =	shalt  }

// kernel: kernel.24.cloned.1.call-start
scs
__scs_entry_jumppad:
0x0: {  	(pc) =	sbr.rel $0x88, $3  }
0x1: {  	(tag) =	ssettag $0x0;
	lr =	simm.s32 $0x1  }
0x2: {  	[smem:$0x3F97] =	sst lr;
	_ =	strace $0xD0000000  }
0x3: {  	_ = 	snop  }
0x4: {  	_ = 	snop  }
0x5: {  	_ = 	snop  }
0x6: {  	_ = 	snop  }
0x7: {  	_ = 	snop  }
__scs_overlays_trampoline_lowered:
0x8: {  	[smem:$0x3FA6] =	sst s0  }
0x9: {  	[smem:$0x3FA7] =	sst s1  }
0xa: {  	[smem:$0x3FA8] =	sst s2  }
0xb: {  	[smem:$0x3FA9] =	sst s3  }
0xc: {  	[smem:$0x3FAA] =	sst s4  }
0xd: {  	[smem:$0x3FAB] =	sst s5  }
0xe: {  	[smem:$0x3FAC] =	sst s6  }
0xf: {  	[smem:$0x3FAD] =	sst s7  }
0x10: {  	[smem:$0x3FAE] =	sst s8  }
0x11: {  	[smem:$0x3FAF] =	sst s9;
	s0 =	simm.s32 @!p0 $0x0  }
0x12: {  	s1 =	sld [smem:$0x3F95];
	s0 =	simm.s32 @p0 $0x1  }
0x13: {  	[smem:$0x3FB0] =	sst s0;
	s0 =	simm.s32 @!p1 $0x0  }
0x14: {  	s2 =	sld [smem:$0x3F94];
	s0 =	simm.s32 @p1 $0x1  }
0x15: {  	[smem:$0x3FB1] =	sst s0;
	s0 =	simm.s32 @!p2 $0x0  }
0x16: {  	s3 =	sld [smem:$0x3FDB];
	s0 =	simm.s32 @p2 $0x1  }
0x17: {  	s4 =	simm.s32 $0x1BF5;
	[smem:$0x3FB3] =	sst s0  }
0x18: {  	s0 =	sld [smem:$0x3F96];
	_ =	swait.ge [sflag:s4], $0x0  }
0x19: {  	s7 =	sld [smem:$0x3F97]  }
0x1a: {  	s8 =	sadd.s32 $0xFFFFE003, lr  }
0x1b: {  	s9 =	sadd.s32 $0xFFFFFEF7, lr;
	s5 =	simm.s32 $0xFFFFFFFF;
	p2 =	slt.u32 s8, $0xFFFFF086  }
0x1c: {  	p1 =	slt.u32 s9, $0xF7A;
	s5 =	simm.s32 @!p2 $0x0  }
0x1d: {  	s5 =	simm.s32 @p1 $0x1;
	p0 =	seq.s32 s7, s2  }
0x1e: {  	s7 =	smul.u32 @!p0 $0xF7A, s2;
	p2 =	seq.s32 @!p0 s5, $0x0  }
0x1f: {  	s9 =	smul.u32 $0xF7A, s1;
	s8 =	simm.s32 @!p0 $0x1BF5;
	p2 =	por !p2, p0  }
0x20: {  	[sflag:s8] =	ssyncset.s32 @!p0 $0xFFFFF086;
	s6 =	sadd.s32 @!p0 s3, s7;
	s7 =	simm.s32 @!p0 $0x108  }
0x21: {  	s3 =	sadd.s32 s3, s9;
	s6 =	sadd.s32 @!p0 $0x88, s6;
	s7 =	simm.s32 @p2 $0x1082  }
0x22: {  	[simem:s7], [sflag:s8] =	dma.local @!p0 [hbm:s6], $0xF7A  }
0x23: {  	s9 =	sor.u32 $0xD0000000, s2;
	s6 =	simm.s32 $0x108;
	_ =	swait.ge @!p0 [sflag:s8], $0x0  }
0x24: {  	s3 =	sadd.s32 $0x88, s3;
	s6 =	simm.s32 @!p1 $0x1082;
	[sflag:s4] =	ssyncset.s32 $0xFFFFF086  }
0x25: {  	[simem:s6], [sflag:s4] =	dma.local [hbm:s3], $0xF7A  }
0x26: {  	[smem:$0x3F97] =	sst s1;
	(tag) =	ssettag s2;
	_ =	strace s9  }
0x27: {  	s1 =	sld [smem:$0x3FA7]  }
0x28: {  	s2 =	sld [smem:$0x3FA8]  }
0x29: {  	s4 =	sld [smem:$0x3FAA]  }
0x2a: {  	p0 =	seq.s32 s5, $0x0;
	s5 =	sld [smem:$0x3FAB]  }
0x2b: {  	s6 =	sld [smem:$0x3FAC]  }
0x2c: {  	s7 =	sld [smem:$0x3FAD]  }
0x2d: {  	s3 =	simm.s32 $0x108;
	s8 =	sld [smem:$0x3FAE]  }
0x2e: {  	s3 =	simm.s32 @!p0 $0x1082;
	s9 =	sld [smem:$0x3FAF]  }
0x2f: {  	lr =	sadd.s32 s0, s3;
	s0 =	sld [smem:$0x3FA6]  }
0x30: {  	s3 =	sld [smem:$0x3FA9]  }
0x31: {  	[smem:$0x3FB2] =	sst s10  }
0x32: {  	s10 =	sld [smem:$0x3FB0];
	_ =	sdelay $0x3  }
0x33: {  	p0 =	seq.s32 s10, $0x1;
	s10 =	sld [smem:$0x3FB2];
	_ =	sdelay $0x3  }
0x34: {  	[smem:$0x3FB2] =	sst s10  }
0x35: {  	s10 =	sld [smem:$0x3FB1];
	_ =	sdelay $0x3  }
0x36: {  	p1 =	seq.s32 s10, $0x1;
	s10 =	sld [smem:$0x3FB2];
	_ =	sdelay $0x3  }
0x37: {  	[smem:$0x3FB2] =	sst s10  }
0x38: {  	s10 =	sld [smem:$0x3FB3]  }
0x39: {  	_ = 	snop;
	(pc) =	sbr.ind lr, $3  }
0x3a: {  	_ = 	snop  }
0x3b: {  	_ = 	snop  }
0x3c: {  	p2 =	seq.s32 s10, $0x1;
	s10 =	sld [smem:$0x3FB2]  }
0x3d: {  	_ =	shalt  }
0x3e: {  	_ =	shalt  }
0x3f: {  	_ =	shalt  }
0x40: {  	_ =	shalt  }
0x41: {  	_ =	shalt  }
0x42: {  	_ =	shalt  }
0x43: {  	_ =	shalt  }
0x44: {  	_ =	shalt  }
0x45: {  	_ =	shalt  }
0x46: {  	_ =	shalt  }
0x47: {  	_ =	shalt  }
0x48: {  	_ =	shalt  }
0x49: {  	_ =	shalt  }
0x4a: {  	_ =	shalt  }
0x4b: {  	_ =	shalt  }
0x4c: {  	_ =	shalt  }
0x4d: {  	_ =	shalt  }
0x4e: {  	_ =	shalt  }
0x4f: {  	_ =	shalt  }
0x50: {  	_ =	shalt  }
0x51: {  	_ =	shalt  }
0x52: {  	_ =	shalt  }
0x53: {  	_ =	shalt  }
0x54: {  	_ =	shalt  }
0x55: {  	_ =	shalt  }
0x56: {  	_ =	shalt  }
0x57: {  	_ =	shalt  }
0x58: {  	_ =	shalt  }
0x59: {  	_ =	shalt  }
0x5a: {  	_ =	shalt  }
0x5b: {  	_ =	shalt  }
0x5c: {  	_ =	shalt  }
0x5d: {  	_ =	shalt  }
0x5e: {  	_ =	shalt  }
0x5f: {  	_ =	shalt  }
0x60: {  	_ =	shalt  }
0x61: {  	_ =	shalt  }
0x62: {  	_ =	shalt  }
0x63: {  	_ =	shalt  }
0x64: {  	_ =	shalt  }
0x65: {  	_ =	shalt  }
0x66: {  	_ =	shalt  }
0x67: {  	_ =	shalt  }
0x68: {  	_ =	shalt  }
0x69: {  	_ =	shalt  }
0x6a: {  	_ =	shalt  }
0x6b: {  	_ =	shalt  }
0x6c: {  	_ =	shalt  }
0x6d: {  	_ =	shalt  }
0x6e: {  	_ =	shalt  }
0x6f: {  	_ =	shalt  }
0x70: {  	_ =	shalt  }
0x71: {  	_ =	shalt  }
0x72: {  	_ =	shalt  }
0x73: {  	_ =	shalt  }
0x74: {  	_ =	shalt  }
0x75: {  	_ =	shalt  }
0x76: {  	_ =	shalt  }
0x77: {  	_ =	shalt  }
0x78: {  	_ =	shalt  }
0x79: {  	_ =	shalt  }
0x7a: {  	_ =	shalt  }
0x7b: {  	_ =	shalt  }
0x7c: {  	_ =	shalt  }
0x7d: {  	_ =	shalt  }
0x7e: {  	_ =	shalt  }
0x7f: {  	_ =	shalt  }
0x80: {  	_ =	shalt  }
0x81: {  	_ =	shalt  }
0x82: {  	_ =	shalt  }
0x83: {  	_ =	shalt  }
0x84: {  	_ =	shalt  }
0x85: {  	_ =	shalt  }
0x86: {  	_ =	shalt  }
0x87: {  	_ =	shalt  }
.Lfunc_end0:
.L_simem_size_0:
called_computation.4_lowered:
.L_overlay_start_0:
0x88: {  	s2 =	sld [smem:$0x3FD9]  }
0x89: {  	s3 =	sld [smem:$0x3FFE];
	_ =	sdelay $0x1  }
0x8a: {  	s1 =	srdreg.scid  }
0x8b: {  	s0 =	sand.u32 $0x1, s1  }
0x8c: {  	s14 =	sshll.u32 s0, $0xA;
	s2 =	sadd.s32 s3, s2  }
0x8d: {  	s2 =	sadd.s32 s2, s14  }
0x8e: {  	[smem:$0x3FBE] =	sst s2  }
0x8f: {  	_ = 	snop  }
0x90: {  	s2 =	sld [smem:$0x3FD0];
	_ =	sdelay $0x2  }
0x91: {  	s15 =	simm.s32 $0xA;
	s4 =	simm.s32 $0x10  }
0x92: {  	[smem:s4], [sflag:s15] =	dma.local [hbm:s2], $0x1  }
0x93: {  	_ =	swait.eq [sflag:s15], $0x1  }
0x94: {  	[sflag:s15] =	ssyncset.done $0x0  }
0x95: {  	[sflag:s15] =	ssyncadd.s32 $0xFFFFFFFF  }
0x96: {  	s16 =	sld [smem:$0x10];
	(tm) =	ssettm $0x1  }
0x97: {  	s17 =	sld [smem:$0x3FFB];
	_ =	sdelay $0x3  }
0x98: {  	_ =	strace s17  }
0x99: {  	s3 =	sld [smem:$0x3FFC];
	_ =	sdelay $0x3  }
0x9a: {  	_ =	strace s3  }
0x9b: {  	s3 =	sld [smem:$0x3FFD];
	_ =	sdelay $0x3  }
0x9c: {  	_ =	strace s3  }
0x9d: {  	_ =	strace $0x8FFFFFFF  }
0x9e: {  	s18 =	sld [smem:$0x3FDB];
	_ =	sdelay $0x1  }
0x9f: {  	s19 =	simm.s32 $_scs_section_size  }
0xa0: {  	s5 =	simm.s32 $_size__tile_overlayer_lowered;
	s6 =	simm.s32 $_tile_overlayer_lowered  }
0xa1: {  	s22 =	simm.s32 $0x1BFF;
	s21 =	sshll.u32 s6, $0x1;
	s3 =	sadd.s32 s19, s18  }
0xa2: {  	s7 =	simm.s32 $0x0;
	s20 =	sshll.u32 s5, $0x1;
	s5 =	sadd.s32 s21, s3  }
0xa3: {  	[timem:s7], [sflag:s22] =	dma.local [hbm:s5], s20  }
0xa4: {  	_ =	swait.ge [sflag:s22], s20  }
0xa5: {  	s4 =	ssub.s32 $0x0, s20;
	[sflag:s22] =	ssyncset.done $0x0  }
0xa6: {  	[sflag:s22] =	ssyncadd.s32 s4;
	_ =	sdelay $0x1  }
0xa7: {  	s23 =	simm.s32 $0x1B8B  }
0xa8: {  	_ =	swait.ge [sflag:s23], $0x1  }
0xa9: {  	[sflag:s23] =	ssyncset.done $0x0  }
0xaa: {  	s25 =	simm.s32 $0x1B8E;
	s24 =	sld [smem:$0x3FFE];
	[sflag:s23] =	ssyncadd.s32 $0xFFFFFFFF  }
0xab: {  	s26 =	simm.s32 $execute0_lowered;
	[smem:$0x3FD2] =	sst s25  }
0xac: {  	s5 =	sshll.u32 s26, $0x1;
	_ =	strace $0x80000052;
	[dreg:$0x1] =	wrdreg $0xFFFFFFFF  }
0xad: {  	s28 =	simm.s32 $_size_execute0_lowered;
	s3 =	sadd.s32 s3, s5;
	[dreg:$0x0] =	wrdreg $0x0  }
0xae: {  	s5 =	sshll.u32 s28, $0x1;
	[dreg:$0x2] =	wrdreg s3  }
0xaf: {  	[dreg:$0x3] =	wrdreg s5  }
0xb0: {  	[dreg:$0x4] =	wrdreg $0xC0  }
0xb1: {  	_ =	task [dreg:s7], $0x5FFFF  }
0xb2: {  	[dreg:$0x1] =	wrdreg $0xFFFFFFFF  }
0xb3: {  	[dreg:$0x0] =	wrdreg $0x60  }
0xb4: {  	[dreg:$0x2] =	wrdreg s16  }
0xb5: {  	[dreg:$0x3] =	wrdreg s24  }
0xb6: {  	[dreg:$0x4] =	wrdreg $0x151000  }
0xb7: {  	[dreg:$0x5] =	wrdreg $0xB1000  }
0xb8: {  	[dreg:$0x6] =	wrdreg $0x9  }
0xb9: {  	_ =	task.clear_ibuf [dreg:s7], $0x7FFFF;
	_ =	strace $0x90000052  }
0xba: {  	s29 =	simm.s32 $0x9;
	_ =	strace $0x80000054  }
0xbb: {  	_ =	swait.ge [sflag:s29], $0x1  }
0xbc: {  	[sflag:s29] =	ssyncadd.s32 $0xFFFFFFFF  }
0xbd: {  	_ =	strace $0x90000054  }
0xbe: {  	_ =	sfence  }
0xbf: {  	s30 =	sld [smem:$0x0];
	_ =	sdelay $0x2  }
0xc0: {  	s31 =	sshll.u32 s1, $0xD;
	s1 =	sshrl.u32 s1, $0x2  }
0xc1: {  	s3 =	sand.u32 $0x4000, s31;
	s1 =	sadd.s32 s1, s30  }
0xc2: {  	s0 =	sor.u32 s3, s0;
	s1 =	sshll.u32 s1, $0x11  }
0xc3: {  	s0 =	sor.u32 s1, s0  }
0xc4: {  	s0 =	sadd.s32 $0x8F2B, s0  }
0xc5: {  	[sflag:s0] =	ssyncadd.remote.s32 $0x1  }
0xc6: {  	_ =	sfence.sel $0xFFFF  }
0xc7: {  	[dreg:$0x0] =	wrdreg $0xFFFFFFFF;
	(pc) =	sbr.abs _section_cstart, $3  }
0xc8: {  	[dreg:$0x1] =	wrdreg $0xFFFFFFFF  }
0xc9: {  	_ =	task.clear_ibuf [dreg:s7], $0x2FFFF;
	_ =	strace $0x9FFFFFFF  }
0xca: {  	(tm) =	ssettm $0x7FFFFFFF  }
0xcb: {  	_ =	shalt  }
tec
execute0_lowered:
.L_overlay_start_1:
0x0: {  	(tag) =	ssettag $0x1  }
0x1: {  	s0 =	rddreg [dreg:$0x0]  }
0x2: {  	s1 =	rddreg [dreg:$0x1]  }
0x3: {  	s2 =	rddreg [dreg:$0x2]  }
0x4: {  	s3 =	rddreg [dreg:$0x3]  }
0x5: {  	s4 =	srdreg.scid;
	s11 =	stileid.u32;
	s14 =	simm.s32 $0x2880  }
0x6: {  	s16 =	simm.s32 $0x5100;
	s17 =	simm.s32 $0x1;
	s18 =	simm.s32 $0x2  }
0x7: {  	s19 =	simm.s32 $0x3;
	s20 =	simm.s32 $0x4;
	s21 =	simm.s32 $0x5  }
0x8: {  	s22 =	simm.s32 $0x80;
	s23 =	simm.s32 $0x7100;
	s25 =	simm.s32 $0x9100  }
0x9: {  	s30 =	simm.s32 $0x6;
	s31 =	simm.s32 $0x2780;
	s24 =	simm.s32 $0x0  }
0xa: {  	s5 =	sand.u32 $0x1, s4;
	s6 =	sshll.u32 s11, $0x1;
	s10 =	smul.u32 $0xA000, s11  }
0xb: {  	s4 =	simm.s32 $0x0;
	s26 =	smul.u32 $0x28000, s11;
	s6 =	sor.u32 s5, s6  }
0xc: {  	s7 =	smul.u32 $0xA0000, s5;
	[smem:$0x7FF] =	sst s4;
	s5 =	ssub.s32 $0x2, s5  }
0xd: {  	s6 =	smul.u32 $0x510, s6;
	_ =	strace $0x80000053;
	s8 =	sshrl.u32 s5, $0x1  }
0xe: {  	s15 =	sadd.s32 s10, s2;
	s9 =	sshrl.u32 s10, $0x3;
	s28 =	sshrl.u32 s26, $0x2  }
0xf: {  	s7 =	sadd.s32 s10, s7;
	s13 =	ssub.s32 s5, s8;
	s8 =	sadd.s32 s0, s9  }
0x10: {  	s29 =	sadd.s32 s28, s3;
	s10 =	sadd.s32 s10, s3;
	s15 =	sshrl.u32 s15, $0x3  }
0x11: {  	s0 =	simm.s32 $0x5000;
	s6 =	sadd.s32 s6, s1;
	s7 =	sshrl.u32 s7, $0x3  }
0x12: {  	s13 =	smax.u32 s13, $0x1;
	s1 =	sadd.s32 s7, s1;
	s5 =	sadd.s32 $0xCC00, s6  }
0x13: {  	s6 =	sadd.s32 $0x2800, s6;
	s7 =	sshll.u32 s11, $0x6;
	s11 =	sadd.s32 $0x6000, s29  }
0x14: {  	v0 =	vimm.f32 $0.0e+00;
	s9 =	sor.u32 $0x1C03, s7;
	s12 =	sadd.s32 $0x16E00, s1;
	s1 =	simm.s32 $0x7  }
.LBB2_1:
0x15: {  	[tilespmem:s4], [sflag:$0x1] =	stream.linear.gather [hbm4b:s5+s4], $0x2880, $0x38;
	[tilespmem:$0x1F100] =	vst v63  }
0x16: {  	s28 =	simm.s32 $0x100;
	s26 =	simm.s32 $0x0  }
0x17: {  	[tilespmem:s14], [sflag:$0x2] =	stream.linear.gather [hbm4b:s6+s4], $0x2880, $0x38;
	[tilespmem:$0x1F100] =	vst v63  }
0x18: {  	[spmem:s15], [sflag:s9] =	dma.local [hbm:s8], $0x1400  }
.LBB2_2:
0x19: {  	p0 =	sne.s32 s28, $0x17F00;
	[tilespmem:s26+$0x5130] =	vst v0;
	s29 =	smov.u32 s28;
	s28 =	sadd.s32 $0x100, s28  }
.Ltmp0:
0x1a: {  	[tilespmem:s26+$0x5120] =	vst v0;
	(pc) =	sbr.rel @p0 .LBB2_2-.Ltmp0, $3  }
0x1b: {  	[tilespmem:s26+$0x5100] =	vst v0  }
0x1c: {  	[tilespmem:s26+$0x5110] =	vst v0;
	_ =	sdelay $0x1  }
0x1d: {  	s26 =	sshra.s32 s29, $0x2  }
0x1e: {  	[tilespmem:s26+$0x5130] =	vst v0  }
0x1f: {  	[tilespmem:s26+$0x5120] =	vst v0  }
0x20: {  	[tilespmem:s26+$0x5100] =	vst v0  }
0x21: {  	[tilespmem:s26+$0x5110] =	vst v0  }
0x22: {  	[spmem:s10] =	stream.linear.scatter [tilespmem:s16], [sflag:$0x4], $0x6000, $0x38;
	[tilespmem:$0x1F100] =	vst v63  }
0x23: {  	_ = 	snop  }
0x24: {  	[spmem:s11] =	stream.linear.scatter [tilespmem:s16], [sflag:$0x5], $0x4000, $0x38;
	[tilespmem:$0x1F100] =	vst v63  }
0x25: {  	_ =	swait.ge [sflag:s17], $0x2880  }
0x26: {  	[sflag:s17] =	ssyncset.done $0x0  }
0x27: {  	[sflag:s17] =	ssyncadd.s32 $0xFFFFD780  }
0x28: {  	_ =	swait.ge [sflag:s18], $0x2880  }
0x29: {  	[sflag:s18] =	ssyncset.done $0x0  }
0x2a: {  	[sflag:s18] =	ssyncadd.s32 $0xFFFFD780  }
0x2b: {  	_ =	swait.ge [sflag:s19], $0x1400  }
0x2c: {  	[sflag:s19] =	ssyncset.done $0x0  }
0x2d: {  	[sflag:s19] =	ssyncadd.s32 $0xFFFFEC00  }
0x2e: {  	_ =	swait.ge [sflag:s20], $0x6000  }
0x2f: {  	[sflag:s20] =	ssyncset.done $0x0  }
0x30: {  	[sflag:s20] =	ssyncadd.s32 $0xFFFFA000  }
0x31: {  	_ =	swait.ge [sflag:s21], $0x4000  }
0x32: {  	[sflag:s21] =	ssyncset.done $0x0  }
0x33: {  	[sflag:s21] =	ssyncadd.s32 $0xFFFFC000  }
0x34: {  	s29 =	simm.s32 $0x0;
	[bflag:$0x0] =	sbarrier.arrive $0xFFFF  }
0x35: {  	[tilespmem:s16], [sflag:$0x1] =	stream.indirect.gather [spmem:s2], $0x40, s29, s22, $0xb8;
	[tilespmem:$0x1F100] =	vst v63  }
0x36: {  	_ = 	snop  }
0x37: {  	[tilespmem:s23], [sflag:$0x2] =	stream.indirect.gather [spmem:s2], $0x40, s22, s22, $0xb8;
	[tilespmem:$0x1F100] =	vst v63  }
0x38: {  	_ =	swait.ge [sflag:s17], $0x2000  }
0x39: {  	[sflag:s17] =	ssyncset.done $0x0  }
0x3a: {  	[sflag:s17] =	ssyncadd.s32 $0xFFFFE000  }
0x3b: {  	[spmem:s3] =	stream.indirect.scatter.add.f32 [tilespmem:s16], [sflag:$0x4], $0x40, s14, s22, $0xb8;
	[tilespmem:$0x1F100] =	vst v63  }
0x3c: {  	s29 =	simm.s32 $0x100  }
0x3d: {  	[tilespmem:s25], [sflag:$0x3] =	stream.indirect.gather [spmem:s2], $0x40, s29, s22, $0xb8;
	[tilespmem:$0x1F100] =	vst v63  }
0x3e: {  	_ =	swait.ge [sflag:s18], $0x2000  }
0x3f: {  	[sflag:s18] =	ssyncset.done $0x0  }
0x40: {  	s29 =	simm.s32 $0x2900;
	[sflag:s18] =	ssyncadd.s32 $0xFFFFE000  }
0x41: {  	[spmem:s3] =	stream.indirect.scatter.add.f32 [tilespmem:s23], [sflag:$0x5], $0x40, s29, s22, $0xb8;
	[tilespmem:$0x1F100] =	vst v63  }
0x42: {  	_ =	swait.ge [sflag:s20], $0x2000  }
0x43: {  	[sflag:s20] =	ssyncset.done $0x0  }
0x44: {  	s29 =	simm.s32 $0x180;
	[sflag:s20] =	ssyncadd.s32 $0xFFFFE000  }
0x45: {  	[tilespmem:s16], [sflag:$0x1] =	stream.indirect.gather [spmem:s2], $0x40, s29, s22, $0xb8;
	[tilespmem:$0x1F100] =	vst v63  }
0x46: {  	_ =	swait.ge [sflag:s19], $0x2000  }
0x47: {  	[sflag:s19] =	ssyncset.done $0x0  }
0x48: {  	s29 =	simm.s32 $0x2980;
	[sflag:s19] =	ssyncadd.s32 $0xFFFFE000  }
0x49: {  	[spmem:s3] =	stream.indirect.scatter.add.f32 [tilespmem:s25], [sflag:$0x6], $0x40, s29, s22, $0xb8;
	[tilespmem:$0x1F100] =	vst v63  }
0x4a: {  	_ =	swait.ge [sflag:s21], $0x2000  }
0x4b: {  	[sflag:s21] =	ssyncset.done $0x0  }
0x4c: {  	s29 =	simm.s32 $0x200;
	[sflag:s21] =	ssyncadd.s32 $0xFFFFE000  }
0x4d: {  	[tilespmem:s23], [sflag:$0x2] =	stream.indirect.gather [spmem:s2], $0x40, s29, s22, $0xb8;
	[tilespmem:$0x1F100] =	vst v63  }
0x4e: {  	_ =	swait.ge [sflag:s17], $0x2000  }
0x4f: {  	[sflag:s17] =	ssyncset.done $0x0  }
0x50: {  	s29 =	simm.s32 $0x2A00;
	[sflag:s17] =	ssyncadd.s32 $0xFFFFE000  }
0x51: {  	[spmem:s3] =	stream.indirect.scatter.add.f32 [tilespmem:s16], [sflag:$0x4], $0x40, s29, s22, $0xb8;
	[tilespmem:$0x1F100] =	vst v63  }
0x52: {  	_ =	swait.ge [sflag:s30], $0x2000  }
0x53: {  	[sflag:s30] =	ssyncset.done $0x0  }
0x54: {  	s29 =	simm.s32 $0x280;
	[sflag:s30] =	ssyncadd.s32 $0xFFFFE000  }
0x55: {  	[tilespmem:s25], [sflag:$0x3] =	stream.indirect.gather [spmem:s2], $0x40, s29, s22, $0xb8;
	[tilespmem:$0x1F100] =	vst v63  }
0x56: {  	_ =	swait.ge [sflag:s18], $0x2000  }
0x57: {  	[sflag:s18] =	ssyncset.done $0x0  }
0x58: {  	s29 =	simm.s32 $0x2A80;
	[sflag:s18] =	ssyncadd.s32 $0xFFFFE000  }
0x59: {  	[spmem:s3] =	stream.indirect.scatter.add.f32 [tilespmem:s23], [sflag:$0x5], $0x40, s29, s22, $0xb8;
	[tilespmem:$0x1F100] =	vst v63  }
0x5a: {  	_ =	swait.ge [sflag:s20], $0x2000  }
0x5b: {  	[sflag:s20] =	ssyncset.done $0x0  }
0x5c: {  	s29 =	simm.s32 $0x300;
	[sflag:s20] =	ssyncadd.s32 $0xFFFFE000  }
0x5d: {  	[tilespmem:s16], [sflag:$0x1] =	stream.indirect.gather [spmem:s2], $0x40, s29, s22, $0xb8;
	[tilespmem:$0x1F100] =	vst v63  }
0x5e: {  	_ =	swait.ge [sflag:s19], $0x2000  }
0x5f: {  	[sflag:s19] =	ssyncset.done $0x0  }
0x60: {  	s26 =	simm.s32 $0x600;
	s28 =	simm.s32 $0x2B00;
	[sflag:s19] =	ssyncadd.s32 $0xFFFFE000  }
.LBB2_4:
0x61: {  	[spmem:s3] =	stream.indirect.scatter.add.f32 [tilespmem:s25], [sflag:$0x6], $0x40, s28, s22, $0xb8;
	[tilespmem:$0x1F100] =	vst v63  }
0x62: {  	s28 =	smov.u32 s26;
	s26 =	sadd.s32 $0x600, s26;
	_ =	swait.ge [sflag:s21], $0x2000  }
0x63: {  	s28 =	sshra.s32 s28, $0x2;
	p0 =	sne.s32 s26, $0x9600;
	[sflag:s21] =	ssyncset.done $0x0  }
0x64: {  	s29 =	sadd.s32 $0x200, s28;
	[sflag:s21] =	ssyncadd.s32 $0xFFFFE000  }
0x65: {  	[tilespmem:s23], [sflag:$0x2] =	stream.indirect.gather [spmem:s2], $0x40, s29, s22, $0xb8;
	[tilespmem:$0x1F100] =	vst v63  }
0x66: {  	_ =	swait.ge [sflag:s17], $0x2000  }
0x67: {  	[sflag:s17] =	ssyncset.done $0x0  }
0x68: {  	s29 =	sadd.s32 $0x2A00, s28;
	[sflag:s17] =	ssyncadd.s32 $0xFFFFE000  }
0x69: {  	[spmem:s3] =	stream.indirect.scatter.add.f32 [tilespmem:s16], [sflag:$0x4], $0x40, s29, s22, $0xb8;
	[tilespmem:$0x1F100] =	vst v63  }
0x6a: {  	_ =	swait.ge [sflag:s30], $0x2000  }
0x6b: {  	[sflag:s30] =	ssyncset.done $0x0  }
0x6c: {  	s29 =	sadd.s32 $0x280, s28;
	[sflag:s30] =	ssyncadd.s32 $0xFFFFE000  }
0x6d: {  	[tilespmem:s25], [sflag:$0x3] =	stream.indirect.gather [spmem:s2], $0x40, s29, s22, $0xb8;
	[tilespmem:$0x1F100] =	vst v63  }
0x6e: {  	_ =	swait.ge [sflag:s18], $0x2000  }
0x6f: {  	[sflag:s18] =	ssyncset.done $0x0  }
0x70: {  	s29 =	sadd.s32 $0x2A80, s28;
	[sflag:s18] =	ssyncadd.s32 $0xFFFFE000  }
0x71: {  	[spmem:s3] =	stream.indirect.scatter.add.f32 [tilespmem:s23], [sflag:$0x5], $0x40, s29, s22, $0xb8;
	[tilespmem:$0x1F100] =	vst v63  }
0x72: {  	_ =	swait.ge [sflag:s20], $0x2000  }
0x73: {  	[sflag:s20] =	ssyncset.done $0x0  }
.Ltmp1:
0x74: {  	s29 =	sadd.s32 $0x300, s28;
	[sflag:s20] =	ssyncadd.s32 $0xFFFFE000;
	(pc) =	sbr.rel @p0 .LBB2_4-.Ltmp1, $4  }
0x75: {  	[tilespmem:s16], [sflag:$0x1] =	stream.indirect.gather [spmem:s2], $0x40, s29, s22, $0xb8;
	[tilespmem:$0x1F100] =	vst v63  }
0x76: {  	_ =	swait.ge [sflag:s19], $0x2000  }
0x77: {  	[sflag:s19] =	ssyncset.done $0x0  }
0x78: {  	s28 =	sadd.s32 $0x2B00, s28;
	[sflag:s19] =	ssyncadd.s32 $0xFFFFE000  }
0x79: {  	[spmem:s3] =	stream.indirect.scatter.add.f32 [tilespmem:s25], [sflag:$0x6], $0x40, s28, s22, $0xb8;
	[tilespmem:$0x1F100] =	vst v63  }
0x7a: {  	_ =	swait.ge [sflag:s21], $0x2000  }
0x7b: {  	[sflag:s21] =	ssyncset.done $0x0  }
0x7c: {  	[sflag:s21] =	ssyncadd.s32 $0xFFFFE000  }
0x7d: {  	[tilespmem:s23], [sflag:$0x2] =	stream.indirect.gather [spmem:s2], $0x40, s31, s22, $0xb8;
	[tilespmem:$0x1F100] =	vst v63  }
0x7e: {  	_ =	swait.ge [sflag:s17], $0x2000  }
0x7f: {  	s26 =	sshra.s32 s26, $0x2;
	[sflag:s17] =	ssyncset.done $0x0  }
0x80: {  	s29 =	sadd.s32 $0x2A00, s26;
	[sflag:s17] =	ssyncadd.s32 $0xFFFFE000  }
0x81: {  	[spmem:s3] =	stream.indirect.scatter.add.f32 [tilespmem:s16], [sflag:$0x4], $0x40, s29, s22, $0xb8;
	[tilespmem:$0x1F100] =	vst v63  }
0x82: {  	_ =	swait.ge [sflag:s30], $0x2000  }
0x83: {  	[sflag:s30] =	ssyncset.done $0x0  }
0x84: {  	s29 =	sadd.s32 $0x280, s26;
	[sflag:s30] =	ssyncadd.s32 $0xFFFFE000  }
0x85: {  	[tilespmem:s25], [sflag:$0x3] =	stream.indirect.gather [spmem:s2], $0x40, s29, s22, $0xb8;
	[tilespmem:$0x1F100] =	vst v63  }
0x86: {  	_ =	swait.ge [sflag:s18], $0x2000  }
0x87: {  	[sflag:s18] =	ssyncset.done $0x0  }
0x88: {  	[sflag:s18] =	ssyncadd.s32 $0xFFFFE000  }
0x89: {  	[spmem:s3] =	stream.indirect.scatter.add.f32 [tilespmem:s23], [sflag:$0x5], $0x40, s0, s22, $0xb8;
	[tilespmem:$0x1F100] =	vst v63  }
0x8a: {  	_ =	swait.ge [sflag:s19], $0x2000  }
0x8b: {  	[sflag:s19] =	ssyncset.done $0x0  }
0x8c: {  	s26 =	sadd.s32 $0x2B00, s26;
	[sflag:s19] =	ssyncadd.s32 $0xFFFFE000  }
0x8d: {  	[spmem:s3] =	stream.indirect.scatter.add.f32 [tilespmem:s25], [sflag:$0x6], $0x40, s26, s22, $0xb8;
	[tilespmem:$0x1F100] =	vst v63  }
0x8e: {  	_ =	swait.ge [sflag:s20], $0x2000  }
0x8f: {  	[sflag:s20] =	ssyncset.done $0x0  }
0x90: {  	[sflag:s20] =	ssyncadd.s32 $0xFFFFE000  }
0x91: {  	_ =	swait.ge [sflag:s21], $0x2000  }
0x92: {  	[sflag:s21] =	ssyncset.done $0x0  }
0x93: {  	[sflag:s21] =	ssyncadd.s32 $0xFFFFE000  }
0x94: {  	_ =	swait.ge [sflag:s30], $0x2000  }
0x95: {  	s24 =	sadd.s32 $0x1, s24;
	[sflag:s30] =	ssyncset.done $0x0  }
0x96: {  	p0 =	sne.s32 s24, s13;
	s29 =	sshrl.u32 s10, $0x3;
	[sflag:s30] =	ssyncadd.s32 $0xFFFFE000  }
.Ltmp2:
0x97: {  	s26 =	sor.u32 $0x1C07, s7;
	[bflag:$0x0] =	sbarrier.arrive $0xFFFF;
	(pc) =	sbr.rel @p0 .LBB2_1-.Ltmp2, $4  }
0x98: {  	[hbm:s12], [sflag:s26] =	dma.local [spmem:s29], $0x1400  }
0x99: {  	_ =	swait.ge [sflag:s1], $0x1400  }
0x9a: {  	[sflag:s1] =	ssyncset.done $0x0  }
0x9b: {  	[sflag:s1] =	ssyncadd.s32 $0xFFFFEC00  }
0x9c: {  	_ =	sfence.sel $0x180000  }
0x9d: {  	[bflag:$0x0] =	sbarrier.arrive $0xFFFF  }
0x9e: {  	_ =	strace $0x90000053  }
0x9f: {  	s0 =	stileid.u32;
	[bflag:$0x2] =	sbarrier.arrive $0xFFFF  }
0xa0: {  	p0 =	sne.s32 s0, $0x0;
	s0 =	rddreg [dreg:$0x4]  }
0xa1: {  	s0 =	sadd.s32 @!p0 $0x100000, s0  }
0xa2: {  	[sflag:s0] =	ssyncadd.tile.s32 @!p0 $0x1;
	_ =	shalt  }
.Lfunc_end2:
_tile_overlayer_lowered:
.L_overlay_start_2:
0xa3: {  	(tag) =	ssettag $0x2  }
0xa4: {  	s0 =	rddreg [dreg:$0x0];
	s2 =	stileid.u32  }
0xa5: {  	s1 =	rddreg [dreg:$0x1];
	p0 =	sne.s32 s2, $0x0  }
0xa6: {  	s3 =	rddreg [dreg:$0x2];
	[bflag:$0x3] =	sbarrier.arrive $0xFFFF;
	s2 =	simm.s32 @!p0 $0x1C07  }
0xa7: {  	[timem:s3], [sflag:s2] =	dma.local @!p0 [hbm:s0], s1  }
0xa8: {  	s0 =	simm.s32 @!p0 $0x7  }
0xa9: {  	_ =	swait.ge @!p0 [sflag:s0], s1  }
0xaa: {  	s1 =	ssub.s32 @!p0 $0x0, s1;
	[sflag:s0] =	ssyncset.done @!p0 $0x0  }
0xab: {  	[sflag:s0] =	ssyncadd.s32 @!p0 s1  }
0xac: {  	[bflag:$0x3] =	sbarrier.arrive $0xFFFF  }
0xad: {  	_ =	shalt  }

</sc_bundles>
